<compile_context>
chip_gen: v7x
topology: tpu7x:2x2x1
jax: 0.10.2.dev20260603
libtpu: 0.0.44.dev20260713+nightly
codegen_flags: <defaults>
</compile_context>

<pallas_src>
import functools

import jax
import jax.numpy as jnp
from jax import lax
from jax.experimental import pallas as pl
from jax.experimental.pallas import tpu as pltpu
from jax.experimental.pallas import tpu_sc as plsc

N_NODES = 10000
N_EDGES = 320000
D = 128

NC, NS, L = 2, 16, 16
NW = NC * NS
NPAD = 10240
EPW = 10240
CHUNK = 128
NCHUNK = EPW // CHUNK
ROWS_PER_SUB = NPAD // NS
STAGE = 32

_MESH = plsc.VectorSubcoreMesh(
    core_axis_name="c", subcore_axis_name="s", num_cores=NC, num_subcores=NS
)


@functools.partial(
    pl.kernel,
    out_type=jax.ShapeDtypeStruct((NC, NPAD, D), jnp.float32),
    mesh=_MESH,
    scratch_types=[
        pltpu.VMEM((NCHUNK, CHUNK), jnp.int32),
        pltpu.VMEM((CHUNK, D), jnp.float32),
        pltpu.VMEM((STAGE, D), jnp.float32),
        pltpu.VMEM_SHARED((NPAD, D), jnp.float32),
        pltpu.SemaphoreType.DMA,
    ],
)
def _deg_kernel(dst_hbm, out_hbm, dst_v, ones_v, stage_v, deg_sh, sems):
    c = lax.axis_index("c")
    s = lax.axis_index("s")
    wid = s * NC + c
    r0 = s * ROWS_PER_SUB

    def _zrow(i, carry):
        for k in range(D // L):
            stage_v[i, pl.ds(k * L, L)] = jnp.zeros((L,), jnp.float32)
        return carry

    lax.fori_loop(0, STAGE, _zrow, 0)

    def _orow(i, carry):
        for k in range(D // L):
            ones_v[i, pl.ds(k * L, L)] = jnp.ones((L,), jnp.float32)
        return carry

    lax.fori_loop(0, CHUNK, _orow, 0)
    for t in range(ROWS_PER_SUB // STAGE):
        pltpu.sync_copy(stage_v, deg_sh.at[pl.ds(r0 + t * STAGE, STAGE)])
    plsc.subcore_barrier()

    pltpu.sync_copy(dst_hbm.at[wid], dst_v)

    W = 16

    def _edges(t, carry):
        for k in range(W):
            pltpu.async_copy(ones_v, deg_sh.at[dst_v.at[t * W + k]], sems, add=True)
        for k in range(W):
            pltpu.make_async_copy(ones_v, deg_sh.at[dst_v.at[0]], sems).wait()
        return carry

    lax.fori_loop(0, NCHUNK // W, _edges, 0)
    plsc.subcore_barrier()

    pltpu.sync_copy(deg_sh.at[pl.ds(r0, ROWS_PER_SUB)],
                    out_hbm.at[c, pl.ds(r0, ROWS_PER_SUB)])


GROUPS = 2
GCHUNK = NCHUNK // GROUPS
HALF = GCHUNK // 2


@functools.partial(
    pl.kernel,
    out_type=jax.ShapeDtypeStruct((NC, NPAD, D), jnp.float32),
    mesh=_MESH,
    scratch_types=[
        pltpu.VMEM((GCHUNK, CHUNK), jnp.int32),
        pltpu.VMEM((GCHUNK, CHUNK), jnp.int32),
        pltpu.VMEM((CHUNK, D), jnp.float32),
        pltpu.VMEM((CHUNK, D), jnp.float32),
        pltpu.VMEM((STAGE, D), jnp.float32),
        pltpu.VMEM_SHARED((NPAD, D), jnp.float32),
        pltpu.SemaphoreType.DMA,
        pltpu.SemaphoreType.DMA,
    ],
)
def _agg_kernel(y_hbm, src_hbm, dst_hbm, out_hbm,
                src_v, dst_v, rows0, rows1, stage_v, agg_sh,
                sem_g0, sem_g1):
    c = lax.axis_index("c")
    s = lax.axis_index("s")
    wid = s * NC + c
    zr0 = s * ROWS_PER_SUB

    def _zrow(i, carry):
        for k in range(D // L):
            stage_v[i, pl.ds(k * L, L)] = jnp.zeros((L,), jnp.float32)
        return carry

    lax.fori_loop(0, STAGE, _zrow, 0)
    for t in range(ROWS_PER_SUB // STAGE):
        pltpu.sync_copy(stage_v, agg_sh.at[pl.ds(zr0 + t * STAGE, STAGE)])
    plsc.subcore_barrier()

    def _group(g, carry):
        pltpu.sync_copy(src_hbm.at[wid, pl.ds(g * GCHUNK, GCHUNK)], src_v)
        pltpu.sync_copy(dst_hbm.at[wid, pl.ds(g * GCHUNK, GCHUNK)], dst_v)
        pltpu.async_copy(y_hbm.at[src_v.at[0]], rows0, sem_g0)
        pltpu.async_copy(y_hbm.at[src_v.at[1]], rows1, sem_g1)

        def _pair(jj, carry2):
            a = 2 * jj
            pltpu.make_async_copy(y_hbm.at[src_v.at[0]], rows0, sem_g0).wait()
            pltpu.sync_copy(rows0, agg_sh.at[dst_v.at[a]], add=True)

            @pl.when(jj < HALF - 1)
            def _():
                pltpu.async_copy(y_hbm.at[src_v.at[a + 2]], rows0, sem_g0)

            pltpu.make_async_copy(y_hbm.at[src_v.at[1]], rows1, sem_g1).wait()
            pltpu.sync_copy(rows1, agg_sh.at[dst_v.at[a + 1]], add=True)

            @pl.when(jj < HALF - 1)
            def _():
                pltpu.async_copy(y_hbm.at[src_v.at[a + 3]], rows1, sem_g1)

            return carry2

        lax.fori_loop(0, HALF, _pair, 0)
        return carry

    lax.fori_loop(0, GROUPS, _group, 0)
    plsc.subcore_barrier()

    pltpu.sync_copy(agg_sh.at[pl.ds(zr0, ROWS_PER_SUB)],
                    out_hbm.at[c, pl.ds(zr0, ROWS_PER_SUB)])


BM = 1000


def _dinv_block(degp_ref):
    deg = degp_ref[0, :, 0:1] + degp_ref[1, :, 0:1] + 1.0
    return lax.rsqrt(deg)


def _mm_scale_body(x_ref, w_ref, degp_ref, y_ref, dinv_ref):
    hw = jnp.dot(x_ref[...], w_ref[...], preferred_element_type=jnp.float32)
    dinv = _dinv_block(degp_ref)
    y_ref[...] = hw * dinv
    dinv_ref[...] = dinv


def _mid_body(aggp_ref, y1_ref, dinv_ref, b_ref, w_ref, y2_ref):
    dinv = dinv_ref[...]
    t = (aggp_ref[0] + aggp_ref[1] + y1_ref[...]) * dinv + b_ref[...]
    h = jnp.maximum(t, 0.0)
    y2_ref[...] = jnp.dot(h, w_ref[...], preferred_element_type=jnp.float32) * dinv


def _out_body(aggp_ref, y2_ref, dinv_ref, b_ref, o_ref):
    dinv = dinv_ref[...]
    o_ref[...] = (aggp_ref[0] + aggp_ref[1] + y2_ref[...]) * dinv + b_ref[...]


_ROW = pl.BlockSpec((BM, D), lambda i: (i, 0))
_FULL = pl.BlockSpec((D, D), lambda i: (0, 0))
_DEGP = pl.BlockSpec((NC, BM, D), lambda i: (0, i, 0))
_AGGP = pl.BlockSpec((NC, BM, D), lambda i: (0, i, 0))
_BIAS = pl.BlockSpec((1, D), lambda i: (0, 0))
_DINV = pl.BlockSpec((BM, 1), lambda i: (i, 0))
_OUT = jax.ShapeDtypeStruct((N_NODES, D), jnp.float32)
_DINV_OUT = jax.ShapeDtypeStruct((N_NODES, 1), jnp.float32)
_GRID = (N_NODES // BM,)

_mm_scale = pl.pallas_call(
    _mm_scale_body, grid=_GRID, out_shape=[_OUT, _DINV_OUT],
    in_specs=[_ROW, _FULL, _DEGP], out_specs=[_ROW, _DINV],
)
_mid = pl.pallas_call(
    _mid_body, grid=_GRID, out_shape=_OUT,
    in_specs=[_AGGP, _ROW, _DINV, _BIAS, _FULL], out_specs=_ROW,
)
_out = pl.pallas_call(
    _out_body, grid=_GRID, out_shape=_OUT,
    in_specs=[_AGGP, _ROW, _DINV, _BIAS], out_specs=_ROW,
)


def kernel(x, edge_index, W1, b1, W2, b2):
    src = edge_index[0].astype(jnp.int32)
    dst = edge_index[1].astype(jnp.int32)
    npadded = NW * EPW - N_EDGES
    spread = jnp.arange(npadded, dtype=jnp.int32) % (NPAD - N_NODES)
    src_r = jnp.concatenate([src, spread]).reshape(NW, NCHUNK, CHUNK)
    dst_r = jnp.concatenate([dst, N_NODES + spread]).reshape(NW, NCHUNK, CHUNK)

    degp = _deg_kernel(dst_r)
    y1, dinv = _mm_scale(x, W1, degp)
    agg1 = _agg_kernel(y1, src_r, dst_r)
    y2 = _mid(agg1, y1, dinv, b1.reshape(1, D), W2)
    agg2 = _agg_kernel(y2, src_r, dst_r)
    return _out(agg2, y2, dinv, b2.reshape(1, D))

# --- scband reference (transcript-rebuilt; emitter-appended) ---
"""Pipeline reference for scband-my-gcn-58179626992409 (READ-ONLY COPY).

The authoritative reference and input builder live on the scoring server;
editing this copy changes nothing except your own understanding.
"""

import jax, jax.numpy as jnp
import numpy as np

N_NODES = 10000
N_EDGES = 320000
D_IN = 128
D_HID = 128
D_OUT = 128


def setup_inputs(seed: int = 0) -> dict:
    key = jax.random.key(seed)
    k1, k2, k3, k4 = jax.random.split(key, 4)
    x = jax.random.normal(k1, (N_NODES, D_IN), dtype=jnp.float32)
    edge_index = jax.random.randint(k2, (2, N_EDGES), 0, N_NODES).astype(jnp.int32)
    W1 = jax.random.normal(k3, (D_IN, D_HID), dtype=jnp.float32) * 0.05
    b1 = jnp.zeros((D_HID,), dtype=jnp.float32)
    W2 = jax.random.normal(k4, (D_HID, D_OUT), dtype=jnp.float32) * 0.05
    b2 = jnp.zeros((D_OUT,), dtype=jnp.float32)
    return {"x": x, "edge_index": edge_index, "W1": W1, "b1": b1, "W2": W2, "b2": b2}


def _gcn_conv(h, src, dst, norm, W, b, num_nodes):
    # Linear transform, then normalized gather-scatter aggregation (GCNConv).
    hw = h @ W
    msg = hw[src] * norm[:, None]
    out = jnp.zeros((num_nodes, hw.shape[1]), dtype=hw.dtype).at[dst].add(msg)
    return out + b


def reference(x, edge_index, W1, b1, W2, b2):
    N = x.shape[0]
    # Add self-loops (PyG GCNConv default add_self_loops=True)
    loop = jnp.arange(N, dtype=edge_index.dtype)
    src = jnp.concatenate([edge_index[0], loop])
    dst = jnp.concatenate([edge_index[1], loop])
    # Symmetric normalization: D^{-1/2} A_hat D^{-1/2}
    deg = jnp.zeros((N,), dtype=x.dtype).at[dst].add(1.0)
    dinv = jnp.where(deg > 0, deg ** -0.5, 0.0)
    norm = dinv[src] * dinv[dst]
    # Layer 1 + ReLU (num_layers=2 -> no middle convs)
    h = jax.nn.relu(_gcn_conv(x, src, dst, norm, W1, b1, N))
    # Layer 2 (output, no activation)
    out = _gcn_conv(h, src, dst, norm, W2, b2, N)
    return out

if __name__ == "__main__":
    import jax
    _d = setup_inputs()
    print(jax.jit(kernel)(*tuple(_d.values())))

</pallas_src>

<mosaic_0001>
#map = affine_map<(d0, d1) -> (0, 0)>
#map1 = affine_map<(d0, d1) -> (0, 0, 0)>
module attributes {stable_mosaic.version = 14 : i64} {
  func.func @_agg_kernel(%arg0: i32, %arg1: i32, %arg2: memref<10000x128xf32, #tpu.memory_space<hbm>>, %arg3: memref<32x80x128xi32, #tpu.memory_space<hbm>>, %arg4: memref<32x80x128xi32, #tpu.memory_space<hbm>>, %arg5: memref<2x10240x128xf32, #tpu.memory_space<hbm>>, %arg6: memref<40x128xi32, #tpu.memory_space<vmem>>, %arg7: memref<40x128xi32, #tpu.memory_space<vmem>>, %arg8: memref<128x128xf32, #tpu.memory_space<vmem>>, %arg9: memref<128x128xf32, #tpu.memory_space<vmem>>, %arg10: memref<32x128xf32, #tpu.memory_space<vmem>>, %arg11: memref<10240x128xf32, #tpu.memory_space<vmem_shared>>, %arg12: memref<!tpu.dma_semaphore, #tpu.memory_space<semaphore_mem>>, %arg13: memref<!tpu.dma_semaphore, #tpu.memory_space<semaphore_mem>>) attributes {dimension_semantics = [#tpu.dimension_semantics<core_parallel>, #tpu.dimension_semantics<subcore_parallel>], iteration_bounds = array<i64: 2, 16>, scalar_prefetch = 0 : i64, scratch_operands = 8 : i64, tpu.core_type = #tpu.core_type<sc_vector_subcore>, window_params = [{transform_indices = #map}, {transform_indices = #map1}, {transform_indices = #map1}, {transform_indices = #map1}]} {
    %mul3A = arith.constant 2 : i32
    %mul3A_0 = arith.muli %arg1, %mul3A : i32
    %add3A = arith.addi %mul3A_0, %arg0 : i32
    %mul3A_1 = arith.constant 640 : i32
    %mul3A_2 = arith.muli %arg1, %mul3A_1 : i32
    %scan3A = arith.constant 0 : i32
    %scan3A_3 = arith.constant 0 : i32
    %scan3A_4 = arith.constant 32 : i32
    %scan3A_5 = arith.addi %scan3A_3, %scan3A_4 : i32
    %scan3A_6 = arith.constant 1 : i32
    scf.for %scan3A_55 = %scan3A_3 to %scan3A_5 step %scan3A_6  : i32 {
      %broadcast_in_dim3A = arith.constant 0.000000e+00 : f32
      %broadcast_in_dim3A_56 = vector.broadcast %broadcast_in_dim3A : f32 to vector<16xf32>
      %swap3A = arith.index_cast %scan3A_55 : i32 to index
      %swap3A_57 = arith.constant 0 : index
      %swap3A_58 = tpu.vector_load %arg10[%swap3A, %swap3A_57] {strides = array<i32>} : memref<32x128xf32, #tpu.memory_space<vmem>>, vector<1x16xf32>,
      %swap3A_59 = vector.shape_cast %swap3A_58 : vector<1x16xf32> to vector<16xf32>
      %swap3A_60 = vector.shape_cast %broadcast_in_dim3A_56 : vector<16xf32> to vector<1x16xf32>
      tpu.vector_store %arg10[%swap3A, %swap3A_57], %swap3A_60 {strides = array<i32>} : memref<32x128xf32, #tpu.memory_space<vmem>>, vector<1x16xf32>,
      %broadcast_in_dim3A_61 = arith.constant 0.000000e+00 : f32
      %broadcast_in_dim3A_62 = vector.broadcast %broadcast_in_dim3A_61 : f32 to vector<16xf32>
      %swap3A_63 = arith.index_cast %scan3A_55 : i32 to index
      %swap3A_64 = arith.constant 16 : index
      %swap3A_65 = tpu.vector_load %arg10[%swap3A_63, %swap3A_64] {strides = array<i32>} : memref<32x128xf32, #tpu.memory_space<vmem>>, vector<1x16xf32>,
      %swap3A_66 = vector.shape_cast %swap3A_65 : vector<1x16xf32> to vector<16xf32>
      %swap3A_67 = vector.shape_cast %broadcast_in_dim3A_62 : vector<16xf32> to vector<1x16xf32>
      tpu.vector_store %arg10[%swap3A_63, %swap3A_64], %swap3A_67 {strides = array<i32>} : memref<32x128xf32, #tpu.memory_space<vmem>>, vector<1x16xf32>,
      %broadcast_in_dim3A_68 = arith.constant 0.000000e+00 : f32
      %broadcast_in_dim3A_69 = vector.broadcast %broadcast_in_dim3A_68 : f32 to vector<16xf32>
      %swap3A_70 = arith.index_cast %scan3A_55 : i32 to index
      %swap3A_71 = arith.constant 32 : index
      %swap3A_72 = tpu.vector_load %arg10[%swap3A_70, %swap3A_71] {strides = array<i32>} : memref<32x128xf32, #tpu.memory_space<vmem>>, vector<1x16xf32>,
      %swap3A_73 = vector.shape_cast %swap3A_72 : vector<1x16xf32> to vector<16xf32>
      %swap3A_74 = vector.shape_cast %broadcast_in_dim3A_69 : vector<16xf32> to vector<1x16xf32>
      tpu.vector_store %arg10[%swap3A_70, %swap3A_71], %swap3A_74 {strides = array<i32>} : memref<32x128xf32, #tpu.memory_space<vmem>>, vector<1x16xf32>,
      %broadcast_in_dim3A_75 = arith.constant 0.000000e+00 : f32
      %broadcast_in_dim3A_76 = vector.broadcast %broadcast_in_dim3A_75 : f32 to vector<16xf32>
      %swap3A_77 = arith.index_cast %scan3A_55 : i32 to index
      %swap3A_78 = arith.constant 48 : index
      %swap3A_79 = tpu.vector_load %arg10[%swap3A_77, %swap3A_78] {strides = array<i32>} : memref<32x128xf32, #tpu.memory_space<vmem>>, vector<1x16xf32>,
      %swap3A_80 = vector.shape_cast %swap3A_79 : vector<1x16xf32> to vector<16xf32>
      %swap3A_81 = vector.shape_cast %broadcast_in_dim3A_76 : vector<16xf32> to vector<1x16xf32>
      tpu.vector_store %arg10[%swap3A_77, %swap3A_78], %swap3A_81 {strides = array<i32>} : memref<32x128xf32, #tpu.memory_space<vmem>>, vector<1x16xf32>,
      %broadcast_in_dim3A_82 = arith.constant 0.000000e+00 : f32
      %broadcast_in_dim3A_83 = vector.broadcast %broadcast_in_dim3A_82 : f32 to vector<16xf32>
      %swap3A_84 = arith.index_cast %scan3A_55 : i32 to index
      %swap3A_85 = arith.constant 64 : index
      %swap3A_86 = tpu.vector_load %arg10[%swap3A_84, %swap3A_85] {strides = array<i32>} : memref<32x128xf32, #tpu.memory_space<vmem>>, vector<1x16xf32>,
      %swap3A_87 = vector.shape_cast %swap3A_86 : vector<1x16xf32> to vector<16xf32>
      %swap3A_88 = vector.shape_cast %broadcast_in_dim3A_83 : vector<16xf32> to vector<1x16xf32>
      tpu.vector_store %arg10[%swap3A_84, %swap3A_85], %swap3A_88 {strides = array<i32>} : memref<32x128xf32, #tpu.memory_space<vmem>>, vector<1x16xf32>,
      %broadcast_in_dim3A_89 = arith.constant 0.000000e+00 : f32
      %broadcast_in_dim3A_90 = vector.broadcast %broadcast_in_dim3A_89 : f32 to vector<16xf32>
      %swap3A_91 = arith.index_cast %scan3A_55 : i32 to index
      %swap3A_92 = arith.constant 80 : index
      %swap3A_93 = tpu.vector_load %arg10[%swap3A_91, %swap3A_92] {strides = array<i32>} : memref<32x128xf32, #tpu.memory_space<vmem>>, vector<1x16xf32>,
      %swap3A_94 = vector.shape_cast %swap3A_93 : vector<1x16xf32> to vector<16xf32>
      %swap3A_95 = vector.shape_cast %broadcast_in_dim3A_90 : vector<16xf32> to vector<1x16xf32>
      tpu.vector_store %arg10[%swap3A_91, %swap3A_92], %swap3A_95 {strides = array<i32>} : memref<32x128xf32, #tpu.memory_space<vmem>>, vector<1x16xf32>,
      %broadcast_in_dim3A_96 = arith.constant 0.000000e+00 : f32
      %broadcast_in_dim3A_97 = vector.broadcast %broadcast_in_dim3A_96 : f32 to vector<16xf32>
      %swap3A_98 = arith.index_cast %scan3A_55 : i32 to index
      %swap3A_99 = arith.constant 96 : index
      %swap3A_100 = tpu.vector_load %arg10[%swap3A_98, %swap3A_99] {strides = array<i32>} : memref<32x128xf32, #tpu.memory_space<vmem>>, vector<1x16xf32>,
      %swap3A_101 = vector.shape_cast %swap3A_100 : vector<1x16xf32> to vector<16xf32>
      %swap3A_102 = vector.shape_cast %broadcast_in_dim3A_97 : vector<16xf32> to vector<1x16xf32>
      tpu.vector_store %arg10[%swap3A_98, %swap3A_99], %swap3A_102 {strides = array<i32>} : memref<32x128xf32, #tpu.memory_space<vmem>>, vector<1x16xf32>,
      %broadcast_in_dim3A_103 = arith.constant 0.000000e+00 : f32
      %broadcast_in_dim3A_104 = vector.broadcast %broadcast_in_dim3A_103 : f32 to vector<16xf32>
      %swap3A_105 = arith.index_cast %scan3A_55 : i32 to index
      %swap3A_106 = arith.constant 112 : index
      %swap3A_107 = tpu.vector_load %arg10[%swap3A_105, %swap3A_106] {strides = array<i32>} : memref<32x128xf32, #tpu.memory_space<vmem>>, vector<1x16xf32>,
      %swap3A_108 = vector.shape_cast %swap3A_107 : vector<1x16xf32> to vector<16xf32>
      %swap3A_109 = vector.shape_cast %broadcast_in_dim3A_104 : vector<16xf32> to vector<1x16xf32>
      tpu.vector_store %arg10[%swap3A_105, %swap3A_106], %swap3A_109 {strides = array<i32>} : memref<32x128xf32, #tpu.memory_space<vmem>>, vector<1x16xf32>,
    }
    %scan3A_7 = arith.constant 32 : i32
    %add3A_8 = arith.constant 0 : i32
    %add3A_9 = arith.addi %mul3A_2, %add3A_8 : i32
    "tpu.region"() ({
      %run_scoped3A = tpu.sem_alloc : memref<!tpu.dma_semaphore, #tpu.memory_space<semaphore_mem>>
      %dma_start3A = arith.constant 0 : i32
      %dma_start3A_55 = tpu.memref_slice %arg11[%add3A_9, %dma_start3A] : memref<10240x128xf32, #tpu.memory_space<vmem_shared>> -> memref<32x128xf32, #tpu.memory_space<vmem_shared>>
      %dma_start3A_56 = arith.constant 0 : i32
      %dma_start3A_57 = tpu.memref_slice %arg11[%add3A_9, %dma_start3A_56] : memref<10240x128xf32, #tpu.memory_space<vmem_shared>> -> memref<32x128xf32, #tpu.memory_space<vmem_shared>>
      tpu.enqueue_dma source(%arg10 : memref<32x128xf32, #tpu.memory_space<vmem>>) target(%dma_start3A_57 : memref<32x128xf32, #tpu.memory_space<vmem_shared>>) target_semaphore(%run_scoped3A : memref<!tpu.dma_semaphore, #tpu.memory_space<semaphore_mem>>)
      %dma_wait3A = arith.constant 0 : i32
      %dma_wait3A_58 = tpu.memref_slice %arg11[%add3A_9, %dma_wait3A] : memref<10240x128xf32, #tpu.memory_space<vmem_shared>> -> memref<32x128xf32, #tpu.memory_space<vmem_shared>>
      %dma_wait3A_59 = arith.constant 0 : i32
      %dma_wait3A_60 = tpu.memref_slice %arg11[%add3A_9, %dma_wait3A_59] : memref<10240x128xf32, #tpu.memory_space<vmem_shared>> -> memref<32x128xf32, #tpu.memory_space<vmem_shared>>
      tpu.wait_dma2 semaphore(%run_scoped3A : memref<!tpu.dma_semaphore, #tpu.memory_space<semaphore_mem>>) src(%arg10 : memref<32x128xf32, #tpu.memory_space<vmem>>) dst(%dma_wait3A_60 : memref<32x128xf32, #tpu.memory_space<vmem_shared>>)
      tpu.yield
    }) : () -> ()
    %add3A_10 = arith.constant 32 : i32
    %add3A_11 = arith.addi %mul3A_2, %add3A_10 : i32
    "tpu.region"() ({
      %run_scoped3A = tpu.sem_alloc : memref<!tpu.dma_semaphore, #tpu.memory_space<semaphore_mem>>
      %dma_start3A = arith.constant 0 : i32
      %dma_start3A_55 = tpu.memref_slice %arg11[%add3A_11, %dma_start3A] : memref<10240x128xf32, #tpu.memory_space<vmem_shared>> -> memref<32x128xf32, #tpu.memory_space<vmem_shared>>
      %dma_start3A_56 = arith.constant 0 : i32
      %dma_start3A_57 = tpu.memref_slice %arg11[%add3A_11, %dma_start3A_56] : memref<10240x128xf32, #tpu.memory_space<vmem_shared>> -> memref<32x128xf32, #tpu.memory_space<vmem_shared>>
      tpu.enqueue_dma source(%arg10 : memref<32x128xf32, #tpu.memory_space<vmem>>) target(%dma_start3A_57 : memref<32x128xf32, #tpu.memory_space<vmem_shared>>) target_semaphore(%run_scoped3A : memref<!tpu.dma_semaphore, #tpu.memory_space<semaphore_mem>>)
      %dma_wait3A = arith.constant 0 : i32
      %dma_wait3A_58 = tpu.memref_slice %arg11[%add3A_11, %dma_wait3A] : memref<10240x128xf32, #tpu.memory_space<vmem_shared>> -> memref<32x128xf32, #tpu.memory_space<vmem_shared>>
      %dma_wait3A_59 = arith.constant 0 : i32
      %dma_wait3A_60 = tpu.memref_slice %arg11[%add3A_11, %dma_wait3A_59] : memref<10240x128xf32, #tpu.memory_space<vmem_shared>> -> memref<32x128xf32, #tpu.memory_space<vmem_shared>>
      tpu.wait_dma2 semaphore(%run_scoped3A : memref<!tpu.dma_semaphore, #tpu.memory_space<semaphore_mem>>) src(%arg10 : memref<32x128xf32, #tpu.memory_space<vmem>>) dst(%dma_wait3A_60 : memref<32x128xf32, #tpu.memory_space<vmem_shared>>)
      tpu.yield
    }) : () -> ()
    %add3A_12 = arith.constant 64 : i32
    %add3A_13 = arith.addi %mul3A_2, %add3A_12 : i32
    "tpu.region"() ({
      %run_scoped3A = tpu.sem_alloc : memref<!tpu.dma_semaphore, #tpu.memory_space<semaphore_mem>>
      %dma_start3A = arith.constant 0 : i32
      %dma_start3A_55 = tpu.memref_slice %arg11[%add3A_13, %dma_start3A] : memref<10240x128xf32, #tpu.memory_space<vmem_shared>> -> memref<32x128xf32, #tpu.memory_space<vmem_shared>>
      %dma_start3A_56 = arith.constant 0 : i32
      %dma_start3A_57 = tpu.memref_slice %arg11[%add3A_13, %dma_start3A_56] : memref<10240x128xf32, #tpu.memory_space<vmem_shared>> -> memref<32x128xf32, #tpu.memory_space<vmem_shared>>
      tpu.enqueue_dma source(%arg10 : memref<32x128xf32, #tpu.memory_space<vmem>>) target(%dma_start3A_57 : memref<32x128xf32, #tpu.memory_space<vmem_shared>>) target_semaphore(%run_scoped3A : memref<!tpu.dma_semaphore, #tpu.memory_space<semaphore_mem>>)
      %dma_wait3A = arith.constant 0 : i32
      %dma_wait3A_58 = tpu.memref_slice %arg11[%add3A_13, %dma_wait3A] : memref<10240x128xf32, #tpu.memory_space<vmem_shared>> -> memref<32x128xf32, #tpu.memory_space<vmem_shared>>
      %dma_wait3A_59 = arith.constant 0 : i32
      %dma_wait3A_60 = tpu.memref_slice %arg11[%add3A_13, %dma_wait3A_59] : memref<10240x128xf32, #tpu.memory_space<vmem_shared>> -> memref<32x128xf32, #tpu.memory_space<vmem_shared>>
      tpu.wait_dma2 semaphore(%run_scoped3A : memref<!tpu.dma_semaphore, #tpu.memory_space<semaphore_mem>>) src(%arg10 : memref<32x128xf32, #tpu.memory_space<vmem>>) dst(%dma_wait3A_60 : memref<32x128xf32, #tpu.memory_space<vmem_shared>>)
      tpu.yield
    }) : () -> ()
    %add3A_14 = arith.constant 96 : i32
    %add3A_15 = arith.addi %mul3A_2, %add3A_14 : i32
    "tpu.region"() ({
      %run_scoped3A = tpu.sem_alloc : memref<!tpu.dma_semaphore, #tpu.memory_space<semaphore_mem>>
      %dma_start3A = arith.constant 0 : i32
      %dma_start3A_55 = tpu.memref_slice %arg11[%add3A_15, %dma_start3A] : memref<10240x128xf32, #tpu.memory_space<vmem_shared>> -> memref<32x128xf32, #tpu.memory_space<vmem_shared>>
      %dma_start3A_56 = arith.constant 0 : i32
      %dma_start3A_57 = tpu.memref_slice %arg11[%add3A_15, %dma_start3A_56] : memref<10240x128xf32, #tpu.memory_space<vmem_shared>> -> memref<32x128xf32, #tpu.memory_space<vmem_shared>>
      tpu.enqueue_dma source(%arg10 : memref<32x128xf32, #tpu.memory_space<vmem>>) target(%dma_start3A_57 : memref<32x128xf32, #tpu.memory_space<vmem_shared>>) target_semaphore(%run_scoped3A : memref<!tpu.dma_semaphore, #tpu.memory_space<semaphore_mem>>)
      %dma_wait3A = arith.constant 0 : i32
      %dma_wait3A_58 = tpu.memref_slice %arg11[%add3A_15, %dma_wait3A] : memref<10240x128xf32, #tpu.memory_space<vmem_shared>> -> memref<32x128xf32, #tpu.memory_space<vmem_shared>>
      %dma_wait3A_59 = arith.constant 0 : i32
      %dma_wait3A_60 = tpu.memref_slice %arg11[%add3A_15, %dma_wait3A_59] : memref<10240x128xf32, #tpu.memory_space<vmem_shared>> -> memref<32x128xf32, #tpu.memory_space<vmem_shared>>
      tpu.wait_dma2 semaphore(%run_scoped3A : memref<!tpu.dma_semaphore, #tpu.memory_space<semaphore_mem>>) src(%arg10 : memref<32x128xf32, #tpu.memory_space<vmem>>) dst(%dma_wait3A_60 : memref<32x128xf32, #tpu.memory_space<vmem_shared>>)
      tpu.yield
    }) : () -> ()
    %add3A_16 = arith.constant 128 : i32
    %add3A_17 = arith.addi %mul3A_2, %add3A_16 : i32
    "tpu.region"() ({
      %run_scoped3A = tpu.sem_alloc : memref<!tpu.dma_semaphore, #tpu.memory_space<semaphore_mem>>
      %dma_start3A = arith.constant 0 : i32
      %dma_start3A_55 = tpu.memref_slice %arg11[%add3A_17, %dma_start3A] : memref<10240x128xf32, #tpu.memory_space<vmem_shared>> -> memref<32x128xf32, #tpu.memory_space<vmem_shared>>
      %dma_start3A_56 = arith.constant 0 : i32
      %dma_start3A_57 = tpu.memref_slice %arg11[%add3A_17, %dma_start3A_56] : memref<10240x128xf32, #tpu.memory_space<vmem_shared>> -> memref<32x128xf32, #tpu.memory_space<vmem_shared>>
      tpu.enqueue_dma source(%arg10 : memref<32x128xf32, #tpu.memory_space<vmem>>) target(%dma_start3A_57 : memref<32x128xf32, #tpu.memory_space<vmem_shared>>) target_semaphore(%run_scoped3A : memref<!tpu.dma_semaphore, #tpu.memory_space<semaphore_mem>>)
      %dma_wait3A = arith.constant 0 : i32
      %dma_wait3A_58 = tpu.memref_slice %arg11[%add3A_17, %dma_wait3A] : memref<10240x128xf32, #tpu.memory_space<vmem_shared>> -> memref<32x128xf32, #tpu.memory_space<vmem_shared>>
      %dma_wait3A_59 = arith.constant 0 : i32
      %dma_wait3A_60 = tpu.memref_slice %arg11[%add3A_17, %dma_wait3A_59] : memref<10240x128xf32, #tpu.memory_space<vmem_shared>> -> memref<32x128xf32, #tpu.memory_space<vmem_shared>>
      tpu.wait_dma2 semaphore(%run_scoped3A : memref<!tpu.dma_semaphore, #tpu.memory_space<semaphore_mem>>) src(%arg10 : memref<32x128xf32, #tpu.memory_space<vmem>>) dst(%dma_wait3A_60 : memref<32x128xf32, #tpu.memory_space<vmem_shared>>)
      tpu.yield
    }) : () -> ()
    %add3A_18 = arith.constant 160 : i32
    %add3A_19 = arith.addi %mul3A_2, %add3A_18 : i32
    "tpu.region"() ({
      %run_scoped3A = tpu.sem_alloc : memref<!tpu.dma_semaphore, #tpu.memory_space<semaphore_mem>>
      %dma_start3A = arith.constant 0 : i32
      %dma_start3A_55 = tpu.memref_slice %arg11[%add3A_19, %dma_start3A] : memref<10240x128xf32, #tpu.memory_space<vmem_shared>> -> memref<32x128xf32, #tpu.memory_space<vmem_shared>>
      %dma_start3A_56 = arith.constant 0 : i32
      %dma_start3A_57 = tpu.memref_slice %arg11[%add3A_19, %dma_start3A_56] : memref<10240x128xf32, #tpu.memory_space<vmem_shared>> -> memref<32x128xf32, #tpu.memory_space<vmem_shared>>
      tpu.enqueue_dma source(%arg10 : memref<32x128xf32, #tpu.memory_space<vmem>>) target(%dma_start3A_57 : memref<32x128xf32, #tpu.memory_space<vmem_shared>>) target_semaphore(%run_scoped3A : memref<!tpu.dma_semaphore, #tpu.memory_space<semaphore_mem>>)
      %dma_wait3A = arith.constant 0 : i32
      %dma_wait3A_58 = tpu.memref_slice %arg11[%add3A_19, %dma_wait3A] : memref<10240x128xf32, #tpu.memory_space<vmem_shared>> -> memref<32x128xf32, #tpu.memory_space<vmem_shared>>
      %dma_wait3A_59 = arith.constant 0 : i32
      %dma_wait3A_60 = tpu.memref_slice %arg11[%add3A_19, %dma_wait3A_59] : memref<10240x128xf32, #tpu.memory_space<vmem_shared>> -> memref<32x128xf32, #tpu.memory_space<vmem_shared>>
      tpu.wait_dma2 semaphore(%run_scoped3A : memref<!tpu.dma_semaphore, #tpu.memory_space<semaphore_mem>>) src(%arg10 : memref<32x128xf32, #tpu.memory_space<vmem>>) dst(%dma_wait3A_60 : memref<32x128xf32, #tpu.memory_space<vmem_shared>>)
      tpu.yield
    }) : () -> ()
    %add3A_20 = arith.constant 192 : i32
    %add3A_21 = arith.addi %mul3A_2, %add3A_20 : i32
    "tpu.region"() ({
      %run_scoped3A = tpu.sem_alloc : memref<!tpu.dma_semaphore, #tpu.memory_space<semaphore_mem>>
      %dma_start3A = arith.constant 0 : i32
      %dma_start3A_55 = tpu.memref_slice %arg11[%add3A_21, %dma_start3A] : memref<10240x128xf32, #tpu.memory_space<vmem_shared>> -> memref<32x128xf32, #tpu.memory_space<vmem_shared>>
      %dma_start3A_56 = arith.constant 0 : i32
      %dma_start3A_57 = tpu.memref_slice %arg11[%add3A_21, %dma_start3A_56] : memref<10240x128xf32, #tpu.memory_space<vmem_shared>> -> memref<32x128xf32, #tpu.memory_space<vmem_shared>>
      tpu.enqueue_dma source(%arg10 : memref<32x128xf32, #tpu.memory_space<vmem>>) target(%dma_start3A_57 : memref<32x128xf32, #tpu.memory_space<vmem_shared>>) target_semaphore(%run_scoped3A : memref<!tpu.dma_semaphore, #tpu.memory_space<semaphore_mem>>)
      %dma_wait3A = arith.constant 0 : i32
      %dma_wait3A_58 = tpu.memref_slice %arg11[%add3A_21, %dma_wait3A] : memref<10240x128xf32, #tpu.memory_space<vmem_shared>> -> memref<32x128xf32, #tpu.memory_space<vmem_shared>>
      %dma_wait3A_59 = arith.constant 0 : i32
      %dma_wait3A_60 = tpu.memref_slice %arg11[%add3A_21, %dma_wait3A_59] : memref<10240x128xf32, #tpu.memory_space<vmem_shared>> -> memref<32x128xf32, #tpu.memory_space<vmem_shared>>
      tpu.wait_dma2 semaphore(%run_scoped3A : memref<!tpu.dma_semaphore, #tpu.memory_space<semaphore_mem>>) src(%arg10 : memref<32x128xf32, #tpu.memory_space<vmem>>) dst(%dma_wait3A_60 : memref<32x128xf32, #tpu.memory_space<vmem_shared>>)
      tpu.yield
    }) : () -> ()
    %add3A_22 = arith.constant 224 : i32
    %add3A_23 = arith.addi %mul3A_2, %add3A_22 : i32
    "tpu.region"() ({
      %run_scoped3A = tpu.sem_alloc : memref<!tpu.dma_semaphore, #tpu.memory_space<semaphore_mem>>
      %dma_start3A = arith.constant 0 : i32
      %dma_start3A_55 = tpu.memref_slice %arg11[%add3A_23, %dma_start3A] : memref<10240x128xf32, #tpu.memory_space<vmem_shared>> -> memref<32x128xf32, #tpu.memory_space<vmem_shared>>
      %dma_start3A_56 = arith.constant 0 : i32
      %dma_start3A_57 = tpu.memref_slice %arg11[%add3A_23, %dma_start3A_56] : memref<10240x128xf32, #tpu.memory_space<vmem_shared>> -> memref<32x128xf32, #tpu.memory_space<vmem_shared>>
      tpu.enqueue_dma source(%arg10 : memref<32x128xf32, #tpu.memory_space<vmem>>) target(%dma_start3A_57 : memref<32x128xf32, #tpu.memory_space<vmem_shared>>) target_semaphore(%run_scoped3A : memref<!tpu.dma_semaphore, #tpu.memory_space<semaphore_mem>>)
      %dma_wait3A = arith.constant 0 : i32
      %dma_wait3A_58 = tpu.memref_slice %arg11[%add3A_23, %dma_wait3A] : memref<10240x128xf32, #tpu.memory_space<vmem_shared>> -> memref<32x128xf32, #tpu.memory_space<vmem_shared>>
      %dma_wait3A_59 = arith.constant 0 : i32
      %dma_wait3A_60 = tpu.memref_slice %arg11[%add3A_23, %dma_wait3A_59] : memref<10240x128xf32, #tpu.memory_space<vmem_shared>> -> memref<32x128xf32, #tpu.memory_space<vmem_shared>>
      tpu.wait_dma2 semaphore(%run_scoped3A : memref<!tpu.dma_semaphore, #tpu.memory_space<semaphore_mem>>) src(%arg10 : memref<32x128xf32, #tpu.memory_space<vmem>>) dst(%dma_wait3A_60 : memref<32x128xf32, #tpu.memory_space<vmem_shared>>)
      tpu.yield
    }) : () -> ()
    %add3A_24 = arith.constant 256 : i32
    %add3A_25 = arith.addi %mul3A_2, %add3A_24 : i32
    "tpu.region"() ({
      %run_scoped3A = tpu.sem_alloc : memref<!tpu.dma_semaphore, #tpu.memory_space<semaphore_mem>>
      %dma_start3A = arith.constant 0 : i32
      %dma_start3A_55 = tpu.memref_slice %arg11[%add3A_25, %dma_start3A] : memref<10240x128xf32, #tpu.memory_space<vmem_shared>> -> memref<32x128xf32, #tpu.memory_space<vmem_shared>>
      %dma_start3A_56 = arith.constant 0 : i32
      %dma_start3A_57 = tpu.memref_slice %arg11[%add3A_25, %dma_start3A_56] : memref<10240x128xf32, #tpu.memory_space<vmem_shared>> -> memref<32x128xf32, #tpu.memory_space<vmem_shared>>
      tpu.enqueue_dma source(%arg10 : memref<32x128xf32, #tpu.memory_space<vmem>>) target(%dma_start3A_57 : memref<32x128xf32, #tpu.memory_space<vmem_shared>>) target_semaphore(%run_scoped3A : memref<!tpu.dma_semaphore, #tpu.memory_space<semaphore_mem>>)
      %dma_wait3A = arith.constant 0 : i32
      %dma_wait3A_58 = tpu.memref_slice %arg11[%add3A_25, %dma_wait3A] : memref<10240x128xf32, #tpu.memory_space<vmem_shared>> -> memref<32x128xf32, #tpu.memory_space<vmem_shared>>
      %dma_wait3A_59 = arith.constant 0 : i32
      %dma_wait3A_60 = tpu.memref_slice %arg11[%add3A_25, %dma_wait3A_59] : memref<10240x128xf32, #tpu.memory_space<vmem_shared>> -> memref<32x128xf32, #tpu.memory_space<vmem_shared>>
      tpu.wait_dma2 semaphore(%run_scoped3A : memref<!tpu.dma_semaphore, #tpu.memory_space<semaphore_mem>>) src(%arg10 : memref<32x128xf32, #tpu.memory_space<vmem>>) dst(%dma_wait3A_60 : memref<32x128xf32, #tpu.memory_space<vmem_shared>>)
      tpu.yield
    }) : () -> ()
    %add3A_26 = arith.constant 288 : i32
    %add3A_27 = arith.addi %mul3A_2, %add3A_26 : i32
    "tpu.region"() ({
      %run_scoped3A = tpu.sem_alloc : memref<!tpu.dma_semaphore, #tpu.memory_space<semaphore_mem>>
      %dma_start3A = arith.constant 0 : i32
      %dma_start3A_55 = tpu.memref_slice %arg11[%add3A_27, %dma_start3A] : memref<10240x128xf32, #tpu.memory_space<vmem_shared>> -> memref<32x128xf32, #tpu.memory_space<vmem_shared>>
      %dma_start3A_56 = arith.constant 0 : i32
      %dma_start3A_57 = tpu.memref_slice %arg11[%add3A_27, %dma_start3A_56] : memref<10240x128xf32, #tpu.memory_space<vmem_shared>> -> memref<32x128xf32, #tpu.memory_space<vmem_shared>>
      tpu.enqueue_dma source(%arg10 : memref<32x128xf32, #tpu.memory_space<vmem>>) target(%dma_start3A_57 : memref<32x128xf32, #tpu.memory_space<vmem_shared>>) target_semaphore(%run_scoped3A : memref<!tpu.dma_semaphore, #tpu.memory_space<semaphore_mem>>)
      %dma_wait3A = arith.constant 0 : i32
      %dma_wait3A_58 = tpu.memref_slice %arg11[%add3A_27, %dma_wait3A] : memref<10240x128xf32, #tpu.memory_space<vmem_shared>> -> memref<32x128xf32, #tpu.memory_space<vmem_shared>>
      %dma_wait3A_59 = arith.constant 0 : i32
      %dma_wait3A_60 = tpu.memref_slice %arg11[%add3A_27, %dma_wait3A_59] : memref<10240x128xf32, #tpu.memory_space<vmem_shared>> -> memref<32x128xf32, #tpu.memory_space<vmem_shared>>
      tpu.wait_dma2 semaphore(%run_scoped3A : memref<!tpu.dma_semaphore, #tpu.memory_space<semaphore_mem>>) src(%arg10 : memref<32x128xf32, #tpu.memory_space<vmem>>) dst(%dma_wait3A_60 : memref<32x128xf32, #tpu.memory_space<vmem_shared>>)
      tpu.yield
    }) : () -> ()
    %add3A_28 = arith.constant 320 : i32
    %add3A_29 = arith.addi %mul3A_2, %add3A_28 : i32
    "tpu.region"() ({
      %run_scoped3A = tpu.sem_alloc : memref<!tpu.dma_semaphore, #tpu.memory_space<semaphore_mem>>
      %dma_start3A = arith.constant 0 : i32
      %dma_start3A_55 = tpu.memref_slice %arg11[%add3A_29, %dma_start3A] : memref<10240x128xf32, #tpu.memory_space<vmem_shared>> -> memref<32x128xf32, #tpu.memory_space<vmem_shared>>
      %dma_start3A_56 = arith.constant 0 : i32
      %dma_start3A_57 = tpu.memref_slice %arg11[%add3A_29, %dma_start3A_56] : memref<10240x128xf32, #tpu.memory_space<vmem_shared>> -> memref<32x128xf32, #tpu.memory_space<vmem_shared>>
      tpu.enqueue_dma source(%arg10 : memref<32x128xf32, #tpu.memory_space<vmem>>) target(%dma_start3A_57 : memref<32x128xf32, #tpu.memory_space<vmem_shared>>) target_semaphore(%run_scoped3A : memref<!tpu.dma_semaphore, #tpu.memory_space<semaphore_mem>>)
      %dma_wait3A = arith.constant 0 : i32
      %dma_wait3A_58 = tpu.memref_slice %arg11[%add3A_29, %dma_wait3A] : memref<10240x128xf32, #tpu.memory_space<vmem_shared>> -> memref<32x128xf32, #tpu.memory_space<vmem_shared>>
      %dma_wait3A_59 = arith.constant 0 : i32
      %dma_wait3A_60 = tpu.memref_slice %arg11[%add3A_29, %dma_wait3A_59] : memref<10240x128xf32, #tpu.memory_space<vmem_shared>> -> memref<32x128xf32, #tpu.memory_space<vmem_shared>>
      tpu.wait_dma2 semaphore(%run_scoped3A : memref<!tpu.dma_semaphore, #tpu.memory_space<semaphore_mem>>) src(%arg10 : memref<32x128xf32, #tpu.memory_space<vmem>>) dst(%dma_wait3A_60 : memref<32x128xf32, #tpu.memory_space<vmem_shared>>)
      tpu.yield
    }) : () -> ()
    %add3A_30 = arith.constant 352 : i32
    %add3A_31 = arith.addi %mul3A_2, %add3A_30 : i32
    "tpu.region"() ({
      %run_scoped3A = tpu.sem_alloc : memref<!tpu.dma_semaphore, #tpu.memory_space<semaphore_mem>>
      %dma_start3A = arith.constant 0 : i32
      %dma_start3A_55 = tpu.memref_slice %arg11[%add3A_31, %dma_start3A] : memref<10240x128xf32, #tpu.memory_space<vmem_shared>> -> memref<32x128xf32, #tpu.memory_space<vmem_shared>>
      %dma_start3A_56 = arith.constant 0 : i32
      %dma_start3A_57 = tpu.memref_slice %arg11[%add3A_31, %dma_start3A_56] : memref<10240x128xf32, #tpu.memory_space<vmem_shared>> -> memref<32x128xf32, #tpu.memory_space<vmem_shared>>
      tpu.enqueue_dma source(%arg10 : memref<32x128xf32, #tpu.memory_space<vmem>>) target(%dma_start3A_57 : memref<32x128xf32, #tpu.memory_space<vmem_shared>>) target_semaphore(%run_scoped3A : memref<!tpu.dma_semaphore, #tpu.memory_space<semaphore_mem>>)
      %dma_wait3A = arith.constant 0 : i32
      %dma_wait3A_58 = tpu.memref_slice %arg11[%add3A_31, %dma_wait3A] : memref<10240x128xf32, #tpu.memory_space<vmem_shared>> -> memref<32x128xf32, #tpu.memory_space<vmem_shared>>
      %dma_wait3A_59 = arith.constant 0 : i32
      %dma_wait3A_60 = tpu.memref_slice %arg11[%add3A_31, %dma_wait3A_59] : memref<10240x128xf32, #tpu.memory_space<vmem_shared>> -> memref<32x128xf32, #tpu.memory_space<vmem_shared>>
      tpu.wait_dma2 semaphore(%run_scoped3A : memref<!tpu.dma_semaphore, #tpu.memory_space<semaphore_mem>>) src(%arg10 : memref<32x128xf32, #tpu.memory_space<vmem>>) dst(%dma_wait3A_60 : memref<32x128xf32, #tpu.memory_space<vmem_shared>>)
      tpu.yield
    }) : () -> ()
    %add3A_32 = arith.constant 384 : i32
    %add3A_33 = arith.addi %mul3A_2, %add3A_32 : i32
    "tpu.region"() ({
      %run_scoped3A = tpu.sem_alloc : memref<!tpu.dma_semaphore, #tpu.memory_space<semaphore_mem>>
      %dma_start3A = arith.constant 0 : i32
      %dma_start3A_55 = tpu.memref_slice %arg11[%add3A_33, %dma_start3A] : memref<10240x128xf32, #tpu.memory_space<vmem_shared>> -> memref<32x128xf32, #tpu.memory_space<vmem_shared>>
      %dma_start3A_56 = arith.constant 0 : i32
      %dma_start3A_57 = tpu.memref_slice %arg11[%add3A_33, %dma_start3A_56] : memref<10240x128xf32, #tpu.memory_space<vmem_shared>> -> memref<32x128xf32, #tpu.memory_space<vmem_shared>>
      tpu.enqueue_dma source(%arg10 : memref<32x128xf32, #tpu.memory_space<vmem>>) target(%dma_start3A_57 : memref<32x128xf32, #tpu.memory_space<vmem_shared>>) target_semaphore(%run_scoped3A : memref<!tpu.dma_semaphore, #tpu.memory_space<semaphore_mem>>)
      %dma_wait3A = arith.constant 0 : i32
      %dma_wait3A_58 = tpu.memref_slice %arg11[%add3A_33, %dma_wait3A] : memref<10240x128xf32, #tpu.memory_space<vmem_shared>> -> memref<32x128xf32, #tpu.memory_space<vmem_shared>>
      %dma_wait3A_59 = arith.constant 0 : i32
      %dma_wait3A_60 = tpu.memref_slice %arg11[%add3A_33, %dma_wait3A_59] : memref<10240x128xf32, #tpu.memory_space<vmem_shared>> -> memref<32x128xf32, #tpu.memory_space<vmem_shared>>
      tpu.wait_dma2 semaphore(%run_scoped3A : memref<!tpu.dma_semaphore, #tpu.memory_space<semaphore_mem>>) src(%arg10 : memref<32x128xf32, #tpu.memory_space<vmem>>) dst(%dma_wait3A_60 : memref<32x128xf32, #tpu.memory_space<vmem_shared>>)
      tpu.yield
    }) : () -> ()
    %add3A_34 = arith.constant 416 : i32
    %add3A_35 = arith.addi %mul3A_2, %add3A_34 : i32
    "tpu.region"() ({
      %run_scoped3A = tpu.sem_alloc : memref<!tpu.dma_semaphore, #tpu.memory_space<semaphore_mem>>
      %dma_start3A = arith.constant 0 : i32
      %dma_start3A_55 = tpu.memref_slice %arg11[%add3A_35, %dma_start3A] : memref<10240x128xf32, #tpu.memory_space<vmem_shared>> -> memref<32x128xf32, #tpu.memory_space<vmem_shared>>
      %dma_start3A_56 = arith.constant 0 : i32
      %dma_start3A_57 = tpu.memref_slice %arg11[%add3A_35, %dma_start3A_56] : memref<10240x128xf32, #tpu.memory_space<vmem_shared>> -> memref<32x128xf32, #tpu.memory_space<vmem_shared>>
      tpu.enqueue_dma source(%arg10 : memref<32x128xf32, #tpu.memory_space<vmem>>) target(%dma_start3A_57 : memref<32x128xf32, #tpu.memory_space<vmem_shared>>) target_semaphore(%run_scoped3A : memref<!tpu.dma_semaphore, #tpu.memory_space<semaphore_mem>>)
      %dma_wait3A = arith.constant 0 : i32
      %dma_wait3A_58 = tpu.memref_slice %arg11[%add3A_35, %dma_wait3A] : memref<10240x128xf32, #tpu.memory_space<vmem_shared>> -> memref<32x128xf32, #tpu.memory_space<vmem_shared>>
      %dma_wait3A_59 = arith.constant 0 : i32
      %dma_wait3A_60 = tpu.memref_slice %arg11[%add3A_35, %dma_wait3A_59] : memref<10240x128xf32, #tpu.memory_space<vmem_shared>> -> memref<32x128xf32, #tpu.memory_space<vmem_shared>>
      tpu.wait_dma2 semaphore(%run_scoped3A : memref<!tpu.dma_semaphore, #tpu.memory_space<semaphore_mem>>) src(%arg10 : memref<32x128xf32, #tpu.memory_space<vmem>>) dst(%dma_wait3A_60 : memref<32x128xf32, #tpu.memory_space<vmem_shared>>)
      tpu.yield
    }) : () -> ()
    %add3A_36 = arith.constant 448 : i32
    %add3A_37 = arith.addi %mul3A_2, %add3A_36 : i32
    "tpu.region"() ({
      %run_scoped3A = tpu.sem_alloc : memref<!tpu.dma_semaphore, #tpu.memory_space<semaphore_mem>>
      %dma_start3A = arith.constant 0 : i32
      %dma_start3A_55 = tpu.memref_slice %arg11[%add3A_37, %dma_start3A] : memref<10240x128xf32, #tpu.memory_space<vmem_shared>> -> memref<32x128xf32, #tpu.memory_space<vmem_shared>>
      %dma_start3A_56 = arith.constant 0 : i32
      %dma_start3A_57 = tpu.memref_slice %arg11[%add3A_37, %dma_start3A_56] : memref<10240x128xf32, #tpu.memory_space<vmem_shared>> -> memref<32x128xf32, #tpu.memory_space<vmem_shared>>
      tpu.enqueue_dma source(%arg10 : memref<32x128xf32, #tpu.memory_space<vmem>>) target(%dma_start3A_57 : memref<32x128xf32, #tpu.memory_space<vmem_shared>>) target_semaphore(%run_scoped3A : memref<!tpu.dma_semaphore, #tpu.memory_space<semaphore_mem>>)
      %dma_wait3A = arith.constant 0 : i32
      %dma_wait3A_58 = tpu.memref_slice %arg11[%add3A_37, %dma_wait3A] : memref<10240x128xf32, #tpu.memory_space<vmem_shared>> -> memref<32x128xf32, #tpu.memory_space<vmem_shared>>
      %dma_wait3A_59 = arith.constant 0 : i32
      %dma_wait3A_60 = tpu.memref_slice %arg11[%add3A_37, %dma_wait3A_59] : memref<10240x128xf32, #tpu.memory_space<vmem_shared>> -> memref<32x128xf32, #tpu.memory_space<vmem_shared>>
      tpu.wait_dma2 semaphore(%run_scoped3A : memref<!tpu.dma_semaphore, #tpu.memory_space<semaphore_mem>>) src(%arg10 : memref<32x128xf32, #tpu.memory_space<vmem>>) dst(%dma_wait3A_60 : memref<32x128xf32, #tpu.memory_space<vmem_shared>>)
      tpu.yield
    }) : () -> ()
    %add3A_38 = arith.constant 480 : i32
    %add3A_39 = arith.addi %mul3A_2, %add3A_38 : i32
    "tpu.region"() ({
      %run_scoped3A = tpu.sem_alloc : memref<!tpu.dma_semaphore, #tpu.memory_space<semaphore_mem>>
      %dma_start3A = arith.constant 0 : i32
      %dma_start3A_55 = tpu.memref_slice %arg11[%add3A_39, %dma_start3A] : memref<10240x128xf32, #tpu.memory_space<vmem_shared>> -> memref<32x128xf32, #tpu.memory_space<vmem_shared>>
      %dma_start3A_56 = arith.constant 0 : i32
      %dma_start3A_57 = tpu.memref_slice %arg11[%add3A_39, %dma_start3A_56] : memref<10240x128xf32, #tpu.memory_space<vmem_shared>> -> memref<32x128xf32, #tpu.memory_space<vmem_shared>>
      tpu.enqueue_dma source(%arg10 : memref<32x128xf32, #tpu.memory_space<vmem>>) target(%dma_start3A_57 : memref<32x128xf32, #tpu.memory_space<vmem_shared>>) target_semaphore(%run_scoped3A : memref<!tpu.dma_semaphore, #tpu.memory_space<semaphore_mem>>)
      %dma_wait3A = arith.constant 0 : i32
      %dma_wait3A_58 = tpu.memref_slice %arg11[%add3A_39, %dma_wait3A] : memref<10240x128xf32, #tpu.memory_space<vmem_shared>> -> memref<32x128xf32, #tpu.memory_space<vmem_shared>>
      %dma_wait3A_59 = arith.constant 0 : i32
      %dma_wait3A_60 = tpu.memref_slice %arg11[%add3A_39, %dma_wait3A_59] : memref<10240x128xf32, #tpu.memory_space<vmem_shared>> -> memref<32x128xf32, #tpu.memory_space<vmem_shared>>
      tpu.wait_dma2 semaphore(%run_scoped3A : memref<!tpu.dma_semaphore, #tpu.memory_space<semaphore_mem>>) src(%arg10 : memref<32x128xf32, #tpu.memory_space<vmem>>) dst(%dma_wait3A_60 : memref<32x128xf32, #tpu.memory_space<vmem_shared>>)
      tpu.yield
    }) : () -> ()
    %add3A_40 = arith.constant 512 : i32
    %add3A_41 = arith.addi %mul3A_2, %add3A_40 : i32
    "tpu.region"() ({
      %run_scoped3A = tpu.sem_alloc : memref<!tpu.dma_semaphore, #tpu.memory_space<semaphore_mem>>
      %dma_start3A = arith.constant 0 : i32
      %dma_start3A_55 = tpu.memref_slice %arg11[%add3A_41, %dma_start3A] : memref<10240x128xf32, #tpu.memory_space<vmem_shared>> -> memref<32x128xf32, #tpu.memory_space<vmem_shared>>
      %dma_start3A_56 = arith.constant 0 : i32
      %dma_start3A_57 = tpu.memref_slice %arg11[%add3A_41, %dma_start3A_56] : memref<10240x128xf32, #tpu.memory_space<vmem_shared>> -> memref<32x128xf32, #tpu.memory_space<vmem_shared>>
      tpu.enqueue_dma source(%arg10 : memref<32x128xf32, #tpu.memory_space<vmem>>) target(%dma_start3A_57 : memref<32x128xf32, #tpu.memory_space<vmem_shared>>) target_semaphore(%run_scoped3A : memref<!tpu.dma_semaphore, #tpu.memory_space<semaphore_mem>>)
      %dma_wait3A = arith.constant 0 : i32
      %dma_wait3A_58 = tpu.memref_slice %arg11[%add3A_41, %dma_wait3A] : memref<10240x128xf32, #tpu.memory_space<vmem_shared>> -> memref<32x128xf32, #tpu.memory_space<vmem_shared>>
      %dma_wait3A_59 = arith.constant 0 : i32
      %dma_wait3A_60 = tpu.memref_slice %arg11[%add3A_41, %dma_wait3A_59] : memref<10240x128xf32, #tpu.memory_space<vmem_shared>> -> memref<32x128xf32, #tpu.memory_space<vmem_shared>>
      tpu.wait_dma2 semaphore(%run_scoped3A : memref<!tpu.dma_semaphore, #tpu.memory_space<semaphore_mem>>) src(%arg10 : memref<32x128xf32, #tpu.memory_space<vmem>>) dst(%dma_wait3A_60 : memref<32x128xf32, #tpu.memory_space<vmem_shared>>)
      tpu.yield
    }) : () -> ()
    %add3A_42 = arith.constant 544 : i32
    %add3A_43 = arith.addi %mul3A_2, %add3A_42 : i32
    "tpu.region"() ({
      %run_scoped3A = tpu.sem_alloc : memref<!tpu.dma_semaphore, #tpu.memory_space<semaphore_mem>>
      %dma_start3A = arith.constant 0 : i32
      %dma_start3A_55 = tpu.memref_slice %arg11[%add3A_43, %dma_start3A] : memref<10240x128xf32, #tpu.memory_space<vmem_shared>> -> memref<32x128xf32, #tpu.memory_space<vmem_shared>>
      %dma_start3A_56 = arith.constant 0 : i32
      %dma_start3A_57 = tpu.memref_slice %arg11[%add3A_43, %dma_start3A_56] : memref<10240x128xf32, #tpu.memory_space<vmem_shared>> -> memref<32x128xf32, #tpu.memory_space<vmem_shared>>
      tpu.enqueue_dma source(%arg10 : memref<32x128xf32, #tpu.memory_space<vmem>>) target(%dma_start3A_57 : memref<32x128xf32, #tpu.memory_space<vmem_shared>>) target_semaphore(%run_scoped3A : memref<!tpu.dma_semaphore, #tpu.memory_space<semaphore_mem>>)
      %dma_wait3A = arith.constant 0 : i32
      %dma_wait3A_58 = tpu.memref_slice %arg11[%add3A_43, %dma_wait3A] : memref<10240x128xf32, #tpu.memory_space<vmem_shared>> -> memref<32x128xf32, #tpu.memory_space<vmem_shared>>
      %dma_wait3A_59 = arith.constant 0 : i32
      %dma_wait3A_60 = tpu.memref_slice %arg11[%add3A_43, %dma_wait3A_59] : memref<10240x128xf32, #tpu.memory_space<vmem_shared>> -> memref<32x128xf32, #tpu.memory_space<vmem_shared>>
      tpu.wait_dma2 semaphore(%run_scoped3A : memref<!tpu.dma_semaphore, #tpu.memory_space<semaphore_mem>>) src(%arg10 : memref<32x128xf32, #tpu.memory_space<vmem>>) dst(%dma_wait3A_60 : memref<32x128xf32, #tpu.memory_space<vmem_shared>>)
      tpu.yield
    }) : () -> ()
    %add3A_44 = arith.constant 576 : i32
    %add3A_45 = arith.addi %mul3A_2, %add3A_44 : i32
    "tpu.region"() ({
      %run_scoped3A = tpu.sem_alloc : memref<!tpu.dma_semaphore, #tpu.memory_space<semaphore_mem>>
      %dma_start3A = arith.constant 0 : i32
      %dma_start3A_55 = tpu.memref_slice %arg11[%add3A_45, %dma_start3A] : memref<10240x128xf32, #tpu.memory_space<vmem_shared>> -> memref<32x128xf32, #tpu.memory_space<vmem_shared>>
      %dma_start3A_56 = arith.constant 0 : i32
      %dma_start3A_57 = tpu.memref_slice %arg11[%add3A_45, %dma_start3A_56] : memref<10240x128xf32, #tpu.memory_space<vmem_shared>> -> memref<32x128xf32, #tpu.memory_space<vmem_shared>>
      tpu.enqueue_dma source(%arg10 : memref<32x128xf32, #tpu.memory_space<vmem>>) target(%dma_start3A_57 : memref<32x128xf32, #tpu.memory_space<vmem_shared>>) target_semaphore(%run_scoped3A : memref<!tpu.dma_semaphore, #tpu.memory_space<semaphore_mem>>)
      %dma_wait3A = arith.constant 0 : i32
      %dma_wait3A_58 = tpu.memref_slice %arg11[%add3A_45, %dma_wait3A] : memref<10240x128xf32, #tpu.memory_space<vmem_shared>> -> memref<32x128xf32, #tpu.memory_space<vmem_shared>>
      %dma_wait3A_59 = arith.constant 0 : i32
      %dma_wait3A_60 = tpu.memref_slice %arg11[%add3A_45, %dma_wait3A_59] : memref<10240x128xf32, #tpu.memory_space<vmem_shared>> -> memref<32x128xf32, #tpu.memory_space<vmem_shared>>
      tpu.wait_dma2 semaphore(%run_scoped3A : memref<!tpu.dma_semaphore, #tpu.memory_space<semaphore_mem>>) src(%arg10 : memref<32x128xf32, #tpu.memory_space<vmem>>) dst(%dma_wait3A_60 : memref<32x128xf32, #tpu.memory_space<vmem_shared>>)
      tpu.yield
    }) : () -> ()
    %add3A_46 = arith.constant 608 : i32
    %add3A_47 = arith.addi %mul3A_2, %add3A_46 : i32
    "tpu.region"() ({
      %run_scoped3A = tpu.sem_alloc : memref<!tpu.dma_semaphore, #tpu.memory_space<semaphore_mem>>
      %dma_start3A = arith.constant 0 : i32
      %dma_start3A_55 = tpu.memref_slice %arg11[%add3A_47, %dma_start3A] : memref<10240x128xf32, #tpu.memory_space<vmem_shared>> -> memref<32x128xf32, #tpu.memory_space<vmem_shared>>
      %dma_start3A_56 = arith.constant 0 : i32
      %dma_start3A_57 = tpu.memref_slice %arg11[%add3A_47, %dma_start3A_56] : memref<10240x128xf32, #tpu.memory_space<vmem_shared>> -> memref<32x128xf32, #tpu.memory_space<vmem_shared>>
      tpu.enqueue_dma source(%arg10 : memref<32x128xf32, #tpu.memory_space<vmem>>) target(%dma_start3A_57 : memref<32x128xf32, #tpu.memory_space<vmem_shared>>) target_semaphore(%run_scoped3A : memref<!tpu.dma_semaphore, #tpu.memory_space<semaphore_mem>>)
      %dma_wait3A = arith.constant 0 : i32
      %dma_wait3A_58 = tpu.memref_slice %arg11[%add3A_47, %dma_wait3A] : memref<10240x128xf32, #tpu.memory_space<vmem_shared>> -> memref<32x128xf32, #tpu.memory_space<vmem_shared>>
      %dma_wait3A_59 = arith.constant 0 : i32
      %dma_wait3A_60 = tpu.memref_slice %arg11[%add3A_47, %dma_wait3A_59] : memref<10240x128xf32, #tpu.memory_space<vmem_shared>> -> memref<32x128xf32, #tpu.memory_space<vmem_shared>>
      tpu.wait_dma2 semaphore(%run_scoped3A : memref<!tpu.dma_semaphore, #tpu.memory_space<semaphore_mem>>) src(%arg10 : memref<32x128xf32, #tpu.memory_space<vmem>>) dst(%dma_wait3A_60 : memref<32x128xf32, #tpu.memory_space<vmem_shared>>)
      tpu.yield
    }) : () -> ()
    %barrier3A = arith.constant 0 : index
    tpu.barrier barrier_id(%barrier3A)
    %scan3A_48 = arith.constant 0 : i32
    %scan3A_49 = arith.constant 0 : i32
    %scan3A_50 = arith.constant 2 : i32
    %scan3A_51 = arith.addi %scan3A_49, %scan3A_50 : i32
    %scan3A_52 = arith.constant 1 : i32
    scf.for %scan3A_55 = %scan3A_49 to %scan3A_51 step %scan3A_52  : i32 {
      %mul3A_56 = arith.constant 40 : i32
      %mul3A_57 = arith.muli %scan3A_55, %mul3A_56 : i32
      "tpu.region"() ({
        %run_scoped3A = tpu.sem_alloc : memref<!tpu.dma_semaphore, #tpu.memory_space<semaphore_mem>>
        %dma_start3A_79 = arith.constant 0 : i32
        %dma_start3A_80 = tpu.memref_slice %arg3[%add3A, %mul3A_57, %dma_start3A_79] : memref<32x80x128xi32, #tpu.memory_space<hbm>> -> memref<1x40x128xi32, #tpu.memory_space<hbm>>
        %dma_start3A_81 = tpu.memref_squeeze %dma_start3A_80 : memref<1x40x128xi32, #tpu.memory_space<hbm>> -> memref<40x128xi32, #tpu.memory_space<hbm>>
        %dma_start3A_82 = arith.constant 0 : i32
        %dma_start3A_83 = tpu.memref_slice %arg3[%add3A, %mul3A_57, %dma_start3A_82] : memref<32x80x128xi32, #tpu.memory_space<hbm>> -> memref<1x40x128xi32, #tpu.memory_space<hbm>>
        %dma_start3A_84 = tpu.memref_squeeze %dma_start3A_83 : memref<1x40x128xi32, #tpu.memory_space<hbm>> -> memref<40x128xi32, #tpu.memory_space<hbm>>
        tpu.enqueue_dma source(%dma_start3A_84 : memref<40x128xi32, #tpu.memory_space<hbm>>) target(%arg6 : memref<40x128xi32, #tpu.memory_space<vmem>>) target_semaphore(%run_scoped3A : memref<!tpu.dma_semaphore, #tpu.memory_space<semaphore_mem>>)
        %dma_wait3A = arith.constant 0 : i32
        %dma_wait3A_85 = tpu.memref_slice %arg3[%add3A, %mul3A_57, %dma_wait3A] : memref<32x80x128xi32, #tpu.memory_space<hbm>> -> memref<1x40x128xi32, #tpu.memory_space<hbm>>
        %dma_wait3A_86 = tpu.memref_squeeze %dma_wait3A_85 : memref<1x40x128xi32, #tpu.memory_space<hbm>> -> memref<40x128xi32, #tpu.memory_space<hbm>>
        %dma_wait3A_87 = arith.constant 0 : i32
        %dma_wait3A_88 = tpu.memref_slice %arg3[%add3A, %mul3A_57, %dma_wait3A_87] : memref<32x80x128xi32, #tpu.memory_space<hbm>> -> memref<1x40x128xi32, #tpu.memory_space<hbm>>
        %dma_wait3A_89 = tpu.memref_squeeze %dma_wait3A_88 : memref<1x40x128xi32, #tpu.memory_space<hbm>> -> memref<40x128xi32, #tpu.memory_space<hbm>>
        tpu.wait_dma2 semaphore(%run_scoped3A : memref<!tpu.dma_semaphore, #tpu.memory_space<semaphore_mem>>) src(%dma_wait3A_89 : memref<40x128xi32, #tpu.memory_space<hbm>>) dst(%arg6 : memref<40x128xi32, #tpu.memory_space<vmem>>)
        tpu.yield
      }) : () -> ()
      %mul3A_58 = arith.constant 40 : i32
      %mul3A_59 = arith.muli %scan3A_55, %mul3A_58 : i32
      "tpu.region"() ({
        %run_scoped3A = tpu.sem_alloc : memref<!tpu.dma_semaphore, #tpu.memory_space<semaphore_mem>>
        %dma_start3A_79 = arith.constant 0 : i32
        %dma_start3A_80 = tpu.memref_slice %arg4[%add3A, %mul3A_59, %dma_start3A_79] : memref<32x80x128xi32, #tpu.memory_space<hbm>> -> memref<1x40x128xi32, #tpu.memory_space<hbm>>
        %dma_start3A_81 = tpu.memref_squeeze %dma_start3A_80 : memref<1x40x128xi32, #tpu.memory_space<hbm>> -> memref<40x128xi32, #tpu.memory_space<hbm>>
        %dma_start3A_82 = arith.constant 0 : i32
        %dma_start3A_83 = tpu.memref_slice %arg4[%add3A, %mul3A_59, %dma_start3A_82] : memref<32x80x128xi32, #tpu.memory_space<hbm>> -> memref<1x40x128xi32, #tpu.memory_space<hbm>>
        %dma_start3A_84 = tpu.memref_squeeze %dma_start3A_83 : memref<1x40x128xi32, #tpu.memory_space<hbm>> -> memref<40x128xi32, #tpu.memory_space<hbm>>
        tpu.enqueue_dma source(%dma_start3A_84 : memref<40x128xi32, #tpu.memory_space<hbm>>) target(%arg7 : memref<40x128xi32, #tpu.memory_space<vmem>>) target_semaphore(%run_scoped3A : memref<!tpu.dma_semaphore, #tpu.memory_space<semaphore_mem>>)
        %dma_wait3A = arith.constant 0 : i32
        %dma_wait3A_85 = tpu.memref_slice %arg4[%add3A, %mul3A_59, %dma_wait3A] : memref<32x80x128xi32, #tpu.memory_space<hbm>> -> memref<1x40x128xi32, #tpu.memory_space<hbm>>
        %dma_wait3A_86 = tpu.memref_squeeze %dma_wait3A_85 : memref<1x40x128xi32, #tpu.memory_space<hbm>> -> memref<40x128xi32, #tpu.memory_space<hbm>>
        %dma_wait3A_87 = arith.constant 0 : i32
        %dma_wait3A_88 = tpu.memref_slice %arg4[%add3A, %mul3A_59, %dma_wait3A_87] : memref<32x80x128xi32, #tpu.memory_space<hbm>> -> memref<1x40x128xi32, #tpu.memory_space<hbm>>
        %dma_wait3A_89 = tpu.memref_squeeze %dma_wait3A_88 : memref<1x40x128xi32, #tpu.memory_space<hbm>> -> memref<40x128xi32, #tpu.memory_space<hbm>>
        tpu.wait_dma2 semaphore(%run_scoped3A : memref<!tpu.dma_semaphore, #tpu.memory_space<semaphore_mem>>) src(%dma_wait3A_89 : memref<40x128xi32, #tpu.memory_space<hbm>>) dst(%arg7 : memref<40x128xi32, #tpu.memory_space<vmem>>)
        tpu.yield
      }) : () -> ()
      %dma_start3A = arith.constant 0 : i32
      %dma_start3A_60 = arith.constant 0 : i32
      %dma_start3A_61 = tpu.memref_slice %arg6[%dma_start3A, %dma_start3A_60] : memref<40x128xi32, #tpu.memory_space<vmem>> -> memref<1x128xi32, #tpu.memory_space<vmem>>
      %dma_start3A_62 = tpu.memref_squeeze %dma_start3A_61 : memref<1x128xi32, #tpu.memory_space<vmem>> -> memref<128xi32, #tpu.memory_space<vmem>>
      %dma_start3A_63 = arith.constant 0 : i32
      %dma_start3A_64 = arith.constant 0 : i32
      %dma_start3A_65 = tpu.memref_slice %arg2[%dma_start3A_63, %dma_start3A_64] : memref<10000x128xf32, #tpu.memory_space<hbm>> -> memref<10000x128xf32, #tpu.memory_space<hbm>>
      tpu.enqueue_indirect_dma source(%dma_start3A_65 : memref<10000x128xf32, #tpu.memory_space<hbm>>) target(%arg8 : memref<128x128xf32, #tpu.memory_space<vmem>>) offsets(%dma_start3A_62 : memref<128xi32, #tpu.memory_space<vmem>>) semaphore(%arg12 : memref<!tpu.dma_semaphore, #tpu.memory_space<semaphore_mem>>)
      %dma_start3A_66 = arith.constant 1 : i32
      %dma_start3A_67 = arith.constant 0 : i32
      %dma_start3A_68 = tpu.memref_slice %arg6[%dma_start3A_66, %dma_start3A_67] : memref<40x128xi32, #tpu.memory_space<vmem>> -> memref<1x128xi32, #tpu.memory_space<vmem>>
      %dma_start3A_69 = tpu.memref_squeeze %dma_start3A_68 : memref<1x128xi32, #tpu.memory_space<vmem>> -> memref<128xi32, #tpu.memory_space<vmem>>
      %dma_start3A_70 = arith.constant 0 : i32
      %dma_start3A_71 = arith.constant 0 : i32
      %dma_start3A_72 = tpu.memref_slice %arg2[%dma_start3A_70, %dma_start3A_71] : memref<10000x128xf32, #tpu.memory_space<hbm>> -> memref<10000x128xf32, #tpu.memory_space<hbm>>
      tpu.enqueue_indirect_dma source(%dma_start3A_72 : memref<10000x128xf32, #tpu.memory_space<hbm>>) target(%arg9 : memref<128x128xf32, #tpu.memory_space<vmem>>) offsets(%dma_start3A_69 : memref<128xi32, #tpu.memory_space<vmem>>) semaphore(%arg13 : memref<!tpu.dma_semaphore, #tpu.memory_space<semaphore_mem>>)
      %scan3A_73 = arith.constant 0 : i32
      %scan3A_74 = arith.constant 0 : i32
      %scan3A_75 = arith.constant 20 : i32
      %scan3A_76 = arith.addi %scan3A_74, %scan3A_75 : i32
      %scan3A_77 = arith.constant 1 : i32
      scf.for %scan3A_79 = %scan3A_74 to %scan3A_76 step %scan3A_77  : i32 {
        %mul3A_80 = arith.constant 2 : i32
        %mul3A_81 = arith.muli %mul3A_80, %scan3A_79 : i32
        %dma_wait3A = arith.constant 0 : i32
        %dma_wait3A_82 = arith.constant 0 : i32
        %dma_wait3A_83 = tpu.memref_slice %arg6[%dma_wait3A, %dma_wait3A_82] : memref<40x128xi32, #tpu.memory_space<vmem>> -> memref<1x128xi32, #tpu.memory_space<vmem>>
        %dma_wait3A_84 = tpu.memref_squeeze %dma_wait3A_83 : memref<1x128xi32, #tpu.memory_space<vmem>> -> memref<128xi32, #tpu.memory_space<vmem>>
        %dma_wait3A_85 = arith.constant 0 : i32
        %dma_wait3A_86 = arith.constant 0 : i32
        %dma_wait3A_87 = tpu.memref_slice %arg2[%dma_wait3A_85, %dma_wait3A_86] : memref<10000x128xf32, #tpu.memory_space<hbm>> -> memref<10000x128xf32, #tpu.memory_space<hbm>>
        tpu.wait_indirect_dma semaphore(%arg12 : memref<!tpu.dma_semaphore, #tpu.memory_space<semaphore_mem>>) src(%dma_wait3A_87 : memref<10000x128xf32, #tpu.memory_space<hbm>>) dst(%arg8 : memref<128x128xf32, #tpu.memory_space<vmem>>)
        "tpu.region"() ({
          %run_scoped3A = tpu.sem_alloc : memref<!tpu.dma_semaphore, #tpu.memory_space<semaphore_mem>>
          %dma_start3A_104 = arith.constant 0 : i32
          %dma_start3A_105 = tpu.memref_slice %arg7[%mul3A_81, %dma_start3A_104] : memref<40x128xi32, #tpu.memory_space<vmem>> -> memref<1x128xi32, #tpu.memory_space<vmem>>
          %dma_start3A_106 = tpu.memref_squeeze %dma_start3A_105 : memref<1x128xi32, #tpu.memory_space<vmem>> -> memref<128xi32, #tpu.memory_space<vmem>>
          %dma_start3A_107 = arith.constant 0 : i32
          %dma_start3A_108 = arith.constant 0 : i32
          %dma_start3A_109 = tpu.memref_slice %arg11[%dma_start3A_107, %dma_start3A_108] : memref<10240x128xf32, #tpu.memory_space<vmem_shared>> -> memref<10240x128xf32, #tpu.memory_space<vmem_shared>>
          tpu.enqueue_indirect_dma source(%arg8 : memref<128x128xf32, #tpu.memory_space<vmem>>) target(%dma_start3A_109 : memref<10240x128xf32, #tpu.memory_space<vmem_shared>>) offsets(%dma_start3A_106 : memref<128xi32, #tpu.memory_space<vmem>>) semaphore(%run_scoped3A : memref<!tpu.dma_semaphore, #tpu.memory_space<semaphore_mem>>) {add = true}
          %dma_wait3A_110 = arith.constant 0 : i32
          %dma_wait3A_111 = tpu.memref_slice %arg7[%mul3A_81, %dma_wait3A_110] : memref<40x128xi32, #tpu.memory_space<vmem>> -> memref<1x128xi32, #tpu.memory_space<vmem>>
          %dma_wait3A_112 = tpu.memref_squeeze %dma_wait3A_111 : memref<1x128xi32, #tpu.memory_space<vmem>> -> memref<128xi32, #tpu.memory_space<vmem>>
          %dma_wait3A_113 = arith.constant 0 : i32
          %dma_wait3A_114 = arith.constant 0 : i32
          %dma_wait3A_115 = tpu.memref_slice %arg11[%dma_wait3A_113, %dma_wait3A_114] : memref<10240x128xf32, #tpu.memory_space<vmem_shared>> -> memref<10240x128xf32, #tpu.memory_space<vmem_shared>>
          tpu.wait_indirect_dma semaphore(%run_scoped3A : memref<!tpu.dma_semaphore, #tpu.memory_space<semaphore_mem>>) src(%arg8 : memref<128x128xf32, #tpu.memory_space<vmem>>) dst(%dma_wait3A_115 : memref<10240x128xf32, #tpu.memory_space<vmem_shared>>)
          tpu.yield
        }) : () -> ()
        %lt3A = arith.constant 19 : i32
        %lt3A_88 = arith.cmpi slt, %scan3A_79, %lt3A : i32
        %convert_element_type3A = arith.extui %lt3A_88 : i1 to i32
        %cond3A = arith.constant 0 : i32
        %cond3A_89 = arith.cmpi ne, %convert_element_type3A, %cond3A : i32
        scf.if %cond3A_89 {
          %add3A_104 = arith.constant 2 : i32
          %add3A_105 = arith.addi %mul3A_81, %add3A_104 : i32
          %dma_start3A_106 = arith.constant 0 : i32
          %dma_start3A_107 = tpu.memref_slice %arg6[%add3A_105, %dma_start3A_106] : memref<40x128xi32, #tpu.memory_space<vmem>> -> memref<1x128xi32, #tpu.memory_space<vmem>>
          %dma_start3A_108 = tpu.memref_squeeze %dma_start3A_107 : memref<1x128xi32, #tpu.memory_space<vmem>> -> memref<128xi32, #tpu.memory_space<vmem>>
          %dma_start3A_109 = arith.constant 0 : i32
          %dma_start3A_110 = arith.constant 0 : i32
          %dma_start3A_111 = tpu.memref_slice %arg2[%dma_start3A_109, %dma_start3A_110] : memref<10000x128xf32, #tpu.memory_space<hbm>> -> memref<10000x128xf32, #tpu.memory_space<hbm>>
          tpu.enqueue_indirect_dma source(%dma_start3A_111 : memref<10000x128xf32, #tpu.memory_space<hbm>>) target(%arg8 : memref<128x128xf32, #tpu.memory_space<vmem>>) offsets(%dma_start3A_108 : memref<128xi32, #tpu.memory_space<vmem>>) semaphore(%arg12 : memref<!tpu.dma_semaphore, #tpu.memory_space<semaphore_mem>>)
        } else {
        }
        %dma_wait3A_90 = arith.constant 1 : i32
        %dma_wait3A_91 = arith.constant 0 : i32
        %dma_wait3A_92 = tpu.memref_slice %arg6[%dma_wait3A_90, %dma_wait3A_91] : memref<40x128xi32, #tpu.memory_space<vmem>> -> memref<1x128xi32, #tpu.memory_space<vmem>>
        %dma_wait3A_93 = tpu.memref_squeeze %dma_wait3A_92 : memref<1x128xi32, #tpu.memory_space<vmem>> -> memref<128xi32, #tpu.memory_space<vmem>>
        %dma_wait3A_94 = arith.constant 0 : i32
        %dma_wait3A_95 = arith.constant 0 : i32
        %dma_wait3A_96 = tpu.memref_slice %arg2[%dma_wait3A_94, %dma_wait3A_95] : memref<10000x128xf32, #tpu.memory_space<hbm>> -> memref<10000x128xf32, #tpu.memory_space<hbm>>
        tpu.wait_indirect_dma semaphore(%arg13 : memref<!tpu.dma_semaphore, #tpu.memory_space<semaphore_mem>>) src(%dma_wait3A_96 : memref<10000x128xf32, #tpu.memory_space<hbm>>) dst(%arg9 : memref<128x128xf32, #tpu.memory_space<vmem>>)
        %add3A_97 = arith.constant 1 : i32
        %add3A_98 = arith.addi %mul3A_81, %add3A_97 : i32
        "tpu.region"() ({
          %run_scoped3A = tpu.sem_alloc : memref<!tpu.dma_semaphore, #tpu.memory_space<semaphore_mem>>
          %dma_start3A_104 = arith.constant 0 : i32
          %dma_start3A_105 = tpu.memref_slice %arg7[%add3A_98, %dma_start3A_104] : memref<40x128xi32, #tpu.memory_space<vmem>> -> memref<1x128xi32, #tpu.memory_space<vmem>>
          %dma_start3A_106 = tpu.memref_squeeze %dma_start3A_105 : memref<1x128xi32, #tpu.memory_space<vmem>> -> memref<128xi32, #tpu.memory_space<vmem>>
          %dma_start3A_107 = arith.constant 0 : i32
          %dma_start3A_108 = arith.constant 0 : i32
          %dma_start3A_109 = tpu.memref_slice %arg11[%dma_start3A_107, %dma_start3A_108] : memref<10240x128xf32, #tpu.memory_space<vmem_shared>> -> memref<10240x128xf32, #tpu.memory_space<vmem_shared>>
          tpu.enqueue_indirect_dma source(%arg9 : memref<128x128xf32, #tpu.memory_space<vmem>>) target(%dma_start3A_109 : memref<10240x128xf32, #tpu.memory_space<vmem_shared>>) offsets(%dma_start3A_106 : memref<128xi32, #tpu.memory_space<vmem>>) semaphore(%run_scoped3A : memref<!tpu.dma_semaphore, #tpu.memory_space<semaphore_mem>>) {add = true}
          %dma_wait3A_110 = arith.constant 0 : i32
          %dma_wait3A_111 = tpu.memref_slice %arg7[%add3A_98, %dma_wait3A_110] : memref<40x128xi32, #tpu.memory_space<vmem>> -> memref<1x128xi32, #tpu.memory_space<vmem>>
          %dma_wait3A_112 = tpu.memref_squeeze %dma_wait3A_111 : memref<1x128xi32, #tpu.memory_space<vmem>> -> memref<128xi32, #tpu.memory_space<vmem>>
          %dma_wait3A_113 = arith.constant 0 : i32
          %dma_wait3A_114 = arith.constant 0 : i32
          %dma_wait3A_115 = tpu.memref_slice %arg11[%dma_wait3A_113, %dma_wait3A_114] : memref<10240x128xf32, #tpu.memory_space<vmem_shared>> -> memref<10240x128xf32, #tpu.memory_space<vmem_shared>>
          tpu.wait_indirect_dma semaphore(%run_scoped3A : memref<!tpu.dma_semaphore, #tpu.memory_space<semaphore_mem>>) src(%arg9 : memref<128x128xf32, #tpu.memory_space<vmem>>) dst(%dma_wait3A_115 : memref<10240x128xf32, #tpu.memory_space<vmem_shared>>)
          tpu.yield
        }) : () -> ()
        %lt3A_99 = arith.constant 19 : i32
        %lt3A_100 = arith.cmpi slt, %scan3A_79, %lt3A_99 : i32
        %convert_element_type3A_101 = arith.extui %lt3A_100 : i1 to i32
        %cond3A_102 = arith.constant 0 : i32
        %cond3A_103 = arith.cmpi ne, %convert_element_type3A_101, %cond3A_102 : i32
        scf.if %cond3A_103 {
          %add3A_104 = arith.constant 3 : i32
          %add3A_105 = arith.addi %mul3A_81, %add3A_104 : i32
          %dma_start3A_106 = arith.constant 0 : i32
          %dma_start3A_107 = tpu.memref_slice %arg6[%add3A_105, %dma_start3A_106] : memref<40x128xi32, #tpu.memory_space<vmem>> -> memref<1x128xi32, #tpu.memory_space<vmem>>
          %dma_start3A_108 = tpu.memref_squeeze %dma_start3A_107 : memref<1x128xi32, #tpu.memory_space<vmem>> -> memref<128xi32, #tpu.memory_space<vmem>>
          %dma_start3A_109 = arith.constant 0 : i32
          %dma_start3A_110 = arith.constant 0 : i32
          %dma_start3A_111 = tpu.memref_slice %arg2[%dma_start3A_109, %dma_start3A_110] : memref<10000x128xf32, #tpu.memory_space<hbm>> -> memref<10000x128xf32, #tpu.memory_space<hbm>>
          tpu.enqueue_indirect_dma source(%dma_start3A_111 : memref<10000x128xf32, #tpu.memory_space<hbm>>) target(%arg9 : memref<128x128xf32, #tpu.memory_space<vmem>>) offsets(%dma_start3A_108 : memref<128xi32, #tpu.memory_space<vmem>>) semaphore(%arg13 : memref<!tpu.dma_semaphore, #tpu.memory_space<semaphore_mem>>)
        } else {
        }
      }
      %scan3A_78 = arith.constant 20 : i32
    }
    %scan3A_53 = arith.constant 2 : i32
    %barrier3A_54 = arith.constant 0 : index
    tpu.barrier barrier_id(%barrier3A_54)
    "tpu.region"() ({
      %run_scoped3A = tpu.sem_alloc : memref<!tpu.dma_semaphore, #tpu.memory_space<semaphore_mem>>
      %dma_start3A = arith.constant 0 : i32
      %dma_start3A_55 = tpu.memref_slice %arg5[%arg0, %mul3A_2, %dma_start3A] : memref<2x10240x128xf32, #tpu.memory_space<hbm>> -> memref<1x640x128xf32, #tpu.memory_space<hbm>>
      %dma_start3A_56 = tpu.memref_squeeze %dma_start3A_55 : memref<1x640x128xf32, #tpu.memory_space<hbm>> -> memref<640x128xf32, #tpu.memory_space<hbm>>
      %dma_start3A_57 = arith.constant 0 : i32
      %dma_start3A_58 = tpu.memref_slice %arg11[%mul3A_2, %dma_start3A_57] : memref<10240x128xf32, #tpu.memory_space<vmem_shared>> -> memref<640x128xf32, #tpu.memory_space<vmem_shared>>
      tpu.enqueue_dma source(%dma_start3A_58 : memref<640x128xf32, #tpu.memory_space<vmem_shared>>) target(%dma_start3A_56 : memref<640x128xf32, #tpu.memory_space<hbm>>) target_semaphore(%run_scoped3A : memref<!tpu.dma_semaphore, #tpu.memory_space<semaphore_mem>>)
      %dma_wait3A = arith.constant 0 : i32
      %dma_wait3A_59 = tpu.memref_slice %arg5[%arg0, %mul3A_2, %dma_wait3A] : memref<2x10240x128xf32, #tpu.memory_space<hbm>> -> memref<1x640x128xf32, #tpu.memory_space<hbm>>
      %dma_wait3A_60 = tpu.memref_squeeze %dma_wait3A_59 : memref<1x640x128xf32, #tpu.memory_space<hbm>> -> memref<640x128xf32, #tpu.memory_space<hbm>>
      %dma_wait3A_61 = arith.constant 0 : i32
      %dma_wait3A_62 = tpu.memref_slice %arg11[%mul3A_2, %dma_wait3A_61] : memref<10240x128xf32, #tpu.memory_space<vmem_shared>> -> memref<640x128xf32, #tpu.memory_space<vmem_shared>>
      tpu.wait_dma2 semaphore(%run_scoped3A : memref<!tpu.dma_semaphore, #tpu.memory_space<semaphore_mem>>) src(%dma_wait3A_62 : memref<640x128xf32, #tpu.memory_space<vmem_shared>>) dst(%dma_wait3A_60 : memref<640x128xf32, #tpu.memory_space<hbm>>)
      tpu.yield
    }) : () -> ()
    return
  }
}

#map = affine_map<(d0, d1) -> (0, 0, 0)>
module attributes {stable_mosaic.version = 14 : i64} {
  func.func @_deg_kernel(%arg0: i32, %arg1: i32, %arg2: memref<32x80x128xi32, #tpu.memory_space<hbm>>, %arg3: memref<2x10240x128xf32, #tpu.memory_space<hbm>>, %arg4: memref<80x128xi32, #tpu.memory_space<vmem>>, %arg5: memref<128x128xf32, #tpu.memory_space<vmem>>, %arg6: memref<32x128xf32, #tpu.memory_space<vmem>>, %arg7: memref<10240x128xf32, #tpu.memory_space<vmem_shared>>, %arg8: memref<!tpu.dma_semaphore, #tpu.memory_space<semaphore_mem>>) attributes {dimension_semantics = [#tpu.dimension_semantics<core_parallel>, #tpu.dimension_semantics<subcore_parallel>], iteration_bounds = array<i64: 2, 16>, scalar_prefetch = 0 : i64, scratch_operands = 5 : i64, tpu.core_type = #tpu.core_type<sc_vector_subcore>, window_params = [{transform_indices = #map}, {transform_indices = #map}]} {
    %mul3A = arith.constant 2 : i32
    %mul3A_0 = arith.muli %arg1, %mul3A : i32
    %add3A = arith.addi %mul3A_0, %arg0 : i32
    %mul3A_1 = arith.constant 640 : i32
    %mul3A_2 = arith.muli %arg1, %mul3A_1 : i32
    %scan3A = arith.constant 0 : i32
    %scan3A_3 = arith.constant 0 : i32
    %scan3A_4 = arith.constant 32 : i32
    %scan3A_5 = arith.addi %scan3A_3, %scan3A_4 : i32
    %scan3A_6 = arith.constant 1 : i32
    scf.for %scan3A_61 = %scan3A_3 to %scan3A_5 step %scan3A_6  : i32 {
      %broadcast_in_dim3A = arith.constant 0.000000e+00 : f32
      %broadcast_in_dim3A_62 = vector.broadcast %broadcast_in_dim3A : f32 to vector<16xf32>
      %swap3A = arith.index_cast %scan3A_61 : i32 to index
      %swap3A_63 = arith.constant 0 : index
      %swap3A_64 = tpu.vector_load %arg6[%swap3A, %swap3A_63] {strides = array<i32>} : memref<32x128xf32, #tpu.memory_space<vmem>>, vector<1x16xf32>,
      %swap3A_65 = vector.shape_cast %swap3A_64 : vector<1x16xf32> to vector<16xf32>
      %swap3A_66 = vector.shape_cast %broadcast_in_dim3A_62 : vector<16xf32> to vector<1x16xf32>
      tpu.vector_store %arg6[%swap3A, %swap3A_63], %swap3A_66 {strides = array<i32>} : memref<32x128xf32, #tpu.memory_space<vmem>>, vector<1x16xf32>,
      %broadcast_in_dim3A_67 = arith.constant 0.000000e+00 : f32
      %broadcast_in_dim3A_68 = vector.broadcast %broadcast_in_dim3A_67 : f32 to vector<16xf32>
      %swap3A_69 = arith.index_cast %scan3A_61 : i32 to index
      %swap3A_70 = arith.constant 16 : index
      %swap3A_71 = tpu.vector_load %arg6[%swap3A_69, %swap3A_70] {strides = array<i32>} : memref<32x128xf32, #tpu.memory_space<vmem>>, vector<1x16xf32>,
      %swap3A_72 = vector.shape_cast %swap3A_71 : vector<1x16xf32> to vector<16xf32>
      %swap3A_73 = vector.shape_cast %broadcast_in_dim3A_68 : vector<16xf32> to vector<1x16xf32>
      tpu.vector_store %arg6[%swap3A_69, %swap3A_70], %swap3A_73 {strides = array<i32>} : memref<32x128xf32, #tpu.memory_space<vmem>>, vector<1x16xf32>,
      %broadcast_in_dim3A_74 = arith.constant 0.000000e+00 : f32
      %broadcast_in_dim3A_75 = vector.broadcast %broadcast_in_dim3A_74 : f32 to vector<16xf32>
      %swap3A_76 = arith.index_cast %scan3A_61 : i32 to index
      %swap3A_77 = arith.constant 32 : index
      %swap3A_78 = tpu.vector_load %arg6[%swap3A_76, %swap3A_77] {strides = array<i32>} : memref<32x128xf32, #tpu.memory_space<vmem>>, vector<1x16xf32>,
      %swap3A_79 = vector.shape_cast %swap3A_78 : vector<1x16xf32> to vector<16xf32>
      %swap3A_80 = vector.shape_cast %broadcast_in_dim3A_75 : vector<16xf32> to vector<1x16xf32>
      tpu.vector_store %arg6[%swap3A_76, %swap3A_77], %swap3A_80 {strides = array<i32>} : memref<32x128xf32, #tpu.memory_space<vmem>>, vector<1x16xf32>,
      %broadcast_in_dim3A_81 = arith.constant 0.000000e+00 : f32
      %broadcast_in_dim3A_82 = vector.broadcast %broadcast_in_dim3A_81 : f32 to vector<16xf32>
      %swap3A_83 = arith.index_cast %scan3A_61 : i32 to index
      %swap3A_84 = arith.constant 48 : index
      %swap3A_85 = tpu.vector_load %arg6[%swap3A_83, %swap3A_84] {strides = array<i32>} : memref<32x128xf32, #tpu.memory_space<vmem>>, vector<1x16xf32>,
      %swap3A_86 = vector.shape_cast %swap3A_85 : vector<1x16xf32> to vector<16xf32>
      %swap3A_87 = vector.shape_cast %broadcast_in_dim3A_82 : vector<16xf32> to vector<1x16xf32>
      tpu.vector_store %arg6[%swap3A_83, %swap3A_84], %swap3A_87 {strides = array<i32>} : memref<32x128xf32, #tpu.memory_space<vmem>>, vector<1x16xf32>,
      %broadcast_in_dim3A_88 = arith.constant 0.000000e+00 : f32
      %broadcast_in_dim3A_89 = vector.broadcast %broadcast_in_dim3A_88 : f32 to vector<16xf32>
      %swap3A_90 = arith.index_cast %scan3A_61 : i32 to index
      %swap3A_91 = arith.constant 64 : index
      %swap3A_92 = tpu.vector_load %arg6[%swap3A_90, %swap3A_91] {strides = array<i32>} : memref<32x128xf32, #tpu.memory_space<vmem>>, vector<1x16xf32>,
      %swap3A_93 = vector.shape_cast %swap3A_92 : vector<1x16xf32> to vector<16xf32>
      %swap3A_94 = vector.shape_cast %broadcast_in_dim3A_89 : vector<16xf32> to vector<1x16xf32>
      tpu.vector_store %arg6[%swap3A_90, %swap3A_91], %swap3A_94 {strides = array<i32>} : memref<32x128xf32, #tpu.memory_space<vmem>>, vector<1x16xf32>,
      %broadcast_in_dim3A_95 = arith.constant 0.000000e+00 : f32
      %broadcast_in_dim3A_96 = vector.broadcast %broadcast_in_dim3A_95 : f32 to vector<16xf32>
      %swap3A_97 = arith.index_cast %scan3A_61 : i32 to index
      %swap3A_98 = arith.constant 80 : index
      %swap3A_99 = tpu.vector_load %arg6[%swap3A_97, %swap3A_98] {strides = array<i32>} : memref<32x128xf32, #tpu.memory_space<vmem>>, vector<1x16xf32>,
      %swap3A_100 = vector.shape_cast %swap3A_99 : vector<1x16xf32> to vector<16xf32>
      %swap3A_101 = vector.shape_cast %broadcast_in_dim3A_96 : vector<16xf32> to vector<1x16xf32>
      tpu.vector_store %arg6[%swap3A_97, %swap3A_98], %swap3A_101 {strides = array<i32>} : memref<32x128xf32, #tpu.memory_space<vmem>>, vector<1x16xf32>,
      %broadcast_in_dim3A_102 = arith.constant 0.000000e+00 : f32
      %broadcast_in_dim3A_103 = vector.broadcast %broadcast_in_dim3A_102 : f32 to vector<16xf32>
      %swap3A_104 = arith.index_cast %scan3A_61 : i32 to index
      %swap3A_105 = arith.constant 96 : index
      %swap3A_106 = tpu.vector_load %arg6[%swap3A_104, %swap3A_105] {strides = array<i32>} : memref<32x128xf32, #tpu.memory_space<vmem>>, vector<1x16xf32>,
      %swap3A_107 = vector.shape_cast %swap3A_106 : vector<1x16xf32> to vector<16xf32>
      %swap3A_108 = vector.shape_cast %broadcast_in_dim3A_103 : vector<16xf32> to vector<1x16xf32>
      tpu.vector_store %arg6[%swap3A_104, %swap3A_105], %swap3A_108 {strides = array<i32>} : memref<32x128xf32, #tpu.memory_space<vmem>>, vector<1x16xf32>,
      %broadcast_in_dim3A_109 = arith.constant 0.000000e+00 : f32
      %broadcast_in_dim3A_110 = vector.broadcast %broadcast_in_dim3A_109 : f32 to vector<16xf32>
      %swap3A_111 = arith.index_cast %scan3A_61 : i32 to index
      %swap3A_112 = arith.constant 112 : index
      %swap3A_113 = tpu.vector_load %arg6[%swap3A_111, %swap3A_112] {strides = array<i32>} : memref<32x128xf32, #tpu.memory_space<vmem>>, vector<1x16xf32>,
      %swap3A_114 = vector.shape_cast %swap3A_113 : vector<1x16xf32> to vector<16xf32>
      %swap3A_115 = vector.shape_cast %broadcast_in_dim3A_110 : vector<16xf32> to vector<1x16xf32>
      tpu.vector_store %arg6[%swap3A_111, %swap3A_112], %swap3A_115 {strides = array<i32>} : memref<32x128xf32, #tpu.memory_space<vmem>>, vector<1x16xf32>,
    }
    %scan3A_7 = arith.constant 32 : i32
    %scan3A_8 = arith.constant 0 : i32
    %scan3A_9 = arith.constant 0 : i32
    %scan3A_10 = arith.constant 128 : i32
    %scan3A_11 = arith.addi %scan3A_9, %scan3A_10 : i32
    %scan3A_12 = arith.constant 1 : i32
    scf.for %scan3A_61 = %scan3A_9 to %scan3A_11 step %scan3A_12  : i32 {
      %broadcast_in_dim3A = arith.constant 1.000000e+00 : f32
      %broadcast_in_dim3A_62 = vector.broadcast %broadcast_in_dim3A : f32 to vector<16xf32>
      %swap3A = arith.index_cast %scan3A_61 : i32 to index
      %swap3A_63 = arith.constant 0 : index
      %swap3A_64 = tpu.vector_load %arg5[%swap3A, %swap3A_63] {strides = array<i32>} : memref<128x128xf32, #tpu.memory_space<vmem>>, vector<1x16xf32>,
      %swap3A_65 = vector.shape_cast %swap3A_64 : vector<1x16xf32> to vector<16xf32>
      %swap3A_66 = vector.shape_cast %broadcast_in_dim3A_62 : vector<16xf32> to vector<1x16xf32>
      tpu.vector_store %arg5[%swap3A, %swap3A_63], %swap3A_66 {strides = array<i32>} : memref<128x128xf32, #tpu.memory_space<vmem>>, vector<1x16xf32>,
      %broadcast_in_dim3A_67 = arith.constant 1.000000e+00 : f32
      %broadcast_in_dim3A_68 = vector.broadcast %broadcast_in_dim3A_67 : f32 to vector<16xf32>
      %swap3A_69 = arith.index_cast %scan3A_61 : i32 to index
      %swap3A_70 = arith.constant 16 : index
      %swap3A_71 = tpu.vector_load %arg5[%swap3A_69, %swap3A_70] {strides = array<i32>} : memref<128x128xf32, #tpu.memory_space<vmem>>, vector<1x16xf32>,
      %swap3A_72 = vector.shape_cast %swap3A_71 : vector<1x16xf32> to vector<16xf32>
      %swap3A_73 = vector.shape_cast %broadcast_in_dim3A_68 : vector<16xf32> to vector<1x16xf32>
      tpu.vector_store %arg5[%swap3A_69, %swap3A_70], %swap3A_73 {strides = array<i32>} : memref<128x128xf32, #tpu.memory_space<vmem>>, vector<1x16xf32>,
      %broadcast_in_dim3A_74 = arith.constant 1.000000e+00 : f32
      %broadcast_in_dim3A_75 = vector.broadcast %broadcast_in_dim3A_74 : f32 to vector<16xf32>
      %swap3A_76 = arith.index_cast %scan3A_61 : i32 to index
      %swap3A_77 = arith.constant 32 : index
      %swap3A_78 = tpu.vector_load %arg5[%swap3A_76, %swap3A_77] {strides = array<i32>} : memref<128x128xf32, #tpu.memory_space<vmem>>, vector<1x16xf32>,
      %swap3A_79 = vector.shape_cast %swap3A_78 : vector<1x16xf32> to vector<16xf32>
      %swap3A_80 = vector.shape_cast %broadcast_in_dim3A_75 : vector<16xf32> to vector<1x16xf32>
      tpu.vector_store %arg5[%swap3A_76, %swap3A_77], %swap3A_80 {strides = array<i32>} : memref<128x128xf32, #tpu.memory_space<vmem>>, vector<1x16xf32>,
      %broadcast_in_dim3A_81 = arith.constant 1.000000e+00 : f32
      %broadcast_in_dim3A_82 = vector.broadcast %broadcast_in_dim3A_81 : f32 to vector<16xf32>
      %swap3A_83 = arith.index_cast %scan3A_61 : i32 to index
      %swap3A_84 = arith.constant 48 : index
      %swap3A_85 = tpu.vector_load %arg5[%swap3A_83, %swap3A_84] {strides = array<i32>} : memref<128x128xf32, #tpu.memory_space<vmem>>, vector<1x16xf32>,
      %swap3A_86 = vector.shape_cast %swap3A_85 : vector<1x16xf32> to vector<16xf32>
      %swap3A_87 = vector.shape_cast %broadcast_in_dim3A_82 : vector<16xf32> to vector<1x16xf32>
      tpu.vector_store %arg5[%swap3A_83, %swap3A_84], %swap3A_87 {strides = array<i32>} : memref<128x128xf32, #tpu.memory_space<vmem>>, vector<1x16xf32>,
      %broadcast_in_dim3A_88 = arith.constant 1.000000e+00 : f32
      %broadcast_in_dim3A_89 = vector.broadcast %broadcast_in_dim3A_88 : f32 to vector<16xf32>
      %swap3A_90 = arith.index_cast %scan3A_61 : i32 to index
      %swap3A_91 = arith.constant 64 : index
      %swap3A_92 = tpu.vector_load %arg5[%swap3A_90, %swap3A_91] {strides = array<i32>} : memref<128x128xf32, #tpu.memory_space<vmem>>, vector<1x16xf32>,
      %swap3A_93 = vector.shape_cast %swap3A_92 : vector<1x16xf32> to vector<16xf32>
      %swap3A_94 = vector.shape_cast %broadcast_in_dim3A_89 : vector<16xf32> to vector<1x16xf32>
      tpu.vector_store %arg5[%swap3A_90, %swap3A_91], %swap3A_94 {strides = array<i32>} : memref<128x128xf32, #tpu.memory_space<vmem>>, vector<1x16xf32>,
      %broadcast_in_dim3A_95 = arith.constant 1.000000e+00 : f32
      %broadcast_in_dim3A_96 = vector.broadcast %broadcast_in_dim3A_95 : f32 to vector<16xf32>
      %swap3A_97 = arith.index_cast %scan3A_61 : i32 to index
      %swap3A_98 = arith.constant 80 : index
      %swap3A_99 = tpu.vector_load %arg5[%swap3A_97, %swap3A_98] {strides = array<i32>} : memref<128x128xf32, #tpu.memory_space<vmem>>, vector<1x16xf32>,
      %swap3A_100 = vector.shape_cast %swap3A_99 : vector<1x16xf32> to vector<16xf32>
      %swap3A_101 = vector.shape_cast %broadcast_in_dim3A_96 : vector<16xf32> to vector<1x16xf32>
      tpu.vector_store %arg5[%swap3A_97, %swap3A_98], %swap3A_101 {strides = array<i32>} : memref<128x128xf32, #tpu.memory_space<vmem>>, vector<1x16xf32>,
      %broadcast_in_dim3A_102 = arith.constant 1.000000e+00 : f32
      %broadcast_in_dim3A_103 = vector.broadcast %broadcast_in_dim3A_102 : f32 to vector<16xf32>
      %swap3A_104 = arith.index_cast %scan3A_61 : i32 to index
      %swap3A_105 = arith.constant 96 : index
      %swap3A_106 = tpu.vector_load %arg5[%swap3A_104, %swap3A_105] {strides = array<i32>} : memref<128x128xf32, #tpu.memory_space<vmem>>, vector<1x16xf32>,
      %swap3A_107 = vector.shape_cast %swap3A_106 : vector<1x16xf32> to vector<16xf32>
      %swap3A_108 = vector.shape_cast %broadcast_in_dim3A_103 : vector<16xf32> to vector<1x16xf32>
      tpu.vector_store %arg5[%swap3A_104, %swap3A_105], %swap3A_108 {strides = array<i32>} : memref<128x128xf32, #tpu.memory_space<vmem>>, vector<1x16xf32>,
      %broadcast_in_dim3A_109 = arith.constant 1.000000e+00 : f32
      %broadcast_in_dim3A_110 = vector.broadcast %broadcast_in_dim3A_109 : f32 to vector<16xf32>
      %swap3A_111 = arith.index_cast %scan3A_61 : i32 to index
      %swap3A_112 = arith.constant 112 : index
      %swap3A_113 = tpu.vector_load %arg5[%swap3A_111, %swap3A_112] {strides = array<i32>} : memref<128x128xf32, #tpu.memory_space<vmem>>, vector<1x16xf32>,
      %swap3A_114 = vector.shape_cast %swap3A_113 : vector<1x16xf32> to vector<16xf32>
      %swap3A_115 = vector.shape_cast %broadcast_in_dim3A_110 : vector<16xf32> to vector<1x16xf32>
      tpu.vector_store %arg5[%swap3A_111, %swap3A_112], %swap3A_115 {strides = array<i32>} : memref<128x128xf32, #tpu.memory_space<vmem>>, vector<1x16xf32>,
    }
    %scan3A_13 = arith.constant 128 : i32
    %add3A_14 = arith.constant 0 : i32
    %add3A_15 = arith.addi %mul3A_2, %add3A_14 : i32
    "tpu.region"() ({
      %run_scoped3A = tpu.sem_alloc : memref<!tpu.dma_semaphore, #tpu.memory_space<semaphore_mem>>
      %dma_start3A = arith.constant 0 : i32
      %dma_start3A_61 = tpu.memref_slice %arg7[%add3A_15, %dma_start3A] : memref<10240x128xf32, #tpu.memory_space<vmem_shared>> -> memref<32x128xf32, #tpu.memory_space<vmem_shared>>
      %dma_start3A_62 = arith.constant 0 : i32
      %dma_start3A_63 = tpu.memref_slice %arg7[%add3A_15, %dma_start3A_62] : memref<10240x128xf32, #tpu.memory_space<vmem_shared>> -> memref<32x128xf32, #tpu.memory_space<vmem_shared>>
      tpu.enqueue_dma source(%arg6 : memref<32x128xf32, #tpu.memory_space<vmem>>) target(%dma_start3A_63 : memref<32x128xf32, #tpu.memory_space<vmem_shared>>) target_semaphore(%run_scoped3A : memref<!tpu.dma_semaphore, #tpu.memory_space<semaphore_mem>>)
      %dma_wait3A = arith.constant 0 : i32
      %dma_wait3A_64 = tpu.memref_slice %arg7[%add3A_15, %dma_wait3A] : memref<10240x128xf32, #tpu.memory_space<vmem_shared>> -> memref<32x128xf32, #tpu.memory_space<vmem_shared>>
      %dma_wait3A_65 = arith.constant 0 : i32
      %dma_wait3A_66 = tpu.memref_slice %arg7[%add3A_15, %dma_wait3A_65] : memref<10240x128xf32, #tpu.memory_space<vmem_shared>> -> memref<32x128xf32, #tpu.memory_space<vmem_shared>>
      tpu.wait_dma2 semaphore(%run_scoped3A : memref<!tpu.dma_semaphore, #tpu.memory_space<semaphore_mem>>) src(%arg6 : memref<32x128xf32, #tpu.memory_space<vmem>>) dst(%dma_wait3A_66 : memref<32x128xf32, #tpu.memory_space<vmem_shared>>)
      tpu.yield
    }) : () -> ()
    %add3A_16 = arith.constant 32 : i32
    %add3A_17 = arith.addi %mul3A_2, %add3A_16 : i32
    "tpu.region"() ({
      %run_scoped3A = tpu.sem_alloc : memref<!tpu.dma_semaphore, #tpu.memory_space<semaphore_mem>>
      %dma_start3A = arith.constant 0 : i32
      %dma_start3A_61 = tpu.memref_slice %arg7[%add3A_17, %dma_start3A] : memref<10240x128xf32, #tpu.memory_space<vmem_shared>> -> memref<32x128xf32, #tpu.memory_space<vmem_shared>>
      %dma_start3A_62 = arith.constant 0 : i32
      %dma_start3A_63 = tpu.memref_slice %arg7[%add3A_17, %dma_start3A_62] : memref<10240x128xf32, #tpu.memory_space<vmem_shared>> -> memref<32x128xf32, #tpu.memory_space<vmem_shared>>
      tpu.enqueue_dma source(%arg6 : memref<32x128xf32, #tpu.memory_space<vmem>>) target(%dma_start3A_63 : memref<32x128xf32, #tpu.memory_space<vmem_shared>>) target_semaphore(%run_scoped3A : memref<!tpu.dma_semaphore, #tpu.memory_space<semaphore_mem>>)
      %dma_wait3A = arith.constant 0 : i32
      %dma_wait3A_64 = tpu.memref_slice %arg7[%add3A_17, %dma_wait3A] : memref<10240x128xf32, #tpu.memory_space<vmem_shared>> -> memref<32x128xf32, #tpu.memory_space<vmem_shared>>
      %dma_wait3A_65 = arith.constant 0 : i32
      %dma_wait3A_66 = tpu.memref_slice %arg7[%add3A_17, %dma_wait3A_65] : memref<10240x128xf32, #tpu.memory_space<vmem_shared>> -> memref<32x128xf32, #tpu.memory_space<vmem_shared>>
      tpu.wait_dma2 semaphore(%run_scoped3A : memref<!tpu.dma_semaphore, #tpu.memory_space<semaphore_mem>>) src(%arg6 : memref<32x128xf32, #tpu.memory_space<vmem>>) dst(%dma_wait3A_66 : memref<32x128xf32, #tpu.memory_space<vmem_shared>>)
      tpu.yield
    }) : () -> ()
    %add3A_18 = arith.constant 64 : i32
    %add3A_19 = arith.addi %mul3A_2, %add3A_18 : i32
    "tpu.region"() ({
      %run_scoped3A = tpu.sem_alloc : memref<!tpu.dma_semaphore, #tpu.memory_space<semaphore_mem>>
      %dma_start3A = arith.constant 0 : i32
      %dma_start3A_61 = tpu.memref_slice %arg7[%add3A_19, %dma_start3A] : memref<10240x128xf32, #tpu.memory_space<vmem_shared>> -> memref<32x128xf32, #tpu.memory_space<vmem_shared>>
      %dma_start3A_62 = arith.constant 0 : i32
      %dma_start3A_63 = tpu.memref_slice %arg7[%add3A_19, %dma_start3A_62] : memref<10240x128xf32, #tpu.memory_space<vmem_shared>> -> memref<32x128xf32, #tpu.memory_space<vmem_shared>>
      tpu.enqueue_dma source(%arg6 : memref<32x128xf32, #tpu.memory_space<vmem>>) target(%dma_start3A_63 : memref<32x128xf32, #tpu.memory_space<vmem_shared>>) target_semaphore(%run_scoped3A : memref<!tpu.dma_semaphore, #tpu.memory_space<semaphore_mem>>)
      %dma_wait3A = arith.constant 0 : i32
      %dma_wait3A_64 = tpu.memref_slice %arg7[%add3A_19, %dma_wait3A] : memref<10240x128xf32, #tpu.memory_space<vmem_shared>> -> memref<32x128xf32, #tpu.memory_space<vmem_shared>>
      %dma_wait3A_65 = arith.constant 0 : i32
      %dma_wait3A_66 = tpu.memref_slice %arg7[%add3A_19, %dma_wait3A_65] : memref<10240x128xf32, #tpu.memory_space<vmem_shared>> -> memref<32x128xf32, #tpu.memory_space<vmem_shared>>
      tpu.wait_dma2 semaphore(%run_scoped3A : memref<!tpu.dma_semaphore, #tpu.memory_space<semaphore_mem>>) src(%arg6 : memref<32x128xf32, #tpu.memory_space<vmem>>) dst(%dma_wait3A_66 : memref<32x128xf32, #tpu.memory_space<vmem_shared>>)
      tpu.yield
    }) : () -> ()
    %add3A_20 = arith.constant 96 : i32
    %add3A_21 = arith.addi %mul3A_2, %add3A_20 : i32
    "tpu.region"() ({
      %run_scoped3A = tpu.sem_alloc : memref<!tpu.dma_semaphore, #tpu.memory_space<semaphore_mem>>
      %dma_start3A = arith.constant 0 : i32
      %dma_start3A_61 = tpu.memref_slice %arg7[%add3A_21, %dma_start3A] : memref<10240x128xf32, #tpu.memory_space<vmem_shared>> -> memref<32x128xf32, #tpu.memory_space<vmem_shared>>
      %dma_start3A_62 = arith.constant 0 : i32
      %dma_start3A_63 = tpu.memref_slice %arg7[%add3A_21, %dma_start3A_62] : memref<10240x128xf32, #tpu.memory_space<vmem_shared>> -> memref<32x128xf32, #tpu.memory_space<vmem_shared>>
      tpu.enqueue_dma source(%arg6 : memref<32x128xf32, #tpu.memory_space<vmem>>) target(%dma_start3A_63 : memref<32x128xf32, #tpu.memory_space<vmem_shared>>) target_semaphore(%run_scoped3A : memref<!tpu.dma_semaphore, #tpu.memory_space<semaphore_mem>>)
      %dma_wait3A = arith.constant 0 : i32
      %dma_wait3A_64 = tpu.memref_slice %arg7[%add3A_21, %dma_wait3A] : memref<10240x128xf32, #tpu.memory_space<vmem_shared>> -> memref<32x128xf32, #tpu.memory_space<vmem_shared>>
      %dma_wait3A_65 = arith.constant 0 : i32
      %dma_wait3A_66 = tpu.memref_slice %arg7[%add3A_21, %dma_wait3A_65] : memref<10240x128xf32, #tpu.memory_space<vmem_shared>> -> memref<32x128xf32, #tpu.memory_space<vmem_shared>>
      tpu.wait_dma2 semaphore(%run_scoped3A : memref<!tpu.dma_semaphore, #tpu.memory_space<semaphore_mem>>) src(%arg6 : memref<32x128xf32, #tpu.memory_space<vmem>>) dst(%dma_wait3A_66 : memref<32x128xf32, #tpu.memory_space<vmem_shared>>)
      tpu.yield
    }) : () -> ()
    %add3A_22 = arith.constant 128 : i32
    %add3A_23 = arith.addi %mul3A_2, %add3A_22 : i32
    "tpu.region"() ({
      %run_scoped3A = tpu.sem_alloc : memref<!tpu.dma_semaphore, #tpu.memory_space<semaphore_mem>>
      %dma_start3A = arith.constant 0 : i32
      %dma_start3A_61 = tpu.memref_slice %arg7[%add3A_23, %dma_start3A] : memref<10240x128xf32, #tpu.memory_space<vmem_shared>> -> memref<32x128xf32, #tpu.memory_space<vmem_shared>>
      %dma_start3A_62 = arith.constant 0 : i32
      %dma_start3A_63 = tpu.memref_slice %arg7[%add3A_23, %dma_start3A_62] : memref<10240x128xf32, #tpu.memory_space<vmem_shared>> -> memref<32x128xf32, #tpu.memory_space<vmem_shared>>
      tpu.enqueue_dma source(%arg6 : memref<32x128xf32, #tpu.memory_space<vmem>>) target(%dma_start3A_63 : memref<32x128xf32, #tpu.memory_space<vmem_shared>>) target_semaphore(%run_scoped3A : memref<!tpu.dma_semaphore, #tpu.memory_space<semaphore_mem>>)
      %dma_wait3A = arith.constant 0 : i32
      %dma_wait3A_64 = tpu.memref_slice %arg7[%add3A_23, %dma_wait3A] : memref<10240x128xf32, #tpu.memory_space<vmem_shared>> -> memref<32x128xf32, #tpu.memory_space<vmem_shared>>
      %dma_wait3A_65 = arith.constant 0 : i32
      %dma_wait3A_66 = tpu.memref_slice %arg7[%add3A_23, %dma_wait3A_65] : memref<10240x128xf32, #tpu.memory_space<vmem_shared>> -> memref<32x128xf32, #tpu.memory_space<vmem_shared>>
      tpu.wait_dma2 semaphore(%run_scoped3A : memref<!tpu.dma_semaphore, #tpu.memory_space<semaphore_mem>>) src(%arg6 : memref<32x128xf32, #tpu.memory_space<vmem>>) dst(%dma_wait3A_66 : memref<32x128xf32, #tpu.memory_space<vmem_shared>>)
      tpu.yield
    }) : () -> ()
    %add3A_24 = arith.constant 160 : i32
    %add3A_25 = arith.addi %mul3A_2, %add3A_24 : i32
    "tpu.region"() ({
      %run_scoped3A = tpu.sem_alloc : memref<!tpu.dma_semaphore, #tpu.memory_space<semaphore_mem>>
      %dma_start3A = arith.constant 0 : i32
      %dma_start3A_61 = tpu.memref_slice %arg7[%add3A_25, %dma_start3A] : memref<10240x128xf32, #tpu.memory_space<vmem_shared>> -> memref<32x128xf32, #tpu.memory_space<vmem_shared>>
      %dma_start3A_62 = arith.constant 0 : i32
      %dma_start3A_63 = tpu.memref_slice %arg7[%add3A_25, %dma_start3A_62] : memref<10240x128xf32, #tpu.memory_space<vmem_shared>> -> memref<32x128xf32, #tpu.memory_space<vmem_shared>>
      tpu.enqueue_dma source(%arg6 : memref<32x128xf32, #tpu.memory_space<vmem>>) target(%dma_start3A_63 : memref<32x128xf32, #tpu.memory_space<vmem_shared>>) target_semaphore(%run_scoped3A : memref<!tpu.dma_semaphore, #tpu.memory_space<semaphore_mem>>)
      %dma_wait3A = arith.constant 0 : i32
      %dma_wait3A_64 = tpu.memref_slice %arg7[%add3A_25, %dma_wait3A] : memref<10240x128xf32, #tpu.memory_space<vmem_shared>> -> memref<32x128xf32, #tpu.memory_space<vmem_shared>>
      %dma_wait3A_65 = arith.constant 0 : i32
      %dma_wait3A_66 = tpu.memref_slice %arg7[%add3A_25, %dma_wait3A_65] : memref<10240x128xf32, #tpu.memory_space<vmem_shared>> -> memref<32x128xf32, #tpu.memory_space<vmem_shared>>
      tpu.wait_dma2 semaphore(%run_scoped3A : memref<!tpu.dma_semaphore, #tpu.memory_space<semaphore_mem>>) src(%arg6 : memref<32x128xf32, #tpu.memory_space<vmem>>) dst(%dma_wait3A_66 : memref<32x128xf32, #tpu.memory_space<vmem_shared>>)
      tpu.yield
    }) : () -> ()
    %add3A_26 = arith.constant 192 : i32
    %add3A_27 = arith.addi %mul3A_2, %add3A_26 : i32
    "tpu.region"() ({
      %run_scoped3A = tpu.sem_alloc : memref<!tpu.dma_semaphore, #tpu.memory_space<semaphore_mem>>
      %dma_start3A = arith.constant 0 : i32
      %dma_start3A_61 = tpu.memref_slice %arg7[%add3A_27, %dma_start3A] : memref<10240x128xf32, #tpu.memory_space<vmem_shared>> -> memref<32x128xf32, #tpu.memory_space<vmem_shared>>
      %dma_start3A_62 = arith.constant 0 : i32
      %dma_start3A_63 = tpu.memref_slice %arg7[%add3A_27, %dma_start3A_62] : memref<10240x128xf32, #tpu.memory_space<vmem_shared>> -> memref<32x128xf32, #tpu.memory_space<vmem_shared>>
      tpu.enqueue_dma source(%arg6 : memref<32x128xf32, #tpu.memory_space<vmem>>) target(%dma_start3A_63 : memref<32x128xf32, #tpu.memory_space<vmem_shared>>) target_semaphore(%run_scoped3A : memref<!tpu.dma_semaphore, #tpu.memory_space<semaphore_mem>>)
      %dma_wait3A = arith.constant 0 : i32
      %dma_wait3A_64 = tpu.memref_slice %arg7[%add3A_27, %dma_wait3A] : memref<10240x128xf32, #tpu.memory_space<vmem_shared>> -> memref<32x128xf32, #tpu.memory_space<vmem_shared>>
      %dma_wait3A_65 = arith.constant 0 : i32
      %dma_wait3A_66 = tpu.memref_slice %arg7[%add3A_27, %dma_wait3A_65] : memref<10240x128xf32, #tpu.memory_space<vmem_shared>> -> memref<32x128xf32, #tpu.memory_space<vmem_shared>>
      tpu.wait_dma2 semaphore(%run_scoped3A : memref<!tpu.dma_semaphore, #tpu.memory_space<semaphore_mem>>) src(%arg6 : memref<32x128xf32, #tpu.memory_space<vmem>>) dst(%dma_wait3A_66 : memref<32x128xf32, #tpu.memory_space<vmem_shared>>)
      tpu.yield
    }) : () -> ()
    %add3A_28 = arith.constant 224 : i32
    %add3A_29 = arith.addi %mul3A_2, %add3A_28 : i32
    "tpu.region"() ({
      %run_scoped3A = tpu.sem_alloc : memref<!tpu.dma_semaphore, #tpu.memory_space<semaphore_mem>>
      %dma_start3A = arith.constant 0 : i32
      %dma_start3A_61 = tpu.memref_slice %arg7[%add3A_29, %dma_start3A] : memref<10240x128xf32, #tpu.memory_space<vmem_shared>> -> memref<32x128xf32, #tpu.memory_space<vmem_shared>>
      %dma_start3A_62 = arith.constant 0 : i32
      %dma_start3A_63 = tpu.memref_slice %arg7[%add3A_29, %dma_start3A_62] : memref<10240x128xf32, #tpu.memory_space<vmem_shared>> -> memref<32x128xf32, #tpu.memory_space<vmem_shared>>
      tpu.enqueue_dma source(%arg6 : memref<32x128xf32, #tpu.memory_space<vmem>>) target(%dma_start3A_63 : memref<32x128xf32, #tpu.memory_space<vmem_shared>>) target_semaphore(%run_scoped3A : memref<!tpu.dma_semaphore, #tpu.memory_space<semaphore_mem>>)
      %dma_wait3A = arith.constant 0 : i32
      %dma_wait3A_64 = tpu.memref_slice %arg7[%add3A_29, %dma_wait3A] : memref<10240x128xf32, #tpu.memory_space<vmem_shared>> -> memref<32x128xf32, #tpu.memory_space<vmem_shared>>
      %dma_wait3A_65 = arith.constant 0 : i32
      %dma_wait3A_66 = tpu.memref_slice %arg7[%add3A_29, %dma_wait3A_65] : memref<10240x128xf32, #tpu.memory_space<vmem_shared>> -> memref<32x128xf32, #tpu.memory_space<vmem_shared>>
      tpu.wait_dma2 semaphore(%run_scoped3A : memref<!tpu.dma_semaphore, #tpu.memory_space<semaphore_mem>>) src(%arg6 : memref<32x128xf32, #tpu.memory_space<vmem>>) dst(%dma_wait3A_66 : memref<32x128xf32, #tpu.memory_space<vmem_shared>>)
      tpu.yield
    }) : () -> ()
    %add3A_30 = arith.constant 256 : i32
    %add3A_31 = arith.addi %mul3A_2, %add3A_30 : i32
    "tpu.region"() ({
      %run_scoped3A = tpu.sem_alloc : memref<!tpu.dma_semaphore, #tpu.memory_space<semaphore_mem>>
      %dma_start3A = arith.constant 0 : i32
      %dma_start3A_61 = tpu.memref_slice %arg7[%add3A_31, %dma_start3A] : memref<10240x128xf32, #tpu.memory_space<vmem_shared>> -> memref<32x128xf32, #tpu.memory_space<vmem_shared>>
      %dma_start3A_62 = arith.constant 0 : i32
      %dma_start3A_63 = tpu.memref_slice %arg7[%add3A_31, %dma_start3A_62] : memref<10240x128xf32, #tpu.memory_space<vmem_shared>> -> memref<32x128xf32, #tpu.memory_space<vmem_shared>>
      tpu.enqueue_dma source(%arg6 : memref<32x128xf32, #tpu.memory_space<vmem>>) target(%dma_start3A_63 : memref<32x128xf32, #tpu.memory_space<vmem_shared>>) target_semaphore(%run_scoped3A : memref<!tpu.dma_semaphore, #tpu.memory_space<semaphore_mem>>)
      %dma_wait3A = arith.constant 0 : i32
      %dma_wait3A_64 = tpu.memref_slice %arg7[%add3A_31, %dma_wait3A] : memref<10240x128xf32, #tpu.memory_space<vmem_shared>> -> memref<32x128xf32, #tpu.memory_space<vmem_shared>>
      %dma_wait3A_65 = arith.constant 0 : i32
      %dma_wait3A_66 = tpu.memref_slice %arg7[%add3A_31, %dma_wait3A_65] : memref<10240x128xf32, #tpu.memory_space<vmem_shared>> -> memref<32x128xf32, #tpu.memory_space<vmem_shared>>
      tpu.wait_dma2 semaphore(%run_scoped3A : memref<!tpu.dma_semaphore, #tpu.memory_space<semaphore_mem>>) src(%arg6 : memref<32x128xf32, #tpu.memory_space<vmem>>) dst(%dma_wait3A_66 : memref<32x128xf32, #tpu.memory_space<vmem_shared>>)
      tpu.yield
    }) : () -> ()
    %add3A_32 = arith.constant 288 : i32
    %add3A_33 = arith.addi %mul3A_2, %add3A_32 : i32
    "tpu.region"() ({
      %run_scoped3A = tpu.sem_alloc : memref<!tpu.dma_semaphore, #tpu.memory_space<semaphore_mem>>
      %dma_start3A = arith.constant 0 : i32
      %dma_start3A_61 = tpu.memref_slice %arg7[%add3A_33, %dma_start3A] : memref<10240x128xf32, #tpu.memory_space<vmem_shared>> -> memref<32x128xf32, #tpu.memory_space<vmem_shared>>
      %dma_start3A_62 = arith.constant 0 : i32
      %dma_start3A_63 = tpu.memref_slice %arg7[%add3A_33, %dma_start3A_62] : memref<10240x128xf32, #tpu.memory_space<vmem_shared>> -> memref<32x128xf32, #tpu.memory_space<vmem_shared>>
      tpu.enqueue_dma source(%arg6 : memref<32x128xf32, #tpu.memory_space<vmem>>) target(%dma_start3A_63 : memref<32x128xf32, #tpu.memory_space<vmem_shared>>) target_semaphore(%run_scoped3A : memref<!tpu.dma_semaphore, #tpu.memory_space<semaphore_mem>>)
      %dma_wait3A = arith.constant 0 : i32
      %dma_wait3A_64 = tpu.memref_slice %arg7[%add3A_33, %dma_wait3A] : memref<10240x128xf32, #tpu.memory_space<vmem_shared>> -> memref<32x128xf32, #tpu.memory_space<vmem_shared>>
      %dma_wait3A_65 = arith.constant 0 : i32
      %dma_wait3A_66 = tpu.memref_slice %arg7[%add3A_33, %dma_wait3A_65] : memref<10240x128xf32, #tpu.memory_space<vmem_shared>> -> memref<32x128xf32, #tpu.memory_space<vmem_shared>>
      tpu.wait_dma2 semaphore(%run_scoped3A : memref<!tpu.dma_semaphore, #tpu.memory_space<semaphore_mem>>) src(%arg6 : memref<32x128xf32, #tpu.memory_space<vmem>>) dst(%dma_wait3A_66 : memref<32x128xf32, #tpu.memory_space<vmem_shared>>)
      tpu.yield
    }) : () -> ()
    %add3A_34 = arith.constant 320 : i32
    %add3A_35 = arith.addi %mul3A_2, %add3A_34 : i32
    "tpu.region"() ({
      %run_scoped3A = tpu.sem_alloc : memref<!tpu.dma_semaphore, #tpu.memory_space<semaphore_mem>>
      %dma_start3A = arith.constant 0 : i32
      %dma_start3A_61 = tpu.memref_slice %arg7[%add3A_35, %dma_start3A] : memref<10240x128xf32, #tpu.memory_space<vmem_shared>> -> memref<32x128xf32, #tpu.memory_space<vmem_shared>>
      %dma_start3A_62 = arith.constant 0 : i32
      %dma_start3A_63 = tpu.memref_slice %arg7[%add3A_35, %dma_start3A_62] : memref<10240x128xf32, #tpu.memory_space<vmem_shared>> -> memref<32x128xf32, #tpu.memory_space<vmem_shared>>
      tpu.enqueue_dma source(%arg6 : memref<32x128xf32, #tpu.memory_space<vmem>>) target(%dma_start3A_63 : memref<32x128xf32, #tpu.memory_space<vmem_shared>>) target_semaphore(%run_scoped3A : memref<!tpu.dma_semaphore, #tpu.memory_space<semaphore_mem>>)
      %dma_wait3A = arith.constant 0 : i32
      %dma_wait3A_64 = tpu.memref_slice %arg7[%add3A_35, %dma_wait3A] : memref<10240x128xf32, #tpu.memory_space<vmem_shared>> -> memref<32x128xf32, #tpu.memory_space<vmem_shared>>
      %dma_wait3A_65 = arith.constant 0 : i32
      %dma_wait3A_66 = tpu.memref_slice %arg7[%add3A_35, %dma_wait3A_65] : memref<10240x128xf32, #tpu.memory_space<vmem_shared>> -> memref<32x128xf32, #tpu.memory_space<vmem_shared>>
      tpu.wait_dma2 semaphore(%run_scoped3A : memref<!tpu.dma_semaphore, #tpu.memory_space<semaphore_mem>>) src(%arg6 : memref<32x128xf32, #tpu.memory_space<vmem>>) dst(%dma_wait3A_66 : memref<32x128xf32, #tpu.memory_space<vmem_shared>>)
      tpu.yield
    }) : () -> ()
    %add3A_36 = arith.constant 352 : i32
    %add3A_37 = arith.addi %mul3A_2, %add3A_36 : i32
    "tpu.region"() ({
      %run_scoped3A = tpu.sem_alloc : memref<!tpu.dma_semaphore, #tpu.memory_space<semaphore_mem>>
      %dma_start3A = arith.constant 0 : i32
      %dma_start3A_61 = tpu.memref_slice %arg7[%add3A_37, %dma_start3A] : memref<10240x128xf32, #tpu.memory_space<vmem_shared>> -> memref<32x128xf32, #tpu.memory_space<vmem_shared>>
      %dma_start3A_62 = arith.constant 0 : i32
      %dma_start3A_63 = tpu.memref_slice %arg7[%add3A_37, %dma_start3A_62] : memref<10240x128xf32, #tpu.memory_space<vmem_shared>> -> memref<32x128xf32, #tpu.memory_space<vmem_shared>>
      tpu.enqueue_dma source(%arg6 : memref<32x128xf32, #tpu.memory_space<vmem>>) target(%dma_start3A_63 : memref<32x128xf32, #tpu.memory_space<vmem_shared>>) target_semaphore(%run_scoped3A : memref<!tpu.dma_semaphore, #tpu.memory_space<semaphore_mem>>)
      %dma_wait3A = arith.constant 0 : i32
      %dma_wait3A_64 = tpu.memref_slice %arg7[%add3A_37, %dma_wait3A] : memref<10240x128xf32, #tpu.memory_space<vmem_shared>> -> memref<32x128xf32, #tpu.memory_space<vmem_shared>>
      %dma_wait3A_65 = arith.constant 0 : i32
      %dma_wait3A_66 = tpu.memref_slice %arg7[%add3A_37, %dma_wait3A_65] : memref<10240x128xf32, #tpu.memory_space<vmem_shared>> -> memref<32x128xf32, #tpu.memory_space<vmem_shared>>
      tpu.wait_dma2 semaphore(%run_scoped3A : memref<!tpu.dma_semaphore, #tpu.memory_space<semaphore_mem>>) src(%arg6 : memref<32x128xf32, #tpu.memory_space<vmem>>) dst(%dma_wait3A_66 : memref<32x128xf32, #tpu.memory_space<vmem_shared>>)
      tpu.yield
    }) : () -> ()
    %add3A_38 = arith.constant 384 : i32
    %add3A_39 = arith.addi %mul3A_2, %add3A_38 : i32
    "tpu.region"() ({
      %run_scoped3A = tpu.sem_alloc : memref<!tpu.dma_semaphore, #tpu.memory_space<semaphore_mem>>
      %dma_start3A = arith.constant 0 : i32
      %dma_start3A_61 = tpu.memref_slice %arg7[%add3A_39, %dma_start3A] : memref<10240x128xf32, #tpu.memory_space<vmem_shared>> -> memref<32x128xf32, #tpu.memory_space<vmem_shared>>
      %dma_start3A_62 = arith.constant 0 : i32
      %dma_start3A_63 = tpu.memref_slice %arg7[%add3A_39, %dma_start3A_62] : memref<10240x128xf32, #tpu.memory_space<vmem_shared>> -> memref<32x128xf32, #tpu.memory_space<vmem_shared>>
      tpu.enqueue_dma source(%arg6 : memref<32x128xf32, #tpu.memory_space<vmem>>) target(%dma_start3A_63 : memref<32x128xf32, #tpu.memory_space<vmem_shared>>) target_semaphore(%run_scoped3A : memref<!tpu.dma_semaphore, #tpu.memory_space<semaphore_mem>>)
      %dma_wait3A = arith.constant 0 : i32
      %dma_wait3A_64 = tpu.memref_slice %arg7[%add3A_39, %dma_wait3A] : memref<10240x128xf32, #tpu.memory_space<vmem_shared>> -> memref<32x128xf32, #tpu.memory_space<vmem_shared>>
      %dma_wait3A_65 = arith.constant 0 : i32
      %dma_wait3A_66 = tpu.memref_slice %arg7[%add3A_39, %dma_wait3A_65] : memref<10240x128xf32, #tpu.memory_space<vmem_shared>> -> memref<32x128xf32, #tpu.memory_space<vmem_shared>>
      tpu.wait_dma2 semaphore(%run_scoped3A : memref<!tpu.dma_semaphore, #tpu.memory_space<semaphore_mem>>) src(%arg6 : memref<32x128xf32, #tpu.memory_space<vmem>>) dst(%dma_wait3A_66 : memref<32x128xf32, #tpu.memory_space<vmem_shared>>)
      tpu.yield
    }) : () -> ()
    %add3A_40 = arith.constant 416 : i32
    %add3A_41 = arith.addi %mul3A_2, %add3A_40 : i32
    "tpu.region"() ({
      %run_scoped3A = tpu.sem_alloc : memref<!tpu.dma_semaphore, #tpu.memory_space<semaphore_mem>>
      %dma_start3A = arith.constant 0 : i32
      %dma_start3A_61 = tpu.memref_slice %arg7[%add3A_41, %dma_start3A] : memref<10240x128xf32, #tpu.memory_space<vmem_shared>> -> memref<32x128xf32, #tpu.memory_space<vmem_shared>>
      %dma_start3A_62 = arith.constant 0 : i32
      %dma_start3A_63 = tpu.memref_slice %arg7[%add3A_41, %dma_start3A_62] : memref<10240x128xf32, #tpu.memory_space<vmem_shared>> -> memref<32x128xf32, #tpu.memory_space<vmem_shared>>
      tpu.enqueue_dma source(%arg6 : memref<32x128xf32, #tpu.memory_space<vmem>>) target(%dma_start3A_63 : memref<32x128xf32, #tpu.memory_space<vmem_shared>>) target_semaphore(%run_scoped3A : memref<!tpu.dma_semaphore, #tpu.memory_space<semaphore_mem>>)
      %dma_wait3A = arith.constant 0 : i32
      %dma_wait3A_64 = tpu.memref_slice %arg7[%add3A_41, %dma_wait3A] : memref<10240x128xf32, #tpu.memory_space<vmem_shared>> -> memref<32x128xf32, #tpu.memory_space<vmem_shared>>
      %dma_wait3A_65 = arith.constant 0 : i32
      %dma_wait3A_66 = tpu.memref_slice %arg7[%add3A_41, %dma_wait3A_65] : memref<10240x128xf32, #tpu.memory_space<vmem_shared>> -> memref<32x128xf32, #tpu.memory_space<vmem_shared>>
      tpu.wait_dma2 semaphore(%run_scoped3A : memref<!tpu.dma_semaphore, #tpu.memory_space<semaphore_mem>>) src(%arg6 : memref<32x128xf32, #tpu.memory_space<vmem>>) dst(%dma_wait3A_66 : memref<32x128xf32, #tpu.memory_space<vmem_shared>>)
      tpu.yield
    }) : () -> ()
    %add3A_42 = arith.constant 448 : i32
    %add3A_43 = arith.addi %mul3A_2, %add3A_42 : i32
    "tpu.region"() ({
      %run_scoped3A = tpu.sem_alloc : memref<!tpu.dma_semaphore, #tpu.memory_space<semaphore_mem>>
      %dma_start3A = arith.constant 0 : i32
      %dma_start3A_61 = tpu.memref_slice %arg7[%add3A_43, %dma_start3A] : memref<10240x128xf32, #tpu.memory_space<vmem_shared>> -> memref<32x128xf32, #tpu.memory_space<vmem_shared>>
      %dma_start3A_62 = arith.constant 0 : i32
      %dma_start3A_63 = tpu.memref_slice %arg7[%add3A_43, %dma_start3A_62] : memref<10240x128xf32, #tpu.memory_space<vmem_shared>> -> memref<32x128xf32, #tpu.memory_space<vmem_shared>>
      tpu.enqueue_dma source(%arg6 : memref<32x128xf32, #tpu.memory_space<vmem>>) target(%dma_start3A_63 : memref<32x128xf32, #tpu.memory_space<vmem_shared>>) target_semaphore(%run_scoped3A : memref<!tpu.dma_semaphore, #tpu.memory_space<semaphore_mem>>)
      %dma_wait3A = arith.constant 0 : i32
      %dma_wait3A_64 = tpu.memref_slice %arg7[%add3A_43, %dma_wait3A] : memref<10240x128xf32, #tpu.memory_space<vmem_shared>> -> memref<32x128xf32, #tpu.memory_space<vmem_shared>>
      %dma_wait3A_65 = arith.constant 0 : i32
      %dma_wait3A_66 = tpu.memref_slice %arg7[%add3A_43, %dma_wait3A_65] : memref<10240x128xf32, #tpu.memory_space<vmem_shared>> -> memref<32x128xf32, #tpu.memory_space<vmem_shared>>
      tpu.wait_dma2 semaphore(%run_scoped3A : memref<!tpu.dma_semaphore, #tpu.memory_space<semaphore_mem>>) src(%arg6 : memref<32x128xf32, #tpu.memory_space<vmem>>) dst(%dma_wait3A_66 : memref<32x128xf32, #tpu.memory_space<vmem_shared>>)
      tpu.yield
    }) : () -> ()
    %add3A_44 = arith.constant 480 : i32
    %add3A_45 = arith.addi %mul3A_2, %add3A_44 : i32
    "tpu.region"() ({
      %run_scoped3A = tpu.sem_alloc : memref<!tpu.dma_semaphore, #tpu.memory_space<semaphore_mem>>
      %dma_start3A = arith.constant 0 : i32
      %dma_start3A_61 = tpu.memref_slice %arg7[%add3A_45, %dma_start3A] : memref<10240x128xf32, #tpu.memory_space<vmem_shared>> -> memref<32x128xf32, #tpu.memory_space<vmem_shared>>
      %dma_start3A_62 = arith.constant 0 : i32
      %dma_start3A_63 = tpu.memref_slice %arg7[%add3A_45, %dma_start3A_62] : memref<10240x128xf32, #tpu.memory_space<vmem_shared>> -> memref<32x128xf32, #tpu.memory_space<vmem_shared>>
      tpu.enqueue_dma source(%arg6 : memref<32x128xf32, #tpu.memory_space<vmem>>) target(%dma_start3A_63 : memref<32x128xf32, #tpu.memory_space<vmem_shared>>) target_semaphore(%run_scoped3A : memref<!tpu.dma_semaphore, #tpu.memory_space<semaphore_mem>>)
      %dma_wait3A = arith.constant 0 : i32
      %dma_wait3A_64 = tpu.memref_slice %arg7[%add3A_45, %dma_wait3A] : memref<10240x128xf32, #tpu.memory_space<vmem_shared>> -> memref<32x128xf32, #tpu.memory_space<vmem_shared>>
      %dma_wait3A_65 = arith.constant 0 : i32
      %dma_wait3A_66 = tpu.memref_slice %arg7[%add3A_45, %dma_wait3A_65] : memref<10240x128xf32, #tpu.memory_space<vmem_shared>> -> memref<32x128xf32, #tpu.memory_space<vmem_shared>>
      tpu.wait_dma2 semaphore(%run_scoped3A : memref<!tpu.dma_semaphore, #tpu.memory_space<semaphore_mem>>) src(%arg6 : memref<32x128xf32, #tpu.memory_space<vmem>>) dst(%dma_wait3A_66 : memref<32x128xf32, #tpu.memory_space<vmem_shared>>)
      tpu.yield
    }) : () -> ()
    %add3A_46 = arith.constant 512 : i32
    %add3A_47 = arith.addi %mul3A_2, %add3A_46 : i32
    "tpu.region"() ({
      %run_scoped3A = tpu.sem_alloc : memref<!tpu.dma_semaphore, #tpu.memory_space<semaphore_mem>>
      %dma_start3A = arith.constant 0 : i32
      %dma_start3A_61 = tpu.memref_slice %arg7[%add3A_47, %dma_start3A] : memref<10240x128xf32, #tpu.memory_space<vmem_shared>> -> memref<32x128xf32, #tpu.memory_space<vmem_shared>>
      %dma_start3A_62 = arith.constant 0 : i32
      %dma_start3A_63 = tpu.memref_slice %arg7[%add3A_47, %dma_start3A_62] : memref<10240x128xf32, #tpu.memory_space<vmem_shared>> -> memref<32x128xf32, #tpu.memory_space<vmem_shared>>
      tpu.enqueue_dma source(%arg6 : memref<32x128xf32, #tpu.memory_space<vmem>>) target(%dma_start3A_63 : memref<32x128xf32, #tpu.memory_space<vmem_shared>>) target_semaphore(%run_scoped3A : memref<!tpu.dma_semaphore, #tpu.memory_space<semaphore_mem>>)
      %dma_wait3A = arith.constant 0 : i32
      %dma_wait3A_64 = tpu.memref_slice %arg7[%add3A_47, %dma_wait3A] : memref<10240x128xf32, #tpu.memory_space<vmem_shared>> -> memref<32x128xf32, #tpu.memory_space<vmem_shared>>
      %dma_wait3A_65 = arith.constant 0 : i32
      %dma_wait3A_66 = tpu.memref_slice %arg7[%add3A_47, %dma_wait3A_65] : memref<10240x128xf32, #tpu.memory_space<vmem_shared>> -> memref<32x128xf32, #tpu.memory_space<vmem_shared>>
      tpu.wait_dma2 semaphore(%run_scoped3A : memref<!tpu.dma_semaphore, #tpu.memory_space<semaphore_mem>>) src(%arg6 : memref<32x128xf32, #tpu.memory_space<vmem>>) dst(%dma_wait3A_66 : memref<32x128xf32, #tpu.memory_space<vmem_shared>>)
      tpu.yield
    }) : () -> ()
    %add3A_48 = arith.constant 544 : i32
    %add3A_49 = arith.addi %mul3A_2, %add3A_48 : i32
    "tpu.region"() ({
      %run_scoped3A = tpu.sem_alloc : memref<!tpu.dma_semaphore, #tpu.memory_space<semaphore_mem>>
      %dma_start3A = arith.constant 0 : i32
      %dma_start3A_61 = tpu.memref_slice %arg7[%add3A_49, %dma_start3A] : memref<10240x128xf32, #tpu.memory_space<vmem_shared>> -> memref<32x128xf32, #tpu.memory_space<vmem_shared>>
      %dma_start3A_62 = arith.constant 0 : i32
      %dma_start3A_63 = tpu.memref_slice %arg7[%add3A_49, %dma_start3A_62] : memref<10240x128xf32, #tpu.memory_space<vmem_shared>> -> memref<32x128xf32, #tpu.memory_space<vmem_shared>>
      tpu.enqueue_dma source(%arg6 : memref<32x128xf32, #tpu.memory_space<vmem>>) target(%dma_start3A_63 : memref<32x128xf32, #tpu.memory_space<vmem_shared>>) target_semaphore(%run_scoped3A : memref<!tpu.dma_semaphore, #tpu.memory_space<semaphore_mem>>)
      %dma_wait3A = arith.constant 0 : i32
      %dma_wait3A_64 = tpu.memref_slice %arg7[%add3A_49, %dma_wait3A] : memref<10240x128xf32, #tpu.memory_space<vmem_shared>> -> memref<32x128xf32, #tpu.memory_space<vmem_shared>>
      %dma_wait3A_65 = arith.constant 0 : i32
      %dma_wait3A_66 = tpu.memref_slice %arg7[%add3A_49, %dma_wait3A_65] : memref<10240x128xf32, #tpu.memory_space<vmem_shared>> -> memref<32x128xf32, #tpu.memory_space<vmem_shared>>
      tpu.wait_dma2 semaphore(%run_scoped3A : memref<!tpu.dma_semaphore, #tpu.memory_space<semaphore_mem>>) src(%arg6 : memref<32x128xf32, #tpu.memory_space<vmem>>) dst(%dma_wait3A_66 : memref<32x128xf32, #tpu.memory_space<vmem_shared>>)
      tpu.yield
    }) : () -> ()
    %add3A_50 = arith.constant 576 : i32
    %add3A_51 = arith.addi %mul3A_2, %add3A_50 : i32
    "tpu.region"() ({
      %run_scoped3A = tpu.sem_alloc : memref<!tpu.dma_semaphore, #tpu.memory_space<semaphore_mem>>
      %dma_start3A = arith.constant 0 : i32
      %dma_start3A_61 = tpu.memref_slice %arg7[%add3A_51, %dma_start3A] : memref<10240x128xf32, #tpu.memory_space<vmem_shared>> -> memref<32x128xf32, #tpu.memory_space<vmem_shared>>
      %dma_start3A_62 = arith.constant 0 : i32
      %dma_start3A_63 = tpu.memref_slice %arg7[%add3A_51, %dma_start3A_62] : memref<10240x128xf32, #tpu.memory_space<vmem_shared>> -> memref<32x128xf32, #tpu.memory_space<vmem_shared>>
      tpu.enqueue_dma source(%arg6 : memref<32x128xf32, #tpu.memory_space<vmem>>) target(%dma_start3A_63 : memref<32x128xf32, #tpu.memory_space<vmem_shared>>) target_semaphore(%run_scoped3A : memref<!tpu.dma_semaphore, #tpu.memory_space<semaphore_mem>>)
      %dma_wait3A = arith.constant 0 : i32
      %dma_wait3A_64 = tpu.memref_slice %arg7[%add3A_51, %dma_wait3A] : memref<10240x128xf32, #tpu.memory_space<vmem_shared>> -> memref<32x128xf32, #tpu.memory_space<vmem_shared>>
      %dma_wait3A_65 = arith.constant 0 : i32
      %dma_wait3A_66 = tpu.memref_slice %arg7[%add3A_51, %dma_wait3A_65] : memref<10240x128xf32, #tpu.memory_space<vmem_shared>> -> memref<32x128xf32, #tpu.memory_space<vmem_shared>>
      tpu.wait_dma2 semaphore(%run_scoped3A : memref<!tpu.dma_semaphore, #tpu.memory_space<semaphore_mem>>) src(%arg6 : memref<32x128xf32, #tpu.memory_space<vmem>>) dst(%dma_wait3A_66 : memref<32x128xf32, #tpu.memory_space<vmem_shared>>)
      tpu.yield
    }) : () -> ()
    %add3A_52 = arith.constant 608 : i32
    %add3A_53 = arith.addi %mul3A_2, %add3A_52 : i32
    "tpu.region"() ({
      %run_scoped3A = tpu.sem_alloc : memref<!tpu.dma_semaphore, #tpu.memory_space<semaphore_mem>>
      %dma_start3A = arith.constant 0 : i32
      %dma_start3A_61 = tpu.memref_slice %arg7[%add3A_53, %dma_start3A] : memref<10240x128xf32, #tpu.memory_space<vmem_shared>> -> memref<32x128xf32, #tpu.memory_space<vmem_shared>>
      %dma_start3A_62 = arith.constant 0 : i32
      %dma_start3A_63 = tpu.memref_slice %arg7[%add3A_53, %dma_start3A_62] : memref<10240x128xf32, #tpu.memory_space<vmem_shared>> -> memref<32x128xf32, #tpu.memory_space<vmem_shared>>
      tpu.enqueue_dma source(%arg6 : memref<32x128xf32, #tpu.memory_space<vmem>>) target(%dma_start3A_63 : memref<32x128xf32, #tpu.memory_space<vmem_shared>>) target_semaphore(%run_scoped3A : memref<!tpu.dma_semaphore, #tpu.memory_space<semaphore_mem>>)
      %dma_wait3A = arith.constant 0 : i32
      %dma_wait3A_64 = tpu.memref_slice %arg7[%add3A_53, %dma_wait3A] : memref<10240x128xf32, #tpu.memory_space<vmem_shared>> -> memref<32x128xf32, #tpu.memory_space<vmem_shared>>
      %dma_wait3A_65 = arith.constant 0 : i32
      %dma_wait3A_66 = tpu.memref_slice %arg7[%add3A_53, %dma_wait3A_65] : memref<10240x128xf32, #tpu.memory_space<vmem_shared>> -> memref<32x128xf32, #tpu.memory_space<vmem_shared>>
      tpu.wait_dma2 semaphore(%run_scoped3A : memref<!tpu.dma_semaphore, #tpu.memory_space<semaphore_mem>>) src(%arg6 : memref<32x128xf32, #tpu.memory_space<vmem>>) dst(%dma_wait3A_66 : memref<32x128xf32, #tpu.memory_space<vmem_shared>>)
      tpu.yield
    }) : () -> ()
    %barrier3A = arith.constant 0 : index
    tpu.barrier barrier_id(%barrier3A)
    "tpu.region"() ({
      %run_scoped3A = tpu.sem_alloc : memref<!tpu.dma_semaphore, #tpu.memory_space<semaphore_mem>>
      %dma_start3A = arith.constant 0 : i32
      %dma_start3A_61 = arith.constant 0 : i32
      %dma_start3A_62 = tpu.memref_slice %arg2[%add3A, %dma_start3A, %dma_start3A_61] : memref<32x80x128xi32, #tpu.memory_space<hbm>> -> memref<1x80x128xi32, #tpu.memory_space<hbm>>
      %dma_start3A_63 = tpu.memref_squeeze %dma_start3A_62 : memref<1x80x128xi32, #tpu.memory_space<hbm>> -> memref<80x128xi32, #tpu.memory_space<hbm>>
      %dma_start3A_64 = arith.constant 0 : i32
      %dma_start3A_65 = arith.constant 0 : i32
      %dma_start3A_66 = tpu.memref_slice %arg2[%add3A, %dma_start3A_64, %dma_start3A_65] : memref<32x80x128xi32, #tpu.memory_space<hbm>> -> memref<1x80x128xi32, #tpu.memory_space<hbm>>
      %dma_start3A_67 = tpu.memref_squeeze %dma_start3A_66 : memref<1x80x128xi32, #tpu.memory_space<hbm>> -> memref<80x128xi32, #tpu.memory_space<hbm>>
      tpu.enqueue_dma source(%dma_start3A_67 : memref<80x128xi32, #tpu.memory_space<hbm>>) target(%arg4 : memref<80x128xi32, #tpu.memory_space<vmem>>) target_semaphore(%run_scoped3A : memref<!tpu.dma_semaphore, #tpu.memory_space<semaphore_mem>>)
      %dma_wait3A = arith.constant 0 : i32
      %dma_wait3A_68 = arith.constant 0 : i32
      %dma_wait3A_69 = tpu.memref_slice %arg2[%add3A, %dma_wait3A, %dma_wait3A_68] : memref<32x80x128xi32, #tpu.memory_space<hbm>> -> memref<1x80x128xi32, #tpu.memory_space<hbm>>
      %dma_wait3A_70 = tpu.memref_squeeze %dma_wait3A_69 : memref<1x80x128xi32, #tpu.memory_space<hbm>> -> memref<80x128xi32, #tpu.memory_space<hbm>>
      %dma_wait3A_71 = arith.constant 0 : i32
      %dma_wait3A_72 = arith.constant 0 : i32
      %dma_wait3A_73 = tpu.memref_slice %arg2[%add3A, %dma_wait3A_71, %dma_wait3A_72] : memref<32x80x128xi32, #tpu.memory_space<hbm>> -> memref<1x80x128xi32, #tpu.memory_space<hbm>>
      %dma_wait3A_74 = tpu.memref_squeeze %dma_wait3A_73 : memref<1x80x128xi32, #tpu.memory_space<hbm>> -> memref<80x128xi32, #tpu.memory_space<hbm>>
      tpu.wait_dma2 semaphore(%run_scoped3A : memref<!tpu.dma_semaphore, #tpu.memory_space<semaphore_mem>>) src(%dma_wait3A_74 : memref<80x128xi32, #tpu.memory_space<hbm>>) dst(%arg4 : memref<80x128xi32, #tpu.memory_space<vmem>>)
      tpu.yield
    }) : () -> ()
    %scan3A_54 = arith.constant 0 : i32
    %scan3A_55 = arith.constant 0 : i32
    %scan3A_56 = arith.constant 5 : i32
    %scan3A_57 = arith.addi %scan3A_55, %scan3A_56 : i32
    %scan3A_58 = arith.constant 1 : i32
    scf.for %scan3A_61 = %scan3A_55 to %scan3A_57 step %scan3A_58  : i32 {
      %mul3A_62 = arith.constant 16 : i32
      %mul3A_63 = arith.muli %scan3A_61, %mul3A_62 : i32
      %add3A_64 = arith.constant 0 : i32
      %add3A_65 = arith.addi %mul3A_63, %add3A_64 : i32
      %dma_start3A = arith.constant 0 : i32
      %dma_start3A_66 = tpu.memref_slice %arg4[%add3A_65, %dma_start3A] : memref<80x128xi32, #tpu.memory_space<vmem>> -> memref<1x128xi32, #tpu.memory_space<vmem>>
      %dma_start3A_67 = tpu.memref_squeeze %dma_start3A_66 : memref<1x128xi32, #tpu.memory_space<vmem>> -> memref<128xi32, #tpu.memory_space<vmem>>
      %dma_start3A_68 = arith.constant 0 : i32
      %dma_start3A_69 = arith.constant 0 : i32
      %dma_start3A_70 = tpu.memref_slice %arg7[%dma_start3A_68, %dma_start3A_69] : memref<10240x128xf32, #tpu.memory_space<vmem_shared>> -> memref<10240x128xf32, #tpu.memory_space<vmem_shared>>
      tpu.enqueue_indirect_dma source(%arg5 : memref<128x128xf32, #tpu.memory_space<vmem>>) target(%dma_start3A_70 : memref<10240x128xf32, #tpu.memory_space<vmem_shared>>) offsets(%dma_start3A_67 : memref<128xi32, #tpu.memory_space<vmem>>) semaphore(%arg8 : memref<!tpu.dma_semaphore, #tpu.memory_space<semaphore_mem>>) {add = true}
      %mul3A_71 = arith.constant 16 : i32
      %mul3A_72 = arith.muli %scan3A_61, %mul3A_71 : i32
      %add3A_73 = arith.constant 1 : i32
      %add3A_74 = arith.addi %mul3A_72, %add3A_73 : i32
      %dma_start3A_75 = arith.constant 0 : i32
      %dma_start3A_76 = tpu.memref_slice %arg4[%add3A_74, %dma_start3A_75] : memref<80x128xi32, #tpu.memory_space<vmem>> -> memref<1x128xi32, #tpu.memory_space<vmem>>
      %dma_start3A_77 = tpu.memref_squeeze %dma_start3A_76 : memref<1x128xi32, #tpu.memory_space<vmem>> -> memref<128xi32, #tpu.memory_space<vmem>>
      %dma_start3A_78 = arith.constant 0 : i32
      %dma_start3A_79 = arith.constant 0 : i32
      %dma_start3A_80 = tpu.memref_slice %arg7[%dma_start3A_78, %dma_start3A_79] : memref<10240x128xf32, #tpu.memory_space<vmem_shared>> -> memref<10240x128xf32, #tpu.memory_space<vmem_shared>>
      tpu.enqueue_indirect_dma source(%arg5 : memref<128x128xf32, #tpu.memory_space<vmem>>) target(%dma_start3A_80 : memref<10240x128xf32, #tpu.memory_space<vmem_shared>>) offsets(%dma_start3A_77 : memref<128xi32, #tpu.memory_space<vmem>>) semaphore(%arg8 : memref<!tpu.dma_semaphore, #tpu.memory_space<semaphore_mem>>) {add = true}
      %mul3A_81 = arith.constant 16 : i32
      %mul3A_82 = arith.muli %scan3A_61, %mul3A_81 : i32
      %add3A_83 = arith.constant 2 : i32
      %add3A_84 = arith.addi %mul3A_82, %add3A_83 : i32
      %dma_start3A_85 = arith.constant 0 : i32
      %dma_start3A_86 = tpu.memref_slice %arg4[%add3A_84, %dma_start3A_85] : memref<80x128xi32, #tpu.memory_space<vmem>> -> memref<1x128xi32, #tpu.memory_space<vmem>>
      %dma_start3A_87 = tpu.memref_squeeze %dma_start3A_86 : memref<1x128xi32, #tpu.memory_space<vmem>> -> memref<128xi32, #tpu.memory_space<vmem>>
      %dma_start3A_88 = arith.constant 0 : i32
      %dma_start3A_89 = arith.constant 0 : i32
      %dma_start3A_90 = tpu.memref_slice %arg7[%dma_start3A_88, %dma_start3A_89] : memref<10240x128xf32, #tpu.memory_space<vmem_shared>> -> memref<10240x128xf32, #tpu.memory_space<vmem_shared>>
      tpu.enqueue_indirect_dma source(%arg5 : memref<128x128xf32, #tpu.memory_space<vmem>>) target(%dma_start3A_90 : memref<10240x128xf32, #tpu.memory_space<vmem_shared>>) offsets(%dma_start3A_87 : memref<128xi32, #tpu.memory_space<vmem>>) semaphore(%arg8 : memref<!tpu.dma_semaphore, #tpu.memory_space<semaphore_mem>>) {add = true}
      %mul3A_91 = arith.constant 16 : i32
      %mul3A_92 = arith.muli %scan3A_61, %mul3A_91 : i32
      %add3A_93 = arith.constant 3 : i32
      %add3A_94 = arith.addi %mul3A_92, %add3A_93 : i32
      %dma_start3A_95 = arith.constant 0 : i32
      %dma_start3A_96 = tpu.memref_slice %arg4[%add3A_94, %dma_start3A_95] : memref<80x128xi32, #tpu.memory_space<vmem>> -> memref<1x128xi32, #tpu.memory_space<vmem>>
      %dma_start3A_97 = tpu.memref_squeeze %dma_start3A_96 : memref<1x128xi32, #tpu.memory_space<vmem>> -> memref<128xi32, #tpu.memory_space<vmem>>
      %dma_start3A_98 = arith.constant 0 : i32
      %dma_start3A_99 = arith.constant 0 : i32
      %dma_start3A_100 = tpu.memref_slice %arg7[%dma_start3A_98, %dma_start3A_99] : memref<10240x128xf32, #tpu.memory_space<vmem_shared>> -> memref<10240x128xf32, #tpu.memory_space<vmem_shared>>
      tpu.enqueue_indirect_dma source(%arg5 : memref<128x128xf32, #tpu.memory_space<vmem>>) target(%dma_start3A_100 : memref<10240x128xf32, #tpu.memory_space<vmem_shared>>) offsets(%dma_start3A_97 : memref<128xi32, #tpu.memory_space<vmem>>) semaphore(%arg8 : memref<!tpu.dma_semaphore, #tpu.memory_space<semaphore_mem>>) {add = true}
      %mul3A_101 = arith.constant 16 : i32
      %mul3A_102 = arith.muli %scan3A_61, %mul3A_101 : i32
      %add3A_103 = arith.constant 4 : i32
      %add3A_104 = arith.addi %mul3A_102, %add3A_103 : i32
      %dma_start3A_105 = arith.constant 0 : i32
      %dma_start3A_106 = tpu.memref_slice %arg4[%add3A_104, %dma_start3A_105] : memref<80x128xi32, #tpu.memory_space<vmem>> -> memref<1x128xi32, #tpu.memory_space<vmem>>
      %dma_start3A_107 = tpu.memref_squeeze %dma_start3A_106 : memref<1x128xi32, #tpu.memory_space<vmem>> -> memref<128xi32, #tpu.memory_space<vmem>>
      %dma_start3A_108 = arith.constant 0 : i32
      %dma_start3A_109 = arith.constant 0 : i32
      %dma_start3A_110 = tpu.memref_slice %arg7[%dma_start3A_108, %dma_start3A_109] : memref<10240x128xf32, #tpu.memory_space<vmem_shared>> -> memref<10240x128xf32, #tpu.memory_space<vmem_shared>>
      tpu.enqueue_indirect_dma source(%arg5 : memref<128x128xf32, #tpu.memory_space<vmem>>) target(%dma_start3A_110 : memref<10240x128xf32, #tpu.memory_space<vmem_shared>>) offsets(%dma_start3A_107 : memref<128xi32, #tpu.memory_space<vmem>>) semaphore(%arg8 : memref<!tpu.dma_semaphore, #tpu.memory_space<semaphore_mem>>) {add = true}
      %mul3A_111 = arith.constant 16 : i32
      %mul3A_112 = arith.muli %scan3A_61, %mul3A_111 : i32
      %add3A_113 = arith.constant 5 : i32
      %add3A_114 = arith.addi %mul3A_112, %add3A_113 : i32
      %dma_start3A_115 = arith.constant 0 : i32
      %dma_start3A_116 = tpu.memref_slice %arg4[%add3A_114, %dma_start3A_115] : memref<80x128xi32, #tpu.memory_space<vmem>> -> memref<1x128xi32, #tpu.memory_space<vmem>>
      %dma_start3A_117 = tpu.memref_squeeze %dma_start3A_116 : memref<1x128xi32, #tpu.memory_space<vmem>> -> memref<128xi32, #tpu.memory_space<vmem>>
      %dma_start3A_118 = arith.constant 0 : i32
      %dma_start3A_119 = arith.constant 0 : i32
      %dma_start3A_120 = tpu.memref_slice %arg7[%dma_start3A_118, %dma_start3A_119] : memref<10240x128xf32, #tpu.memory_space<vmem_shared>> -> memref<10240x128xf32, #tpu.memory_space<vmem_shared>>
      tpu.enqueue_indirect_dma source(%arg5 : memref<128x128xf32, #tpu.memory_space<vmem>>) target(%dma_start3A_120 : memref<10240x128xf32, #tpu.memory_space<vmem_shared>>) offsets(%dma_start3A_117 : memref<128xi32, #tpu.memory_space<vmem>>) semaphore(%arg8 : memref<!tpu.dma_semaphore, #tpu.memory_space<semaphore_mem>>) {add = true}
      %mul3A_121 = arith.constant 16 : i32
      %mul3A_122 = arith.muli %scan3A_61, %mul3A_121 : i32
      %add3A_123 = arith.constant 6 : i32
      %add3A_124 = arith.addi %mul3A_122, %add3A_123 : i32
      %dma_start3A_125 = arith.constant 0 : i32
      %dma_start3A_126 = tpu.memref_slice %arg4[%add3A_124, %dma_start3A_125] : memref<80x128xi32, #tpu.memory_space<vmem>> -> memref<1x128xi32, #tpu.memory_space<vmem>>
      %dma_start3A_127 = tpu.memref_squeeze %dma_start3A_126 : memref<1x128xi32, #tpu.memory_space<vmem>> -> memref<128xi32, #tpu.memory_space<vmem>>
      %dma_start3A_128 = arith.constant 0 : i32
      %dma_start3A_129 = arith.constant 0 : i32
      %dma_start3A_130 = tpu.memref_slice %arg7[%dma_start3A_128, %dma_start3A_129] : memref<10240x128xf32, #tpu.memory_space<vmem_shared>> -> memref<10240x128xf32, #tpu.memory_space<vmem_shared>>
      tpu.enqueue_indirect_dma source(%arg5 : memref<128x128xf32, #tpu.memory_space<vmem>>) target(%dma_start3A_130 : memref<10240x128xf32, #tpu.memory_space<vmem_shared>>) offsets(%dma_start3A_127 : memref<128xi32, #tpu.memory_space<vmem>>) semaphore(%arg8 : memref<!tpu.dma_semaphore, #tpu.memory_space<semaphore_mem>>) {add = true}
      %mul3A_131 = arith.constant 16 : i32
      %mul3A_132 = arith.muli %scan3A_61, %mul3A_131 : i32
      %add3A_133 = arith.constant 7 : i32
      %add3A_134 = arith.addi %mul3A_132, %add3A_133 : i32
      %dma_start3A_135 = arith.constant 0 : i32
      %dma_start3A_136 = tpu.memref_slice %arg4[%add3A_134, %dma_start3A_135] : memref<80x128xi32, #tpu.memory_space<vmem>> -> memref<1x128xi32, #tpu.memory_space<vmem>>
      %dma_start3A_137 = tpu.memref_squeeze %dma_start3A_136 : memref<1x128xi32, #tpu.memory_space<vmem>> -> memref<128xi32, #tpu.memory_space<vmem>>
      %dma_start3A_138 = arith.constant 0 : i32
      %dma_start3A_139 = arith.constant 0 : i32
      %dma_start3A_140 = tpu.memref_slice %arg7[%dma_start3A_138, %dma_start3A_139] : memref<10240x128xf32, #tpu.memory_space<vmem_shared>> -> memref<10240x128xf32, #tpu.memory_space<vmem_shared>>
      tpu.enqueue_indirect_dma source(%arg5 : memref<128x128xf32, #tpu.memory_space<vmem>>) target(%dma_start3A_140 : memref<10240x128xf32, #tpu.memory_space<vmem_shared>>) offsets(%dma_start3A_137 : memref<128xi32, #tpu.memory_space<vmem>>) semaphore(%arg8 : memref<!tpu.dma_semaphore, #tpu.memory_space<semaphore_mem>>) {add = true}
      %mul3A_141 = arith.constant 16 : i32
      %mul3A_142 = arith.muli %scan3A_61, %mul3A_141 : i32
      %add3A_143 = arith.constant 8 : i32
      %add3A_144 = arith.addi %mul3A_142, %add3A_143 : i32
      %dma_start3A_145 = arith.constant 0 : i32
      %dma_start3A_146 = tpu.memref_slice %arg4[%add3A_144, %dma_start3A_145] : memref<80x128xi32, #tpu.memory_space<vmem>> -> memref<1x128xi32, #tpu.memory_space<vmem>>
      %dma_start3A_147 = tpu.memref_squeeze %dma_start3A_146 : memref<1x128xi32, #tpu.memory_space<vmem>> -> memref<128xi32, #tpu.memory_space<vmem>>
      %dma_start3A_148 = arith.constant 0 : i32
      %dma_start3A_149 = arith.constant 0 : i32
      %dma_start3A_150 = tpu.memref_slice %arg7[%dma_start3A_148, %dma_start3A_149] : memref<10240x128xf32, #tpu.memory_space<vmem_shared>> -> memref<10240x128xf32, #tpu.memory_space<vmem_shared>>
      tpu.enqueue_indirect_dma source(%arg5 : memref<128x128xf32, #tpu.memory_space<vmem>>) target(%dma_start3A_150 : memref<10240x128xf32, #tpu.memory_space<vmem_shared>>) offsets(%dma_start3A_147 : memref<128xi32, #tpu.memory_space<vmem>>) semaphore(%arg8 : memref<!tpu.dma_semaphore, #tpu.memory_space<semaphore_mem>>) {add = true}
      %mul3A_151 = arith.constant 16 : i32
      %mul3A_152 = arith.muli %scan3A_61, %mul3A_151 : i32
      %add3A_153 = arith.constant 9 : i32
      %add3A_154 = arith.addi %mul3A_152, %add3A_153 : i32
      %dma_start3A_155 = arith.constant 0 : i32
      %dma_start3A_156 = tpu.memref_slice %arg4[%add3A_154, %dma_start3A_155] : memref<80x128xi32, #tpu.memory_space<vmem>> -> memref<1x128xi32, #tpu.memory_space<vmem>>
      %dma_start3A_157 = tpu.memref_squeeze %dma_start3A_156 : memref<1x128xi32, #tpu.memory_space<vmem>> -> memref<128xi32, #tpu.memory_space<vmem>>
      %dma_start3A_158 = arith.constant 0 : i32
      %dma_start3A_159 = arith.constant 0 : i32
      %dma_start3A_160 = tpu.memref_slice %arg7[%dma_start3A_158, %dma_start3A_159] : memref<10240x128xf32, #tpu.memory_space<vmem_shared>> -> memref<10240x128xf32, #tpu.memory_space<vmem_shared>>
      tpu.enqueue_indirect_dma source(%arg5 : memref<128x128xf32, #tpu.memory_space<vmem>>) target(%dma_start3A_160 : memref<10240x128xf32, #tpu.memory_space<vmem_shared>>) offsets(%dma_start3A_157 : memref<128xi32, #tpu.memory_space<vmem>>) semaphore(%arg8 : memref<!tpu.dma_semaphore, #tpu.memory_space<semaphore_mem>>) {add = true}
      %mul3A_161 = arith.constant 16 : i32
      %mul3A_162 = arith.muli %scan3A_61, %mul3A_161 : i32
      %add3A_163 = arith.constant 10 : i32
      %add3A_164 = arith.addi %mul3A_162, %add3A_163 : i32
      %dma_start3A_165 = arith.constant 0 : i32
      %dma_start3A_166 = tpu.memref_slice %arg4[%add3A_164, %dma_start3A_165] : memref<80x128xi32, #tpu.memory_space<vmem>> -> memref<1x128xi32, #tpu.memory_space<vmem>>
      %dma_start3A_167 = tpu.memref_squeeze %dma_start3A_166 : memref<1x128xi32, #tpu.memory_space<vmem>> -> memref<128xi32, #tpu.memory_space<vmem>>
      %dma_start3A_168 = arith.constant 0 : i32
      %dma_start3A_169 = arith.constant 0 : i32
      %dma_start3A_170 = tpu.memref_slice %arg7[%dma_start3A_168, %dma_start3A_169] : memref<10240x128xf32, #tpu.memory_space<vmem_shared>> -> memref<10240x128xf32, #tpu.memory_space<vmem_shared>>
      tpu.enqueue_indirect_dma source(%arg5 : memref<128x128xf32, #tpu.memory_space<vmem>>) target(%dma_start3A_170 : memref<10240x128xf32, #tpu.memory_space<vmem_shared>>) offsets(%dma_start3A_167 : memref<128xi32, #tpu.memory_space<vmem>>) semaphore(%arg8 : memref<!tpu.dma_semaphore, #tpu.memory_space<semaphore_mem>>) {add = true}
      %mul3A_171 = arith.constant 16 : i32
      %mul3A_172 = arith.muli %scan3A_61, %mul3A_171 : i32
      %add3A_173 = arith.constant 11 : i32
      %add3A_174 = arith.addi %mul3A_172, %add3A_173 : i32
      %dma_start3A_175 = arith.constant 0 : i32
      %dma_start3A_176 = tpu.memref_slice %arg4[%add3A_174, %dma_start3A_175] : memref<80x128xi32, #tpu.memory_space<vmem>> -> memref<1x128xi32, #tpu.memory_space<vmem>>
      %dma_start3A_177 = tpu.memref_squeeze %dma_start3A_176 : memref<1x128xi32, #tpu.memory_space<vmem>> -> memref<128xi32, #tpu.memory_space<vmem>>
      %dma_start3A_178 = arith.constant 0 : i32
      %dma_start3A_179 = arith.constant 0 : i32
      %dma_start3A_180 = tpu.memref_slice %arg7[%dma_start3A_178, %dma_start3A_179] : memref<10240x128xf32, #tpu.memory_space<vmem_shared>> -> memref<10240x128xf32, #tpu.memory_space<vmem_shared>>
      tpu.enqueue_indirect_dma source(%arg5 : memref<128x128xf32, #tpu.memory_space<vmem>>) target(%dma_start3A_180 : memref<10240x128xf32, #tpu.memory_space<vmem_shared>>) offsets(%dma_start3A_177 : memref<128xi32, #tpu.memory_space<vmem>>) semaphore(%arg8 : memref<!tpu.dma_semaphore, #tpu.memory_space<semaphore_mem>>) {add = true}
      %mul3A_181 = arith.constant 16 : i32
      %mul3A_182 = arith.muli %scan3A_61, %mul3A_181 : i32
      %add3A_183 = arith.constant 12 : i32
      %add3A_184 = arith.addi %mul3A_182, %add3A_183 : i32
      %dma_start3A_185 = arith.constant 0 : i32
      %dma_start3A_186 = tpu.memref_slice %arg4[%add3A_184, %dma_start3A_185] : memref<80x128xi32, #tpu.memory_space<vmem>> -> memref<1x128xi32, #tpu.memory_space<vmem>>
      %dma_start3A_187 = tpu.memref_squeeze %dma_start3A_186 : memref<1x128xi32, #tpu.memory_space<vmem>> -> memref<128xi32, #tpu.memory_space<vmem>>
      %dma_start3A_188 = arith.constant 0 : i32
      %dma_start3A_189 = arith.constant 0 : i32
      %dma_start3A_190 = tpu.memref_slice %arg7[%dma_start3A_188, %dma_start3A_189] : memref<10240x128xf32, #tpu.memory_space<vmem_shared>> -> memref<10240x128xf32, #tpu.memory_space<vmem_shared>>
      tpu.enqueue_indirect_dma source(%arg5 : memref<128x128xf32, #tpu.memory_space<vmem>>) target(%dma_start3A_190 : memref<10240x128xf32, #tpu.memory_space<vmem_shared>>) offsets(%dma_start3A_187 : memref<128xi32, #tpu.memory_space<vmem>>) semaphore(%arg8 : memref<!tpu.dma_semaphore, #tpu.memory_space<semaphore_mem>>) {add = true}
      %mul3A_191 = arith.constant 16 : i32
      %mul3A_192 = arith.muli %scan3A_61, %mul3A_191 : i32
      %add3A_193 = arith.constant 13 : i32
      %add3A_194 = arith.addi %mul3A_192, %add3A_193 : i32
      %dma_start3A_195 = arith.constant 0 : i32
      %dma_start3A_196 = tpu.memref_slice %arg4[%add3A_194, %dma_start3A_195] : memref<80x128xi32, #tpu.memory_space<vmem>> -> memref<1x128xi32, #tpu.memory_space<vmem>>
      %dma_start3A_197 = tpu.memref_squeeze %dma_start3A_196 : memref<1x128xi32, #tpu.memory_space<vmem>> -> memref<128xi32, #tpu.memory_space<vmem>>
      %dma_start3A_198 = arith.constant 0 : i32
      %dma_start3A_199 = arith.constant 0 : i32
      %dma_start3A_200 = tpu.memref_slice %arg7[%dma_start3A_198, %dma_start3A_199] : memref<10240x128xf32, #tpu.memory_space<vmem_shared>> -> memref<10240x128xf32, #tpu.memory_space<vmem_shared>>
      tpu.enqueue_indirect_dma source(%arg5 : memref<128x128xf32, #tpu.memory_space<vmem>>) target(%dma_start3A_200 : memref<10240x128xf32, #tpu.memory_space<vmem_shared>>) offsets(%dma_start3A_197 : memref<128xi32, #tpu.memory_space<vmem>>) semaphore(%arg8 : memref<!tpu.dma_semaphore, #tpu.memory_space<semaphore_mem>>) {add = true}
      %mul3A_201 = arith.constant 16 : i32
      %mul3A_202 = arith.muli %scan3A_61, %mul3A_201 : i32
      %add3A_203 = arith.constant 14 : i32
      %add3A_204 = arith.addi %mul3A_202, %add3A_203 : i32
      %dma_start3A_205 = arith.constant 0 : i32
      %dma_start3A_206 = tpu.memref_slice %arg4[%add3A_204, %dma_start3A_205] : memref<80x128xi32, #tpu.memory_space<vmem>> -> memref<1x128xi32, #tpu.memory_space<vmem>>
      %dma_start3A_207 = tpu.memref_squeeze %dma_start3A_206 : memref<1x128xi32, #tpu.memory_space<vmem>> -> memref<128xi32, #tpu.memory_space<vmem>>
      %dma_start3A_208 = arith.constant 0 : i32
      %dma_start3A_209 = arith.constant 0 : i32
      %dma_start3A_210 = tpu.memref_slice %arg7[%dma_start3A_208, %dma_start3A_209] : memref<10240x128xf32, #tpu.memory_space<vmem_shared>> -> memref<10240x128xf32, #tpu.memory_space<vmem_shared>>
      tpu.enqueue_indirect_dma source(%arg5 : memref<128x128xf32, #tpu.memory_space<vmem>>) target(%dma_start3A_210 : memref<10240x128xf32, #tpu.memory_space<vmem_shared>>) offsets(%dma_start3A_207 : memref<128xi32, #tpu.memory_space<vmem>>) semaphore(%arg8 : memref<!tpu.dma_semaphore, #tpu.memory_space<semaphore_mem>>) {add = true}
      %mul3A_211 = arith.constant 16 : i32
      %mul3A_212 = arith.muli %scan3A_61, %mul3A_211 : i32
      %add3A_213 = arith.constant 15 : i32
      %add3A_214 = arith.addi %mul3A_212, %add3A_213 : i32
      %dma_start3A_215 = arith.constant 0 : i32
      %dma_start3A_216 = tpu.memref_slice %arg4[%add3A_214, %dma_start3A_215] : memref<80x128xi32, #tpu.memory_space<vmem>> -> memref<1x128xi32, #tpu.memory_space<vmem>>
      %dma_start3A_217 = tpu.memref_squeeze %dma_start3A_216 : memref<1x128xi32, #tpu.memory_space<vmem>> -> memref<128xi32, #tpu.memory_space<vmem>>
      %dma_start3A_218 = arith.constant 0 : i32
      %dma_start3A_219 = arith.constant 0 : i32
      %dma_start3A_220 = tpu.memref_slice %arg7[%dma_start3A_218, %dma_start3A_219] : memref<10240x128xf32, #tpu.memory_space<vmem_shared>> -> memref<10240x128xf32, #tpu.memory_space<vmem_shared>>
      tpu.enqueue_indirect_dma source(%arg5 : memref<128x128xf32, #tpu.memory_space<vmem>>) target(%dma_start3A_220 : memref<10240x128xf32, #tpu.memory_space<vmem_shared>>) offsets(%dma_start3A_217 : memref<128xi32, #tpu.memory_space<vmem>>) semaphore(%arg8 : memref<!tpu.dma_semaphore, #tpu.memory_space<semaphore_mem>>) {add = true}
      %dma_wait3A = arith.constant 0 : i32
      %dma_wait3A_221 = arith.constant 0 : i32
      %dma_wait3A_222 = tpu.memref_slice %arg4[%dma_wait3A, %dma_wait3A_221] : memref<80x128xi32, #tpu.memory_space<vmem>> -> memref<1x128xi32, #tpu.memory_space<vmem>>
      %dma_wait3A_223 = tpu.memref_squeeze %dma_wait3A_222 : memref<1x128xi32, #tpu.memory_space<vmem>> -> memref<128xi32, #tpu.memory_space<vmem>>
      %dma_wait3A_224 = arith.constant 0 : i32
      %dma_wait3A_225 = arith.constant 0 : i32
      %dma_wait3A_226 = tpu.memref_slice %arg7[%dma_wait3A_224, %dma_wait3A_225] : memref<10240x128xf32, #tpu.memory_space<vmem_shared>> -> memref<10240x128xf32, #tpu.memory_space<vmem_shared>>
      tpu.wait_indirect_dma semaphore(%arg8 : memref<!tpu.dma_semaphore, #tpu.memory_space<semaphore_mem>>) src(%arg5 : memref<128x128xf32, #tpu.memory_space<vmem>>) dst(%dma_wait3A_226 : memref<10240x128xf32, #tpu.memory_space<vmem_shared>>)
      %dma_wait3A_227 = arith.constant 0 : i32
      %dma_wait3A_228 = arith.constant 0 : i32
      %dma_wait3A_229 = tpu.memref_slice %arg4[%dma_wait3A_227, %dma_wait3A_228] : memref<80x128xi32, #tpu.memory_space<vmem>> -> memref<1x128xi32, #tpu.memory_space<vmem>>
      %dma_wait3A_230 = tpu.memref_squeeze %dma_wait3A_229 : memref<1x128xi32, #tpu.memory_space<vmem>> -> memref<128xi32, #tpu.memory_space<vmem>>
      %dma_wait3A_231 = arith.constant 0 : i32
      %dma_wait3A_232 = arith.constant 0 : i32
      %dma_wait3A_233 = tpu.memref_slice %arg7[%dma_wait3A_231, %dma_wait3A_232] : memref<10240x128xf32, #tpu.memory_space<vmem_shared>> -> memref<10240x128xf32, #tpu.memory_space<vmem_shared>>
      tpu.wait_indirect_dma semaphore(%arg8 : memref<!tpu.dma_semaphore, #tpu.memory_space<semaphore_mem>>) src(%arg5 : memref<128x128xf32, #tpu.memory_space<vmem>>) dst(%dma_wait3A_233 : memref<10240x128xf32, #tpu.memory_space<vmem_shared>>)
      %dma_wait3A_234 = arith.constant 0 : i32
      %dma_wait3A_235 = arith.constant 0 : i32
      %dma_wait3A_236 = tpu.memref_slice %arg4[%dma_wait3A_234, %dma_wait3A_235] : memref<80x128xi32, #tpu.memory_space<vmem>> -> memref<1x128xi32, #tpu.memory_space<vmem>>
      %dma_wait3A_237 = tpu.memref_squeeze %dma_wait3A_236 : memref<1x128xi32, #tpu.memory_space<vmem>> -> memref<128xi32, #tpu.memory_space<vmem>>
      %dma_wait3A_238 = arith.constant 0 : i32
      %dma_wait3A_239 = arith.constant 0 : i32
      %dma_wait3A_240 = tpu.memref_slice %arg7[%dma_wait3A_238, %dma_wait3A_239] : memref<10240x128xf32, #tpu.memory_space<vmem_shared>> -> memref<10240x128xf32, #tpu.memory_space<vmem_shared>>
      tpu.wait_indirect_dma semaphore(%arg8 : memref<!tpu.dma_semaphore, #tpu.memory_space<semaphore_mem>>) src(%arg5 : memref<128x128xf32, #tpu.memory_space<vmem>>) dst(%dma_wait3A_240 : memref<10240x128xf32, #tpu.memory_space<vmem_shared>>)
      %dma_wait3A_241 = arith.constant 0 : i32
      %dma_wait3A_242 = arith.constant 0 : i32
      %dma_wait3A_243 = tpu.memref_slice %arg4[%dma_wait3A_241, %dma_wait3A_242] : memref<80x128xi32, #tpu.memory_space<vmem>> -> memref<1x128xi32, #tpu.memory_space<vmem>>
      %dma_wait3A_244 = tpu.memref_squeeze %dma_wait3A_243 : memref<1x128xi32, #tpu.memory_space<vmem>> -> memref<128xi32, #tpu.memory_space<vmem>>
      %dma_wait3A_245 = arith.constant 0 : i32
      %dma_wait3A_246 = arith.constant 0 : i32
      %dma_wait3A_247 = tpu.memref_slice %arg7[%dma_wait3A_245, %dma_wait3A_246] : memref<10240x128xf32, #tpu.memory_space<vmem_shared>> -> memref<10240x128xf32, #tpu.memory_space<vmem_shared>>
      tpu.wait_indirect_dma semaphore(%arg8 : memref<!tpu.dma_semaphore, #tpu.memory_space<semaphore_mem>>) src(%arg5 : memref<128x128xf32, #tpu.memory_space<vmem>>) dst(%dma_wait3A_247 : memref<10240x128xf32, #tpu.memory_space<vmem_shared>>)
      %dma_wait3A_248 = arith.constant 0 : i32
      %dma_wait3A_249 = arith.constant 0 : i32
      %dma_wait3A_250 = tpu.memref_slice %arg4[%dma_wait3A_248, %dma_wait3A_249] : memref<80x128xi32, #tpu.memory_space<vmem>> -> memref<1x128xi32, #tpu.memory_space<vmem>>
      %dma_wait3A_251 = tpu.memref_squeeze %dma_wait3A_250 : memref<1x128xi32, #tpu.memory_space<vmem>> -> memref<128xi32, #tpu.memory_space<vmem>>
      %dma_wait3A_252 = arith.constant 0 : i32
      %dma_wait3A_253 = arith.constant 0 : i32
      %dma_wait3A_254 = tpu.memref_slice %arg7[%dma_wait3A_252, %dma_wait3A_253] : memref<10240x128xf32, #tpu.memory_space<vmem_shared>> -> memref<10240x128xf32, #tpu.memory_space<vmem_shared>>
      tpu.wait_indirect_dma semaphore(%arg8 : memref<!tpu.dma_semaphore, #tpu.memory_space<semaphore_mem>>) src(%arg5 : memref<128x128xf32, #tpu.memory_space<vmem>>) dst(%dma_wait3A_254 : memref<10240x128xf32, #tpu.memory_space<vmem_shared>>)
      %dma_wait3A_255 = arith.constant 0 : i32
      %dma_wait3A_256 = arith.constant 0 : i32
      %dma_wait3A_257 = tpu.memref_slice %arg4[%dma_wait3A_255, %dma_wait3A_256] : memref<80x128xi32, #tpu.memory_space<vmem>> -> memref<1x128xi32, #tpu.memory_space<vmem>>
      %dma_wait3A_258 = tpu.memref_squeeze %dma_wait3A_257 : memref<1x128xi32, #tpu.memory_space<vmem>> -> memref<128xi32, #tpu.memory_space<vmem>>
      %dma_wait3A_259 = arith.constant 0 : i32
      %dma_wait3A_260 = arith.constant 0 : i32
      %dma_wait3A_261 = tpu.memref_slice %arg7[%dma_wait3A_259, %dma_wait3A_260] : memref<10240x128xf32, #tpu.memory_space<vmem_shared>> -> memref<10240x128xf32, #tpu.memory_space<vmem_shared>>
      tpu.wait_indirect_dma semaphore(%arg8 : memref<!tpu.dma_semaphore, #tpu.memory_space<semaphore_mem>>) src(%arg5 : memref<128x128xf32, #tpu.memory_space<vmem>>) dst(%dma_wait3A_261 : memref<10240x128xf32, #tpu.memory_space<vmem_shared>>)
      %dma_wait3A_262 = arith.constant 0 : i32
      %dma_wait3A_263 = arith.constant 0 : i32
      %dma_wait3A_264 = tpu.memref_slice %arg4[%dma_wait3A_262, %dma_wait3A_263] : memref<80x128xi32, #tpu.memory_space<vmem>> -> memref<1x128xi32, #tpu.memory_space<vmem>>
      %dma_wait3A_265 = tpu.memref_squeeze %dma_wait3A_264 : memref<1x128xi32, #tpu.memory_space<vmem>> -> memref<128xi32, #tpu.memory_space<vmem>>
      %dma_wait3A_266 = arith.constant 0 : i32
      %dma_wait3A_267 = arith.constant 0 : i32
      %dma_wait3A_268 = tpu.memref_slice %arg7[%dma_wait3A_266, %dma_wait3A_267] : memref<10240x128xf32, #tpu.memory_space<vmem_shared>> -> memref<10240x128xf32, #tpu.memory_space<vmem_shared>>
      tpu.wait_indirect_dma semaphore(%arg8 : memref<!tpu.dma_semaphore, #tpu.memory_space<semaphore_mem>>) src(%arg5 : memref<128x128xf32, #tpu.memory_space<vmem>>) dst(%dma_wait3A_268 : memref<10240x128xf32, #tpu.memory_space<vmem_shared>>)
      %dma_wait3A_269 = arith.constant 0 : i32
      %dma_wait3A_270 = arith.constant 0 : i32
      %dma_wait3A_271 = tpu.memref_slice %arg4[%dma_wait3A_269, %dma_wait3A_270] : memref<80x128xi32, #tpu.memory_space<vmem>> -> memref<1x128xi32, #tpu.memory_space<vmem>>
      %dma_wait3A_272 = tpu.memref_squeeze %dma_wait3A_271 : memref<1x128xi32, #tpu.memory_space<vmem>> -> memref<128xi32, #tpu.memory_space<vmem>>
      %dma_wait3A_273 = arith.constant 0 : i32
      %dma_wait3A_274 = arith.constant 0 : i32
      %dma_wait3A_275 = tpu.memref_slice %arg7[%dma_wait3A_273, %dma_wait3A_274] : memref<10240x128xf32, #tpu.memory_space<vmem_shared>> -> memref<10240x128xf32, #tpu.memory_space<vmem_shared>>
      tpu.wait_indirect_dma semaphore(%arg8 : memref<!tpu.dma_semaphore, #tpu.memory_space<semaphore_mem>>) src(%arg5 : memref<128x128xf32, #tpu.memory_space<vmem>>) dst(%dma_wait3A_275 : memref<10240x128xf32, #tpu.memory_space<vmem_shared>>)
      %dma_wait3A_276 = arith.constant 0 : i32
      %dma_wait3A_277 = arith.constant 0 : i32
      %dma_wait3A_278 = tpu.memref_slice %arg4[%dma_wait3A_276, %dma_wait3A_277] : memref<80x128xi32, #tpu.memory_space<vmem>> -> memref<1x128xi32, #tpu.memory_space<vmem>>
      %dma_wait3A_279 = tpu.memref_squeeze %dma_wait3A_278 : memref<1x128xi32, #tpu.memory_space<vmem>> -> memref<128xi32, #tpu.memory_space<vmem>>
      %dma_wait3A_280 = arith.constant 0 : i32
      %dma_wait3A_281 = arith.constant 0 : i32
      %dma_wait3A_282 = tpu.memref_slice %arg7[%dma_wait3A_280, %dma_wait3A_281] : memref<10240x128xf32, #tpu.memory_space<vmem_shared>> -> memref<10240x128xf32, #tpu.memory_space<vmem_shared>>
      tpu.wait_indirect_dma semaphore(%arg8 : memref<!tpu.dma_semaphore, #tpu.memory_space<semaphore_mem>>) src(%arg5 : memref<128x128xf32, #tpu.memory_space<vmem>>) dst(%dma_wait3A_282 : memref<10240x128xf32, #tpu.memory_space<vmem_shared>>)
      %dma_wait3A_283 = arith.constant 0 : i32
      %dma_wait3A_284 = arith.constant 0 : i32
      %dma_wait3A_285 = tpu.memref_slice %arg4[%dma_wait3A_283, %dma_wait3A_284] : memref<80x128xi32, #tpu.memory_space<vmem>> -> memref<1x128xi32, #tpu.memory_space<vmem>>
      %dma_wait3A_286 = tpu.memref_squeeze %dma_wait3A_285 : memref<1x128xi32, #tpu.memory_space<vmem>> -> memref<128xi32, #tpu.memory_space<vmem>>
      %dma_wait3A_287 = arith.constant 0 : i32
      %dma_wait3A_288 = arith.constant 0 : i32
      %dma_wait3A_289 = tpu.memref_slice %arg7[%dma_wait3A_287, %dma_wait3A_288] : memref<10240x128xf32, #tpu.memory_space<vmem_shared>> -> memref<10240x128xf32, #tpu.memory_space<vmem_shared>>
      tpu.wait_indirect_dma semaphore(%arg8 : memref<!tpu.dma_semaphore, #tpu.memory_space<semaphore_mem>>) src(%arg5 : memref<128x128xf32, #tpu.memory_space<vmem>>) dst(%dma_wait3A_289 : memref<10240x128xf32, #tpu.memory_space<vmem_shared>>)
      %dma_wait3A_290 = arith.constant 0 : i32
      %dma_wait3A_291 = arith.constant 0 : i32
      %dma_wait3A_292 = tpu.memref_slice %arg4[%dma_wait3A_290, %dma_wait3A_291] : memref<80x128xi32, #tpu.memory_space<vmem>> -> memref<1x128xi32, #tpu.memory_space<vmem>>
      %dma_wait3A_293 = tpu.memref_squeeze %dma_wait3A_292 : memref<1x128xi32, #tpu.memory_space<vmem>> -> memref<128xi32, #tpu.memory_space<vmem>>
      %dma_wait3A_294 = arith.constant 0 : i32
      %dma_wait3A_295 = arith.constant 0 : i32
      %dma_wait3A_296 = tpu.memref_slice %arg7[%dma_wait3A_294, %dma_wait3A_295] : memref<10240x128xf32, #tpu.memory_space<vmem_shared>> -> memref<10240x128xf32, #tpu.memory_space<vmem_shared>>
      tpu.wait_indirect_dma semaphore(%arg8 : memref<!tpu.dma_semaphore, #tpu.memory_space<semaphore_mem>>) src(%arg5 : memref<128x128xf32, #tpu.memory_space<vmem>>) dst(%dma_wait3A_296 : memref<10240x128xf32, #tpu.memory_space<vmem_shared>>)
      %dma_wait3A_297 = arith.constant 0 : i32
      %dma_wait3A_298 = arith.constant 0 : i32
      %dma_wait3A_299 = tpu.memref_slice %arg4[%dma_wait3A_297, %dma_wait3A_298] : memref<80x128xi32, #tpu.memory_space<vmem>> -> memref<1x128xi32, #tpu.memory_space<vmem>>
      %dma_wait3A_300 = tpu.memref_squeeze %dma_wait3A_299 : memref<1x128xi32, #tpu.memory_space<vmem>> -> memref<128xi32, #tpu.memory_space<vmem>>
      %dma_wait3A_301 = arith.constant 0 : i32
      %dma_wait3A_302 = arith.constant 0 : i32
      %dma_wait3A_303 = tpu.memref_slice %arg7[%dma_wait3A_301, %dma_wait3A_302] : memref<10240x128xf32, #tpu.memory_space<vmem_shared>> -> memref<10240x128xf32, #tpu.memory_space<vmem_shared>>
      tpu.wait_indirect_dma semaphore(%arg8 : memref<!tpu.dma_semaphore, #tpu.memory_space<semaphore_mem>>) src(%arg5 : memref<128x128xf32, #tpu.memory_space<vmem>>) dst(%dma_wait3A_303 : memref<10240x128xf32, #tpu.memory_space<vmem_shared>>)
      %dma_wait3A_304 = arith.constant 0 : i32
      %dma_wait3A_305 = arith.constant 0 : i32
      %dma_wait3A_306 = tpu.memref_slice %arg4[%dma_wait3A_304, %dma_wait3A_305] : memref<80x128xi32, #tpu.memory_space<vmem>> -> memref<1x128xi32, #tpu.memory_space<vmem>>
      %dma_wait3A_307 = tpu.memref_squeeze %dma_wait3A_306 : memref<1x128xi32, #tpu.memory_space<vmem>> -> memref<128xi32, #tpu.memory_space<vmem>>
      %dma_wait3A_308 = arith.constant 0 : i32
      %dma_wait3A_309 = arith.constant 0 : i32
      %dma_wait3A_310 = tpu.memref_slice %arg7[%dma_wait3A_308, %dma_wait3A_309] : memref<10240x128xf32, #tpu.memory_space<vmem_shared>> -> memref<10240x128xf32, #tpu.memory_space<vmem_shared>>
      tpu.wait_indirect_dma semaphore(%arg8 : memref<!tpu.dma_semaphore, #tpu.memory_space<semaphore_mem>>) src(%arg5 : memref<128x128xf32, #tpu.memory_space<vmem>>) dst(%dma_wait3A_310 : memref<10240x128xf32, #tpu.memory_space<vmem_shared>>)
      %dma_wait3A_311 = arith.constant 0 : i32
      %dma_wait3A_312 = arith.constant 0 : i32
      %dma_wait3A_313 = tpu.memref_slice %arg4[%dma_wait3A_311, %dma_wait3A_312] : memref<80x128xi32, #tpu.memory_space<vmem>> -> memref<1x128xi32, #tpu.memory_space<vmem>>
      %dma_wait3A_314 = tpu.memref_squeeze %dma_wait3A_313 : memref<1x128xi32, #tpu.memory_space<vmem>> -> memref<128xi32, #tpu.memory_space<vmem>>
      %dma_wait3A_315 = arith.constant 0 : i32
      %dma_wait3A_316 = arith.constant 0 : i32
      %dma_wait3A_317 = tpu.memref_slice %arg7[%dma_wait3A_315, %dma_wait3A_316] : memref<10240x128xf32, #tpu.memory_space<vmem_shared>> -> memref<10240x128xf32, #tpu.memory_space<vmem_shared>>
      tpu.wait_indirect_dma semaphore(%arg8 : memref<!tpu.dma_semaphore, #tpu.memory_space<semaphore_mem>>) src(%arg5 : memref<128x128xf32, #tpu.memory_space<vmem>>) dst(%dma_wait3A_317 : memref<10240x128xf32, #tpu.memory_space<vmem_shared>>)
      %dma_wait3A_318 = arith.constant 0 : i32
      %dma_wait3A_319 = arith.constant 0 : i32
      %dma_wait3A_320 = tpu.memref_slice %arg4[%dma_wait3A_318, %dma_wait3A_319] : memref<80x128xi32, #tpu.memory_space<vmem>> -> memref<1x128xi32, #tpu.memory_space<vmem>>
      %dma_wait3A_321 = tpu.memref_squeeze %dma_wait3A_320 : memref<1x128xi32, #tpu.memory_space<vmem>> -> memref<128xi32, #tpu.memory_space<vmem>>
      %dma_wait3A_322 = arith.constant 0 : i32
      %dma_wait3A_323 = arith.constant 0 : i32
      %dma_wait3A_324 = tpu.memref_slice %arg7[%dma_wait3A_322, %dma_wait3A_323] : memref<10240x128xf32, #tpu.memory_space<vmem_shared>> -> memref<10240x128xf32, #tpu.memory_space<vmem_shared>>
      tpu.wait_indirect_dma semaphore(%arg8 : memref<!tpu.dma_semaphore, #tpu.memory_space<semaphore_mem>>) src(%arg5 : memref<128x128xf32, #tpu.memory_space<vmem>>) dst(%dma_wait3A_324 : memref<10240x128xf32, #tpu.memory_space<vmem_shared>>)
      %dma_wait3A_325 = arith.constant 0 : i32
      %dma_wait3A_326 = arith.constant 0 : i32
      %dma_wait3A_327 = tpu.memref_slice %arg4[%dma_wait3A_325, %dma_wait3A_326] : memref<80x128xi32, #tpu.memory_space<vmem>> -> memref<1x128xi32, #tpu.memory_space<vmem>>
      %dma_wait3A_328 = tpu.memref_squeeze %dma_wait3A_327 : memref<1x128xi32, #tpu.memory_space<vmem>> -> memref<128xi32, #tpu.memory_space<vmem>>
      %dma_wait3A_329 = arith.constant 0 : i32
      %dma_wait3A_330 = arith.constant 0 : i32
      %dma_wait3A_331 = tpu.memref_slice %arg7[%dma_wait3A_329, %dma_wait3A_330] : memref<10240x128xf32, #tpu.memory_space<vmem_shared>> -> memref<10240x128xf32, #tpu.memory_space<vmem_shared>>
      tpu.wait_indirect_dma semaphore(%arg8 : memref<!tpu.dma_semaphore, #tpu.memory_space<semaphore_mem>>) src(%arg5 : memref<128x128xf32, #tpu.memory_space<vmem>>) dst(%dma_wait3A_331 : memref<10240x128xf32, #tpu.memory_space<vmem_shared>>)
    }
    %scan3A_59 = arith.constant 5 : i32
    %barrier3A_60 = arith.constant 0 : index
    tpu.barrier barrier_id(%barrier3A_60)
    "tpu.region"() ({
      %run_scoped3A = tpu.sem_alloc : memref<!tpu.dma_semaphore, #tpu.memory_space<semaphore_mem>>
      %dma_start3A = arith.constant 0 : i32
      %dma_start3A_61 = tpu.memref_slice %arg3[%arg0, %mul3A_2, %dma_start3A] : memref<2x10240x128xf32, #tpu.memory_space<hbm>> -> memref<1x640x128xf32, #tpu.memory_space<hbm>>
      %dma_start3A_62 = tpu.memref_squeeze %dma_start3A_61 : memref<1x640x128xf32, #tpu.memory_space<hbm>> -> memref<640x128xf32, #tpu.memory_space<hbm>>
      %dma_start3A_63 = arith.constant 0 : i32
      %dma_start3A_64 = tpu.memref_slice %arg7[%mul3A_2, %dma_start3A_63] : memref<10240x128xf32, #tpu.memory_space<vmem_shared>> -> memref<640x128xf32, #tpu.memory_space<vmem_shared>>
      tpu.enqueue_dma source(%dma_start3A_64 : memref<640x128xf32, #tpu.memory_space<vmem_shared>>) target(%dma_start3A_62 : memref<640x128xf32, #tpu.memory_space<hbm>>) target_semaphore(%run_scoped3A : memref<!tpu.dma_semaphore, #tpu.memory_space<semaphore_mem>>)
      %dma_wait3A = arith.constant 0 : i32
      %dma_wait3A_65 = tpu.memref_slice %arg3[%arg0, %mul3A_2, %dma_wait3A] : memref<2x10240x128xf32, #tpu.memory_space<hbm>> -> memref<1x640x128xf32, #tpu.memory_space<hbm>>
      %dma_wait3A_66 = tpu.memref_squeeze %dma_wait3A_65 : memref<1x640x128xf32, #tpu.memory_space<hbm>> -> memref<640x128xf32, #tpu.memory_space<hbm>>
      %dma_wait3A_67 = arith.constant 0 : i32
      %dma_wait3A_68 = tpu.memref_slice %arg7[%mul3A_2, %dma_wait3A_67] : memref<10240x128xf32, #tpu.memory_space<vmem_shared>> -> memref<640x128xf32, #tpu.memory_space<vmem_shared>>
      tpu.wait_dma2 semaphore(%run_scoped3A : memref<!tpu.dma_semaphore, #tpu.memory_space<semaphore_mem>>) src(%dma_wait3A_68 : memref<640x128xf32, #tpu.memory_space<vmem_shared>>) dst(%dma_wait3A_66 : memref<640x128xf32, #tpu.memory_space<hbm>>)
      tpu.yield
    }) : () -> ()
    return
  }
}

#map = affine_map<(d0, d1) -> (0, 0)>
#map1 = affine_map<(d0, d1) -> (0, 0, 0)>
module attributes {stable_mosaic.version = 14 : i64} {
  func.func @_agg_kernel(%arg0: i32, %arg1: i32, %arg2: memref<10000x128xf32, #tpu.memory_space<hbm>>, %arg3: memref<32x80x128xi32, #tpu.memory_space<hbm>>, %arg4: memref<32x80x128xi32, #tpu.memory_space<hbm>>, %arg5: memref<2x10240x128xf32, #tpu.memory_space<hbm>>, %arg6: memref<40x128xi32, #tpu.memory_space<vmem>>, %arg7: memref<40x128xi32, #tpu.memory_space<vmem>>, %arg8: memref<128x128xf32, #tpu.memory_space<vmem>>, %arg9: memref<128x128xf32, #tpu.memory_space<vmem>>, %arg10: memref<32x128xf32, #tpu.memory_space<vmem>>, %arg11: memref<10240x128xf32, #tpu.memory_space<vmem_shared>>, %arg12: memref<!tpu.dma_semaphore, #tpu.memory_space<semaphore_mem>>, %arg13: memref<!tpu.dma_semaphore, #tpu.memory_space<semaphore_mem>>) attributes {dimension_semantics = [#tpu.dimension_semantics<core_parallel>, #tpu.dimension_semantics<subcore_parallel>], iteration_bounds = array<i64: 2, 16>, scalar_prefetch = 0 : i64, scratch_operands = 8 : i64, tpu.core_type = #tpu.core_type<sc_vector_subcore>, window_params = [{transform_indices = #map}, {transform_indices = #map1}, {transform_indices = #map1}, {transform_indices = #map1}]} {
    %mul3A = arith.constant 2 : i32
    %mul3A_0 = arith.muli %arg1, %mul3A : i32
    %add3A = arith.addi %mul3A_0, %arg0 : i32
    %mul3A_1 = arith.constant 640 : i32
    %mul3A_2 = arith.muli %arg1, %mul3A_1 : i32
    %scan3A = arith.constant 0 : i32
    %scan3A_3 = arith.constant 0 : i32
    %scan3A_4 = arith.constant 32 : i32
    %scan3A_5 = arith.addi %scan3A_3, %scan3A_4 : i32
    %scan3A_6 = arith.constant 1 : i32
    scf.for %scan3A_55 = %scan3A_3 to %scan3A_5 step %scan3A_6  : i32 {
      %broadcast_in_dim3A = arith.constant 0.000000e+00 : f32
      %broadcast_in_dim3A_56 = vector.broadcast %broadcast_in_dim3A : f32 to vector<16xf32>
      %swap3A = arith.index_cast %scan3A_55 : i32 to index
      %swap3A_57 = arith.constant 0 : index
      %swap3A_58 = tpu.vector_load %arg10[%swap3A, %swap3A_57] {strides = array<i32>} : memref<32x128xf32, #tpu.memory_space<vmem>>, vector<1x16xf32>,
      %swap3A_59 = vector.shape_cast %swap3A_58 : vector<1x16xf32> to vector<16xf32>
      %swap3A_60 = vector.shape_cast %broadcast_in_dim3A_56 : vector<16xf32> to vector<1x16xf32>
      tpu.vector_store %arg10[%swap3A, %swap3A_57], %swap3A_60 {strides = array<i32>} : memref<32x128xf32, #tpu.memory_space<vmem>>, vector<1x16xf32>,
      %broadcast_in_dim3A_61 = arith.constant 0.000000e+00 : f32
      %broadcast_in_dim3A_62 = vector.broadcast %broadcast_in_dim3A_61 : f32 to vector<16xf32>
      %swap3A_63 = arith.index_cast %scan3A_55 : i32 to index
      %swap3A_64 = arith.constant 16 : index
      %swap3A_65 = tpu.vector_load %arg10[%swap3A_63, %swap3A_64] {strides = array<i32>} : memref<32x128xf32, #tpu.memory_space<vmem>>, vector<1x16xf32>,
      %swap3A_66 = vector.shape_cast %swap3A_65 : vector<1x16xf32> to vector<16xf32>
      %swap3A_67 = vector.shape_cast %broadcast_in_dim3A_62 : vector<16xf32> to vector<1x16xf32>
      tpu.vector_store %arg10[%swap3A_63, %swap3A_64], %swap3A_67 {strides = array<i32>} : memref<32x128xf32, #tpu.memory_space<vmem>>, vector<1x16xf32>,
      %broadcast_in_dim3A_68 = arith.constant 0.000000e+00 : f32
      %broadcast_in_dim3A_69 = vector.broadcast %broadcast_in_dim3A_68 : f32 to vector<16xf32>
      %swap3A_70 = arith.index_cast %scan3A_55 : i32 to index
      %swap3A_71 = arith.constant 32 : index
      %swap3A_72 = tpu.vector_load %arg10[%swap3A_70, %swap3A_71] {strides = array<i32>} : memref<32x128xf32, #tpu.memory_space<vmem>>, vector<1x16xf32>,
      %swap3A_73 = vector.shape_cast %swap3A_72 : vector<1x16xf32> to vector<16xf32>
      %swap3A_74 = vector.shape_cast %broadcast_in_dim3A_69 : vector<16xf32> to vector<1x16xf32>
      tpu.vector_store %arg10[%swap3A_70, %swap3A_71], %swap3A_74 {strides = array<i32>} : memref<32x128xf32, #tpu.memory_space<vmem>>, vector<1x16xf32>,
      %broadcast_in_dim3A_75 = arith.constant 0.000000e+00 : f32
      %broadcast_in_dim3A_76 = vector.broadcast %broadcast_in_dim3A_75 : f32 to vector<16xf32>
      %swap3A_77 = arith.index_cast %scan3A_55 : i32 to index
      %swap3A_78 = arith.constant 48 : index
      %swap3A_79 = tpu.vector_load %arg10[%swap3A_77, %swap3A_78] {strides = array<i32>} : memref<32x128xf32, #tpu.memory_space<vmem>>, vector<1x16xf32>,
      %swap3A_80 = vector.shape_cast %swap3A_79 : vector<1x16xf32> to vector<16xf32>
      %swap3A_81 = vector.shape_cast %broadcast_in_dim3A_76 : vector<16xf32> to vector<1x16xf32>
      tpu.vector_store %arg10[%swap3A_77, %swap3A_78], %swap3A_81 {strides = array<i32>} : memref<32x128xf32, #tpu.memory_space<vmem>>, vector<1x16xf32>,
      %broadcast_in_dim3A_82 = arith.constant 0.000000e+00 : f32
      %broadcast_in_dim3A_83 = vector.broadcast %broadcast_in_dim3A_82 : f32 to vector<16xf32>
      %swap3A_84 = arith.index_cast %scan3A_55 : i32 to index
      %swap3A_85 = arith.constant 64 : index
      %swap3A_86 = tpu.vector_load %arg10[%swap3A_84, %swap3A_85] {strides = array<i32>} : memref<32x128xf32, #tpu.memory_space<vmem>>, vector<1x16xf32>,
      %swap3A_87 = vector.shape_cast %swap3A_86 : vector<1x16xf32> to vector<16xf32>
      %swap3A_88 = vector.shape_cast %broadcast_in_dim3A_83 : vector<16xf32> to vector<1x16xf32>
      tpu.vector_store %arg10[%swap3A_84, %swap3A_85], %swap3A_88 {strides = array<i32>} : memref<32x128xf32, #tpu.memory_space<vmem>>, vector<1x16xf32>,
      %broadcast_in_dim3A_89 = arith.constant 0.000000e+00 : f32
      %broadcast_in_dim3A_90 = vector.broadcast %broadcast_in_dim3A_89 : f32 to vector<16xf32>
      %swap3A_91 = arith.index_cast %scan3A_55 : i32 to index
      %swap3A_92 = arith.constant 80 : index
      %swap3A_93 = tpu.vector_load %arg10[%swap3A_91, %swap3A_92] {strides = array<i32>} : memref<32x128xf32, #tpu.memory_space<vmem>>, vector<1x16xf32>,
      %swap3A_94 = vector.shape_cast %swap3A_93 : vector<1x16xf32> to vector<16xf32>
      %swap3A_95 = vector.shape_cast %broadcast_in_dim3A_90 : vector<16xf32> to vector<1x16xf32>
      tpu.vector_store %arg10[%swap3A_91, %swap3A_92], %swap3A_95 {strides = array<i32>} : memref<32x128xf32, #tpu.memory_space<vmem>>, vector<1x16xf32>,
      %broadcast_in_dim3A_96 = arith.constant 0.000000e+00 : f32
      %broadcast_in_dim3A_97 = vector.broadcast %broadcast_in_dim3A_96 : f32 to vector<16xf32>
      %swap3A_98 = arith.index_cast %scan3A_55 : i32 to index
      %swap3A_99 = arith.constant 96 : index
      %swap3A_100 = tpu.vector_load %arg10[%swap3A_98, %swap3A_99] {strides = array<i32>} : memref<32x128xf32, #tpu.memory_space<vmem>>, vector<1x16xf32>,
      %swap3A_101 = vector.shape_cast %swap3A_100 : vector<1x16xf32> to vector<16xf32>
      %swap3A_102 = vector.shape_cast %broadcast_in_dim3A_97 : vector<16xf32> to vector<1x16xf32>
      tpu.vector_store %arg10[%swap3A_98, %swap3A_99], %swap3A_102 {strides = array<i32>} : memref<32x128xf32, #tpu.memory_space<vmem>>, vector<1x16xf32>,
      %broadcast_in_dim3A_103 = arith.constant 0.000000e+00 : f32
      %broadcast_in_dim3A_104 = vector.broadcast %broadcast_in_dim3A_103 : f32 to vector<16xf32>
      %swap3A_105 = arith.index_cast %scan3A_55 : i32 to index
      %swap3A_106 = arith.constant 112 : index
      %swap3A_107 = tpu.vector_load %arg10[%swap3A_105, %swap3A_106] {strides = array<i32>} : memref<32x128xf32, #tpu.memory_space<vmem>>, vector<1x16xf32>,
      %swap3A_108 = vector.shape_cast %swap3A_107 : vector<1x16xf32> to vector<16xf32>
      %swap3A_109 = vector.shape_cast %broadcast_in_dim3A_104 : vector<16xf32> to vector<1x16xf32>
      tpu.vector_store %arg10[%swap3A_105, %swap3A_106], %swap3A_109 {strides = array<i32>} : memref<32x128xf32, #tpu.memory_space<vmem>>, vector<1x16xf32>,
    }
    %scan3A_7 = arith.constant 32 : i32
    %add3A_8 = arith.constant 0 : i32
    %add3A_9 = arith.addi %mul3A_2, %add3A_8 : i32
    "tpu.region"() ({
      %run_scoped3A = tpu.sem_alloc : memref<!tpu.dma_semaphore, #tpu.memory_space<semaphore_mem>>
      %dma_start3A = arith.constant 0 : i32
      %dma_start3A_55 = tpu.memref_slice %arg11[%add3A_9, %dma_start3A] : memref<10240x128xf32, #tpu.memory_space<vmem_shared>> -> memref<32x128xf32, #tpu.memory_space<vmem_shared>>
      %dma_start3A_56 = arith.constant 0 : i32
      %dma_start3A_57 = tpu.memref_slice %arg11[%add3A_9, %dma_start3A_56] : memref<10240x128xf32, #tpu.memory_space<vmem_shared>> -> memref<32x128xf32, #tpu.memory_space<vmem_shared>>
      tpu.enqueue_dma source(%arg10 : memref<32x128xf32, #tpu.memory_space<vmem>>) target(%dma_start3A_57 : memref<32x128xf32, #tpu.memory_space<vmem_shared>>) target_semaphore(%run_scoped3A : memref<!tpu.dma_semaphore, #tpu.memory_space<semaphore_mem>>)
      %dma_wait3A = arith.constant 0 : i32
      %dma_wait3A_58 = tpu.memref_slice %arg11[%add3A_9, %dma_wait3A] : memref<10240x128xf32, #tpu.memory_space<vmem_shared>> -> memref<32x128xf32, #tpu.memory_space<vmem_shared>>
      %dma_wait3A_59 = arith.constant 0 : i32
      %dma_wait3A_60 = tpu.memref_slice %arg11[%add3A_9, %dma_wait3A_59] : memref<10240x128xf32, #tpu.memory_space<vmem_shared>> -> memref<32x128xf32, #tpu.memory_space<vmem_shared>>
      tpu.wait_dma2 semaphore(%run_scoped3A : memref<!tpu.dma_semaphore, #tpu.memory_space<semaphore_mem>>) src(%arg10 : memref<32x128xf32, #tpu.memory_space<vmem>>) dst(%dma_wait3A_60 : memref<32x128xf32, #tpu.memory_space<vmem_shared>>)
      tpu.yield
    }) : () -> ()
    %add3A_10 = arith.constant 32 : i32
    %add3A_11 = arith.addi %mul3A_2, %add3A_10 : i32
    "tpu.region"() ({
      %run_scoped3A = tpu.sem_alloc : memref<!tpu.dma_semaphore, #tpu.memory_space<semaphore_mem>>
      %dma_start3A = arith.constant 0 : i32
      %dma_start3A_55 = tpu.memref_slice %arg11[%add3A_11, %dma_start3A] : memref<10240x128xf32, #tpu.memory_space<vmem_shared>> -> memref<32x128xf32, #tpu.memory_space<vmem_shared>>
      %dma_start3A_56 = arith.constant 0 : i32
      %dma_start3A_57 = tpu.memref_slice %arg11[%add3A_11, %dma_start3A_56] : memref<10240x128xf32, #tpu.memory_space<vmem_shared>> -> memref<32x128xf32, #tpu.memory_space<vmem_shared>>
      tpu.enqueue_dma source(%arg10 : memref<32x128xf32, #tpu.memory_space<vmem>>) target(%dma_start3A_57 : memref<32x128xf32, #tpu.memory_space<vmem_shared>>) target_semaphore(%run_scoped3A : memref<!tpu.dma_semaphore, #tpu.memory_space<semaphore_mem>>)
      %dma_wait3A = arith.constant 0 : i32
      %dma_wait3A_58 = tpu.memref_slice %arg11[%add3A_11, %dma_wait3A] : memref<10240x128xf32, #tpu.memory_space<vmem_shared>> -> memref<32x128xf32, #tpu.memory_space<vmem_shared>>
      %dma_wait3A_59 = arith.constant 0 : i32
      %dma_wait3A_60 = tpu.memref_slice %arg11[%add3A_11, %dma_wait3A_59] : memref<10240x128xf32, #tpu.memory_space<vmem_shared>> -> memref<32x128xf32, #tpu.memory_space<vmem_shared>>
      tpu.wait_dma2 semaphore(%run_scoped3A : memref<!tpu.dma_semaphore, #tpu.memory_space<semaphore_mem>>) src(%arg10 : memref<32x128xf32, #tpu.memory_space<vmem>>) dst(%dma_wait3A_60 : memref<32x128xf32, #tpu.memory_space<vmem_shared>>)
      tpu.yield
    }) : () -> ()
    %add3A_12 = arith.constant 64 : i32
    %add3A_13 = arith.addi %mul3A_2, %add3A_12 : i32
    "tpu.region"() ({
      %run_scoped3A = tpu.sem_alloc : memref<!tpu.dma_semaphore, #tpu.memory_space<semaphore_mem>>
      %dma_start3A = arith.constant 0 : i32
      %dma_start3A_55 = tpu.memref_slice %arg11[%add3A_13, %dma_start3A] : memref<10240x128xf32, #tpu.memory_space<vmem_shared>> -> memref<32x128xf32, #tpu.memory_space<vmem_shared>>
      %dma_start3A_56 = arith.constant 0 : i32
      %dma_start3A_57 = tpu.memref_slice %arg11[%add3A_13, %dma_start3A_56] : memref<10240x128xf32, #tpu.memory_space<vmem_shared>> -> memref<32x128xf32, #tpu.memory_space<vmem_shared>>
      tpu.enqueue_dma source(%arg10 : memref<32x128xf32, #tpu.memory_space<vmem>>) target(%dma_start3A_57 : memref<32x128xf32, #tpu.memory_space<vmem_shared>>) target_semaphore(%run_scoped3A : memref<!tpu.dma_semaphore, #tpu.memory_space<semaphore_mem>>)
      %dma_wait3A = arith.constant 0 : i32
      %dma_wait3A_58 = tpu.memref_slice %arg11[%add3A_13, %dma_wait3A] : memref<10240x128xf32, #tpu.memory_space<vmem_shared>> -> memref<32x128xf32, #tpu.memory_space<vmem_shared>>
      %dma_wait3A_59 = arith.constant 0 : i32
      %dma_wait3A_60 = tpu.memref_slice %arg11[%add3A_13, %dma_wait3A_59] : memref<10240x128xf32, #tpu.memory_space<vmem_shared>> -> memref<32x128xf32, #tpu.memory_space<vmem_shared>>
      tpu.wait_dma2 semaphore(%run_scoped3A : memref<!tpu.dma_semaphore, #tpu.memory_space<semaphore_mem>>) src(%arg10 : memref<32x128xf32, #tpu.memory_space<vmem>>) dst(%dma_wait3A_60 : memref<32x128xf32, #tpu.memory_space<vmem_shared>>)
      tpu.yield
    }) : () -> ()
    %add3A_14 = arith.constant 96 : i32
    %add3A_15 = arith.addi %mul3A_2, %add3A_14 : i32
    "tpu.region"() ({
      %run_scoped3A = tpu.sem_alloc : memref<!tpu.dma_semaphore, #tpu.memory_space<semaphore_mem>>
      %dma_start3A = arith.constant 0 : i32
      %dma_start3A_55 = tpu.memref_slice %arg11[%add3A_15, %dma_start3A] : memref<10240x128xf32, #tpu.memory_space<vmem_shared>> -> memref<32x128xf32, #tpu.memory_space<vmem_shared>>
      %dma_start3A_56 = arith.constant 0 : i32
      %dma_start3A_57 = tpu.memref_slice %arg11[%add3A_15, %dma_start3A_56] : memref<10240x128xf32, #tpu.memory_space<vmem_shared>> -> memref<32x128xf32, #tpu.memory_space<vmem_shared>>
      tpu.enqueue_dma source(%arg10 : memref<32x128xf32, #tpu.memory_space<vmem>>) target(%dma_start3A_57 : memref<32x128xf32, #tpu.memory_space<vmem_shared>>) target_semaphore(%run_scoped3A : memref<!tpu.dma_semaphore, #tpu.memory_space<semaphore_mem>>)
      %dma_wait3A = arith.constant 0 : i32
      %dma_wait3A_58 = tpu.memref_slice %arg11[%add3A_15, %dma_wait3A] : memref<10240x128xf32, #tpu.memory_space<vmem_shared>> -> memref<32x128xf32, #tpu.memory_space<vmem_shared>>
      %dma_wait3A_59 = arith.constant 0 : i32
      %dma_wait3A_60 = tpu.memref_slice %arg11[%add3A_15, %dma_wait3A_59] : memref<10240x128xf32, #tpu.memory_space<vmem_shared>> -> memref<32x128xf32, #tpu.memory_space<vmem_shared>>
      tpu.wait_dma2 semaphore(%run_scoped3A : memref<!tpu.dma_semaphore, #tpu.memory_space<semaphore_mem>>) src(%arg10 : memref<32x128xf32, #tpu.memory_space<vmem>>) dst(%dma_wait3A_60 : memref<32x128xf32, #tpu.memory_space<vmem_shared>>)
      tpu.yield
    }) : () -> ()
    %add3A_16 = arith.constant 128 : i32
    %add3A_17 = arith.addi %mul3A_2, %add3A_16 : i32
    "tpu.region"() ({
      %run_scoped3A = tpu.sem_alloc : memref<!tpu.dma_semaphore, #tpu.memory_space<semaphore_mem>>
      %dma_start3A = arith.constant 0 : i32
      %dma_start3A_55 = tpu.memref_slice %arg11[%add3A_17, %dma_start3A] : memref<10240x128xf32, #tpu.memory_space<vmem_shared>> -> memref<32x128xf32, #tpu.memory_space<vmem_shared>>
      %dma_start3A_56 = arith.constant 0 : i32
      %dma_start3A_57 = tpu.memref_slice %arg11[%add3A_17, %dma_start3A_56] : memref<10240x128xf32, #tpu.memory_space<vmem_shared>> -> memref<32x128xf32, #tpu.memory_space<vmem_shared>>
      tpu.enqueue_dma source(%arg10 : memref<32x128xf32, #tpu.memory_space<vmem>>) target(%dma_start3A_57 : memref<32x128xf32, #tpu.memory_space<vmem_shared>>) target_semaphore(%run_scoped3A : memref<!tpu.dma_semaphore, #tpu.memory_space<semaphore_mem>>)
      %dma_wait3A = arith.constant 0 : i32
      %dma_wait3A_58 = tpu.memref_slice %arg11[%add3A_17, %dma_wait3A] : memref<10240x128xf32, #tpu.memory_space<vmem_shared>> -> memref<32x128xf32, #tpu.memory_space<vmem_shared>>
      %dma_wait3A_59 = arith.constant 0 : i32
      %dma_wait3A_60 = tpu.memref_slice %arg11[%add3A_17, %dma_wait3A_59] : memref<10240x128xf32, #tpu.memory_space<vmem_shared>> -> memref<32x128xf32, #tpu.memory_space<vmem_shared>>
      tpu.wait_dma2 semaphore(%run_scoped3A : memref<!tpu.dma_semaphore, #tpu.memory_space<semaphore_mem>>) src(%arg10 : memref<32x128xf32, #tpu.memory_space<vmem>>) dst(%dma_wait3A_60 : memref<32x128xf32, #tpu.memory_space<vmem_shared>>)
      tpu.yield
    }) : () -> ()
    %add3A_18 = arith.constant 160 : i32
    %add3A_19 = arith.addi %mul3A_2, %add3A_18 : i32
    "tpu.region"() ({
      %run_scoped3A = tpu.sem_alloc : memref<!tpu.dma_semaphore, #tpu.memory_space<semaphore_mem>>
      %dma_start3A = arith.constant 0 : i32
      %dma_start3A_55 = tpu.memref_slice %arg11[%add3A_19, %dma_start3A] : memref<10240x128xf32, #tpu.memory_space<vmem_shared>> -> memref<32x128xf32, #tpu.memory_space<vmem_shared>>
      %dma_start3A_56 = arith.constant 0 : i32
      %dma_start3A_57 = tpu.memref_slice %arg11[%add3A_19, %dma_start3A_56] : memref<10240x128xf32, #tpu.memory_space<vmem_shared>> -> memref<32x128xf32, #tpu.memory_space<vmem_shared>>
      tpu.enqueue_dma source(%arg10 : memref<32x128xf32, #tpu.memory_space<vmem>>) target(%dma_start3A_57 : memref<32x128xf32, #tpu.memory_space<vmem_shared>>) target_semaphore(%run_scoped3A : memref<!tpu.dma_semaphore, #tpu.memory_space<semaphore_mem>>)
      %dma_wait3A = arith.constant 0 : i32
      %dma_wait3A_58 = tpu.memref_slice %arg11[%add3A_19, %dma_wait3A] : memref<10240x128xf32, #tpu.memory_space<vmem_shared>> -> memref<32x128xf32, #tpu.memory_space<vmem_shared>>
      %dma_wait3A_59 = arith.constant 0 : i32
      %dma_wait3A_60 = tpu.memref_slice %arg11[%add3A_19, %dma_wait3A_59] : memref<10240x128xf32, #tpu.memory_space<vmem_shared>> -> memref<32x128xf32, #tpu.memory_space<vmem_shared>>
      tpu.wait_dma2 semaphore(%run_scoped3A : memref<!tpu.dma_semaphore, #tpu.memory_space<semaphore_mem>>) src(%arg10 : memref<32x128xf32, #tpu.memory_space<vmem>>) dst(%dma_wait3A_60 : memref<32x128xf32, #tpu.memory_space<vmem_shared>>)
      tpu.yield
    }) : () -> ()
    %add3A_20 = arith.constant 192 : i32
    %add3A_21 = arith.addi %mul3A_2, %add3A_20 : i32
    "tpu.region"() ({
      %run_scoped3A = tpu.sem_alloc : memref<!tpu.dma_semaphore, #tpu.memory_space<semaphore_mem>>
      %dma_start3A = arith.constant 0 : i32
      %dma_start3A_55 = tpu.memref_slice %arg11[%add3A_21, %dma_start3A] : memref<10240x128xf32, #tpu.memory_space<vmem_shared>> -> memref<32x128xf32, #tpu.memory_space<vmem_shared>>
      %dma_start3A_56 = arith.constant 0 : i32
      %dma_start3A_57 = tpu.memref_slice %arg11[%add3A_21, %dma_start3A_56] : memref<10240x128xf32, #tpu.memory_space<vmem_shared>> -> memref<32x128xf32, #tpu.memory_space<vmem_shared>>
      tpu.enqueue_dma source(%arg10 : memref<32x128xf32, #tpu.memory_space<vmem>>) target(%dma_start3A_57 : memref<32x128xf32, #tpu.memory_space<vmem_shared>>) target_semaphore(%run_scoped3A : memref<!tpu.dma_semaphore, #tpu.memory_space<semaphore_mem>>)
      %dma_wait3A = arith.constant 0 : i32
      %dma_wait3A_58 = tpu.memref_slice %arg11[%add3A_21, %dma_wait3A] : memref<10240x128xf32, #tpu.memory_space<vmem_shared>> -> memref<32x128xf32, #tpu.memory_space<vmem_shared>>
      %dma_wait3A_59 = arith.constant 0 : i32
      %dma_wait3A_60 = tpu.memref_slice %arg11[%add3A_21, %dma_wait3A_59] : memref<10240x128xf32, #tpu.memory_space<vmem_shared>> -> memref<32x128xf32, #tpu.memory_space<vmem_shared>>
      tpu.wait_dma2 semaphore(%run_scoped3A : memref<!tpu.dma_semaphore, #tpu.memory_space<semaphore_mem>>) src(%arg10 : memref<32x128xf32, #tpu.memory_space<vmem>>) dst(%dma_wait3A_60 : memref<32x128xf32, #tpu.memory_space<vmem_shared>>)
      tpu.yield
    }) : () -> ()
    %add3A_22 = arith.constant 224 : i32
    %add3A_23 = arith.addi %mul3A_2, %add3A_22 : i32
    "tpu.region"() ({
      %run_scoped3A = tpu.sem_alloc : memref<!tpu.dma_semaphore, #tpu.memory_space<semaphore_mem>>
      %dma_start3A = arith.constant 0 : i32
      %dma_start3A_55 = tpu.memref_slice %arg11[%add3A_23, %dma_start3A] : memref<10240x128xf32, #tpu.memory_space<vmem_shared>> -> memref<32x128xf32, #tpu.memory_space<vmem_shared>>
      %dma_start3A_56 = arith.constant 0 : i32
      %dma_start3A_57 = tpu.memref_slice %arg11[%add3A_23, %dma_start3A_56] : memref<10240x128xf32, #tpu.memory_space<vmem_shared>> -> memref<32x128xf32, #tpu.memory_space<vmem_shared>>
      tpu.enqueue_dma source(%arg10 : memref<32x128xf32, #tpu.memory_space<vmem>>) target(%dma_start3A_57 : memref<32x128xf32, #tpu.memory_space<vmem_shared>>) target_semaphore(%run_scoped3A : memref<!tpu.dma_semaphore, #tpu.memory_space<semaphore_mem>>)
      %dma_wait3A = arith.constant 0 : i32
      %dma_wait3A_58 = tpu.memref_slice %arg11[%add3A_23, %dma_wait3A] : memref<10240x128xf32, #tpu.memory_space<vmem_shared>> -> memref<32x128xf32, #tpu.memory_space<vmem_shared>>
      %dma_wait3A_59 = arith.constant 0 : i32
      %dma_wait3A_60 = tpu.memref_slice %arg11[%add3A_23, %dma_wait3A_59] : memref<10240x128xf32, #tpu.memory_space<vmem_shared>> -> memref<32x128xf32, #tpu.memory_space<vmem_shared>>
      tpu.wait_dma2 semaphore(%run_scoped3A : memref<!tpu.dma_semaphore, #tpu.memory_space<semaphore_mem>>) src(%arg10 : memref<32x128xf32, #tpu.memory_space<vmem>>) dst(%dma_wait3A_60 : memref<32x128xf32, #tpu.memory_space<vmem_shared>>)
      tpu.yield
    }) : () -> ()
    %add3A_24 = arith.constant 256 : i32
    %add3A_25 = arith.addi %mul3A_2, %add3A_24 : i32
    "tpu.region"() ({
      %run_scoped3A = tpu.sem_alloc : memref<!tpu.dma_semaphore, #tpu.memory_space<semaphore_mem>>
      %dma_start3A = arith.constant 0 : i32
      %dma_start3A_55 = tpu.memref_slice %arg11[%add3A_25, %dma_start3A] : memref<10240x128xf32, #tpu.memory_space<vmem_shared>> -> memref<32x128xf32, #tpu.memory_space<vmem_shared>>
      %dma_start3A_56 = arith.constant 0 : i32
      %dma_start3A_57 = tpu.memref_slice %arg11[%add3A_25, %dma_start3A_56] : memref<10240x128xf32, #tpu.memory_space<vmem_shared>> -> memref<32x128xf32, #tpu.memory_space<vmem_shared>>
      tpu.enqueue_dma source(%arg10 : memref<32x128xf32, #tpu.memory_space<vmem>>) target(%dma_start3A_57 : memref<32x128xf32, #tpu.memory_space<vmem_shared>>) target_semaphore(%run_scoped3A : memref<!tpu.dma_semaphore, #tpu.memory_space<semaphore_mem>>)
      %dma_wait3A = arith.constant 0 : i32
      %dma_wait3A_58 = tpu.memref_slice %arg11[%add3A_25, %dma_wait3A] : memref<10240x128xf32, #tpu.memory_space<vmem_shared>> -> memref<32x128xf32, #tpu.memory_space<vmem_shared>>
      %dma_wait3A_59 = arith.constant 0 : i32
      %dma_wait3A_60 = tpu.memref_slice %arg11[%add3A_25, %dma_wait3A_59] : memref<10240x128xf32, #tpu.memory_space<vmem_shared>> -> memref<32x128xf32, #tpu.memory_space<vmem_shared>>
      tpu.wait_dma2 semaphore(%run_scoped3A : memref<!tpu.dma_semaphore, #tpu.memory_space<semaphore_mem>>) src(%arg10 : memref<32x128xf32, #tpu.memory_space<vmem>>) dst(%dma_wait3A_60 : memref<32x128xf32, #tpu.memory_space<vmem_shared>>)
      tpu.yield
    }) : () -> ()
    %add3A_26 = arith.constant 288 : i32
    %add3A_27 = arith.addi %mul3A_2, %add3A_26 : i32
    "tpu.region"() ({
      %run_scoped3A = tpu.sem_alloc : memref<!tpu.dma_semaphore, #tpu.memory_space<semaphore_mem>>
      %dma_start3A = arith.constant 0 : i32
      %dma_start3A_55 = tpu.memref_slice %arg11[%add3A_27, %dma_start3A] : memref<10240x128xf32, #tpu.memory_space<vmem_shared>> -> memref<32x128xf32, #tpu.memory_space<vmem_shared>>
      %dma_start3A_56 = arith.constant 0 : i32
      %dma_start3A_57 = tpu.memref_slice %arg11[%add3A_27, %dma_start3A_56] : memref<10240x128xf32, #tpu.memory_space<vmem_shared>> -> memref<32x128xf32, #tpu.memory_space<vmem_shared>>
      tpu.enqueue_dma source(%arg10 : memref<32x128xf32, #tpu.memory_space<vmem>>) target(%dma_start3A_57 : memref<32x128xf32, #tpu.memory_space<vmem_shared>>) target_semaphore(%run_scoped3A : memref<!tpu.dma_semaphore, #tpu.memory_space<semaphore_mem>>)
      %dma_wait3A = arith.constant 0 : i32
      %dma_wait3A_58 = tpu.memref_slice %arg11[%add3A_27, %dma_wait3A] : memref<10240x128xf32, #tpu.memory_space<vmem_shared>> -> memref<32x128xf32, #tpu.memory_space<vmem_shared>>
      %dma_wait3A_59 = arith.constant 0 : i32
      %dma_wait3A_60 = tpu.memref_slice %arg11[%add3A_27, %dma_wait3A_59] : memref<10240x128xf32, #tpu.memory_space<vmem_shared>> -> memref<32x128xf32, #tpu.memory_space<vmem_shared>>
      tpu.wait_dma2 semaphore(%run_scoped3A : memref<!tpu.dma_semaphore, #tpu.memory_space<semaphore_mem>>) src(%arg10 : memref<32x128xf32, #tpu.memory_space<vmem>>) dst(%dma_wait3A_60 : memref<32x128xf32, #tpu.memory_space<vmem_shared>>)
      tpu.yield
    }) : () -> ()
    %add3A_28 = arith.constant 320 : i32
    %add3A_29 = arith.addi %mul3A_2, %add3A_28 : i32
    "tpu.region"() ({
      %run_scoped3A = tpu.sem_alloc : memref<!tpu.dma_semaphore, #tpu.memory_space<semaphore_mem>>
      %dma_start3A = arith.constant 0 : i32
      %dma_start3A_55 = tpu.memref_slice %arg11[%add3A_29, %dma_start3A] : memref<10240x128xf32, #tpu.memory_space<vmem_shared>> -> memref<32x128xf32, #tpu.memory_space<vmem_shared>>
      %dma_start3A_56 = arith.constant 0 : i32
      %dma_start3A_57 = tpu.memref_slice %arg11[%add3A_29, %dma_start3A_56] : memref<10240x128xf32, #tpu.memory_space<vmem_shared>> -> memref<32x128xf32, #tpu.memory_space<vmem_shared>>
      tpu.enqueue_dma source(%arg10 : memref<32x128xf32, #tpu.memory_space<vmem>>) target(%dma_start3A_57 : memref<32x128xf32, #tpu.memory_space<vmem_shared>>) target_semaphore(%run_scoped3A : memref<!tpu.dma_semaphore, #tpu.memory_space<semaphore_mem>>)
      %dma_wait3A = arith.constant 0 : i32
      %dma_wait3A_58 = tpu.memref_slice %arg11[%add3A_29, %dma_wait3A] : memref<10240x128xf32, #tpu.memory_space<vmem_shared>> -> memref<32x128xf32, #tpu.memory_space<vmem_shared>>
      %dma_wait3A_59 = arith.constant 0 : i32
      %dma_wait3A_60 = tpu.memref_slice %arg11[%add3A_29, %dma_wait3A_59] : memref<10240x128xf32, #tpu.memory_space<vmem_shared>> -> memref<32x128xf32, #tpu.memory_space<vmem_shared>>
      tpu.wait_dma2 semaphore(%run_scoped3A : memref<!tpu.dma_semaphore, #tpu.memory_space<semaphore_mem>>) src(%arg10 : memref<32x128xf32, #tpu.memory_space<vmem>>) dst(%dma_wait3A_60 : memref<32x128xf32, #tpu.memory_space<vmem_shared>>)
      tpu.yield
    }) : () -> ()
    %add3A_30 = arith.constant 352 : i32
    %add3A_31 = arith.addi %mul3A_2, %add3A_30 : i32
    "tpu.region"() ({
      %run_scoped3A = tpu.sem_alloc : memref<!tpu.dma_semaphore, #tpu.memory_space<semaphore_mem>>
      %dma_start3A = arith.constant 0 : i32
      %dma_start3A_55 = tpu.memref_slice %arg11[%add3A_31, %dma_start3A] : memref<10240x128xf32, #tpu.memory_space<vmem_shared>> -> memref<32x128xf32, #tpu.memory_space<vmem_shared>>
      %dma_start3A_56 = arith.constant 0 : i32
      %dma_start3A_57 = tpu.memref_slice %arg11[%add3A_31, %dma_start3A_56] : memref<10240x128xf32, #tpu.memory_space<vmem_shared>> -> memref<32x128xf32, #tpu.memory_space<vmem_shared>>
      tpu.enqueue_dma source(%arg10 : memref<32x128xf32, #tpu.memory_space<vmem>>) target(%dma_start3A_57 : memref<32x128xf32, #tpu.memory_space<vmem_shared>>) target_semaphore(%run_scoped3A : memref<!tpu.dma_semaphore, #tpu.memory_space<semaphore_mem>>)
      %dma_wait3A = arith.constant 0 : i32
      %dma_wait3A_58 = tpu.memref_slice %arg11[%add3A_31, %dma_wait3A] : memref<10240x128xf32, #tpu.memory_space<vmem_shared>> -> memref<32x128xf32, #tpu.memory_space<vmem_shared>>
      %dma_wait3A_59 = arith.constant 0 : i32
      %dma_wait3A_60 = tpu.memref_slice %arg11[%add3A_31, %dma_wait3A_59] : memref<10240x128xf32, #tpu.memory_space<vmem_shared>> -> memref<32x128xf32, #tpu.memory_space<vmem_shared>>
      tpu.wait_dma2 semaphore(%run_scoped3A : memref<!tpu.dma_semaphore, #tpu.memory_space<semaphore_mem>>) src(%arg10 : memref<32x128xf32, #tpu.memory_space<vmem>>) dst(%dma_wait3A_60 : memref<32x128xf32, #tpu.memory_space<vmem_shared>>)
      tpu.yield
    }) : () -> ()
    %add3A_32 = arith.constant 384 : i32
    %add3A_33 = arith.addi %mul3A_2, %add3A_32 : i32
    "tpu.region"() ({
      %run_scoped3A = tpu.sem_alloc : memref<!tpu.dma_semaphore, #tpu.memory_space<semaphore_mem>>
      %dma_start3A = arith.constant 0 : i32
      %dma_start3A_55 = tpu.memref_slice %arg11[%add3A_33, %dma_start3A] : memref<10240x128xf32, #tpu.memory_space<vmem_shared>> -> memref<32x128xf32, #tpu.memory_space<vmem_shared>>
      %dma_start3A_56 = arith.constant 0 : i32
      %dma_start3A_57 = tpu.memref_slice %arg11[%add3A_33, %dma_start3A_56] : memref<10240x128xf32, #tpu.memory_space<vmem_shared>> -> memref<32x128xf32, #tpu.memory_space<vmem_shared>>
      tpu.enqueue_dma source(%arg10 : memref<32x128xf32, #tpu.memory_space<vmem>>) target(%dma_start3A_57 : memref<32x128xf32, #tpu.memory_space<vmem_shared>>) target_semaphore(%run_scoped3A : memref<!tpu.dma_semaphore, #tpu.memory_space<semaphore_mem>>)
      %dma_wait3A = arith.constant 0 : i32
      %dma_wait3A_58 = tpu.memref_slice %arg11[%add3A_33, %dma_wait3A] : memref<10240x128xf32, #tpu.memory_space<vmem_shared>> -> memref<32x128xf32, #tpu.memory_space<vmem_shared>>
      %dma_wait3A_59 = arith.constant 0 : i32
      %dma_wait3A_60 = tpu.memref_slice %arg11[%add3A_33, %dma_wait3A_59] : memref<10240x128xf32, #tpu.memory_space<vmem_shared>> -> memref<32x128xf32, #tpu.memory_space<vmem_shared>>
      tpu.wait_dma2 semaphore(%run_scoped3A : memref<!tpu.dma_semaphore, #tpu.memory_space<semaphore_mem>>) src(%arg10 : memref<32x128xf32, #tpu.memory_space<vmem>>) dst(%dma_wait3A_60 : memref<32x128xf32, #tpu.memory_space<vmem_shared>>)
      tpu.yield
    }) : () -> ()
    %add3A_34 = arith.constant 416 : i32
    %add3A_35 = arith.addi %mul3A_2, %add3A_34 : i32
    "tpu.region"() ({
      %run_scoped3A = tpu.sem_alloc : memref<!tpu.dma_semaphore, #tpu.memory_space<semaphore_mem>>
      %dma_start3A = arith.constant 0 : i32
      %dma_start3A_55 = tpu.memref_slice %arg11[%add3A_35, %dma_start3A] : memref<10240x128xf32, #tpu.memory_space<vmem_shared>> -> memref<32x128xf32, #tpu.memory_space<vmem_shared>>
      %dma_start3A_56 = arith.constant 0 : i32
      %dma_start3A_57 = tpu.memref_slice %arg11[%add3A_35, %dma_start3A_56] : memref<10240x128xf32, #tpu.memory_space<vmem_shared>> -> memref<32x128xf32, #tpu.memory_space<vmem_shared>>
      tpu.enqueue_dma source(%arg10 : memref<32x128xf32, #tpu.memory_space<vmem>>) target(%dma_start3A_57 : memref<32x128xf32, #tpu.memory_space<vmem_shared>>) target_semaphore(%run_scoped3A : memref<!tpu.dma_semaphore, #tpu.memory_space<semaphore_mem>>)
      %dma_wait3A = arith.constant 0 : i32
      %dma_wait3A_58 = tpu.memref_slice %arg11[%add3A_35, %dma_wait3A] : memref<10240x128xf32, #tpu.memory_space<vmem_shared>> -> memref<32x128xf32, #tpu.memory_space<vmem_shared>>
      %dma_wait3A_59 = arith.constant 0 : i32
      %dma_wait3A_60 = tpu.memref_slice %arg11[%add3A_35, %dma_wait3A_59] : memref<10240x128xf32, #tpu.memory_space<vmem_shared>> -> memref<32x128xf32, #tpu.memory_space<vmem_shared>>
      tpu.wait_dma2 semaphore(%run_scoped3A : memref<!tpu.dma_semaphore, #tpu.memory_space<semaphore_mem>>) src(%arg10 : memref<32x128xf32, #tpu.memory_space<vmem>>) dst(%dma_wait3A_60 : memref<32x128xf32, #tpu.memory_space<vmem_shared>>)
      tpu.yield
    }) : () -> ()
    %add3A_36 = arith.constant 448 : i32
    %add3A_37 = arith.addi %mul3A_2, %add3A_36 : i32
    "tpu.region"() ({
      %run_scoped3A = tpu.sem_alloc : memref<!tpu.dma_semaphore, #tpu.memory_space<semaphore_mem>>
      %dma_start3A = arith.constant 0 : i32
      %dma_start3A_55 = tpu.memref_slice %arg11[%add3A_37, %dma_start3A] : memref<10240x128xf32, #tpu.memory_space<vmem_shared>> -> memref<32x128xf32, #tpu.memory_space<vmem_shared>>
      %dma_start3A_56 = arith.constant 0 : i32
      %dma_start3A_57 = tpu.memref_slice %arg11[%add3A_37, %dma_start3A_56] : memref<10240x128xf32, #tpu.memory_space<vmem_shared>> -> memref<32x128xf32, #tpu.memory_space<vmem_shared>>
      tpu.enqueue_dma source(%arg10 : memref<32x128xf32, #tpu.memory_space<vmem>>) target(%dma_start3A_57 : memref<32x128xf32, #tpu.memory_space<vmem_shared>>) target_semaphore(%run_scoped3A : memref<!tpu.dma_semaphore, #tpu.memory_space<semaphore_mem>>)
      %dma_wait3A = arith.constant 0 : i32
      %dma_wait3A_58 = tpu.memref_slice %arg11[%add3A_37, %dma_wait3A] : memref<10240x128xf32, #tpu.memory_space<vmem_shared>> -> memref<32x128xf32, #tpu.memory_space<vmem_shared>>
      %dma_wait3A_59 = arith.constant 0 : i32
      %dma_wait3A_60 = tpu.memref_slice %arg11[%add3A_37, %dma_wait3A_59] : memref<10240x128xf32, #tpu.memory_space<vmem_shared>> -> memref<32x128xf32, #tpu.memory_space<vmem_shared>>
      tpu.wait_dma2 semaphore(%run_scoped3A : memref<!tpu.dma_semaphore, #tpu.memory_space<semaphore_mem>>) src(%arg10 : memref<32x128xf32, #tpu.memory_space<vmem>>) dst(%dma_wait3A_60 : memref<32x128xf32, #tpu.memory_space<vmem_shared>>)
      tpu.yield
    }) : () -> ()
    %add3A_38 = arith.constant 480 : i32
    %add3A_39 = arith.addi %mul3A_2, %add3A_38 : i32
    "tpu.region"() ({
      %run_scoped3A = tpu.sem_alloc : memref<!tpu.dma_semaphore, #tpu.memory_space<semaphore_mem>>
      %dma_start3A = arith.constant 0 : i32
      %dma_start3A_55 = tpu.memref_slice %arg11[%add3A_39, %dma_start3A] : memref<10240x128xf32, #tpu.memory_space<vmem_shared>> -> memref<32x128xf32, #tpu.memory_space<vmem_shared>>
      %dma_start3A_56 = arith.constant 0 : i32
      %dma_start3A_57 = tpu.memref_slice %arg11[%add3A_39, %dma_start3A_56] : memref<10240x128xf32, #tpu.memory_space<vmem_shared>> -> memref<32x128xf32, #tpu.memory_space<vmem_shared>>
      tpu.enqueue_dma source(%arg10 : memref<32x128xf32, #tpu.memory_space<vmem>>) target(%dma_start3A_57 : memref<32x128xf32, #tpu.memory_space<vmem_shared>>) target_semaphore(%run_scoped3A : memref<!tpu.dma_semaphore, #tpu.memory_space<semaphore_mem>>)
      %dma_wait3A = arith.constant 0 : i32
      %dma_wait3A_58 = tpu.memref_slice %arg11[%add3A_39, %dma_wait3A] : memref<10240x128xf32, #tpu.memory_space<vmem_shared>> -> memref<32x128xf32, #tpu.memory_space<vmem_shared>>
      %dma_wait3A_59 = arith.constant 0 : i32
      %dma_wait3A_60 = tpu.memref_slice %arg11[%add3A_39, %dma_wait3A_59] : memref<10240x128xf32, #tpu.memory_space<vmem_shared>> -> memref<32x128xf32, #tpu.memory_space<vmem_shared>>
      tpu.wait_dma2 semaphore(%run_scoped3A : memref<!tpu.dma_semaphore, #tpu.memory_space<semaphore_mem>>) src(%arg10 : memref<32x128xf32, #tpu.memory_space<vmem>>) dst(%dma_wait3A_60 : memref<32x128xf32, #tpu.memory_space<vmem_shared>>)
      tpu.yield
    }) : () -> ()
    %add3A_40 = arith.constant 512 : i32
    %add3A_41 = arith.addi %mul3A_2, %add3A_40 : i32
    "tpu.region"() ({
      %run_scoped3A = tpu.sem_alloc : memref<!tpu.dma_semaphore, #tpu.memory_space<semaphore_mem>>
      %dma_start3A = arith.constant 0 : i32
      %dma_start3A_55 = tpu.memref_slice %arg11[%add3A_41, %dma_start3A] : memref<10240x128xf32, #tpu.memory_space<vmem_shared>> -> memref<32x128xf32, #tpu.memory_space<vmem_shared>>
      %dma_start3A_56 = arith.constant 0 : i32
      %dma_start3A_57 = tpu.memref_slice %arg11[%add3A_41, %dma_start3A_56] : memref<10240x128xf32, #tpu.memory_space<vmem_shared>> -> memref<32x128xf32, #tpu.memory_space<vmem_shared>>
      tpu.enqueue_dma source(%arg10 : memref<32x128xf32, #tpu.memory_space<vmem>>) target(%dma_start3A_57 : memref<32x128xf32, #tpu.memory_space<vmem_shared>>) target_semaphore(%run_scoped3A : memref<!tpu.dma_semaphore, #tpu.memory_space<semaphore_mem>>)
      %dma_wait3A = arith.constant 0 : i32
      %dma_wait3A_58 = tpu.memref_slice %arg11[%add3A_41, %dma_wait3A] : memref<10240x128xf32, #tpu.memory_space<vmem_shared>> -> memref<32x128xf32, #tpu.memory_space<vmem_shared>>
      %dma_wait3A_59 = arith.constant 0 : i32
      %dma_wait3A_60 = tpu.memref_slice %arg11[%add3A_41, %dma_wait3A_59] : memref<10240x128xf32, #tpu.memory_space<vmem_shared>> -> memref<32x128xf32, #tpu.memory_space<vmem_shared>>
      tpu.wait_dma2 semaphore(%run_scoped3A : memref<!tpu.dma_semaphore, #tpu.memory_space<semaphore_mem>>) src(%arg10 : memref<32x128xf32, #tpu.memory_space<vmem>>) dst(%dma_wait3A_60 : memref<32x128xf32, #tpu.memory_space<vmem_shared>>)
      tpu.yield
    }) : () -> ()
    %add3A_42 = arith.constant 544 : i32
    %add3A_43 = arith.addi %mul3A_2, %add3A_42 : i32
    "tpu.region"() ({
      %run_scoped3A = tpu.sem_alloc : memref<!tpu.dma_semaphore, #tpu.memory_space<semaphore_mem>>
      %dma_start3A = arith.constant 0 : i32
      %dma_start3A_55 = tpu.memref_slice %arg11[%add3A_43, %dma_start3A] : memref<10240x128xf32, #tpu.memory_space<vmem_shared>> -> memref<32x128xf32, #tpu.memory_space<vmem_shared>>
      %dma_start3A_56 = arith.constant 0 : i32
      %dma_start3A_57 = tpu.memref_slice %arg11[%add3A_43, %dma_start3A_56] : memref<10240x128xf32, #tpu.memory_space<vmem_shared>> -> memref<32x128xf32, #tpu.memory_space<vmem_shared>>
      tpu.enqueue_dma source(%arg10 : memref<32x128xf32, #tpu.memory_space<vmem>>) target(%dma_start3A_57 : memref<32x128xf32, #tpu.memory_space<vmem_shared>>) target_semaphore(%run_scoped3A : memref<!tpu.dma_semaphore, #tpu.memory_space<semaphore_mem>>)
      %dma_wait3A = arith.constant 0 : i32
      %dma_wait3A_58 = tpu.memref_slice %arg11[%add3A_43, %dma_wait3A] : memref<10240x128xf32, #tpu.memory_space<vmem_shared>> -> memref<32x128xf32, #tpu.memory_space<vmem_shared>>
      %dma_wait3A_59 = arith.constant 0 : i32
      %dma_wait3A_60 = tpu.memref_slice %arg11[%add3A_43, %dma_wait3A_59] : memref<10240x128xf32, #tpu.memory_space<vmem_shared>> -> memref<32x128xf32, #tpu.memory_space<vmem_shared>>
      tpu.wait_dma2 semaphore(%run_scoped3A : memref<!tpu.dma_semaphore, #tpu.memory_space<semaphore_mem>>) src(%arg10 : memref<32x128xf32, #tpu.memory_space<vmem>>) dst(%dma_wait3A_60 : memref<32x128xf32, #tpu.memory_space<vmem_shared>>)
      tpu.yield
    }) : () -> ()
    %add3A_44 = arith.constant 576 : i32
    %add3A_45 = arith.addi %mul3A_2, %add3A_44 : i32
    "tpu.region"() ({
      %run_scoped3A = tpu.sem_alloc : memref<!tpu.dma_semaphore, #tpu.memory_space<semaphore_mem>>
      %dma_start3A = arith.constant 0 : i32
      %dma_start3A_55 = tpu.memref_slice %arg11[%add3A_45, %dma_start3A] : memref<10240x128xf32, #tpu.memory_space<vmem_shared>> -> memref<32x128xf32, #tpu.memory_space<vmem_shared>>
      %dma_start3A_56 = arith.constant 0 : i32
      %dma_start3A_57 = tpu.memref_slice %arg11[%add3A_45, %dma_start3A_56] : memref<10240x128xf32, #tpu.memory_space<vmem_shared>> -> memref<32x128xf32, #tpu.memory_space<vmem_shared>>
      tpu.enqueue_dma source(%arg10 : memref<32x128xf32, #tpu.memory_space<vmem>>) target(%dma_start3A_57 : memref<32x128xf32, #tpu.memory_space<vmem_shared>>) target_semaphore(%run_scoped3A : memref<!tpu.dma_semaphore, #tpu.memory_space<semaphore_mem>>)
      %dma_wait3A = arith.constant 0 : i32
      %dma_wait3A_58 = tpu.memref_slice %arg11[%add3A_45, %dma_wait3A] : memref<10240x128xf32, #tpu.memory_space<vmem_shared>> -> memref<32x128xf32, #tpu.memory_space<vmem_shared>>
      %dma_wait3A_59 = arith.constant 0 : i32
      %dma_wait3A_60 = tpu.memref_slice %arg11[%add3A_45, %dma_wait3A_59] : memref<10240x128xf32, #tpu.memory_space<vmem_shared>> -> memref<32x128xf32, #tpu.memory_space<vmem_shared>>
      tpu.wait_dma2 semaphore(%run_scoped3A : memref<!tpu.dma_semaphore, #tpu.memory_space<semaphore_mem>>) src(%arg10 : memref<32x128xf32, #tpu.memory_space<vmem>>) dst(%dma_wait3A_60 : memref<32x128xf32, #tpu.memory_space<vmem_shared>>)
      tpu.yield
    }) : () -> ()
    %add3A_46 = arith.constant 608 : i32
    %add3A_47 = arith.addi %mul3A_2, %add3A_46 : i32
    "tpu.region"() ({
      %run_scoped3A = tpu.sem_alloc : memref<!tpu.dma_semaphore, #tpu.memory_space<semaphore_mem>>
      %dma_start3A = arith.constant 0 : i32
      %dma_start3A_55 = tpu.memref_slice %arg11[%add3A_47, %dma_start3A] : memref<10240x128xf32, #tpu.memory_space<vmem_shared>> -> memref<32x128xf32, #tpu.memory_space<vmem_shared>>
      %dma_start3A_56 = arith.constant 0 : i32
      %dma_start3A_57 = tpu.memref_slice %arg11[%add3A_47, %dma_start3A_56] : memref<10240x128xf32, #tpu.memory_space<vmem_shared>> -> memref<32x128xf32, #tpu.memory_space<vmem_shared>>
      tpu.enqueue_dma source(%arg10 : memref<32x128xf32, #tpu.memory_space<vmem>>) target(%dma_start3A_57 : memref<32x128xf32, #tpu.memory_space<vmem_shared>>) target_semaphore(%run_scoped3A : memref<!tpu.dma_semaphore, #tpu.memory_space<semaphore_mem>>)
      %dma_wait3A = arith.constant 0 : i32
      %dma_wait3A_58 = tpu.memref_slice %arg11[%add3A_47, %dma_wait3A] : memref<10240x128xf32, #tpu.memory_space<vmem_shared>> -> memref<32x128xf32, #tpu.memory_space<vmem_shared>>
      %dma_wait3A_59 = arith.constant 0 : i32
      %dma_wait3A_60 = tpu.memref_slice %arg11[%add3A_47, %dma_wait3A_59] : memref<10240x128xf32, #tpu.memory_space<vmem_shared>> -> memref<32x128xf32, #tpu.memory_space<vmem_shared>>
      tpu.wait_dma2 semaphore(%run_scoped3A : memref<!tpu.dma_semaphore, #tpu.memory_space<semaphore_mem>>) src(%arg10 : memref<32x128xf32, #tpu.memory_space<vmem>>) dst(%dma_wait3A_60 : memref<32x128xf32, #tpu.memory_space<vmem_shared>>)
      tpu.yield
    }) : () -> ()
    %barrier3A = arith.constant 0 : index
    tpu.barrier barrier_id(%barrier3A)
    %scan3A_48 = arith.constant 0 : i32
    %scan3A_49 = arith.constant 0 : i32
    %scan3A_50 = arith.constant 2 : i32
    %scan3A_51 = arith.addi %scan3A_49, %scan3A_50 : i32
    %scan3A_52 = arith.constant 1 : i32
    scf.for %scan3A_55 = %scan3A_49 to %scan3A_51 step %scan3A_52  : i32 {
      %mul3A_56 = arith.constant 40 : i32
      %mul3A_57 = arith.muli %scan3A_55, %mul3A_56 : i32
      "tpu.region"() ({
        %run_scoped3A = tpu.sem_alloc : memref<!tpu.dma_semaphore, #tpu.memory_space<semaphore_mem>>
        %dma_start3A_79 = arith.constant 0 : i32
        %dma_start3A_80 = tpu.memref_slice %arg3[%add3A, %mul3A_57, %dma_start3A_79] : memref<32x80x128xi32, #tpu.memory_space<hbm>> -> memref<1x40x128xi32, #tpu.memory_space<hbm>>
        %dma_start3A_81 = tpu.memref_squeeze %dma_start3A_80 : memref<1x40x128xi32, #tpu.memory_space<hbm>> -> memref<40x128xi32, #tpu.memory_space<hbm>>
        %dma_start3A_82 = arith.constant 0 : i32
        %dma_start3A_83 = tpu.memref_slice %arg3[%add3A, %mul3A_57, %dma_start3A_82] : memref<32x80x128xi32, #tpu.memory_space<hbm>> -> memref<1x40x128xi32, #tpu.memory_space<hbm>>
        %dma_start3A_84 = tpu.memref_squeeze %dma_start3A_83 : memref<1x40x128xi32, #tpu.memory_space<hbm>> -> memref<40x128xi32, #tpu.memory_space<hbm>>
        tpu.enqueue_dma source(%dma_start3A_84 : memref<40x128xi32, #tpu.memory_space<hbm>>) target(%arg6 : memref<40x128xi32, #tpu.memory_space<vmem>>) target_semaphore(%run_scoped3A : memref<!tpu.dma_semaphore, #tpu.memory_space<semaphore_mem>>)
        %dma_wait3A = arith.constant 0 : i32
        %dma_wait3A_85 = tpu.memref_slice %arg3[%add3A, %mul3A_57, %dma_wait3A] : memref<32x80x128xi32, #tpu.memory_space<hbm>> -> memref<1x40x128xi32, #tpu.memory_space<hbm>>
        %dma_wait3A_86 = tpu.memref_squeeze %dma_wait3A_85 : memref<1x40x128xi32, #tpu.memory_space<hbm>> -> memref<40x128xi32, #tpu.memory_space<hbm>>
        %dma_wait3A_87 = arith.constant 0 : i32
        %dma_wait3A_88 = tpu.memref_slice %arg3[%add3A, %mul3A_57, %dma_wait3A_87] : memref<32x80x128xi32, #tpu.memory_space<hbm>> -> memref<1x40x128xi32, #tpu.memory_space<hbm>>
        %dma_wait3A_89 = tpu.memref_squeeze %dma_wait3A_88 : memref<1x40x128xi32, #tpu.memory_space<hbm>> -> memref<40x128xi32, #tpu.memory_space<hbm>>
        tpu.wait_dma2 semaphore(%run_scoped3A : memref<!tpu.dma_semaphore, #tpu.memory_space<semaphore_mem>>) src(%dma_wait3A_89 : memref<40x128xi32, #tpu.memory_space<hbm>>) dst(%arg6 : memref<40x128xi32, #tpu.memory_space<vmem>>)
        tpu.yield
      }) : () -> ()
      %mul3A_58 = arith.constant 40 : i32
      %mul3A_59 = arith.muli %scan3A_55, %mul3A_58 : i32
      "tpu.region"() ({
        %run_scoped3A = tpu.sem_alloc : memref<!tpu.dma_semaphore, #tpu.memory_space<semaphore_mem>>
        %dma_start3A_79 = arith.constant 0 : i32
        %dma_start3A_80 = tpu.memref_slice %arg4[%add3A, %mul3A_59, %dma_start3A_79] : memref<32x80x128xi32, #tpu.memory_space<hbm>> -> memref<1x40x128xi32, #tpu.memory_space<hbm>>
        %dma_start3A_81 = tpu.memref_squeeze %dma_start3A_80 : memref<1x40x128xi32, #tpu.memory_space<hbm>> -> memref<40x128xi32, #tpu.memory_space<hbm>>
        %dma_start3A_82 = arith.constant 0 : i32
        %dma_start3A_83 = tpu.memref_slice %arg4[%add3A, %mul3A_59, %dma_start3A_82] : memref<32x80x128xi32, #tpu.memory_space<hbm>> -> memref<1x40x128xi32, #tpu.memory_space<hbm>>
        %dma_start3A_84 = tpu.memref_squeeze %dma_start3A_83 : memref<1x40x128xi32, #tpu.memory_space<hbm>> -> memref<40x128xi32, #tpu.memory_space<hbm>>
        tpu.enqueue_dma source(%dma_start3A_84 : memref<40x128xi32, #tpu.memory_space<hbm>>) target(%arg7 : memref<40x128xi32, #tpu.memory_space<vmem>>) target_semaphore(%run_scoped3A : memref<!tpu.dma_semaphore, #tpu.memory_space<semaphore_mem>>)
        %dma_wait3A = arith.constant 0 : i32
        %dma_wait3A_85 = tpu.memref_slice %arg4[%add3A, %mul3A_59, %dma_wait3A] : memref<32x80x128xi32, #tpu.memory_space<hbm>> -> memref<1x40x128xi32, #tpu.memory_space<hbm>>
        %dma_wait3A_86 = tpu.memref_squeeze %dma_wait3A_85 : memref<1x40x128xi32, #tpu.memory_space<hbm>> -> memref<40x128xi32, #tpu.memory_space<hbm>>
        %dma_wait3A_87 = arith.constant 0 : i32
        %dma_wait3A_88 = tpu.memref_slice %arg4[%add3A, %mul3A_59, %dma_wait3A_87] : memref<32x80x128xi32, #tpu.memory_space<hbm>> -> memref<1x40x128xi32, #tpu.memory_space<hbm>>
        %dma_wait3A_89 = tpu.memref_squeeze %dma_wait3A_88 : memref<1x40x128xi32, #tpu.memory_space<hbm>> -> memref<40x128xi32, #tpu.memory_space<hbm>>
        tpu.wait_dma2 semaphore(%run_scoped3A : memref<!tpu.dma_semaphore, #tpu.memory_space<semaphore_mem>>) src(%dma_wait3A_89 : memref<40x128xi32, #tpu.memory_space<hbm>>) dst(%arg7 : memref<40x128xi32, #tpu.memory_space<vmem>>)
        tpu.yield
      }) : () -> ()
      %dma_start3A = arith.constant 0 : i32
      %dma_start3A_60 = arith.constant 0 : i32
      %dma_start3A_61 = tpu.memref_slice %arg6[%dma_start3A, %dma_start3A_60] : memref<40x128xi32, #tpu.memory_space<vmem>> -> memref<1x128xi32, #tpu.memory_space<vmem>>
      %dma_start3A_62 = tpu.memref_squeeze %dma_start3A_61 : memref<1x128xi32, #tpu.memory_space<vmem>> -> memref<128xi32, #tpu.memory_space<vmem>>
      %dma_start3A_63 = arith.constant 0 : i32
      %dma_start3A_64 = arith.constant 0 : i32
      %dma_start3A_65 = tpu.memref_slice %arg2[%dma_start3A_63, %dma_start3A_64] : memref<10000x128xf32, #tpu.memory_space<hbm>> -> memref<10000x128xf32, #tpu.memory_space<hbm>>
      tpu.enqueue_indirect_dma source(%dma_start3A_65 : memref<10000x128xf32, #tpu.memory_space<hbm>>) target(%arg8 : memref<128x128xf32, #tpu.memory_space<vmem>>) offsets(%dma_start3A_62 : memref<128xi32, #tpu.memory_space<vmem>>) semaphore(%arg12 : memref<!tpu.dma_semaphore, #tpu.memory_space<semaphore_mem>>)
      %dma_start3A_66 = arith.constant 1 : i32
      %dma_start3A_67 = arith.constant 0 : i32
      %dma_start3A_68 = tpu.memref_slice %arg6[%dma_start3A_66, %dma_start3A_67] : memref<40x128xi32, #tpu.memory_space<vmem>> -> memref<1x128xi32, #tpu.memory_space<vmem>>
      %dma_start3A_69 = tpu.memref_squeeze %dma_start3A_68 : memref<1x128xi32, #tpu.memory_space<vmem>> -> memref<128xi32, #tpu.memory_space<vmem>>
      %dma_start3A_70 = arith.constant 0 : i32
      %dma_start3A_71 = arith.constant 0 : i32
      %dma_start3A_72 = tpu.memref_slice %arg2[%dma_start3A_70, %dma_start3A_71] : memref<10000x128xf32, #tpu.memory_space<hbm>> -> memref<10000x128xf32, #tpu.memory_space<hbm>>
      tpu.enqueue_indirect_dma source(%dma_start3A_72 : memref<10000x128xf32, #tpu.memory_space<hbm>>) target(%arg9 : memref<128x128xf32, #tpu.memory_space<vmem>>) offsets(%dma_start3A_69 : memref<128xi32, #tpu.memory_space<vmem>>) semaphore(%arg13 : memref<!tpu.dma_semaphore, #tpu.memory_space<semaphore_mem>>)
      %scan3A_73 = arith.constant 0 : i32
      %scan3A_74 = arith.constant 0 : i32
      %scan3A_75 = arith.constant 20 : i32
      %scan3A_76 = arith.addi %scan3A_74, %scan3A_75 : i32
      %scan3A_77 = arith.constant 1 : i32
      scf.for %scan3A_79 = %scan3A_74 to %scan3A_76 step %scan3A_77  : i32 {
        %mul3A_80 = arith.constant 2 : i32
        %mul3A_81 = arith.muli %mul3A_80, %scan3A_79 : i32
        %dma_wait3A = arith.constant 0 : i32
        %dma_wait3A_82 = arith.constant 0 : i32
        %dma_wait3A_83 = tpu.memref_slice %arg6[%dma_wait3A, %dma_wait3A_82] : memref<40x128xi32, #tpu.memory_space<vmem>> -> memref<1x128xi32, #tpu.memory_space<vmem>>
        %dma_wait3A_84 = tpu.memref_squeeze %dma_wait3A_83 : memref<1x128xi32, #tpu.memory_space<vmem>> -> memref<128xi32, #tpu.memory_space<vmem>>
        %dma_wait3A_85 = arith.constant 0 : i32
        %dma_wait3A_86 = arith.constant 0 : i32
        %dma_wait3A_87 = tpu.memref_slice %arg2[%dma_wait3A_85, %dma_wait3A_86] : memref<10000x128xf32, #tpu.memory_space<hbm>> -> memref<10000x128xf32, #tpu.memory_space<hbm>>
        tpu.wait_indirect_dma semaphore(%arg12 : memref<!tpu.dma_semaphore, #tpu.memory_space<semaphore_mem>>) src(%dma_wait3A_87 : memref<10000x128xf32, #tpu.memory_space<hbm>>) dst(%arg8 : memref<128x128xf32, #tpu.memory_space<vmem>>)
        "tpu.region"() ({
          %run_scoped3A = tpu.sem_alloc : memref<!tpu.dma_semaphore, #tpu.memory_space<semaphore_mem>>
          %dma_start3A_104 = arith.constant 0 : i32
          %dma_start3A_105 = tpu.memref_slice %arg7[%mul3A_81, %dma_start3A_104] : memref<40x128xi32, #tpu.memory_space<vmem>> -> memref<1x128xi32, #tpu.memory_space<vmem>>
          %dma_start3A_106 = tpu.memref_squeeze %dma_start3A_105 : memref<1x128xi32, #tpu.memory_space<vmem>> -> memref<128xi32, #tpu.memory_space<vmem>>
          %dma_start3A_107 = arith.constant 0 : i32
          %dma_start3A_108 = arith.constant 0 : i32
          %dma_start3A_109 = tpu.memref_slice %arg11[%dma_start3A_107, %dma_start3A_108] : memref<10240x128xf32, #tpu.memory_space<vmem_shared>> -> memref<10240x128xf32, #tpu.memory_space<vmem_shared>>
          tpu.enqueue_indirect_dma source(%arg8 : memref<128x128xf32, #tpu.memory_space<vmem>>) target(%dma_start3A_109 : memref<10240x128xf32, #tpu.memory_space<vmem_shared>>) offsets(%dma_start3A_106 : memref<128xi32, #tpu.memory_space<vmem>>) semaphore(%run_scoped3A : memref<!tpu.dma_semaphore, #tpu.memory_space<semaphore_mem>>) {add = true}
          %dma_wait3A_110 = arith.constant 0 : i32
          %dma_wait3A_111 = tpu.memref_slice %arg7[%mul3A_81, %dma_wait3A_110] : memref<40x128xi32, #tpu.memory_space<vmem>> -> memref<1x128xi32, #tpu.memory_space<vmem>>
          %dma_wait3A_112 = tpu.memref_squeeze %dma_wait3A_111 : memref<1x128xi32, #tpu.memory_space<vmem>> -> memref<128xi32, #tpu.memory_space<vmem>>
          %dma_wait3A_113 = arith.constant 0 : i32
          %dma_wait3A_114 = arith.constant 0 : i32
          %dma_wait3A_115 = tpu.memref_slice %arg11[%dma_wait3A_113, %dma_wait3A_114] : memref<10240x128xf32, #tpu.memory_space<vmem_shared>> -> memref<10240x128xf32, #tpu.memory_space<vmem_shared>>
          tpu.wait_indirect_dma semaphore(%run_scoped3A : memref<!tpu.dma_semaphore, #tpu.memory_space<semaphore_mem>>) src(%arg8 : memref<128x128xf32, #tpu.memory_space<vmem>>) dst(%dma_wait3A_115 : memref<10240x128xf32, #tpu.memory_space<vmem_shared>>)
          tpu.yield
        }) : () -> ()
        %lt3A = arith.constant 19 : i32
        %lt3A_88 = arith.cmpi slt, %scan3A_79, %lt3A : i32
        %convert_element_type3A = arith.extui %lt3A_88 : i1 to i32
        %cond3A = arith.constant 0 : i32
        %cond3A_89 = arith.cmpi ne, %convert_element_type3A, %cond3A : i32
        scf.if %cond3A_89 {
          %add3A_104 = arith.constant 2 : i32
          %add3A_105 = arith.addi %mul3A_81, %add3A_104 : i32
          %dma_start3A_106 = arith.constant 0 : i32
          %dma_start3A_107 = tpu.memref_slice %arg6[%add3A_105, %dma_start3A_106] : memref<40x128xi32, #tpu.memory_space<vmem>> -> memref<1x128xi32, #tpu.memory_space<vmem>>
          %dma_start3A_108 = tpu.memref_squeeze %dma_start3A_107 : memref<1x128xi32, #tpu.memory_space<vmem>> -> memref<128xi32, #tpu.memory_space<vmem>>
          %dma_start3A_109 = arith.constant 0 : i32
          %dma_start3A_110 = arith.constant 0 : i32
          %dma_start3A_111 = tpu.memref_slice %arg2[%dma_start3A_109, %dma_start3A_110] : memref<10000x128xf32, #tpu.memory_space<hbm>> -> memref<10000x128xf32, #tpu.memory_space<hbm>>
          tpu.enqueue_indirect_dma source(%dma_start3A_111 : memref<10000x128xf32, #tpu.memory_space<hbm>>) target(%arg8 : memref<128x128xf32, #tpu.memory_space<vmem>>) offsets(%dma_start3A_108 : memref<128xi32, #tpu.memory_space<vmem>>) semaphore(%arg12 : memref<!tpu.dma_semaphore, #tpu.memory_space<semaphore_mem>>)
        } else {
        }
        %dma_wait3A_90 = arith.constant 1 : i32
        %dma_wait3A_91 = arith.constant 0 : i32
        %dma_wait3A_92 = tpu.memref_slice %arg6[%dma_wait3A_90, %dma_wait3A_91] : memref<40x128xi32, #tpu.memory_space<vmem>> -> memref<1x128xi32, #tpu.memory_space<vmem>>
        %dma_wait3A_93 = tpu.memref_squeeze %dma_wait3A_92 : memref<1x128xi32, #tpu.memory_space<vmem>> -> memref<128xi32, #tpu.memory_space<vmem>>
        %dma_wait3A_94 = arith.constant 0 : i32
        %dma_wait3A_95 = arith.constant 0 : i32
        %dma_wait3A_96 = tpu.memref_slice %arg2[%dma_wait3A_94, %dma_wait3A_95] : memref<10000x128xf32, #tpu.memory_space<hbm>> -> memref<10000x128xf32, #tpu.memory_space<hbm>>
        tpu.wait_indirect_dma semaphore(%arg13 : memref<!tpu.dma_semaphore, #tpu.memory_space<semaphore_mem>>) src(%dma_wait3A_96 : memref<10000x128xf32, #tpu.memory_space<hbm>>) dst(%arg9 : memref<128x128xf32, #tpu.memory_space<vmem>>)
        %add3A_97 = arith.constant 1 : i32
        %add3A_98 = arith.addi %mul3A_81, %add3A_97 : i32
        "tpu.region"() ({
          %run_scoped3A = tpu.sem_alloc : memref<!tpu.dma_semaphore, #tpu.memory_space<semaphore_mem>>
          %dma_start3A_104 = arith.constant 0 : i32
          %dma_start3A_105 = tpu.memref_slice %arg7[%add3A_98, %dma_start3A_104] : memref<40x128xi32, #tpu.memory_space<vmem>> -> memref<1x128xi32, #tpu.memory_space<vmem>>
          %dma_start3A_106 = tpu.memref_squeeze %dma_start3A_105 : memref<1x128xi32, #tpu.memory_space<vmem>> -> memref<128xi32, #tpu.memory_space<vmem>>
          %dma_start3A_107 = arith.constant 0 : i32
          %dma_start3A_108 = arith.constant 0 : i32
          %dma_start3A_109 = tpu.memref_slice %arg11[%dma_start3A_107, %dma_start3A_108] : memref<10240x128xf32, #tpu.memory_space<vmem_shared>> -> memref<10240x128xf32, #tpu.memory_space<vmem_shared>>
          tpu.enqueue_indirect_dma source(%arg9 : memref<128x128xf32, #tpu.memory_space<vmem>>) target(%dma_start3A_109 : memref<10240x128xf32, #tpu.memory_space<vmem_shared>>) offsets(%dma_start3A_106 : memref<128xi32, #tpu.memory_space<vmem>>) semaphore(%run_scoped3A : memref<!tpu.dma_semaphore, #tpu.memory_space<semaphore_mem>>) {add = true}
          %dma_wait3A_110 = arith.constant 0 : i32
          %dma_wait3A_111 = tpu.memref_slice %arg7[%add3A_98, %dma_wait3A_110] : memref<40x128xi32, #tpu.memory_space<vmem>> -> memref<1x128xi32, #tpu.memory_space<vmem>>
          %dma_wait3A_112 = tpu.memref_squeeze %dma_wait3A_111 : memref<1x128xi32, #tpu.memory_space<vmem>> -> memref<128xi32, #tpu.memory_space<vmem>>
          %dma_wait3A_113 = arith.constant 0 : i32
          %dma_wait3A_114 = arith.constant 0 : i32
          %dma_wait3A_115 = tpu.memref_slice %arg11[%dma_wait3A_113, %dma_wait3A_114] : memref<10240x128xf32, #tpu.memory_space<vmem_shared>> -> memref<10240x128xf32, #tpu.memory_space<vmem_shared>>
          tpu.wait_indirect_dma semaphore(%run_scoped3A : memref<!tpu.dma_semaphore, #tpu.memory_space<semaphore_mem>>) src(%arg9 : memref<128x128xf32, #tpu.memory_space<vmem>>) dst(%dma_wait3A_115 : memref<10240x128xf32, #tpu.memory_space<vmem_shared>>)
          tpu.yield
        }) : () -> ()
        %lt3A_99 = arith.constant 19 : i32
        %lt3A_100 = arith.cmpi slt, %scan3A_79, %lt3A_99 : i32
        %convert_element_type3A_101 = arith.extui %lt3A_100 : i1 to i32
        %cond3A_102 = arith.constant 0 : i32
        %cond3A_103 = arith.cmpi ne, %convert_element_type3A_101, %cond3A_102 : i32
        scf.if %cond3A_103 {
          %add3A_104 = arith.constant 3 : i32
          %add3A_105 = arith.addi %mul3A_81, %add3A_104 : i32
          %dma_start3A_106 = arith.constant 0 : i32
          %dma_start3A_107 = tpu.memref_slice %arg6[%add3A_105, %dma_start3A_106] : memref<40x128xi32, #tpu.memory_space<vmem>> -> memref<1x128xi32, #tpu.memory_space<vmem>>
          %dma_start3A_108 = tpu.memref_squeeze %dma_start3A_107 : memref<1x128xi32, #tpu.memory_space<vmem>> -> memref<128xi32, #tpu.memory_space<vmem>>
          %dma_start3A_109 = arith.constant 0 : i32
          %dma_start3A_110 = arith.constant 0 : i32
          %dma_start3A_111 = tpu.memref_slice %arg2[%dma_start3A_109, %dma_start3A_110] : memref<10000x128xf32, #tpu.memory_space<hbm>> -> memref<10000x128xf32, #tpu.memory_space<hbm>>
          tpu.enqueue_indirect_dma source(%dma_start3A_111 : memref<10000x128xf32, #tpu.memory_space<hbm>>) target(%arg9 : memref<128x128xf32, #tpu.memory_space<vmem>>) offsets(%dma_start3A_108 : memref<128xi32, #tpu.memory_space<vmem>>) semaphore(%arg13 : memref<!tpu.dma_semaphore, #tpu.memory_space<semaphore_mem>>)
        } else {
        }
      }
      %scan3A_78 = arith.constant 20 : i32
    }
    %scan3A_53 = arith.constant 2 : i32
    %barrier3A_54 = arith.constant 0 : index
    tpu.barrier barrier_id(%barrier3A_54)
    "tpu.region"() ({
      %run_scoped3A = tpu.sem_alloc : memref<!tpu.dma_semaphore, #tpu.memory_space<semaphore_mem>>
      %dma_start3A = arith.constant 0 : i32
      %dma_start3A_55 = tpu.memref_slice %arg5[%arg0, %mul3A_2, %dma_start3A] : memref<2x10240x128xf32, #tpu.memory_space<hbm>> -> memref<1x640x128xf32, #tpu.memory_space<hbm>>
      %dma_start3A_56 = tpu.memref_squeeze %dma_start3A_55 : memref<1x640x128xf32, #tpu.memory_space<hbm>> -> memref<640x128xf32, #tpu.memory_space<hbm>>
      %dma_start3A_57 = arith.constant 0 : i32
      %dma_start3A_58 = tpu.memref_slice %arg11[%mul3A_2, %dma_start3A_57] : memref<10240x128xf32, #tpu.memory_space<vmem_shared>> -> memref<640x128xf32, #tpu.memory_space<vmem_shared>>
      tpu.enqueue_dma source(%dma_start3A_58 : memref<640x128xf32, #tpu.memory_space<vmem_shared>>) target(%dma_start3A_56 : memref<640x128xf32, #tpu.memory_space<hbm>>) target_semaphore(%run_scoped3A : memref<!tpu.dma_semaphore, #tpu.memory_space<semaphore_mem>>)
      %dma_wait3A = arith.constant 0 : i32
      %dma_wait3A_59 = tpu.memref_slice %arg5[%arg0, %mul3A_2, %dma_wait3A] : memref<2x10240x128xf32, #tpu.memory_space<hbm>> -> memref<1x640x128xf32, #tpu.memory_space<hbm>>
      %dma_wait3A_60 = tpu.memref_squeeze %dma_wait3A_59 : memref<1x640x128xf32, #tpu.memory_space<hbm>> -> memref<640x128xf32, #tpu.memory_space<hbm>>
      %dma_wait3A_61 = arith.constant 0 : i32
      %dma_wait3A_62 = tpu.memref_slice %arg11[%mul3A_2, %dma_wait3A_61] : memref<10240x128xf32, #tpu.memory_space<vmem_shared>> -> memref<640x128xf32, #tpu.memory_space<vmem_shared>>
      tpu.wait_dma2 semaphore(%run_scoped3A : memref<!tpu.dma_semaphore, #tpu.memory_space<semaphore_mem>>) src(%dma_wait3A_62 : memref<640x128xf32, #tpu.memory_space<vmem_shared>>) dst(%dma_wait3A_60 : memref<640x128xf32, #tpu.memory_space<hbm>>)
      tpu.yield
    }) : () -> ()
    return
  }
}

module attributes {stable_mosaic.version = 14 : i64} {
  func.func @_mm_scale_body(%arg0: i32, %arg1: memref<1000x128xf32, #tpu.memory_space<vmem>>, %arg2: memref<128x128xf32, #tpu.memory_space<vmem>>, %arg3: memref<2x1000x128xf32, #tpu.memory_space<vmem>>, %arg4: memref<1000x128xf32, #tpu.memory_space<vmem>>, %arg5: memref<1000x1xf32, #tpu.memory_space<vmem>>) attributes {dimension_semantics = [#tpu.dimension_semantics<arbitrary>], iteration_bounds = array<i64: 10>, scalar_prefetch = 0 : i64, scratch_operands = 0 : i64, tpu.core_type = #tpu.core_type<tc>, window_params = [{transform_indices = @transform_0, window_bounds = array<i64: 1000, 128>}, {pipeline_mode = #tpu.pipeline_mode<synchronous>, transform_indices = @transform_1, window_bounds = array<i64: 128, 128>}, {transform_indices = @transform_2, window_bounds = array<i64: 2, 1000, 128>}, {transform_indices = @transform_3, window_bounds = array<i64: 1000, 128>}, {transform_indices = @transform_4, window_bounds = array<i64: 1000, 1>}]} {
    %get3A = arith.constant 0 : index
    %get3A_0 = arith.constant 0 : index
    %get3A_1 = vector.load %arg1[%get3A, %get3A_0] : memref<1000x128xf32, #tpu.memory_space<vmem>>, vector<1000x128xf32>
    %get3A_2 = arith.constant 0 : index
    %get3A_3 = arith.constant 0 : index
    %get3A_4 = vector.load %arg2[%get3A_2, %get3A_3] : memref<128x128xf32, #tpu.memory_space<vmem>>, vector<128x128xf32>
    %dot_general3A = arith.constant dense<0.000000e+00> : vector<1000x128xf32>
    %dot_general3A_5 = tpu.matmul %get3A_1, %get3A_4, %dot_general3A {dimension_numbers = #tpu.dot_dimension_numbers<[1], [0], [0], [1], [0, 0, 1, 1], [], []>, transpose_lhs_hint = false} : vector<1000x128xf32>, vector<128x128xf32>, vector<1000x128xf32> -> vector<1000x128xf32>
    %get3A_6 = arith.constant 0 : index
    %get3A_7 = arith.constant 0 : index
    %get3A_8 = arith.constant 0 : index
    %get3A_9 = vector.load %arg3[%get3A_6, %get3A_7, %get3A_8] : memref<2x1000x128xf32, #tpu.memory_space<vmem>>, vector<1x1000x1xf32>
    %get3A_10 = vector.shape_cast %get3A_9 : vector<1x1000x1xf32> to vector<1000x1xf32>
    %get3A_11 = arith.constant 1 : index
    %get3A_12 = arith.constant 0 : index
    %get3A_13 = arith.constant 0 : index
    %get3A_14 = vector.load %arg3[%get3A_11, %get3A_12, %get3A_13] : memref<2x1000x128xf32, #tpu.memory_space<vmem>>, vector<1x1000x1xf32>
    %get3A_15 = vector.shape_cast %get3A_14 : vector<1x1000x1xf32> to vector<1000x1xf32>
    %add3A = arith.addf %get3A_10, %get3A_15 : vector<1000x1xf32>
    %add3A_16 = arith.constant 1.000000e+00 : f32
    %add3A_17 = vector.broadcast %add3A_16 : f32 to vector<1000x1xf32>
    %add3A_18 = arith.addf %add3A, %add3A_17 : vector<1000x1xf32>
    %rsqrt3A = math.rsqrt %add3A_18 : vector<1000x1xf32>
    %mul3A = vector.broadcast %rsqrt3A : vector<1000x1xf32> to vector<1000x128xf32>
    %mul3A_19 = arith.mulf %dot_general3A_5, %mul3A : vector<1000x128xf32>
    %swap3A = arith.constant 0 : index
    %swap3A_20 = arith.constant 0 : index
    %swap3A_21 = vector.load %arg4[%swap3A, %swap3A_20] : memref<1000x128xf32, #tpu.memory_space<vmem>>, vector<1000x128xf32>
    tpu.vector_store %arg4[%swap3A, %swap3A_20], %mul3A_19 {strides = array<i32>} : memref<1000x128xf32, #tpu.memory_space<vmem>>, vector<1000x128xf32>,
    %swap3A_22 = arith.constant 0 : index
    %swap3A_23 = arith.constant 0 : index
    %swap3A_24 = vector.load %arg5[%swap3A_22, %swap3A_23] : memref<1000x1xf32, #tpu.memory_space<vmem>>, vector<1000x1xf32>
    tpu.vector_store %arg5[%swap3A_22, %swap3A_23], %rsqrt3A {strides = array<i32>} : memref<1000x1xf32, #tpu.memory_space<vmem>>, vector<1000x1xf32>,
    return
  }
  func.func @transform_0(%arg0: i32) -> (i32, i32) {
    %c0_i32 = arith.constant 0 : i32
    %c0_i32_0 = arith.constant 0 : i32
    return %arg0, %c0_i32 : i32, i32
  }
  func.func @transform_1(%arg0: i32) -> (i32, i32) {
    %c0_i32 = arith.constant 0 : i32
    %c0_i32_0 = arith.constant 0 : i32
    %c0_i32_1 = arith.constant 0 : i32
    return %c0_i32, %c0_i32_0 : i32, i32
  }
  func.func @transform_2(%arg0: i32) -> (i32, i32, i32) {
    %c0_i32 = arith.constant 0 : i32
    %c0_i32_0 = arith.constant 0 : i32
    %c0_i32_1 = arith.constant 0 : i32
    return %c0_i32, %arg0, %c0_i32_0 : i32, i32, i32
  }
  func.func @transform_3(%arg0: i32) -> (i32, i32) {
    %c0_i32 = arith.constant 0 : i32
    %c0_i32_0 = arith.constant 0 : i32
    return %arg0, %c0_i32 : i32, i32
  }
  func.func @transform_4(%arg0: i32) -> (i32, i32) {
    %c0_i32 = arith.constant 0 : i32
    %c0_i32_0 = arith.constant 0 : i32
    return %arg0, %c0_i32 : i32, i32
  }
}

module attributes {stable_mosaic.version = 14 : i64} {
  func.func @_mid_body(%arg0: i32, %arg1: memref<2x1000x128xf32, #tpu.memory_space<vmem>>, %arg2: memref<1000x128xf32, #tpu.memory_space<vmem>>, %arg3: memref<1000x1xf32, #tpu.memory_space<vmem>>, %arg4: memref<1x128xf32, #tpu.memory_space<vmem>>, %arg5: memref<128x128xf32, #tpu.memory_space<vmem>>, %arg6: memref<1000x128xf32, #tpu.memory_space<vmem>>) attributes {dimension_semantics = [#tpu.dimension_semantics<arbitrary>], iteration_bounds = array<i64: 10>, scalar_prefetch = 0 : i64, scratch_operands = 0 : i64, tpu.core_type = #tpu.core_type<tc>, window_params = [{transform_indices = @transform_0, window_bounds = array<i64: 2, 1000, 128>}, {transform_indices = @transform_1, window_bounds = array<i64: 1000, 128>}, {transform_indices = @transform_2, window_bounds = array<i64: 1000, 1>}, {pipeline_mode = #tpu.pipeline_mode<synchronous>, transform_indices = @transform_3, window_bounds = array<i64: 1, 128>}, {pipeline_mode = #tpu.pipeline_mode<synchronous>, transform_indices = @transform_4, window_bounds = array<i64: 128, 128>}, {transform_indices = @transform_5, window_bounds = array<i64: 1000, 128>}]} {
    %get3A = arith.constant 0 : index
    %get3A_0 = arith.constant 0 : index
    %get3A_1 = vector.load %arg3[%get3A, %get3A_0] : memref<1000x1xf32, #tpu.memory_space<vmem>>, vector<1000x1xf32>
    %get3A_2 = arith.constant 0 : index
    %get3A_3 = arith.constant 0 : index
    %get3A_4 = arith.constant 0 : index
    %get3A_5 = vector.load %arg1[%get3A_2, %get3A_3, %get3A_4] : memref<2x1000x128xf32, #tpu.memory_space<vmem>>, vector<1x1000x128xf32>
    %get3A_6 = vector.shape_cast %get3A_5 : vector<1x1000x128xf32> to vector<1000x128xf32>
    %get3A_7 = arith.constant 1 : index
    %get3A_8 = arith.constant 0 : index
    %get3A_9 = arith.constant 0 : index
    %get3A_10 = vector.load %arg1[%get3A_7, %get3A_8, %get3A_9] : memref<2x1000x128xf32, #tpu.memory_space<vmem>>, vector<1x1000x128xf32>
    %get3A_11 = vector.shape_cast %get3A_10 : vector<1x1000x128xf32> to vector<1000x128xf32>
    %add3A = arith.addf %get3A_6, %get3A_11 : vector<1000x128xf32>
    %get3A_12 = arith.constant 0 : index
    %get3A_13 = arith.constant 0 : index
    %get3A_14 = vector.load %arg2[%get3A_12, %get3A_13] : memref<1000x128xf32, #tpu.memory_space<vmem>>, vector<1000x128xf32>
    %add3A_15 = arith.addf %add3A, %get3A_14 : vector<1000x128xf32>
    %mul3A = vector.broadcast %get3A_1 : vector<1000x1xf32> to vector<1000x128xf32>
    %mul3A_16 = arith.mulf %add3A_15, %mul3A : vector<1000x128xf32>
    %get3A_17 = arith.constant 0 : index
    %get3A_18 = arith.constant 0 : index
    %get3A_19 = vector.load %arg4[%get3A_17, %get3A_18] : memref<1x128xf32, #tpu.memory_space<vmem>>, vector<1x128xf32>
    %add3A_20 = vector.broadcast %get3A_19 : vector<1x128xf32> to vector<1000x128xf32>
    %add3A_21 = arith.addf %mul3A_16, %add3A_20 : vector<1000x128xf32>
    %max3A = arith.constant 0.000000e+00 : f32
    %max3A_22 = vector.broadcast %max3A : f32 to vector<1000x128xf32>
    %max3A_23 = arith.maximumf %add3A_21, %max3A_22 : vector<1000x128xf32>
    %get3A_24 = arith.constant 0 : index
    %get3A_25 = arith.constant 0 : index
    %get3A_26 = vector.load %arg5[%get3A_24, %get3A_25] : memref<128x128xf32, #tpu.memory_space<vmem>>, vector<128x128xf32>
    %dot_general3A = arith.constant dense<0.000000e+00> : vector<1000x128xf32>
    %dot_general3A_27 = tpu.matmul %max3A_23, %get3A_26, %dot_general3A {dimension_numbers = #tpu.dot_dimension_numbers<[1], [0], [0], [1], [0, 0, 1, 1], [], []>, transpose_lhs_hint = false} : vector<1000x128xf32>, vector<128x128xf32>, vector<1000x128xf32> -> vector<1000x128xf32>
    %mul3A_28 = vector.broadcast %get3A_1 : vector<1000x1xf32> to vector<1000x128xf32>
    %mul3A_29 = arith.mulf %dot_general3A_27, %mul3A_28 : vector<1000x128xf32>
    %swap3A = arith.constant 0 : index
    %swap3A_30 = arith.constant 0 : index
    %swap3A_31 = vector.load %arg6[%swap3A, %swap3A_30] : memref<1000x128xf32, #tpu.memory_space<vmem>>, vector<1000x128xf32>
    tpu.vector_store %arg6[%swap3A, %swap3A_30], %mul3A_29 {strides = array<i32>} : memref<1000x128xf32, #tpu.memory_space<vmem>>, vector<1000x128xf32>,
    return
  }
  func.func @transform_0(%arg0: i32) -> (i32, i32, i32) {
    %c0_i32 = arith.constant 0 : i32
    %c0_i32_0 = arith.constant 0 : i32
    %c0_i32_1 = arith.constant 0 : i32
    return %c0_i32, %arg0, %c0_i32_0 : i32, i32, i32
  }
  func.func @transform_1(%arg0: i32) -> (i32, i32) {
    %c0_i32 = arith.constant 0 : i32
    %c0_i32_0 = arith.constant 0 : i32
    return %arg0, %c0_i32 : i32, i32
  }
  func.func @transform_2(%arg0: i32) -> (i32, i32) {
    %c0_i32 = arith.constant 0 : i32
    %c0_i32_0 = arith.constant 0 : i32
    return %arg0, %c0_i32 : i32, i32
  }
  func.func @transform_3(%arg0: i32) -> (i32, i32) {
    %c0_i32 = arith.constant 0 : i32
    %c0_i32_0 = arith.constant 0 : i32
    %c0_i32_1 = arith.constant 0 : i32
    return %c0_i32, %c0_i32_0 : i32, i32
  }
  func.func @transform_4(%arg0: i32) -> (i32, i32) {
    %c0_i32 = arith.constant 0 : i32
    %c0_i32_0 = arith.constant 0 : i32
    %c0_i32_1 = arith.constant 0 : i32
    return %c0_i32, %c0_i32_0 : i32, i32
  }
  func.func @transform_5(%arg0: i32) -> (i32, i32) {
    %c0_i32 = arith.constant 0 : i32
    %c0_i32_0 = arith.constant 0 : i32
    return %arg0, %c0_i32 : i32, i32
  }
}

module attributes {stable_mosaic.version = 14 : i64} {
  func.func @_out_body(%arg0: i32, %arg1: memref<2x1000x128xf32, #tpu.memory_space<vmem>>, %arg2: memref<1000x128xf32, #tpu.memory_space<vmem>>, %arg3: memref<1000x1xf32, #tpu.memory_space<vmem>>, %arg4: memref<1x128xf32, #tpu.memory_space<vmem>>, %arg5: memref<1000x128xf32, #tpu.memory_space<vmem>>) attributes {dimension_semantics = [#tpu.dimension_semantics<arbitrary>], iteration_bounds = array<i64: 10>, scalar_prefetch = 0 : i64, scratch_operands = 0 : i64, tpu.core_type = #tpu.core_type<tc>, window_params = [{transform_indices = @transform_0, window_bounds = array<i64: 2, 1000, 128>}, {transform_indices = @transform_1, window_bounds = array<i64: 1000, 128>}, {transform_indices = @transform_2, window_bounds = array<i64: 1000, 1>}, {pipeline_mode = #tpu.pipeline_mode<synchronous>, transform_indices = @transform_3, window_bounds = array<i64: 1, 128>}, {transform_indices = @transform_4, window_bounds = array<i64: 1000, 128>}]} {
    %get3A = arith.constant 0 : index
    %get3A_0 = arith.constant 0 : index
    %get3A_1 = vector.load %arg3[%get3A, %get3A_0] : memref<1000x1xf32, #tpu.memory_space<vmem>>, vector<1000x1xf32>
    %get3A_2 = arith.constant 0 : index
    %get3A_3 = arith.constant 0 : index
    %get3A_4 = arith.constant 0 : index
    %get3A_5 = vector.load %arg1[%get3A_2, %get3A_3, %get3A_4] : memref<2x1000x128xf32, #tpu.memory_space<vmem>>, vector<1x1000x128xf32>
    %get3A_6 = vector.shape_cast %get3A_5 : vector<1x1000x128xf32> to vector<1000x128xf32>
    %get3A_7 = arith.constant 1 : index
    %get3A_8 = arith.constant 0 : index
    %get3A_9 = arith.constant 0 : index
    %get3A_10 = vector.load %arg1[%get3A_7, %get3A_8, %get3A_9] : memref<2x1000x128xf32, #tpu.memory_space<vmem>>, vector<1x1000x128xf32>
    %get3A_11 = vector.shape_cast %get3A_10 : vector<1x1000x128xf32> to vector<1000x128xf32>
    %add3A = arith.addf %get3A_6, %get3A_11 : vector<1000x128xf32>
    %get3A_12 = arith.constant 0 : index
    %get3A_13 = arith.constant 0 : index
    %get3A_14 = vector.load %arg2[%get3A_12, %get3A_13] : memref<1000x128xf32, #tpu.memory_space<vmem>>, vector<1000x128xf32>
    %add3A_15 = arith.addf %add3A, %get3A_14 : vector<1000x128xf32>
    %mul3A = vector.broadcast %get3A_1 : vector<1000x1xf32> to vector<1000x128xf32>
    %mul3A_16 = arith.mulf %add3A_15, %mul3A : vector<1000x128xf32>
    %get3A_17 = arith.constant 0 : index
    %get3A_18 = arith.constant 0 : index
    %get3A_19 = vector.load %arg4[%get3A_17, %get3A_18] : memref<1x128xf32, #tpu.memory_space<vmem>>, vector<1x128xf32>
    %add3A_20 = vector.broadcast %get3A_19 : vector<1x128xf32> to vector<1000x128xf32>
    %add3A_21 = arith.addf %mul3A_16, %add3A_20 : vector<1000x128xf32>
    %swap3A = arith.constant 0 : index
    %swap3A_22 = arith.constant 0 : index
    %swap3A_23 = vector.load %arg5[%swap3A, %swap3A_22] : memref<1000x128xf32, #tpu.memory_space<vmem>>, vector<1000x128xf32>
    tpu.vector_store %arg5[%swap3A, %swap3A_22], %add3A_21 {strides = array<i32>} : memref<1000x128xf32, #tpu.memory_space<vmem>>, vector<1000x128xf32>,
    return
  }
  func.func @transform_0(%arg0: i32) -> (i32, i32, i32) {
    %c0_i32 = arith.constant 0 : i32
    %c0_i32_0 = arith.constant 0 : i32
    %c0_i32_1 = arith.constant 0 : i32
    return %c0_i32, %arg0, %c0_i32_0 : i32, i32, i32
  }
  func.func @transform_1(%arg0: i32) -> (i32, i32) {
    %c0_i32 = arith.constant 0 : i32
    %c0_i32_0 = arith.constant 0 : i32
    return %arg0, %c0_i32 : i32, i32
  }
  func.func @transform_2(%arg0: i32) -> (i32, i32) {
    %c0_i32 = arith.constant 0 : i32
    %c0_i32_0 = arith.constant 0 : i32
    return %arg0, %c0_i32 : i32, i32
  }
  func.func @transform_3(%arg0: i32) -> (i32, i32) {
    %c0_i32 = arith.constant 0 : i32
    %c0_i32_0 = arith.constant 0 : i32
    %c0_i32_1 = arith.constant 0 : i32
    return %c0_i32, %c0_i32_0 : i32, i32
  }
  func.func @transform_4(%arg0: i32) -> (i32, i32) {
    %c0_i32 = arith.constant 0 : i32
    %c0_i32_0 = arith.constant 0 : i32
    return %arg0, %c0_i32 : i32, i32
  }
}

</mosaic_0001>

<sc_bundles>
// kernel: kernel.11.cloned.1.call-start
scs
__scs_entry_jumppad:
0x0: {  	(pc) =	sbr.rel $0x88, $3  }
0x1: {  	(tag) =	ssettag $0x0;
	lr =	simm.s32 $0x1  }
0x2: {  	[smem:$0x3F9B] =	sst lr;
	_ =	strace $0xD0000000  }
0x3: {  	_ = 	snop  }
0x4: {  	_ = 	snop  }
0x5: {  	_ = 	snop  }
0x6: {  	_ = 	snop  }
0x7: {  	_ = 	snop  }
__scs_overlays_trampoline_lowered:
0x8: {  	[smem:$0x3FAA] =	sst s0  }
0x9: {  	[smem:$0x3FAB] =	sst s1  }
0xa: {  	[smem:$0x3FAC] =	sst s2  }
0xb: {  	[smem:$0x3FAD] =	sst s3  }
0xc: {  	[smem:$0x3FAE] =	sst s4  }
0xd: {  	[smem:$0x3FAF] =	sst s5  }
0xe: {  	[smem:$0x3FB0] =	sst s6  }
0xf: {  	[smem:$0x3FB1] =	sst s7  }
0x10: {  	[smem:$0x3FB2] =	sst s8  }
0x11: {  	[smem:$0x3FB3] =	sst s9;
	s0 =	simm.s32 @!p0 $0x0  }
0x12: {  	s1 =	sld [smem:$0x3F99];
	s0 =	simm.s32 @p0 $0x1  }
0x13: {  	[smem:$0x3FB4] =	sst s0;
	s0 =	simm.s32 @!p1 $0x0  }
0x14: {  	s2 =	sld [smem:$0x3F98];
	s0 =	simm.s32 @p1 $0x1  }
0x15: {  	[smem:$0x3FB5] =	sst s0;
	s0 =	simm.s32 @!p2 $0x0  }
0x16: {  	s3 =	sld [smem:$0x3FDB];
	s0 =	simm.s32 @p2 $0x1  }
0x17: {  	s4 =	simm.s32 $0x1BF5;
	[smem:$0x3FB7] =	sst s0  }
0x18: {  	s0 =	sld [smem:$0x3F9A];
	_ =	swait.ge [sflag:s4], $0x0  }
0x19: {  	s7 =	sld [smem:$0x3F9B]  }
0x1a: {  	s8 =	sadd.s32 $0xFFFFE003, lr  }
0x1b: {  	s9 =	sadd.s32 $0xFFFFFEF7, lr;
	s5 =	simm.s32 $0xFFFFFFFF;
	p2 =	slt.u32 s8, $0xFFFFF086  }
0x1c: {  	p1 =	slt.u32 s9, $0xF7A;
	s5 =	simm.s32 @!p2 $0x0  }
0x1d: {  	s5 =	simm.s32 @p1 $0x1;
	p0 =	seq.s32 s7, s2  }
0x1e: {  	s7 =	smul.u32 @!p0 $0xF7A, s2;
	p2 =	seq.s32 @!p0 s5, $0x0  }
0x1f: {  	s9 =	smul.u32 $0xF7A, s1;
	s8 =	simm.s32 @!p0 $0x1BF5;
	p2 =	por !p2, p0  }
0x20: {  	[sflag:s8] =	ssyncset.s32 @!p0 $0xFFFFF086;
	s6 =	sadd.s32 @!p0 s3, s7;
	s7 =	simm.s32 @!p0 $0x108  }
0x21: {  	s3 =	sadd.s32 s3, s9;
	s6 =	sadd.s32 @!p0 $0x88, s6;
	s7 =	simm.s32 @p2 $0x1082  }
0x22: {  	[simem:s7], [sflag:s8] =	dma.local @!p0 [hbm:s6], $0xF7A  }
0x23: {  	s9 =	sor.u32 $0xD0000000, s2;
	s6 =	simm.s32 $0x108;
	_ =	swait.ge @!p0 [sflag:s8], $0x0  }
0x24: {  	s3 =	sadd.s32 $0x88, s3;
	s6 =	simm.s32 @!p1 $0x1082;
	[sflag:s4] =	ssyncset.s32 $0xFFFFF086  }
0x25: {  	[simem:s6], [sflag:s4] =	dma.local [hbm:s3], $0xF7A  }
0x26: {  	[smem:$0x3F9B] =	sst s1;
	(tag) =	ssettag s2;
	_ =	strace s9  }
0x27: {  	s1 =	sld [smem:$0x3FAB]  }
0x28: {  	s2 =	sld [smem:$0x3FAC]  }
0x29: {  	s4 =	sld [smem:$0x3FAE]  }
0x2a: {  	p0 =	seq.s32 s5, $0x0;
	s5 =	sld [smem:$0x3FAF]  }
0x2b: {  	s6 =	sld [smem:$0x3FB0]  }
0x2c: {  	s7 =	sld [smem:$0x3FB1]  }
0x2d: {  	s3 =	simm.s32 $0x108;
	s8 =	sld [smem:$0x3FB2]  }
0x2e: {  	s3 =	simm.s32 @!p0 $0x1082;
	s9 =	sld [smem:$0x3FB3]  }
0x2f: {  	lr =	sadd.s32 s0, s3;
	s0 =	sld [smem:$0x3FAA]  }
0x30: {  	s3 =	sld [smem:$0x3FAD]  }
0x31: {  	[smem:$0x3FB6] =	sst s10  }
0x32: {  	s10 =	sld [smem:$0x3FB4];
	_ =	sdelay $0x3  }
0x33: {  	p0 =	seq.s32 s10, $0x1;
	s10 =	sld [smem:$0x3FB6];
	_ =	sdelay $0x3  }
0x34: {  	[smem:$0x3FB6] =	sst s10  }
0x35: {  	s10 =	sld [smem:$0x3FB5];
	_ =	sdelay $0x3  }
0x36: {  	p1 =	seq.s32 s10, $0x1;
	s10 =	sld [smem:$0x3FB6];
	_ =	sdelay $0x3  }
0x37: {  	[smem:$0x3FB6] =	sst s10  }
0x38: {  	s10 =	sld [smem:$0x3FB7]  }
0x39: {  	_ = 	snop;
	(pc) =	sbr.ind lr, $3  }
0x3a: {  	_ = 	snop  }
0x3b: {  	_ = 	snop  }
0x3c: {  	p2 =	seq.s32 s10, $0x1;
	s10 =	sld [smem:$0x3FB6]  }
0x3d: {  	_ =	shalt  }
0x3e: {  	_ =	shalt  }
0x3f: {  	_ =	shalt  }
0x40: {  	_ =	shalt  }
0x41: {  	_ =	shalt  }
0x42: {  	_ =	shalt  }
0x43: {  	_ =	shalt  }
0x44: {  	_ =	shalt  }
0x45: {  	_ =	shalt  }
0x46: {  	_ =	shalt  }
0x47: {  	_ =	shalt  }
0x48: {  	_ =	shalt  }
0x49: {  	_ =	shalt  }
0x4a: {  	_ =	shalt  }
0x4b: {  	_ =	shalt  }
0x4c: {  	_ =	shalt  }
0x4d: {  	_ =	shalt  }
0x4e: {  	_ =	shalt  }
0x4f: {  	_ =	shalt  }
0x50: {  	_ =	shalt  }
0x51: {  	_ =	shalt  }
0x52: {  	_ =	shalt  }
0x53: {  	_ =	shalt  }
0x54: {  	_ =	shalt  }
0x55: {  	_ =	shalt  }
0x56: {  	_ =	shalt  }
0x57: {  	_ =	shalt  }
0x58: {  	_ =	shalt  }
0x59: {  	_ =	shalt  }
0x5a: {  	_ =	shalt  }
0x5b: {  	_ =	shalt  }
0x5c: {  	_ =	shalt  }
0x5d: {  	_ =	shalt  }
0x5e: {  	_ =	shalt  }
0x5f: {  	_ =	shalt  }
0x60: {  	_ =	shalt  }
0x61: {  	_ =	shalt  }
0x62: {  	_ =	shalt  }
0x63: {  	_ =	shalt  }
0x64: {  	_ =	shalt  }
0x65: {  	_ =	shalt  }
0x66: {  	_ =	shalt  }
0x67: {  	_ =	shalt  }
0x68: {  	_ =	shalt  }
0x69: {  	_ =	shalt  }
0x6a: {  	_ =	shalt  }
0x6b: {  	_ =	shalt  }
0x6c: {  	_ =	shalt  }
0x6d: {  	_ =	shalt  }
0x6e: {  	_ =	shalt  }
0x6f: {  	_ =	shalt  }
0x70: {  	_ =	shalt  }
0x71: {  	_ =	shalt  }
0x72: {  	_ =	shalt  }
0x73: {  	_ =	shalt  }
0x74: {  	_ =	shalt  }
0x75: {  	_ =	shalt  }
0x76: {  	_ =	shalt  }
0x77: {  	_ =	shalt  }
0x78: {  	_ =	shalt  }
0x79: {  	_ =	shalt  }
0x7a: {  	_ =	shalt  }
0x7b: {  	_ =	shalt  }
0x7c: {  	_ =	shalt  }
0x7d: {  	_ =	shalt  }
0x7e: {  	_ =	shalt  }
0x7f: {  	_ =	shalt  }
0x80: {  	_ =	shalt  }
0x81: {  	_ =	shalt  }
0x82: {  	_ =	shalt  }
0x83: {  	_ =	shalt  }
0x84: {  	_ =	shalt  }
0x85: {  	_ =	shalt  }
0x86: {  	_ =	shalt  }
0x87: {  	_ =	shalt  }
.Lfunc_end0:
.L_simem_size_0:
called_computation.1_lowered:
.L_overlay_start_0:
0x88: {  	s2 =	sld [smem:$0x3FD9]  }
0x89: {  	s3 =	sld [smem:$0x3FFE];
	_ =	sdelay $0x1  }
0x8a: {  	s1 =	srdreg.scid  }
0x8b: {  	s0 =	sand.u32 $0x1, s1  }
0x8c: {  	s17 =	sshll.u32 s0, $0xA;
	s2 =	sadd.s32 s3, s2  }
0x8d: {  	s2 =	sadd.s32 s2, s17  }
0x8e: {  	[smem:$0x3FC2] =	sst s2  }
0x8f: {  	_ = 	snop  }
0x90: {  	s2 =	sld [smem:$0x3FD0];
	(tm) =	ssettm $0x1  }
0x91: {  	s18 =	sld [smem:$0x3FFB];
	_ =	sdelay $0x3  }
0x92: {  	_ =	strace s18  }
0x93: {  	s3 =	sld [smem:$0x3FFC];
	_ =	sdelay $0x3  }
0x94: {  	_ =	strace s3  }
0x95: {  	s3 =	sld [smem:$0x3FFD];
	_ =	sdelay $0x3  }
0x96: {  	_ =	strace s3  }
0x97: {  	_ =	strace $0x8FFFFFFF  }
0x98: {  	s19 =	sld [smem:$0x3FDB];
	_ =	sdelay $0x1  }
0x99: {  	s4 =	simm.s32 $_scs_section_size  }
0x9a: {  	s5 =	simm.s32 $_size__tile_overlayer_lowered;
	s6 =	simm.s32 $_tile_overlayer_lowered  }
0x9b: {  	s22 =	simm.s32 $0x1BFF;
	s21 =	sshll.u32 s6, $0x1;
	s3 =	sadd.s32 s4, s19  }
0x9c: {  	s7 =	simm.s32 $0x0;
	s20 =	sshll.u32 s5, $0x1;
	s5 =	sadd.s32 s21, s3  }
0x9d: {  	[timem:s7], [sflag:s22] =	dma.local [hbm:s5], s20  }
0x9e: {  	_ =	swait.ge [sflag:s22], s20  }
0x9f: {  	s4 =	ssub.s32 $0x0, s20;
	[sflag:s22] =	ssyncset.done $0x0  }
0xa0: {  	[sflag:s22] =	ssyncadd.s32 s4;
	_ =	sdelay $0x1  }
0xa1: {  	s23 =	simm.s32 $0x1B8B  }
0xa2: {  	_ =	swait.ge [sflag:s23], $0x1  }
0xa3: {  	[sflag:s23] =	ssyncset.done $0x0  }
0xa4: {  	s25 =	simm.s32 $0x1B8E;
	s24 =	sld [smem:$0x3FFE];
	[sflag:s23] =	ssyncadd.s32 $0xFFFFFFFF  }
0xa5: {  	s26 =	simm.s32 $execute0_lowered;
	[smem:$0x3FD2] =	sst s25  }
0xa6: {  	s5 =	sshll.u32 s26, $0x1;
	_ =	strace $0x80000049;
	[dreg:$0x1] =	wrdreg $0xFFFFFFFF  }
0xa7: {  	s28 =	simm.s32 $_size_execute0_lowered;
	s3 =	sadd.s32 s3, s5;
	[dreg:$0x0] =	wrdreg $0x0  }
0xa8: {  	s5 =	sshll.u32 s28, $0x1;
	[dreg:$0x2] =	wrdreg s3  }
0xa9: {  	[dreg:$0x3] =	wrdreg s5  }
0xaa: {  	[dreg:$0x4] =	wrdreg $0xC0  }
0xab: {  	_ =	task [dreg:s7], $0x5FFFF  }
0xac: {  	[dreg:$0x1] =	wrdreg $0xFFFFFFFF  }
0xad: {  	[dreg:$0x0] =	wrdreg $0x60  }
0xae: {  	[dreg:$0x2] =	wrdreg s2  }
0xaf: {  	[dreg:$0x3] =	wrdreg s24  }
0xb0: {  	[dreg:$0x4] =	wrdreg $0xB8000  }
0xb1: {  	[dreg:$0x5] =	wrdreg $0x9  }
0xb2: {  	_ =	task.clear_ibuf [dreg:s7], $0x6FFFF;
	_ =	strace $0x90000049  }
0xb3: {  	s29 =	simm.s32 $0x9;
	_ =	strace $0x8000004B  }
0xb4: {  	_ =	swait.ge [sflag:s29], $0x1  }
0xb5: {  	[sflag:s29] =	ssyncadd.s32 $0xFFFFFFFF  }
0xb6: {  	_ =	strace $0x9000004B  }
0xb7: {  	_ =	sfence  }
0xb8: {  	s30 =	sld [smem:$0x0];
	_ =	sdelay $0x2  }
0xb9: {  	s31 =	sshll.u32 s1, $0xD;
	s1 =	sshrl.u32 s1, $0x2  }
0xba: {  	s3 =	sand.u32 $0x4000, s31;
	s1 =	sadd.s32 s1, s30  }
0xbb: {  	s0 =	sor.u32 s3, s0;
	s1 =	sshll.u32 s1, $0x11  }
0xbc: {  	s0 =	sor.u32 s1, s0  }
0xbd: {  	s0 =	sadd.s32 $0x8F2B, s0  }
0xbe: {  	[sflag:s0] =	ssyncadd.remote.s32 $0x1  }
0xbf: {  	_ =	sfence.sel $0xFFFF  }
0xc0: {  	[dreg:$0x0] =	wrdreg $0xFFFFFFFF;
	(pc) =	sbr.abs _section_cstart, $3  }
0xc1: {  	[dreg:$0x1] =	wrdreg $0xFFFFFFFF  }
0xc2: {  	_ =	task.clear_ibuf [dreg:s7], $0x2FFFF;
	_ =	strace $0x9FFFFFFF  }
0xc3: {  	(tm) =	ssettm $0x7FFFFFFF  }
tec
execute0_lowered:
.L_overlay_start_1:
0x0: {  	(tag) =	ssettag $0x1  }
0x1: {  	s1 =	rddreg [dreg:$0x0]  }
0x2: {  	s0 =	rddreg [dreg:$0x1]  }
0x3: {  	s3 =	srdreg.scid;
	s10 =	stileid.u32  }
0x4: {  	s2 =	rddreg [dreg:$0x2];
	s3 =	sand.u32 $0x1, s3;
	s6 =	smul.u32 $0x14000, s10  }
0x5: {  	s4 =	simm.s32 $0x0;
	s11 =	simm.s32 $0x2;
	s5 =	smul.u32 $0x140000, s3  }
0x6: {  	s12 =	simm.s32 $0x2700;
	s13 =	simm.s32 $0x2780;
	s14 =	smul.u32 $0x50000, s10  }
0x7: {  	[smem:$0x7FF] =	sst s4;
	s7 =	sadd.s32 $0xC800, s0;
	s5 =	sadd.s32 s6, s5  }
0x8: {  	s8 =	sadd.s32 $0x2800, s0;
	s6 =	sshrl.u32 s14, $0x2;
	s5 =	sshrl.u32 s5, $0x3  }
0x9: {  	s10 =	sshll.u32 s10, $0x1;
	s0 =	sadd.s32 s5, s0;
	s5 =	sadd.s32 s6, s2  }
0xa: {  	_ =	strace $0x8000004A;
	s9 =	ssub.s32 $0x2, s3;
	s6 =	sadd.s32 $0x1000, s5  }
0xb: {  	s3 =	sor.u32 s3, s10;
	s16 =	sadd.s32 $0x2000, s5;
	[dreg:$0x4] =	wrdreg s6  }
0xc: {  	s10 =	simm.s32 $0x1;
	s17 =	sadd.s32 $0x3000, s5;
	[dreg:$0x5] =	wrdreg s16  }
0xd: {  	s15 =	sshrl.u32 s9, $0x1;
	s18 =	sadd.s32 $0x4000, s5;
	[dreg:$0x6] =	wrdreg s17  }
0xe: {  	s3 =	smul.u32 $0x2800, s3;
	s19 =	sadd.s32 $0x5000, s5;
	[dreg:$0x7] =	wrdreg s18  }
0xf: {  	s9 =	ssub.s32 s9, s15;
	s20 =	sadd.s32 $0x6000, s5;
	[dreg:$0x8] =	wrdreg s19  }
0x10: {  	s3 =	sshrl.u32 s3, $0x3;
	s21 =	sadd.s32 $0x7000, s5;
	[dreg:$0x9] =	wrdreg s20  }
0x11: {  	s26 =	sadd.s32 $0x280, s3;
	s22 =	sadd.s32 $0x8000, s5;
	[dreg:$0xa] =	wrdreg s21  }
0x12: {  	s23 =	sadd.s32 $0x9000, s5;
	s24 =	sadd.s32 $0xA000, s5;
	[dreg:$0xb] =	wrdreg s22  }
0x13: {  	s25 =	sadd.s32 $0xB000, s5;
	s28 =	sadd.s32 $0x10000, s5;
	[dreg:$0xc] =	wrdreg s23  }
0x14: {  	s29 =	sadd.s32 $0x11000, s5;
	s30 =	sadd.s32 $0x12000, s5;
	[dreg:$0xd] =	wrdreg s24  }
0x15: {  	s31 =	sadd.s32 $0x13000, s5;
	[dreg:$0xe] =	wrdreg s25;
	s17 =	sadd.s32 $0xC000, s5  }
0x16: {  	s18 =	sadd.s32 $0xD000, s5;
	s19 =	sadd.s32 s7, s3;
	s20 =	sadd.s32 s8, s3  }
0x17: {  	s21 =	sadd.s32 s7, s26;
	s22 =	sadd.s32 s8, s26;
	s23 =	sadd.s32 $0xE000, s5  }
0x18: {  	s24 =	sadd.s32 $0x16800, s0;
	s25 =	smax.u32 s9, $0x1;
	s26 =	sadd.s32 $0xF000, s5  }
0x19: {  	s0 =	simm.s32 $0xA800;
	s3 =	simm.s32 $0x3;
	s6 =	simm.s32 $0x1400  }
0x1a: {  	v0 =	vimm.f32 $0.0e+00;
	s7 =	simm.s32 $0x80;
	s8 =	simm.s32 $0x2800;
	s9 =	simm.s32 $0x6800  }
.LBB2_1:
0x1b: {  	s14 =	simm.s32 $0x0;
	s15 =	simm.s32 $0x200  }
.LBB2_2:
0x1c: {  	p0 =	sne.s32 s15, $0x3E00;
	[tilespmem:s14+$0xA870] =	vst v0  }
0x1d: {  	[tilespmem:s14+$0xA800] =	vst v0  }
0x1e: {  	[tilespmem:s14+$0xA810] =	vst v0  }
.Ltmp0:
0x1f: {  	[tilespmem:s14+$0xA820] =	vst v0;
	(pc) =	sbr.rel @p0 .LBB2_2-.Ltmp0, $4  }
0x20: {  	[tilespmem:s14+$0xA830] =	vst v0  }
0x21: {  	[tilespmem:s14+$0xA840] =	vst v0  }
0x22: {  	[tilespmem:s14+$0xA850] =	vst v0  }
0x23: {  	[tilespmem:s14+$0xA860] =	vst v0;
	s14 =	sshra.s32 s15, $0x2;
	s15 =	sadd.s32 $0x200, s15  }
0x24: {  	[tilespmem:s14+$0xA870] =	vst v0  }
0x25: {  	[tilespmem:s14+$0xA800] =	vst v0  }
0x26: {  	[tilespmem:s14+$0xA810] =	vst v0  }
0x27: {  	[tilespmem:s14+$0xA820] =	vst v0  }
0x28: {  	[tilespmem:s14+$0xA830] =	vst v0  }
0x29: {  	[tilespmem:s14+$0xA840] =	vst v0  }
0x2a: {  	[tilespmem:s14+$0xA850] =	vst v0  }
0x2b: {  	[tilespmem:s14+$0xA860] =	vst v0  }
0x2c: {  	[spmem:s5] =	stream.linear.scatter [tilespmem:s0], [sflag:$0x3], $0x1000, $0x38;
	[tilespmem:$0x1F800] =	vst v63  }
0x2d: {  	_ =	swait.ge [sflag:s3], $0x1000  }
0x2e: {  	[sflag:s3] =	ssyncset.done $0x0  }
0x2f: {  	s16 =	rddreg [dreg:$0x4];
	[sflag:s3] =	ssyncadd.s32 $0xFFFFF000  }
0x30: {  	[spmem:s16] =	stream.linear.scatter [tilespmem:s0], [sflag:$0x3], $0x1000, $0x38;
	[tilespmem:$0x1F800] =	vst v63  }
0x31: {  	_ =	swait.ge [sflag:s3], $0x1000  }
0x32: {  	[sflag:s3] =	ssyncset.done $0x0  }
0x33: {  	s15 =	rddreg [dreg:$0x5];
	[sflag:s3] =	ssyncadd.s32 $0xFFFFF000  }
0x34: {  	[spmem:s15] =	stream.linear.scatter [tilespmem:s0], [sflag:$0x3], $0x1000, $0x38;
	[tilespmem:$0x1F800] =	vst v63  }
0x35: {  	_ =	swait.ge [sflag:s3], $0x1000  }
0x36: {  	[sflag:s3] =	ssyncset.done $0x0  }
0x37: {  	s16 =	rddreg [dreg:$0x6];
	[sflag:s3] =	ssyncadd.s32 $0xFFFFF000  }
0x38: {  	[spmem:s16] =	stream.linear.scatter [tilespmem:s0], [sflag:$0x3], $0x1000, $0x38;
	[tilespmem:$0x1F800] =	vst v63  }
0x39: {  	_ =	swait.ge [sflag:s3], $0x1000  }
0x3a: {  	[sflag:s3] =	ssyncset.done $0x0  }
0x3b: {  	s15 =	rddreg [dreg:$0x7];
	[sflag:s3] =	ssyncadd.s32 $0xFFFFF000  }
0x3c: {  	[spmem:s15] =	stream.linear.scatter [tilespmem:s0], [sflag:$0x3], $0x1000, $0x38;
	[tilespmem:$0x1F800] =	vst v63  }
0x3d: {  	_ =	swait.ge [sflag:s3], $0x1000  }
0x3e: {  	[sflag:s3] =	ssyncset.done $0x0  }
0x3f: {  	s16 =	rddreg [dreg:$0x8];
	[sflag:s3] =	ssyncadd.s32 $0xFFFFF000  }
0x40: {  	[spmem:s16] =	stream.linear.scatter [tilespmem:s0], [sflag:$0x3], $0x1000, $0x38;
	[tilespmem:$0x1F800] =	vst v63  }
0x41: {  	_ =	swait.ge [sflag:s3], $0x1000  }
0x42: {  	[sflag:s3] =	ssyncset.done $0x0  }
0x43: {  	s15 =	rddreg [dreg:$0x9];
	[sflag:s3] =	ssyncadd.s32 $0xFFFFF000  }
0x44: {  	[spmem:s15] =	stream.linear.scatter [tilespmem:s0], [sflag:$0x3], $0x1000, $0x38;
	[tilespmem:$0x1F800] =	vst v63  }
0x45: {  	_ =	swait.ge [sflag:s3], $0x1000  }
0x46: {  	[sflag:s3] =	ssyncset.done $0x0  }
0x47: {  	s16 =	rddreg [dreg:$0xa];
	[sflag:s3] =	ssyncadd.s32 $0xFFFFF000  }
0x48: {  	[spmem:s16] =	stream.linear.scatter [tilespmem:s0], [sflag:$0x3], $0x1000, $0x38;
	[tilespmem:$0x1F800] =	vst v63  }
0x49: {  	_ =	swait.ge [sflag:s3], $0x1000  }
0x4a: {  	[sflag:s3] =	ssyncset.done $0x0  }
0x4b: {  	s15 =	rddreg [dreg:$0xb];
	[sflag:s3] =	ssyncadd.s32 $0xFFFFF000  }
0x4c: {  	[spmem:s15] =	stream.linear.scatter [tilespmem:s0], [sflag:$0x3], $0x1000, $0x38;
	[tilespmem:$0x1F800] =	vst v63  }
0x4d: {  	_ =	swait.ge [sflag:s3], $0x1000  }
0x4e: {  	[sflag:s3] =	ssyncset.done $0x0  }
0x4f: {  	s16 =	rddreg [dreg:$0xc];
	[sflag:s3] =	ssyncadd.s32 $0xFFFFF000  }
0x50: {  	[spmem:s16] =	stream.linear.scatter [tilespmem:s0], [sflag:$0x3], $0x1000, $0x38;
	[tilespmem:$0x1F800] =	vst v63  }
0x51: {  	_ =	swait.ge [sflag:s3], $0x1000  }
0x52: {  	[sflag:s3] =	ssyncset.done $0x0  }
0x53: {  	s15 =	rddreg [dreg:$0xd];
	[sflag:s3] =	ssyncadd.s32 $0xFFFFF000  }
0x54: {  	[spmem:s15] =	stream.linear.scatter [tilespmem:s0], [sflag:$0x3], $0x1000, $0x38;
	[tilespmem:$0x1F800] =	vst v63  }
0x55: {  	_ =	swait.ge [sflag:s3], $0x1000  }
0x56: {  	[sflag:s3] =	ssyncset.done $0x0  }
0x57: {  	s16 =	rddreg [dreg:$0xe];
	[sflag:s3] =	ssyncadd.s32 $0xFFFFF000  }
0x58: {  	[spmem:s16] =	stream.linear.scatter [tilespmem:s0], [sflag:$0x3], $0x1000, $0x38;
	[tilespmem:$0x1F800] =	vst v63  }
0x59: {  	_ =	swait.ge [sflag:s3], $0x1000  }
0x5a: {  	[sflag:s3] =	ssyncset.done $0x0  }
0x5b: {  	[sflag:s3] =	ssyncadd.s32 $0xFFFFF000  }
0x5c: {  	[spmem:s17] =	stream.linear.scatter [tilespmem:s0], [sflag:$0x3], $0x1000, $0x38;
	[tilespmem:$0x1F800] =	vst v63  }
0x5d: {  	_ =	swait.ge [sflag:s3], $0x1000  }
0x5e: {  	[sflag:s3] =	ssyncset.done $0x0  }
0x5f: {  	[sflag:s3] =	ssyncadd.s32 $0xFFFFF000  }
0x60: {  	[spmem:s18] =	stream.linear.scatter [tilespmem:s0], [sflag:$0x3], $0x1000, $0x38;
	[tilespmem:$0x1F800] =	vst v63  }
0x61: {  	_ =	swait.ge [sflag:s3], $0x1000  }
0x62: {  	[sflag:s3] =	ssyncset.done $0x0  }
0x63: {  	[sflag:s3] =	ssyncadd.s32 $0xFFFFF000  }
0x64: {  	[spmem:s23] =	stream.linear.scatter [tilespmem:s0], [sflag:$0x3], $0x1000, $0x38;
	[tilespmem:$0x1F800] =	vst v63  }
0x65: {  	_ =	swait.ge [sflag:s3], $0x1000  }
0x66: {  	[sflag:s3] =	ssyncset.done $0x0  }
0x67: {  	[sflag:s3] =	ssyncadd.s32 $0xFFFFF000  }
0x68: {  	[spmem:s26] =	stream.linear.scatter [tilespmem:s0], [sflag:$0x3], $0x1000, $0x38;
	[tilespmem:$0x1F800] =	vst v63  }
0x69: {  	_ =	swait.ge [sflag:s3], $0x1000  }
0x6a: {  	[sflag:s3] =	ssyncset.done $0x0  }
0x6b: {  	[sflag:s3] =	ssyncadd.s32 $0xFFFFF000  }
0x6c: {  	[spmem:s28] =	stream.linear.scatter [tilespmem:s0], [sflag:$0x3], $0x1000, $0x38;
	[tilespmem:$0x1F800] =	vst v63  }
0x6d: {  	_ =	swait.ge [sflag:s3], $0x1000  }
0x6e: {  	[sflag:s3] =	ssyncset.done $0x0  }
0x6f: {  	[sflag:s3] =	ssyncadd.s32 $0xFFFFF000  }
0x70: {  	[spmem:s29] =	stream.linear.scatter [tilespmem:s0], [sflag:$0x3], $0x1000, $0x38;
	[tilespmem:$0x1F800] =	vst v63  }
0x71: {  	_ =	swait.ge [sflag:s3], $0x1000  }
0x72: {  	[sflag:s3] =	ssyncset.done $0x0  }
0x73: {  	[sflag:s3] =	ssyncadd.s32 $0xFFFFF000  }
0x74: {  	[spmem:s30] =	stream.linear.scatter [tilespmem:s0], [sflag:$0x3], $0x1000, $0x38;
	[tilespmem:$0x1F800] =	vst v63  }
0x75: {  	_ =	swait.ge [sflag:s3], $0x1000  }
0x76: {  	[sflag:s3] =	ssyncset.done $0x0  }
0x77: {  	[sflag:s3] =	ssyncadd.s32 $0xFFFFF000  }
0x78: {  	[spmem:s31] =	stream.linear.scatter [tilespmem:s0], [sflag:$0x3], $0x1000, $0x38;
	[tilespmem:$0x1F800] =	vst v63  }
0x79: {  	_ =	swait.ge [sflag:s3], $0x1000  }
0x7a: {  	[sflag:s3] =	ssyncset.done $0x0  }
0x7b: {  	[sflag:s3] =	ssyncadd.s32 $0xFFFFF000  }
0x7c: {  	s15 =	simm.s32 $0x0;
	[bflag:$0x0] =	sbarrier.arrive $0xFFFF  }
0x7d: {  	[tilespmem:s15], [sflag:$0x3] =	stream.linear.gather [hbm4b:s19+s15], $0x1400, $0x38;
	[tilespmem:$0x1F800] =	vst v63  }
0x7e: {  	_ =	swait.ge [sflag:s3], $0x1400  }
0x7f: {  	[sflag:s3] =	ssyncset.done $0x0  }
0x80: {  	[sflag:s3] =	ssyncadd.s32 $0xFFFFEC00  }
0x81: {  	[tilespmem:s6], [sflag:$0x3] =	stream.linear.gather [hbm4b:s20+s15], $0x1400, $0x38;
	[tilespmem:$0x1F800] =	vst v63  }
0x82: {  	_ =	swait.ge [sflag:s3], $0x1400  }
0x83: {  	[sflag:s3] =	ssyncset.done $0x0  }
0x84: {  	[sflag:s3] =	ssyncadd.s32 $0xFFFFEC00  }
0x85: {  	[tilespmem:s8], [sflag:$0x1] =	stream.indirect.gather [hbm4b:s1+s7], $0x80, s15, s7, $0xb8;
	[tilespmem:$0x1F800] =	vst v63  }
0x86: {  	_ = 	snop  }
0x87: {  	[tilespmem:s9], [sflag:$0x2] =	stream.indirect.gather [hbm4b:s1+s7], $0x80, s7, s7, $0xb8;
	[tilespmem:$0x1F800] =	vst v63  }
0x88: {  	_ =	swait.ge [sflag:s10], $0x4000  }
0x89: {  	[sflag:s10] =	ssyncset.done $0x0  }
0x8a: {  	s16 =	simm.s32 $0x1400;
	[sflag:s10] =	ssyncadd.s32 $0xFFFFC000  }
0x8b: {  	[spmem:s2] =	stream.indirect.scatter.add.f32 [tilespmem:s8], [sflag:$0x3], $0x80, s16, s7, $0xb8;
	[tilespmem:$0x1F800] =	vst v63  }
0x8c: {  	_ =	swait.ge [sflag:s3], $0x4000  }
0x8d: {  	[sflag:s3] =	ssyncset.done $0x0  }
0x8e: {  	s15 =	simm.s32 $0x100;
	[sflag:s3] =	ssyncadd.s32 $0xFFFFC000  }
0x8f: {  	[tilespmem:s8], [sflag:$0x1] =	stream.indirect.gather [hbm4b:s1+s7], $0x80, s15, s7, $0xb8;
	[tilespmem:$0x1F800] =	vst v63  }
0x90: {  	_ =	swait.ge [sflag:s11], $0x4000  }
0x91: {  	[sflag:s11] =	ssyncset.done $0x0  }
0x92: {  	s16 =	simm.s32 $0x1480;
	[sflag:s11] =	ssyncadd.s32 $0xFFFFC000  }
0x93: {  	[spmem:s2] =	stream.indirect.scatter.add.f32 [tilespmem:s9], [sflag:$0x3], $0x80, s16, s7, $0xb8;
	[tilespmem:$0x1F800] =	vst v63  }
0x94: {  	_ =	swait.ge [sflag:s3], $0x4000  }
0x95: {  	[sflag:s3] =	ssyncset.done $0x0  }
0x96: {  	s14 =	simm.s32 $0x400;
	s15 =	simm.s32 $0x180;
	[sflag:s3] =	ssyncadd.s32 $0xFFFFC000  }
.LBB2_4:
0x97: {  	[tilespmem:s9], [sflag:$0x2] =	stream.indirect.gather [hbm4b:s1+s7], $0x80, s15, s7, $0xb8;
	[tilespmem:$0x1F800] =	vst v63  }
0x98: {  	s15 =	smov.u32 s14  }
0x99: {  	p0 =	sne.s32 s14, $0x4800;
	s14 =	sadd.s32 $0x400, s14;
	_ =	swait.ge [sflag:s10], $0x4000  }
0x9a: {  	s15 =	sshra.s32 s15, $0x2;
	[sflag:s10] =	ssyncset.done $0x0  }
0x9b: {  	s16 =	sadd.s32 $0x1400, s15;
	[sflag:s10] =	ssyncadd.s32 $0xFFFFC000  }
0x9c: {  	[spmem:s2] =	stream.indirect.scatter.add.f32 [tilespmem:s8], [sflag:$0x3], $0x80, s16, s7, $0xb8;
	[tilespmem:$0x1F800] =	vst v63  }
0x9d: {  	_ =	swait.ge [sflag:s3], $0x4000  }
0x9e: {  	[sflag:s3] =	ssyncset.done $0x0  }
0x9f: {  	s16 =	sadd.s32 $0x100, s15;
	[sflag:s3] =	ssyncadd.s32 $0xFFFFC000  }
0xa0: {  	[tilespmem:s8], [sflag:$0x1] =	stream.indirect.gather [hbm4b:s1+s7], $0x80, s16, s7, $0xb8;
	[tilespmem:$0x1F800] =	vst v63  }
0xa1: {  	_ =	swait.ge [sflag:s11], $0x4000  }
0xa2: {  	[sflag:s11] =	ssyncset.done $0x0  }
.Ltmp1:
0xa3: {  	s16 =	sadd.s32 $0x1480, s15;
	[sflag:s11] =	ssyncadd.s32 $0xFFFFC000;
	(pc) =	sbr.rel @p0 .LBB2_4-.Ltmp1, $4  }
0xa4: {  	[spmem:s2] =	stream.indirect.scatter.add.f32 [tilespmem:s9], [sflag:$0x3], $0x80, s16, s7, $0xb8;
	[tilespmem:$0x1F800] =	vst v63  }
0xa5: {  	_ =	swait.ge [sflag:s3], $0x4000  }
0xa6: {  	[sflag:s3] =	ssyncset.done $0x0  }
0xa7: {  	s15 =	sadd.s32 $0x180, s15;
	[sflag:s3] =	ssyncadd.s32 $0xFFFFC000  }
0xa8: {  	[tilespmem:s9], [sflag:$0x2] =	stream.indirect.gather [hbm4b:s1+s7], $0x80, s15, s7, $0xb8;
	[tilespmem:$0x1F800] =	vst v63  }
0xa9: {  	_ =	swait.ge [sflag:s10], $0x4000  }
0xaa: {  	[sflag:s10] =	ssyncset.done $0x0  }
0xab: {  	[sflag:s10] =	ssyncadd.s32 $0xFFFFC000  }
0xac: {  	[spmem:s2] =	stream.indirect.scatter.add.f32 [tilespmem:s8], [sflag:$0x3], $0x80, s12, s7, $0xb8;
	[tilespmem:$0x1F800] =	vst v63  }
0xad: {  	_ =	swait.ge [sflag:s3], $0x4000  }
0xae: {  	[sflag:s3] =	ssyncset.done $0x0  }
0xaf: {  	[sflag:s3] =	ssyncadd.s32 $0xFFFFC000  }
0xb0: {  	_ =	swait.ge [sflag:s11], $0x4000  }
0xb1: {  	[sflag:s11] =	ssyncset.done $0x0  }
0xb2: {  	[sflag:s11] =	ssyncadd.s32 $0xFFFFC000  }
0xb3: {  	[spmem:s2] =	stream.indirect.scatter.add.f32 [tilespmem:s9], [sflag:$0x3], $0x80, s13, s7, $0xb8;
	[tilespmem:$0x1F800] =	vst v63  }
0xb4: {  	_ =	swait.ge [sflag:s3], $0x4000  }
0xb5: {  	[sflag:s3] =	ssyncset.done $0x0  }
0xb6: {  	s14 =	simm.s32 $0x0;
	[sflag:s3] =	ssyncadd.s32 $0xFFFFC000  }
0xb7: {  	[tilespmem:s14], [sflag:$0x3] =	stream.linear.gather [hbm4b:s21+s14], $0x1400, $0x38;
	[tilespmem:$0x1F800] =	vst v63  }
0xb8: {  	_ =	swait.ge [sflag:s3], $0x1400  }
0xb9: {  	[sflag:s3] =	ssyncset.done $0x0  }
0xba: {  	[sflag:s3] =	ssyncadd.s32 $0xFFFFEC00  }
0xbb: {  	[tilespmem:s6], [sflag:$0x3] =	stream.linear.gather [hbm4b:s22+s14], $0x1400, $0x38;
	[tilespmem:$0x1F800] =	vst v63  }
0xbc: {  	_ =	swait.ge [sflag:s3], $0x1400  }
0xbd: {  	[sflag:s3] =	ssyncset.done $0x0  }
0xbe: {  	[sflag:s3] =	ssyncadd.s32 $0xFFFFEC00  }
0xbf: {  	[tilespmem:s8], [sflag:$0x1] =	stream.indirect.gather [hbm4b:s1+s7], $0x80, s14, s7, $0xb8;
	[tilespmem:$0x1F800] =	vst v63  }
0xc0: {  	_ = 	snop  }
0xc1: {  	[tilespmem:s9], [sflag:$0x2] =	stream.indirect.gather [hbm4b:s1+s7], $0x80, s7, s7, $0xb8;
	[tilespmem:$0x1F800] =	vst v63  }
0xc2: {  	_ =	swait.ge [sflag:s10], $0x4000  }
0xc3: {  	[sflag:s10] =	ssyncset.done $0x0  }
0xc4: {  	s16 =	simm.s32 $0x1400;
	[sflag:s10] =	ssyncadd.s32 $0xFFFFC000  }
0xc5: {  	[spmem:s2] =	stream.indirect.scatter.add.f32 [tilespmem:s8], [sflag:$0x3], $0x80, s16, s7, $0xb8;
	[tilespmem:$0x1F800] =	vst v63  }
0xc6: {  	_ =	swait.ge [sflag:s3], $0x4000  }
0xc7: {  	[sflag:s3] =	ssyncset.done $0x0  }
0xc8: {  	s15 =	simm.s32 $0x100;
	[sflag:s3] =	ssyncadd.s32 $0xFFFFC000  }
0xc9: {  	[tilespmem:s8], [sflag:$0x1] =	stream.indirect.gather [hbm4b:s1+s7], $0x80, s15, s7, $0xb8;
	[tilespmem:$0x1F800] =	vst v63  }
0xca: {  	_ =	swait.ge [sflag:s11], $0x4000  }
0xcb: {  	[sflag:s11] =	ssyncset.done $0x0  }
0xcc: {  	s16 =	simm.s32 $0x1480;
	[sflag:s11] =	ssyncadd.s32 $0xFFFFC000  }
0xcd: {  	[spmem:s2] =	stream.indirect.scatter.add.f32 [tilespmem:s9], [sflag:$0x3], $0x80, s16, s7, $0xb8;
	[tilespmem:$0x1F800] =	vst v63  }
0xce: {  	_ =	swait.ge [sflag:s3], $0x4000  }
0xcf: {  	[sflag:s3] =	ssyncset.done $0x0  }
0xd0: {  	s14 =	simm.s32 $0x400;
	s15 =	simm.s32 $0x180;
	[sflag:s3] =	ssyncadd.s32 $0xFFFFC000  }
.LBB2_6:
0xd1: {  	[tilespmem:s9], [sflag:$0x2] =	stream.indirect.gather [hbm4b:s1+s7], $0x80, s15, s7, $0xb8;
	[tilespmem:$0x1F800] =	vst v63  }
0xd2: {  	s15 =	smov.u32 s14  }
0xd3: {  	p0 =	sne.s32 s14, $0x4800;
	s14 =	sadd.s32 $0x400, s14;
	_ =	swait.ge [sflag:s10], $0x4000  }
0xd4: {  	s15 =	sshra.s32 s15, $0x2;
	[sflag:s10] =	ssyncset.done $0x0  }
0xd5: {  	s16 =	sadd.s32 $0x1400, s15;
	[sflag:s10] =	ssyncadd.s32 $0xFFFFC000  }
0xd6: {  	[spmem:s2] =	stream.indirect.scatter.add.f32 [tilespmem:s8], [sflag:$0x3], $0x80, s16, s7, $0xb8;
	[tilespmem:$0x1F800] =	vst v63  }
0xd7: {  	_ =	swait.ge [sflag:s3], $0x4000  }
0xd8: {  	[sflag:s3] =	ssyncset.done $0x0  }
0xd9: {  	s16 =	sadd.s32 $0x100, s15;
	[sflag:s3] =	ssyncadd.s32 $0xFFFFC000  }
0xda: {  	[tilespmem:s8], [sflag:$0x1] =	stream.indirect.gather [hbm4b:s1+s7], $0x80, s16, s7, $0xb8;
	[tilespmem:$0x1F800] =	vst v63  }
0xdb: {  	_ =	swait.ge [sflag:s11], $0x4000  }
0xdc: {  	[sflag:s11] =	ssyncset.done $0x0  }
.Ltmp2:
0xdd: {  	s16 =	sadd.s32 $0x1480, s15;
	[sflag:s11] =	ssyncadd.s32 $0xFFFFC000;
	(pc) =	sbr.rel @p0 .LBB2_6-.Ltmp2, $4  }
0xde: {  	[spmem:s2] =	stream.indirect.scatter.add.f32 [tilespmem:s9], [sflag:$0x3], $0x80, s16, s7, $0xb8;
	[tilespmem:$0x1F800] =	vst v63  }
0xdf: {  	_ =	swait.ge [sflag:s3], $0x4000  }
0xe0: {  	[sflag:s3] =	ssyncset.done $0x0  }
0xe1: {  	s15 =	sadd.s32 $0x180, s15;
	[sflag:s3] =	ssyncadd.s32 $0xFFFFC000  }
0xe2: {  	[tilespmem:s9], [sflag:$0x2] =	stream.indirect.gather [hbm4b:s1+s7], $0x80, s15, s7, $0xb8;
	[tilespmem:$0x1F800] =	vst v63  }
0xe3: {  	_ =	swait.ge [sflag:s10], $0x4000  }
0xe4: {  	[sflag:s10] =	ssyncset.done $0x0  }
0xe5: {  	[sflag:s10] =	ssyncadd.s32 $0xFFFFC000  }
0xe6: {  	[spmem:s2] =	stream.indirect.scatter.add.f32 [tilespmem:s8], [sflag:$0x3], $0x80, s12, s7, $0xb8;
	[tilespmem:$0x1F800] =	vst v63  }
0xe7: {  	_ =	swait.ge [sflag:s3], $0x4000  }
0xe8: {  	[sflag:s3] =	ssyncset.done $0x0  }
0xe9: {  	[sflag:s3] =	ssyncadd.s32 $0xFFFFC000  }
0xea: {  	_ =	swait.ge [sflag:s11], $0x4000  }
0xeb: {  	[sflag:s11] =	ssyncset.done $0x0  }
0xec: {  	[sflag:s11] =	ssyncadd.s32 $0xFFFFC000  }
0xed: {  	[spmem:s2] =	stream.indirect.scatter.add.f32 [tilespmem:s9], [sflag:$0x3], $0x80, s13, s7, $0xb8;
	[tilespmem:$0x1F800] =	vst v63  }
0xee: {  	s14 =	stileid.u32;
	_ =	swait.ge [sflag:s3], $0x4000  }
0xef: {  	s16 =	sshrl.u32 s5, $0x3;
	s4 =	sadd.s32 $0x1, s4;
	[sflag:s3] =	ssyncset.done $0x0  }
0xf0: {  	s14 =	sshll.u32 s14, $0x6;
	p0 =	sne.s32 s4, s25;
	[sflag:s3] =	ssyncadd.s32 $0xFFFFC000  }
.Ltmp3:
0xf1: {  	s14 =	sor.u32 $0x1C03, s14;
	[bflag:$0x0] =	sbarrier.arrive $0xFFFF;
	(pc) =	sbr.rel @p0 .LBB2_1-.Ltmp3, $4  }
0xf2: {  	[hbm:s24], [sflag:s14] =	dma.local [spmem:s16], $0x2800  }
0xf3: {  	_ =	swait.ge [sflag:s3], $0x2800  }
0xf4: {  	[sflag:s3] =	ssyncset.done $0x0  }
0xf5: {  	[sflag:s3] =	ssyncadd.s32 $0xFFFFD800  }
0xf6: {  	_ =	sfence.sel $0x180000  }
0xf7: {  	[bflag:$0x0] =	sbarrier.arrive $0xFFFF  }
0xf8: {  	_ =	strace $0x9000004A  }
0xf9: {  	s0 =	stileid.u32;
	[bflag:$0x2] =	sbarrier.arrive $0xFFFF  }
0xfa: {  	p0 =	sne.s32 s0, $0x0;
	s0 =	rddreg [dreg:$0x3]  }
0xfb: {  	s0 =	sadd.s32 @!p0 $0x100000, s0  }
0xfc: {  	[sflag:s0] =	ssyncadd.tile.s32 @!p0 $0x1;
	_ =	shalt  }
.Lfunc_end2:
_tile_overlayer_lowered:
.L_overlay_start_2:
0xfd: {  	(tag) =	ssettag $0x2  }
0xfe: {  	s0 =	rddreg [dreg:$0x0];
	s2 =	stileid.u32  }
0xff: {  	s1 =	rddreg [dreg:$0x1];
	p0 =	sne.s32 s2, $0x0  }
0x100: {  	s3 =	rddreg [dreg:$0x2];
	[bflag:$0x3] =	sbarrier.arrive $0xFFFF;
	s2 =	simm.s32 @!p0 $0x1C03  }
0x101: {  	[timem:s3], [sflag:s2] =	dma.local @!p0 [hbm:s0], s1  }
0x102: {  	s0 =	simm.s32 @!p0 $0x3  }
0x103: {  	_ =	swait.ge @!p0 [sflag:s0], s1  }
0x104: {  	s1 =	ssub.s32 @!p0 $0x0, s1;
	[sflag:s0] =	ssyncset.done @!p0 $0x0  }
0x105: {  	[sflag:s0] =	ssyncadd.s32 @!p0 s1  }
0x106: {  	[bflag:$0x3] =	sbarrier.arrive $0xFFFF  }
0x107: {  	_ =	shalt  }

// kernel: kernel.14.cloned.1.call-start
scs
__scs_entry_jumppad:
0x0: {  	(pc) =	sbr.rel $0x88, $3  }
0x1: {  	(tag) =	ssettag $0x0;
	lr =	simm.s32 $0x1  }
0x2: {  	[smem:$0x3F9B] =	sst lr;
	_ =	strace $0xD0000000  }
0x3: {  	_ = 	snop  }
0x4: {  	_ = 	snop  }
0x5: {  	_ = 	snop  }
0x6: {  	_ = 	snop  }
0x7: {  	_ = 	snop  }
__scs_overlays_trampoline_lowered:
0x8: {  	[smem:$0x3FAA] =	sst s0  }
0x9: {  	[smem:$0x3FAB] =	sst s1  }
0xa: {  	[smem:$0x3FAC] =	sst s2  }
0xb: {  	[smem:$0x3FAD] =	sst s3  }
0xc: {  	[smem:$0x3FAE] =	sst s4  }
0xd: {  	[smem:$0x3FAF] =	sst s5  }
0xe: {  	[smem:$0x3FB0] =	sst s6  }
0xf: {  	[smem:$0x3FB1] =	sst s7  }
0x10: {  	[smem:$0x3FB2] =	sst s8  }
0x11: {  	[smem:$0x3FB3] =	sst s9;
	s0 =	simm.s32 @!p0 $0x0  }
0x12: {  	s1 =	sld [smem:$0x3F99];
	s0 =	simm.s32 @p0 $0x1  }
0x13: {  	[smem:$0x3FB4] =	sst s0;
	s0 =	simm.s32 @!p1 $0x0  }
0x14: {  	s2 =	sld [smem:$0x3F98];
	s0 =	simm.s32 @p1 $0x1  }
0x15: {  	[smem:$0x3FB5] =	sst s0;
	s0 =	simm.s32 @!p2 $0x0  }
0x16: {  	s3 =	sld [smem:$0x3FDB];
	s0 =	simm.s32 @p2 $0x1  }
0x17: {  	s4 =	simm.s32 $0x1BF5;
	[smem:$0x3FB7] =	sst s0  }
0x18: {  	s0 =	sld [smem:$0x3F9A];
	_ =	swait.ge [sflag:s4], $0x0  }
0x19: {  	s7 =	sld [smem:$0x3F9B]  }
0x1a: {  	s8 =	sadd.s32 $0xFFFFE003, lr  }
0x1b: {  	s9 =	sadd.s32 $0xFFFFFEF7, lr;
	s5 =	simm.s32 $0xFFFFFFFF;
	p2 =	slt.u32 s8, $0xFFFFF086  }
0x1c: {  	p1 =	slt.u32 s9, $0xF7A;
	s5 =	simm.s32 @!p2 $0x0  }
0x1d: {  	s5 =	simm.s32 @p1 $0x1;
	p0 =	seq.s32 s7, s2  }
0x1e: {  	s7 =	smul.u32 @!p0 $0xF7A, s2;
	p2 =	seq.s32 @!p0 s5, $0x0  }
0x1f: {  	s9 =	smul.u32 $0xF7A, s1;
	s8 =	simm.s32 @!p0 $0x1BF5;
	p2 =	por !p2, p0  }
0x20: {  	[sflag:s8] =	ssyncset.s32 @!p0 $0xFFFFF086;
	s6 =	sadd.s32 @!p0 s3, s7;
	s7 =	simm.s32 @!p0 $0x108  }
0x21: {  	s3 =	sadd.s32 s3, s9;
	s6 =	sadd.s32 @!p0 $0x88, s6;
	s7 =	simm.s32 @p2 $0x1082  }
0x22: {  	[simem:s7], [sflag:s8] =	dma.local @!p0 [hbm:s6], $0xF7A  }
0x23: {  	s9 =	sor.u32 $0xD0000000, s2;
	s6 =	simm.s32 $0x108;
	_ =	swait.ge @!p0 [sflag:s8], $0x0  }
0x24: {  	s3 =	sadd.s32 $0x88, s3;
	s6 =	simm.s32 @!p1 $0x1082;
	[sflag:s4] =	ssyncset.s32 $0xFFFFF086  }
0x25: {  	[simem:s6], [sflag:s4] =	dma.local [hbm:s3], $0xF7A  }
0x26: {  	[smem:$0x3F9B] =	sst s1;
	(tag) =	ssettag s2;
	_ =	strace s9  }
0x27: {  	s1 =	sld [smem:$0x3FAB]  }
0x28: {  	s2 =	sld [smem:$0x3FAC]  }
0x29: {  	s4 =	sld [smem:$0x3FAE]  }
0x2a: {  	p0 =	seq.s32 s5, $0x0;
	s5 =	sld [smem:$0x3FAF]  }
0x2b: {  	s6 =	sld [smem:$0x3FB0]  }
0x2c: {  	s7 =	sld [smem:$0x3FB1]  }
0x2d: {  	s3 =	simm.s32 $0x108;
	s8 =	sld [smem:$0x3FB2]  }
0x2e: {  	s3 =	simm.s32 @!p0 $0x1082;
	s9 =	sld [smem:$0x3FB3]  }
0x2f: {  	lr =	sadd.s32 s0, s3;
	s0 =	sld [smem:$0x3FAA]  }
0x30: {  	s3 =	sld [smem:$0x3FAD]  }
0x31: {  	[smem:$0x3FB6] =	sst s10  }
0x32: {  	s10 =	sld [smem:$0x3FB4];
	_ =	sdelay $0x3  }
0x33: {  	p0 =	seq.s32 s10, $0x1;
	s10 =	sld [smem:$0x3FB6];
	_ =	sdelay $0x3  }
0x34: {  	[smem:$0x3FB6] =	sst s10  }
0x35: {  	s10 =	sld [smem:$0x3FB5];
	_ =	sdelay $0x3  }
0x36: {  	p1 =	seq.s32 s10, $0x1;
	s10 =	sld [smem:$0x3FB6];
	_ =	sdelay $0x3  }
0x37: {  	[smem:$0x3FB6] =	sst s10  }
0x38: {  	s10 =	sld [smem:$0x3FB7]  }
0x39: {  	_ = 	snop;
	(pc) =	sbr.ind lr, $3  }
0x3a: {  	_ = 	snop  }
0x3b: {  	_ = 	snop  }
0x3c: {  	p2 =	seq.s32 s10, $0x1;
	s10 =	sld [smem:$0x3FB6]  }
0x3d: {  	_ =	shalt  }
0x3e: {  	_ =	shalt  }
0x3f: {  	_ =	shalt  }
0x40: {  	_ =	shalt  }
0x41: {  	_ =	shalt  }
0x42: {  	_ =	shalt  }
0x43: {  	_ =	shalt  }
0x44: {  	_ =	shalt  }
0x45: {  	_ =	shalt  }
0x46: {  	_ =	shalt  }
0x47: {  	_ =	shalt  }
0x48: {  	_ =	shalt  }
0x49: {  	_ =	shalt  }
0x4a: {  	_ =	shalt  }
0x4b: {  	_ =	shalt  }
0x4c: {  	_ =	shalt  }
0x4d: {  	_ =	shalt  }
0x4e: {  	_ =	shalt  }
0x4f: {  	_ =	shalt  }
0x50: {  	_ =	shalt  }
0x51: {  	_ =	shalt  }
0x52: {  	_ =	shalt  }
0x53: {  	_ =	shalt  }
0x54: {  	_ =	shalt  }
0x55: {  	_ =	shalt  }
0x56: {  	_ =	shalt  }
0x57: {  	_ =	shalt  }
0x58: {  	_ =	shalt  }
0x59: {  	_ =	shalt  }
0x5a: {  	_ =	shalt  }
0x5b: {  	_ =	shalt  }
0x5c: {  	_ =	shalt  }
0x5d: {  	_ =	shalt  }
0x5e: {  	_ =	shalt  }
0x5f: {  	_ =	shalt  }
0x60: {  	_ =	shalt  }
0x61: {  	_ =	shalt  }
0x62: {  	_ =	shalt  }
0x63: {  	_ =	shalt  }
0x64: {  	_ =	shalt  }
0x65: {  	_ =	shalt  }
0x66: {  	_ =	shalt  }
0x67: {  	_ =	shalt  }
0x68: {  	_ =	shalt  }
0x69: {  	_ =	shalt  }
0x6a: {  	_ =	shalt  }
0x6b: {  	_ =	shalt  }
0x6c: {  	_ =	shalt  }
0x6d: {  	_ =	shalt  }
0x6e: {  	_ =	shalt  }
0x6f: {  	_ =	shalt  }
0x70: {  	_ =	shalt  }
0x71: {  	_ =	shalt  }
0x72: {  	_ =	shalt  }
0x73: {  	_ =	shalt  }
0x74: {  	_ =	shalt  }
0x75: {  	_ =	shalt  }
0x76: {  	_ =	shalt  }
0x77: {  	_ =	shalt  }
0x78: {  	_ =	shalt  }
0x79: {  	_ =	shalt  }
0x7a: {  	_ =	shalt  }
0x7b: {  	_ =	shalt  }
0x7c: {  	_ =	shalt  }
0x7d: {  	_ =	shalt  }
0x7e: {  	_ =	shalt  }
0x7f: {  	_ =	shalt  }
0x80: {  	_ =	shalt  }
0x81: {  	_ =	shalt  }
0x82: {  	_ =	shalt  }
0x83: {  	_ =	shalt  }
0x84: {  	_ =	shalt  }
0x85: {  	_ =	shalt  }
0x86: {  	_ =	shalt  }
0x87: {  	_ =	shalt  }
.Lfunc_end0:
.L_simem_size_0:
called_computation.2_lowered:
.L_overlay_start_0:
0x88: {  	s2 =	sld [smem:$0x3FD9]  }
0x89: {  	s3 =	sld [smem:$0x3FFE];
	_ =	sdelay $0x1  }
0x8a: {  	s1 =	srdreg.scid  }
0x8b: {  	s0 =	sand.u32 $0x1, s1  }
0x8c: {  	s17 =	sshll.u32 s0, $0xA;
	s2 =	sadd.s32 s3, s2  }
0x8d: {  	s2 =	sadd.s32 s2, s17  }
0x8e: {  	[smem:$0x3FC2] =	sst s2  }
0x8f: {  	_ = 	snop  }
0x90: {  	s2 =	sld [smem:$0x3FD0];
	(tm) =	ssettm $0x1  }
0x91: {  	s18 =	sld [smem:$0x3FFB];
	_ =	sdelay $0x3  }
0x92: {  	_ =	strace s18  }
0x93: {  	s3 =	sld [smem:$0x3FFC];
	_ =	sdelay $0x3  }
0x94: {  	_ =	strace s3  }
0x95: {  	s3 =	sld [smem:$0x3FFD];
	_ =	sdelay $0x3  }
0x96: {  	_ =	strace s3  }
0x97: {  	_ =	strace $0x8FFFFFFF  }
0x98: {  	s19 =	sld [smem:$0x3FDB];
	_ =	sdelay $0x1  }
0x99: {  	s4 =	simm.s32 $_scs_section_size  }
0x9a: {  	s5 =	simm.s32 $_size__tile_overlayer_lowered;
	s6 =	simm.s32 $_tile_overlayer_lowered  }
0x9b: {  	s22 =	simm.s32 $0x1BFF;
	s21 =	sshll.u32 s6, $0x1;
	s3 =	sadd.s32 s4, s19  }
0x9c: {  	s7 =	simm.s32 $0x0;
	s20 =	sshll.u32 s5, $0x1;
	s5 =	sadd.s32 s21, s3  }
0x9d: {  	[timem:s7], [sflag:s22] =	dma.local [hbm:s5], s20  }
0x9e: {  	_ =	swait.ge [sflag:s22], s20  }
0x9f: {  	s4 =	ssub.s32 $0x0, s20;
	[sflag:s22] =	ssyncset.done $0x0  }
0xa0: {  	[sflag:s22] =	ssyncadd.s32 s4;
	_ =	sdelay $0x1  }
0xa1: {  	s23 =	simm.s32 $0x1B8B  }
0xa2: {  	_ =	swait.ge [sflag:s23], $0x1  }
0xa3: {  	[sflag:s23] =	ssyncset.done $0x0  }
0xa4: {  	s25 =	simm.s32 $0x1B8E;
	s24 =	sld [smem:$0x3FFE];
	[sflag:s23] =	ssyncadd.s32 $0xFFFFFFFF  }
0xa5: {  	s26 =	simm.s32 $execute0_lowered;
	[smem:$0x3FD2] =	sst s25  }
0xa6: {  	s5 =	sshll.u32 s26, $0x1;
	_ =	strace $0x8000004C;
	[dreg:$0x1] =	wrdreg $0xFFFFFFFF  }
0xa7: {  	s28 =	simm.s32 $_size_execute0_lowered;
	s3 =	sadd.s32 s3, s5;
	[dreg:$0x0] =	wrdreg $0x0  }
0xa8: {  	s5 =	sshll.u32 s28, $0x1;
	[dreg:$0x2] =	wrdreg s3  }
0xa9: {  	[dreg:$0x3] =	wrdreg s5  }
0xaa: {  	[dreg:$0x4] =	wrdreg $0xC0  }
0xab: {  	_ =	task [dreg:s7], $0x5FFFF  }
0xac: {  	[dreg:$0x1] =	wrdreg $0xFFFFFFFF  }
0xad: {  	[dreg:$0x0] =	wrdreg $0x60  }
0xae: {  	[dreg:$0x2] =	wrdreg s2  }
0xaf: {  	[dreg:$0x3] =	wrdreg s24  }
0xb0: {  	[dreg:$0x4] =	wrdreg $0xB8000  }
0xb1: {  	[dreg:$0x5] =	wrdreg $0x9  }
0xb2: {  	_ =	task.clear_ibuf [dreg:s7], $0x6FFFF;
	_ =	strace $0x9000004C  }
0xb3: {  	s29 =	simm.s32 $0x9;
	_ =	strace $0x8000004E  }
0xb4: {  	_ =	swait.ge [sflag:s29], $0x1  }
0xb5: {  	[sflag:s29] =	ssyncadd.s32 $0xFFFFFFFF  }
0xb6: {  	_ =	strace $0x9000004E  }
0xb7: {  	_ =	sfence  }
0xb8: {  	s30 =	sld [smem:$0x0];
	_ =	sdelay $0x2  }
0xb9: {  	s31 =	sshll.u32 s1, $0xD;
	s1 =	sshrl.u32 s1, $0x2  }
0xba: {  	s3 =	sand.u32 $0x4000, s31;
	s1 =	sadd.s32 s1, s30  }
0xbb: {  	s0 =	sor.u32 s3, s0;
	s1 =	sshll.u32 s1, $0x11  }
0xbc: {  	s0 =	sor.u32 s1, s0  }
0xbd: {  	s0 =	sadd.s32 $0x8F2B, s0  }
0xbe: {  	[sflag:s0] =	ssyncadd.remote.s32 $0x1  }
0xbf: {  	_ =	sfence.sel $0xFFFF  }
0xc0: {  	[dreg:$0x0] =	wrdreg $0xFFFFFFFF;
	(pc) =	sbr.abs _section_cstart, $3  }
0xc1: {  	[dreg:$0x1] =	wrdreg $0xFFFFFFFF  }
0xc2: {  	_ =	task.clear_ibuf [dreg:s7], $0x2FFFF;
	_ =	strace $0x9FFFFFFF  }
0xc3: {  	(tm) =	ssettm $0x7FFFFFFF  }
tec
execute0_lowered:
.L_overlay_start_1:
0x0: {  	(tag) =	ssettag $0x1  }
0x1: {  	s1 =	rddreg [dreg:$0x0]  }
0x2: {  	s0 =	rddreg [dreg:$0x1]  }
0x3: {  	s3 =	srdreg.scid;
	s10 =	stileid.u32  }
0x4: {  	s2 =	rddreg [dreg:$0x2];
	s3 =	sand.u32 $0x1, s3;
	s6 =	smul.u32 $0x14000, s10  }
0x5: {  	s4 =	simm.s32 $0x0;
	s11 =	simm.s32 $0x2;
	s5 =	smul.u32 $0x140000, s3  }
0x6: {  	s12 =	simm.s32 $0x2700;
	s13 =	simm.s32 $0x2780;
	s14 =	smul.u32 $0x50000, s10  }
0x7: {  	[smem:$0x7FF] =	sst s4;
	s7 =	sadd.s32 $0xC800, s0;
	s5 =	sadd.s32 s6, s5  }
0x8: {  	s8 =	sadd.s32 $0x2800, s0;
	s6 =	sshrl.u32 s14, $0x2;
	s5 =	sshrl.u32 s5, $0x3  }
0x9: {  	s10 =	sshll.u32 s10, $0x1;
	s0 =	sadd.s32 s5, s0;
	s5 =	sadd.s32 s6, s2  }
0xa: {  	_ =	strace $0x8000004D;
	s9 =	ssub.s32 $0x2, s3;
	s6 =	sadd.s32 $0x1000, s5  }
0xb: {  	s3 =	sor.u32 s3, s10;
	s16 =	sadd.s32 $0x2000, s5;
	[dreg:$0x4] =	wrdreg s6  }
0xc: {  	s10 =	simm.s32 $0x1;
	s17 =	sadd.s32 $0x3000, s5;
	[dreg:$0x5] =	wrdreg s16  }
0xd: {  	s15 =	sshrl.u32 s9, $0x1;
	s18 =	sadd.s32 $0x4000, s5;
	[dreg:$0x6] =	wrdreg s17  }
0xe: {  	s3 =	smul.u32 $0x2800, s3;
	s19 =	sadd.s32 $0x5000, s5;
	[dreg:$0x7] =	wrdreg s18  }
0xf: {  	s9 =	ssub.s32 s9, s15;
	s20 =	sadd.s32 $0x6000, s5;
	[dreg:$0x8] =	wrdreg s19  }
0x10: {  	s3 =	sshrl.u32 s3, $0x3;
	s21 =	sadd.s32 $0x7000, s5;
	[dreg:$0x9] =	wrdreg s20  }
0x11: {  	s26 =	sadd.s32 $0x280, s3;
	s22 =	sadd.s32 $0x8000, s5;
	[dreg:$0xa] =	wrdreg s21  }
0x12: {  	s23 =	sadd.s32 $0x9000, s5;
	s24 =	sadd.s32 $0xA000, s5;
	[dreg:$0xb] =	wrdreg s22  }
0x13: {  	s25 =	sadd.s32 $0xB000, s5;
	s28 =	sadd.s32 $0x10000, s5;
	[dreg:$0xc] =	wrdreg s23  }
0x14: {  	s29 =	sadd.s32 $0x11000, s5;
	s30 =	sadd.s32 $0x12000, s5;
	[dreg:$0xd] =	wrdreg s24  }
0x15: {  	s31 =	sadd.s32 $0x13000, s5;
	[dreg:$0xe] =	wrdreg s25;
	s17 =	sadd.s32 $0xC000, s5  }
0x16: {  	s18 =	sadd.s32 $0xD000, s5;
	s19 =	sadd.s32 s7, s3;
	s20 =	sadd.s32 s8, s3  }
0x17: {  	s21 =	sadd.s32 s7, s26;
	s22 =	sadd.s32 s8, s26;
	s23 =	sadd.s32 $0xE000, s5  }
0x18: {  	s24 =	sadd.s32 $0x16800, s0;
	s25 =	smax.u32 s9, $0x1;
	s26 =	sadd.s32 $0xF000, s5  }
0x19: {  	s0 =	simm.s32 $0xA800;
	s3 =	simm.s32 $0x3;
	s6 =	simm.s32 $0x1400  }
0x1a: {  	v0 =	vimm.f32 $0.0e+00;
	s7 =	simm.s32 $0x80;
	s8 =	simm.s32 $0x2800;
	s9 =	simm.s32 $0x6800  }
.LBB2_1:
0x1b: {  	s14 =	simm.s32 $0x0;
	s15 =	simm.s32 $0x200  }
.LBB2_2:
0x1c: {  	p0 =	sne.s32 s15, $0x3E00;
	[tilespmem:s14+$0xA870] =	vst v0  }
0x1d: {  	[tilespmem:s14+$0xA800] =	vst v0  }
0x1e: {  	[tilespmem:s14+$0xA810] =	vst v0  }
.Ltmp0:
0x1f: {  	[tilespmem:s14+$0xA820] =	vst v0;
	(pc) =	sbr.rel @p0 .LBB2_2-.Ltmp0, $4  }
0x20: {  	[tilespmem:s14+$0xA830] =	vst v0  }
0x21: {  	[tilespmem:s14+$0xA840] =	vst v0  }
0x22: {  	[tilespmem:s14+$0xA850] =	vst v0  }
0x23: {  	[tilespmem:s14+$0xA860] =	vst v0;
	s14 =	sshra.s32 s15, $0x2;
	s15 =	sadd.s32 $0x200, s15  }
0x24: {  	[tilespmem:s14+$0xA870] =	vst v0  }
0x25: {  	[tilespmem:s14+$0xA800] =	vst v0  }
0x26: {  	[tilespmem:s14+$0xA810] =	vst v0  }
0x27: {  	[tilespmem:s14+$0xA820] =	vst v0  }
0x28: {  	[tilespmem:s14+$0xA830] =	vst v0  }
0x29: {  	[tilespmem:s14+$0xA840] =	vst v0  }
0x2a: {  	[tilespmem:s14+$0xA850] =	vst v0  }
0x2b: {  	[tilespmem:s14+$0xA860] =	vst v0  }
0x2c: {  	[spmem:s5] =	stream.linear.scatter [tilespmem:s0], [sflag:$0x3], $0x1000, $0x38;
	[tilespmem:$0x1F800] =	vst v63  }
0x2d: {  	_ =	swait.ge [sflag:s3], $0x1000  }
0x2e: {  	[sflag:s3] =	ssyncset.done $0x0  }
0x2f: {  	s16 =	rddreg [dreg:$0x4];
	[sflag:s3] =	ssyncadd.s32 $0xFFFFF000  }
0x30: {  	[spmem:s16] =	stream.linear.scatter [tilespmem:s0], [sflag:$0x3], $0x1000, $0x38;
	[tilespmem:$0x1F800] =	vst v63  }
0x31: {  	_ =	swait.ge [sflag:s3], $0x1000  }
0x32: {  	[sflag:s3] =	ssyncset.done $0x0  }
0x33: {  	s15 =	rddreg [dreg:$0x5];
	[sflag:s3] =	ssyncadd.s32 $0xFFFFF000  }
0x34: {  	[spmem:s15] =	stream.linear.scatter [tilespmem:s0], [sflag:$0x3], $0x1000, $0x38;
	[tilespmem:$0x1F800] =	vst v63  }
0x35: {  	_ =	swait.ge [sflag:s3], $0x1000  }
0x36: {  	[sflag:s3] =	ssyncset.done $0x0  }
0x37: {  	s16 =	rddreg [dreg:$0x6];
	[sflag:s3] =	ssyncadd.s32 $0xFFFFF000  }
0x38: {  	[spmem:s16] =	stream.linear.scatter [tilespmem:s0], [sflag:$0x3], $0x1000, $0x38;
	[tilespmem:$0x1F800] =	vst v63  }
0x39: {  	_ =	swait.ge [sflag:s3], $0x1000  }
0x3a: {  	[sflag:s3] =	ssyncset.done $0x0  }
0x3b: {  	s15 =	rddreg [dreg:$0x7];
	[sflag:s3] =	ssyncadd.s32 $0xFFFFF000  }
0x3c: {  	[spmem:s15] =	stream.linear.scatter [tilespmem:s0], [sflag:$0x3], $0x1000, $0x38;
	[tilespmem:$0x1F800] =	vst v63  }
0x3d: {  	_ =	swait.ge [sflag:s3], $0x1000  }
0x3e: {  	[sflag:s3] =	ssyncset.done $0x0  }
0x3f: {  	s16 =	rddreg [dreg:$0x8];
	[sflag:s3] =	ssyncadd.s32 $0xFFFFF000  }
0x40: {  	[spmem:s16] =	stream.linear.scatter [tilespmem:s0], [sflag:$0x3], $0x1000, $0x38;
	[tilespmem:$0x1F800] =	vst v63  }
0x41: {  	_ =	swait.ge [sflag:s3], $0x1000  }
0x42: {  	[sflag:s3] =	ssyncset.done $0x0  }
0x43: {  	s15 =	rddreg [dreg:$0x9];
	[sflag:s3] =	ssyncadd.s32 $0xFFFFF000  }
0x44: {  	[spmem:s15] =	stream.linear.scatter [tilespmem:s0], [sflag:$0x3], $0x1000, $0x38;
	[tilespmem:$0x1F800] =	vst v63  }
0x45: {  	_ =	swait.ge [sflag:s3], $0x1000  }
0x46: {  	[sflag:s3] =	ssyncset.done $0x0  }
0x47: {  	s16 =	rddreg [dreg:$0xa];
	[sflag:s3] =	ssyncadd.s32 $0xFFFFF000  }
0x48: {  	[spmem:s16] =	stream.linear.scatter [tilespmem:s0], [sflag:$0x3], $0x1000, $0x38;
	[tilespmem:$0x1F800] =	vst v63  }
0x49: {  	_ =	swait.ge [sflag:s3], $0x1000  }
0x4a: {  	[sflag:s3] =	ssyncset.done $0x0  }
0x4b: {  	s15 =	rddreg [dreg:$0xb];
	[sflag:s3] =	ssyncadd.s32 $0xFFFFF000  }
0x4c: {  	[spmem:s15] =	stream.linear.scatter [tilespmem:s0], [sflag:$0x3], $0x1000, $0x38;
	[tilespmem:$0x1F800] =	vst v63  }
0x4d: {  	_ =	swait.ge [sflag:s3], $0x1000  }
0x4e: {  	[sflag:s3] =	ssyncset.done $0x0  }
0x4f: {  	s16 =	rddreg [dreg:$0xc];
	[sflag:s3] =	ssyncadd.s32 $0xFFFFF000  }
0x50: {  	[spmem:s16] =	stream.linear.scatter [tilespmem:s0], [sflag:$0x3], $0x1000, $0x38;
	[tilespmem:$0x1F800] =	vst v63  }
0x51: {  	_ =	swait.ge [sflag:s3], $0x1000  }
0x52: {  	[sflag:s3] =	ssyncset.done $0x0  }
0x53: {  	s15 =	rddreg [dreg:$0xd];
	[sflag:s3] =	ssyncadd.s32 $0xFFFFF000  }
0x54: {  	[spmem:s15] =	stream.linear.scatter [tilespmem:s0], [sflag:$0x3], $0x1000, $0x38;
	[tilespmem:$0x1F800] =	vst v63  }
0x55: {  	_ =	swait.ge [sflag:s3], $0x1000  }
0x56: {  	[sflag:s3] =	ssyncset.done $0x0  }
0x57: {  	s16 =	rddreg [dreg:$0xe];
	[sflag:s3] =	ssyncadd.s32 $0xFFFFF000  }
0x58: {  	[spmem:s16] =	stream.linear.scatter [tilespmem:s0], [sflag:$0x3], $0x1000, $0x38;
	[tilespmem:$0x1F800] =	vst v63  }
0x59: {  	_ =	swait.ge [sflag:s3], $0x1000  }
0x5a: {  	[sflag:s3] =	ssyncset.done $0x0  }
0x5b: {  	[sflag:s3] =	ssyncadd.s32 $0xFFFFF000  }
0x5c: {  	[spmem:s17] =	stream.linear.scatter [tilespmem:s0], [sflag:$0x3], $0x1000, $0x38;
	[tilespmem:$0x1F800] =	vst v63  }
0x5d: {  	_ =	swait.ge [sflag:s3], $0x1000  }
0x5e: {  	[sflag:s3] =	ssyncset.done $0x0  }
0x5f: {  	[sflag:s3] =	ssyncadd.s32 $0xFFFFF000  }
0x60: {  	[spmem:s18] =	stream.linear.scatter [tilespmem:s0], [sflag:$0x3], $0x1000, $0x38;
	[tilespmem:$0x1F800] =	vst v63  }
0x61: {  	_ =	swait.ge [sflag:s3], $0x1000  }
0x62: {  	[sflag:s3] =	ssyncset.done $0x0  }
0x63: {  	[sflag:s3] =	ssyncadd.s32 $0xFFFFF000  }
0x64: {  	[spmem:s23] =	stream.linear.scatter [tilespmem:s0], [sflag:$0x3], $0x1000, $0x38;
	[tilespmem:$0x1F800] =	vst v63  }
0x65: {  	_ =	swait.ge [sflag:s3], $0x1000  }
0x66: {  	[sflag:s3] =	ssyncset.done $0x0  }
0x67: {  	[sflag:s3] =	ssyncadd.s32 $0xFFFFF000  }
0x68: {  	[spmem:s26] =	stream.linear.scatter [tilespmem:s0], [sflag:$0x3], $0x1000, $0x38;
	[tilespmem:$0x1F800] =	vst v63  }
0x69: {  	_ =	swait.ge [sflag:s3], $0x1000  }
0x6a: {  	[sflag:s3] =	ssyncset.done $0x0  }
0x6b: {  	[sflag:s3] =	ssyncadd.s32 $0xFFFFF000  }
0x6c: {  	[spmem:s28] =	stream.linear.scatter [tilespmem:s0], [sflag:$0x3], $0x1000, $0x38;
	[tilespmem:$0x1F800] =	vst v63  }
0x6d: {  	_ =	swait.ge [sflag:s3], $0x1000  }
0x6e: {  	[sflag:s3] =	ssyncset.done $0x0  }
0x6f: {  	[sflag:s3] =	ssyncadd.s32 $0xFFFFF000  }
0x70: {  	[spmem:s29] =	stream.linear.scatter [tilespmem:s0], [sflag:$0x3], $0x1000, $0x38;
	[tilespmem:$0x1F800] =	vst v63  }
0x71: {  	_ =	swait.ge [sflag:s3], $0x1000  }
0x72: {  	[sflag:s3] =	ssyncset.done $0x0  }
0x73: {  	[sflag:s3] =	ssyncadd.s32 $0xFFFFF000  }
0x74: {  	[spmem:s30] =	stream.linear.scatter [tilespmem:s0], [sflag:$0x3], $0x1000, $0x38;
	[tilespmem:$0x1F800] =	vst v63  }
0x75: {  	_ =	swait.ge [sflag:s3], $0x1000  }
0x76: {  	[sflag:s3] =	ssyncset.done $0x0  }
0x77: {  	[sflag:s3] =	ssyncadd.s32 $0xFFFFF000  }
0x78: {  	[spmem:s31] =	stream.linear.scatter [tilespmem:s0], [sflag:$0x3], $0x1000, $0x38;
	[tilespmem:$0x1F800] =	vst v63  }
0x79: {  	_ =	swait.ge [sflag:s3], $0x1000  }
0x7a: {  	[sflag:s3] =	ssyncset.done $0x0  }
0x7b: {  	[sflag:s3] =	ssyncadd.s32 $0xFFFFF000  }
0x7c: {  	s15 =	simm.s32 $0x0;
	[bflag:$0x0] =	sbarrier.arrive $0xFFFF  }
0x7d: {  	[tilespmem:s15], [sflag:$0x3] =	stream.linear.gather [hbm4b:s19+s15], $0x1400, $0x38;
	[tilespmem:$0x1F800] =	vst v63  }
0x7e: {  	_ =	swait.ge [sflag:s3], $0x1400  }
0x7f: {  	[sflag:s3] =	ssyncset.done $0x0  }
0x80: {  	[sflag:s3] =	ssyncadd.s32 $0xFFFFEC00  }
0x81: {  	[tilespmem:s6], [sflag:$0x3] =	stream.linear.gather [hbm4b:s20+s15], $0x1400, $0x38;
	[tilespmem:$0x1F800] =	vst v63  }
0x82: {  	_ =	swait.ge [sflag:s3], $0x1400  }
0x83: {  	[sflag:s3] =	ssyncset.done $0x0  }
0x84: {  	[sflag:s3] =	ssyncadd.s32 $0xFFFFEC00  }
0x85: {  	[tilespmem:s8], [sflag:$0x1] =	stream.indirect.gather [hbm4b:s1+s7], $0x80, s15, s7, $0xb8;
	[tilespmem:$0x1F800] =	vst v63  }
0x86: {  	_ = 	snop  }
0x87: {  	[tilespmem:s9], [sflag:$0x2] =	stream.indirect.gather [hbm4b:s1+s7], $0x80, s7, s7, $0xb8;
	[tilespmem:$0x1F800] =	vst v63  }
0x88: {  	_ =	swait.ge [sflag:s10], $0x4000  }
0x89: {  	[sflag:s10] =	ssyncset.done $0x0  }
0x8a: {  	s16 =	simm.s32 $0x1400;
	[sflag:s10] =	ssyncadd.s32 $0xFFFFC000  }
0x8b: {  	[spmem:s2] =	stream.indirect.scatter.add.f32 [tilespmem:s8], [sflag:$0x3], $0x80, s16, s7, $0xb8;
	[tilespmem:$0x1F800] =	vst v63  }
0x8c: {  	_ =	swait.ge [sflag:s3], $0x4000  }
0x8d: {  	[sflag:s3] =	ssyncset.done $0x0  }
0x8e: {  	s15 =	simm.s32 $0x100;
	[sflag:s3] =	ssyncadd.s32 $0xFFFFC000  }
0x8f: {  	[tilespmem:s8], [sflag:$0x1] =	stream.indirect.gather [hbm4b:s1+s7], $0x80, s15, s7, $0xb8;
	[tilespmem:$0x1F800] =	vst v63  }
0x90: {  	_ =	swait.ge [sflag:s11], $0x4000  }
0x91: {  	[sflag:s11] =	ssyncset.done $0x0  }
0x92: {  	s16 =	simm.s32 $0x1480;
	[sflag:s11] =	ssyncadd.s32 $0xFFFFC000  }
0x93: {  	[spmem:s2] =	stream.indirect.scatter.add.f32 [tilespmem:s9], [sflag:$0x3], $0x80, s16, s7, $0xb8;
	[tilespmem:$0x1F800] =	vst v63  }
0x94: {  	_ =	swait.ge [sflag:s3], $0x4000  }
0x95: {  	[sflag:s3] =	ssyncset.done $0x0  }
0x96: {  	s14 =	simm.s32 $0x400;
	s15 =	simm.s32 $0x180;
	[sflag:s3] =	ssyncadd.s32 $0xFFFFC000  }
.LBB2_4:
0x97: {  	[tilespmem:s9], [sflag:$0x2] =	stream.indirect.gather [hbm4b:s1+s7], $0x80, s15, s7, $0xb8;
	[tilespmem:$0x1F800] =	vst v63  }
0x98: {  	s15 =	smov.u32 s14  }
0x99: {  	p0 =	sne.s32 s14, $0x4800;
	s14 =	sadd.s32 $0x400, s14;
	_ =	swait.ge [sflag:s10], $0x4000  }
0x9a: {  	s15 =	sshra.s32 s15, $0x2;
	[sflag:s10] =	ssyncset.done $0x0  }
0x9b: {  	s16 =	sadd.s32 $0x1400, s15;
	[sflag:s10] =	ssyncadd.s32 $0xFFFFC000  }
0x9c: {  	[spmem:s2] =	stream.indirect.scatter.add.f32 [tilespmem:s8], [sflag:$0x3], $0x80, s16, s7, $0xb8;
	[tilespmem:$0x1F800] =	vst v63  }
0x9d: {  	_ =	swait.ge [sflag:s3], $0x4000  }
0x9e: {  	[sflag:s3] =	ssyncset.done $0x0  }
0x9f: {  	s16 =	sadd.s32 $0x100, s15;
	[sflag:s3] =	ssyncadd.s32 $0xFFFFC000  }
0xa0: {  	[tilespmem:s8], [sflag:$0x1] =	stream.indirect.gather [hbm4b:s1+s7], $0x80, s16, s7, $0xb8;
	[tilespmem:$0x1F800] =	vst v63  }
0xa1: {  	_ =	swait.ge [sflag:s11], $0x4000  }
0xa2: {  	[sflag:s11] =	ssyncset.done $0x0  }
.Ltmp1:
0xa3: {  	s16 =	sadd.s32 $0x1480, s15;
	[sflag:s11] =	ssyncadd.s32 $0xFFFFC000;
	(pc) =	sbr.rel @p0 .LBB2_4-.Ltmp1, $4  }
0xa4: {  	[spmem:s2] =	stream.indirect.scatter.add.f32 [tilespmem:s9], [sflag:$0x3], $0x80, s16, s7, $0xb8;
	[tilespmem:$0x1F800] =	vst v63  }
0xa5: {  	_ =	swait.ge [sflag:s3], $0x4000  }
0xa6: {  	[sflag:s3] =	ssyncset.done $0x0  }
0xa7: {  	s15 =	sadd.s32 $0x180, s15;
	[sflag:s3] =	ssyncadd.s32 $0xFFFFC000  }
0xa8: {  	[tilespmem:s9], [sflag:$0x2] =	stream.indirect.gather [hbm4b:s1+s7], $0x80, s15, s7, $0xb8;
	[tilespmem:$0x1F800] =	vst v63  }
0xa9: {  	_ =	swait.ge [sflag:s10], $0x4000  }
0xaa: {  	[sflag:s10] =	ssyncset.done $0x0  }
0xab: {  	[sflag:s10] =	ssyncadd.s32 $0xFFFFC000  }
0xac: {  	[spmem:s2] =	stream.indirect.scatter.add.f32 [tilespmem:s8], [sflag:$0x3], $0x80, s12, s7, $0xb8;
	[tilespmem:$0x1F800] =	vst v63  }
0xad: {  	_ =	swait.ge [sflag:s3], $0x4000  }
0xae: {  	[sflag:s3] =	ssyncset.done $0x0  }
0xaf: {  	[sflag:s3] =	ssyncadd.s32 $0xFFFFC000  }
0xb0: {  	_ =	swait.ge [sflag:s11], $0x4000  }
0xb1: {  	[sflag:s11] =	ssyncset.done $0x0  }
0xb2: {  	[sflag:s11] =	ssyncadd.s32 $0xFFFFC000  }
0xb3: {  	[spmem:s2] =	stream.indirect.scatter.add.f32 [tilespmem:s9], [sflag:$0x3], $0x80, s13, s7, $0xb8;
	[tilespmem:$0x1F800] =	vst v63  }
0xb4: {  	_ =	swait.ge [sflag:s3], $0x4000  }
0xb5: {  	[sflag:s3] =	ssyncset.done $0x0  }
0xb6: {  	s14 =	simm.s32 $0x0;
	[sflag:s3] =	ssyncadd.s32 $0xFFFFC000  }
0xb7: {  	[tilespmem:s14], [sflag:$0x3] =	stream.linear.gather [hbm4b:s21+s14], $0x1400, $0x38;
	[tilespmem:$0x1F800] =	vst v63  }
0xb8: {  	_ =	swait.ge [sflag:s3], $0x1400  }
0xb9: {  	[sflag:s3] =	ssyncset.done $0x0  }
0xba: {  	[sflag:s3] =	ssyncadd.s32 $0xFFFFEC00  }
0xbb: {  	[tilespmem:s6], [sflag:$0x3] =	stream.linear.gather [hbm4b:s22+s14], $0x1400, $0x38;
	[tilespmem:$0x1F800] =	vst v63  }
0xbc: {  	_ =	swait.ge [sflag:s3], $0x1400  }
0xbd: {  	[sflag:s3] =	ssyncset.done $0x0  }
0xbe: {  	[sflag:s3] =	ssyncadd.s32 $0xFFFFEC00  }
0xbf: {  	[tilespmem:s8], [sflag:$0x1] =	stream.indirect.gather [hbm4b:s1+s7], $0x80, s14, s7, $0xb8;
	[tilespmem:$0x1F800] =	vst v63  }
0xc0: {  	_ = 	snop  }
0xc1: {  	[tilespmem:s9], [sflag:$0x2] =	stream.indirect.gather [hbm4b:s1+s7], $0x80, s7, s7, $0xb8;
	[tilespmem:$0x1F800] =	vst v63  }
0xc2: {  	_ =	swait.ge [sflag:s10], $0x4000  }
0xc3: {  	[sflag:s10] =	ssyncset.done $0x0  }
0xc4: {  	s16 =	simm.s32 $0x1400;
	[sflag:s10] =	ssyncadd.s32 $0xFFFFC000  }
0xc5: {  	[spmem:s2] =	stream.indirect.scatter.add.f32 [tilespmem:s8], [sflag:$0x3], $0x80, s16, s7, $0xb8;
	[tilespmem:$0x1F800] =	vst v63  }
0xc6: {  	_ =	swait.ge [sflag:s3], $0x4000  }
0xc7: {  	[sflag:s3] =	ssyncset.done $0x0  }
0xc8: {  	s15 =	simm.s32 $0x100;
	[sflag:s3] =	ssyncadd.s32 $0xFFFFC000  }
0xc9: {  	[tilespmem:s8], [sflag:$0x1] =	stream.indirect.gather [hbm4b:s1+s7], $0x80, s15, s7, $0xb8;
	[tilespmem:$0x1F800] =	vst v63  }
0xca: {  	_ =	swait.ge [sflag:s11], $0x4000  }
0xcb: {  	[sflag:s11] =	ssyncset.done $0x0  }
0xcc: {  	s16 =	simm.s32 $0x1480;
	[sflag:s11] =	ssyncadd.s32 $0xFFFFC000  }
0xcd: {  	[spmem:s2] =	stream.indirect.scatter.add.f32 [tilespmem:s9], [sflag:$0x3], $0x80, s16, s7, $0xb8;
	[tilespmem:$0x1F800] =	vst v63  }
0xce: {  	_ =	swait.ge [sflag:s3], $0x4000  }
0xcf: {  	[sflag:s3] =	ssyncset.done $0x0  }
0xd0: {  	s14 =	simm.s32 $0x400;
	s15 =	simm.s32 $0x180;
	[sflag:s3] =	ssyncadd.s32 $0xFFFFC000  }
.LBB2_6:
0xd1: {  	[tilespmem:s9], [sflag:$0x2] =	stream.indirect.gather [hbm4b:s1+s7], $0x80, s15, s7, $0xb8;
	[tilespmem:$0x1F800] =	vst v63  }
0xd2: {  	s15 =	smov.u32 s14  }
0xd3: {  	p0 =	sne.s32 s14, $0x4800;
	s14 =	sadd.s32 $0x400, s14;
	_ =	swait.ge [sflag:s10], $0x4000  }
0xd4: {  	s15 =	sshra.s32 s15, $0x2;
	[sflag:s10] =	ssyncset.done $0x0  }
0xd5: {  	s16 =	sadd.s32 $0x1400, s15;
	[sflag:s10] =	ssyncadd.s32 $0xFFFFC000  }
0xd6: {  	[spmem:s2] =	stream.indirect.scatter.add.f32 [tilespmem:s8], [sflag:$0x3], $0x80, s16, s7, $0xb8;
	[tilespmem:$0x1F800] =	vst v63  }
0xd7: {  	_ =	swait.ge [sflag:s3], $0x4000  }
0xd8: {  	[sflag:s3] =	ssyncset.done $0x0  }
0xd9: {  	s16 =	sadd.s32 $0x100, s15;
	[sflag:s3] =	ssyncadd.s32 $0xFFFFC000  }
0xda: {  	[tilespmem:s8], [sflag:$0x1] =	stream.indirect.gather [hbm4b:s1+s7], $0x80, s16, s7, $0xb8;
	[tilespmem:$0x1F800] =	vst v63  }
0xdb: {  	_ =	swait.ge [sflag:s11], $0x4000  }
0xdc: {  	[sflag:s11] =	ssyncset.done $0x0  }
.Ltmp2:
0xdd: {  	s16 =	sadd.s32 $0x1480, s15;
	[sflag:s11] =	ssyncadd.s32 $0xFFFFC000;
	(pc) =	sbr.rel @p0 .LBB2_6-.Ltmp2, $4  }
0xde: {  	[spmem:s2] =	stream.indirect.scatter.add.f32 [tilespmem:s9], [sflag:$0x3], $0x80, s16, s7, $0xb8;
	[tilespmem:$0x1F800] =	vst v63  }
0xdf: {  	_ =	swait.ge [sflag:s3], $0x4000  }
0xe0: {  	[sflag:s3] =	ssyncset.done $0x0  }
0xe1: {  	s15 =	sadd.s32 $0x180, s15;
	[sflag:s3] =	ssyncadd.s32 $0xFFFFC000  }
0xe2: {  	[tilespmem:s9], [sflag:$0x2] =	stream.indirect.gather [hbm4b:s1+s7], $0x80, s15, s7, $0xb8;
	[tilespmem:$0x1F800] =	vst v63  }
0xe3: {  	_ =	swait.ge [sflag:s10], $0x4000  }
0xe4: {  	[sflag:s10] =	ssyncset.done $0x0  }
0xe5: {  	[sflag:s10] =	ssyncadd.s32 $0xFFFFC000  }
0xe6: {  	[spmem:s2] =	stream.indirect.scatter.add.f32 [tilespmem:s8], [sflag:$0x3], $0x80, s12, s7, $0xb8;
	[tilespmem:$0x1F800] =	vst v63  }
0xe7: {  	_ =	swait.ge [sflag:s3], $0x4000  }
0xe8: {  	[sflag:s3] =	ssyncset.done $0x0  }
0xe9: {  	[sflag:s3] =	ssyncadd.s32 $0xFFFFC000  }
0xea: {  	_ =	swait.ge [sflag:s11], $0x4000  }
0xeb: {  	[sflag:s11] =	ssyncset.done $0x0  }
0xec: {  	[sflag:s11] =	ssyncadd.s32 $0xFFFFC000  }
0xed: {  	[spmem:s2] =	stream.indirect.scatter.add.f32 [tilespmem:s9], [sflag:$0x3], $0x80, s13, s7, $0xb8;
	[tilespmem:$0x1F800] =	vst v63  }
0xee: {  	s14 =	stileid.u32;
	_ =	swait.ge [sflag:s3], $0x4000  }
0xef: {  	s16 =	sshrl.u32 s5, $0x3;
	s4 =	sadd.s32 $0x1, s4;
	[sflag:s3] =	ssyncset.done $0x0  }
0xf0: {  	s14 =	sshll.u32 s14, $0x6;
	p0 =	sne.s32 s4, s25;
	[sflag:s3] =	ssyncadd.s32 $0xFFFFC000  }
.Ltmp3:
0xf1: {  	s14 =	sor.u32 $0x1C03, s14;
	[bflag:$0x0] =	sbarrier.arrive $0xFFFF;
	(pc) =	sbr.rel @p0 .LBB2_1-.Ltmp3, $4  }
0xf2: {  	[hbm:s24], [sflag:s14] =	dma.local [spmem:s16], $0x2800  }
0xf3: {  	_ =	swait.ge [sflag:s3], $0x2800  }
0xf4: {  	[sflag:s3] =	ssyncset.done $0x0  }
0xf5: {  	[sflag:s3] =	ssyncadd.s32 $0xFFFFD800  }
0xf6: {  	_ =	sfence.sel $0x180000  }
0xf7: {  	[bflag:$0x0] =	sbarrier.arrive $0xFFFF  }
0xf8: {  	_ =	strace $0x9000004D  }
0xf9: {  	s0 =	stileid.u32;
	[bflag:$0x2] =	sbarrier.arrive $0xFFFF  }
0xfa: {  	p0 =	sne.s32 s0, $0x0;
	s0 =	rddreg [dreg:$0x3]  }
0xfb: {  	s0 =	sadd.s32 @!p0 $0x100000, s0  }
0xfc: {  	[sflag:s0] =	ssyncadd.tile.s32 @!p0 $0x1;
	_ =	shalt  }
.Lfunc_end2:
_tile_overlayer_lowered:
.L_overlay_start_2:
0xfd: {  	(tag) =	ssettag $0x2  }
0xfe: {  	s0 =	rddreg [dreg:$0x0];
	s2 =	stileid.u32  }
0xff: {  	s1 =	rddreg [dreg:$0x1];
	p0 =	sne.s32 s2, $0x0  }
0x100: {  	s3 =	rddreg [dreg:$0x2];
	[bflag:$0x3] =	sbarrier.arrive $0xFFFF;
	s2 =	simm.s32 @!p0 $0x1C03  }
0x101: {  	[timem:s3], [sflag:s2] =	dma.local @!p0 [hbm:s0], s1  }
0x102: {  	s0 =	simm.s32 @!p0 $0x3  }
0x103: {  	_ =	swait.ge @!p0 [sflag:s0], s1  }
0x104: {  	s1 =	ssub.s32 @!p0 $0x0, s1;
	[sflag:s0] =	ssyncset.done @!p0 $0x0  }
0x105: {  	[sflag:s0] =	ssyncadd.s32 @!p0 s1  }
0x106: {  	[bflag:$0x3] =	sbarrier.arrive $0xFFFF  }
0x107: {  	_ =	shalt  }

// kernel: kernel.8.cloned.1.call-start
scs
__scs_entry_jumppad:
0x0: {  	(pc) =	sbr.rel $0x88, $3  }
0x1: {  	(tag) =	ssettag $0x0;
	lr =	simm.s32 $0x1  }
0x2: {  	[smem:$0x3F9B] =	sst lr;
	_ =	strace $0xD0000000  }
0x3: {  	_ = 	snop  }
0x4: {  	_ = 	snop  }
0x5: {  	_ = 	snop  }
0x6: {  	_ = 	snop  }
0x7: {  	_ = 	snop  }
__scs_overlays_trampoline_lowered:
0x8: {  	[smem:$0x3FAA] =	sst s0  }
0x9: {  	[smem:$0x3FAB] =	sst s1  }
0xa: {  	[smem:$0x3FAC] =	sst s2  }
0xb: {  	[smem:$0x3FAD] =	sst s3  }
0xc: {  	[smem:$0x3FAE] =	sst s4  }
0xd: {  	[smem:$0x3FAF] =	sst s5  }
0xe: {  	[smem:$0x3FB0] =	sst s6  }
0xf: {  	[smem:$0x3FB1] =	sst s7  }
0x10: {  	[smem:$0x3FB2] =	sst s8  }
0x11: {  	[smem:$0x3FB3] =	sst s9;
	s0 =	simm.s32 @!p0 $0x0  }
0x12: {  	s1 =	sld [smem:$0x3F99];
	s0 =	simm.s32 @p0 $0x1  }
0x13: {  	[smem:$0x3FB4] =	sst s0;
	s0 =	simm.s32 @!p1 $0x0  }
0x14: {  	s2 =	sld [smem:$0x3F98];
	s0 =	simm.s32 @p1 $0x1  }
0x15: {  	[smem:$0x3FB5] =	sst s0;
	s0 =	simm.s32 @!p2 $0x0  }
0x16: {  	s3 =	sld [smem:$0x3FDB];
	s0 =	simm.s32 @p2 $0x1  }
0x17: {  	s4 =	simm.s32 $0x1BF5;
	[smem:$0x3FB7] =	sst s0  }
0x18: {  	s0 =	sld [smem:$0x3F9A];
	_ =	swait.ge [sflag:s4], $0x0  }
0x19: {  	s7 =	sld [smem:$0x3F9B]  }
0x1a: {  	s8 =	sadd.s32 $0xFFFFE003, lr  }
0x1b: {  	s9 =	sadd.s32 $0xFFFFFEF7, lr;
	s5 =	simm.s32 $0xFFFFFFFF;
	p2 =	slt.u32 s8, $0xFFFFF086  }
0x1c: {  	p1 =	slt.u32 s9, $0xF7A;
	s5 =	simm.s32 @!p2 $0x0  }
0x1d: {  	s5 =	simm.s32 @p1 $0x1;
	p0 =	seq.s32 s7, s2  }
0x1e: {  	s7 =	smul.u32 @!p0 $0xF7A, s2;
	p2 =	seq.s32 @!p0 s5, $0x0  }
0x1f: {  	s9 =	smul.u32 $0xF7A, s1;
	s8 =	simm.s32 @!p0 $0x1BF5;
	p2 =	por !p2, p0  }
0x20: {  	[sflag:s8] =	ssyncset.s32 @!p0 $0xFFFFF086;
	s6 =	sadd.s32 @!p0 s3, s7;
	s7 =	simm.s32 @!p0 $0x108  }
0x21: {  	s3 =	sadd.s32 s3, s9;
	s6 =	sadd.s32 @!p0 $0x88, s6;
	s7 =	simm.s32 @p2 $0x1082  }
0x22: {  	[simem:s7], [sflag:s8] =	dma.local @!p0 [hbm:s6], $0xF7A  }
0x23: {  	s9 =	sor.u32 $0xD0000000, s2;
	s6 =	simm.s32 $0x108;
	_ =	swait.ge @!p0 [sflag:s8], $0x0  }
0x24: {  	s3 =	sadd.s32 $0x88, s3;
	s6 =	simm.s32 @!p1 $0x1082;
	[sflag:s4] =	ssyncset.s32 $0xFFFFF086  }
0x25: {  	[simem:s6], [sflag:s4] =	dma.local [hbm:s3], $0xF7A  }
0x26: {  	[smem:$0x3F9B] =	sst s1;
	(tag) =	ssettag s2;
	_ =	strace s9  }
0x27: {  	s1 =	sld [smem:$0x3FAB]  }
0x28: {  	s2 =	sld [smem:$0x3FAC]  }
0x29: {  	s4 =	sld [smem:$0x3FAE]  }
0x2a: {  	p0 =	seq.s32 s5, $0x0;
	s5 =	sld [smem:$0x3FAF]  }
0x2b: {  	s6 =	sld [smem:$0x3FB0]  }
0x2c: {  	s7 =	sld [smem:$0x3FB1]  }
0x2d: {  	s3 =	simm.s32 $0x108;
	s8 =	sld [smem:$0x3FB2]  }
0x2e: {  	s3 =	simm.s32 @!p0 $0x1082;
	s9 =	sld [smem:$0x3FB3]  }
0x2f: {  	lr =	sadd.s32 s0, s3;
	s0 =	sld [smem:$0x3FAA]  }
0x30: {  	s3 =	sld [smem:$0x3FAD]  }
0x31: {  	[smem:$0x3FB6] =	sst s10  }
0x32: {  	s10 =	sld [smem:$0x3FB4];
	_ =	sdelay $0x3  }
0x33: {  	p0 =	seq.s32 s10, $0x1;
	s10 =	sld [smem:$0x3FB6];
	_ =	sdelay $0x3  }
0x34: {  	[smem:$0x3FB6] =	sst s10  }
0x35: {  	s10 =	sld [smem:$0x3FB5];
	_ =	sdelay $0x3  }
0x36: {  	p1 =	seq.s32 s10, $0x1;
	s10 =	sld [smem:$0x3FB6];
	_ =	sdelay $0x3  }
0x37: {  	[smem:$0x3FB6] =	sst s10  }
0x38: {  	s10 =	sld [smem:$0x3FB7]  }
0x39: {  	_ = 	snop;
	(pc) =	sbr.ind lr, $3  }
0x3a: {  	_ = 	snop  }
0x3b: {  	_ = 	snop  }
0x3c: {  	p2 =	seq.s32 s10, $0x1;
	s10 =	sld [smem:$0x3FB6]  }
0x3d: {  	_ =	shalt  }
0x3e: {  	_ =	shalt  }
0x3f: {  	_ =	shalt  }
0x40: {  	_ =	shalt  }
0x41: {  	_ =	shalt  }
0x42: {  	_ =	shalt  }
0x43: {  	_ =	shalt  }
0x44: {  	_ =	shalt  }
0x45: {  	_ =	shalt  }
0x46: {  	_ =	shalt  }
0x47: {  	_ =	shalt  }
0x48: {  	_ =	shalt  }
0x49: {  	_ =	shalt  }
0x4a: {  	_ =	shalt  }
0x4b: {  	_ =	shalt  }
0x4c: {  	_ =	shalt  }
0x4d: {  	_ =	shalt  }
0x4e: {  	_ =	shalt  }
0x4f: {  	_ =	shalt  }
0x50: {  	_ =	shalt  }
0x51: {  	_ =	shalt  }
0x52: {  	_ =	shalt  }
0x53: {  	_ =	shalt  }
0x54: {  	_ =	shalt  }
0x55: {  	_ =	shalt  }
0x56: {  	_ =	shalt  }
0x57: {  	_ =	shalt  }
0x58: {  	_ =	shalt  }
0x59: {  	_ =	shalt  }
0x5a: {  	_ =	shalt  }
0x5b: {  	_ =	shalt  }
0x5c: {  	_ =	shalt  }
0x5d: {  	_ =	shalt  }
0x5e: {  	_ =	shalt  }
0x5f: {  	_ =	shalt  }
0x60: {  	_ =	shalt  }
0x61: {  	_ =	shalt  }
0x62: {  	_ =	shalt  }
0x63: {  	_ =	shalt  }
0x64: {  	_ =	shalt  }
0x65: {  	_ =	shalt  }
0x66: {  	_ =	shalt  }
0x67: {  	_ =	shalt  }
0x68: {  	_ =	shalt  }
0x69: {  	_ =	shalt  }
0x6a: {  	_ =	shalt  }
0x6b: {  	_ =	shalt  }
0x6c: {  	_ =	shalt  }
0x6d: {  	_ =	shalt  }
0x6e: {  	_ =	shalt  }
0x6f: {  	_ =	shalt  }
0x70: {  	_ =	shalt  }
0x71: {  	_ =	shalt  }
0x72: {  	_ =	shalt  }
0x73: {  	_ =	shalt  }
0x74: {  	_ =	shalt  }
0x75: {  	_ =	shalt  }
0x76: {  	_ =	shalt  }
0x77: {  	_ =	shalt  }
0x78: {  	_ =	shalt  }
0x79: {  	_ =	shalt  }
0x7a: {  	_ =	shalt  }
0x7b: {  	_ =	shalt  }
0x7c: {  	_ =	shalt  }
0x7d: {  	_ =	shalt  }
0x7e: {  	_ =	shalt  }
0x7f: {  	_ =	shalt  }
0x80: {  	_ =	shalt  }
0x81: {  	_ =	shalt  }
0x82: {  	_ =	shalt  }
0x83: {  	_ =	shalt  }
0x84: {  	_ =	shalt  }
0x85: {  	_ =	shalt  }
0x86: {  	_ =	shalt  }
0x87: {  	_ =	shalt  }
.Lfunc_end0:
.L_simem_size_0:
called_computation_lowered:
.L_overlay_start_0:
0x88: {  	s2 =	sld [smem:$0x3FD9]  }
0x89: {  	s3 =	sld [smem:$0x3FFE];
	_ =	sdelay $0x1  }
0x8a: {  	s1 =	srdreg.scid  }
0x8b: {  	s0 =	sand.u32 $0x1, s1  }
0x8c: {  	s16 =	sshll.u32 s0, $0xA;
	s2 =	sadd.s32 s3, s2  }
0x8d: {  	s2 =	sadd.s32 s2, s16  }
0x8e: {  	[smem:$0x3FC2] =	sst s2  }
0x8f: {  	_ = 	snop  }
0x90: {  	(tm) =	ssettm $0x1  }
0x91: {  	s17 =	sld [smem:$0x3FFB];
	_ =	sdelay $0x3  }
0x92: {  	_ =	strace s17  }
0x93: {  	s2 =	sld [smem:$0x3FFC];
	_ =	sdelay $0x3  }
0x94: {  	_ =	strace s2  }
0x95: {  	s2 =	sld [smem:$0x3FFD];
	_ =	sdelay $0x3  }
0x96: {  	_ =	strace s2  }
0x97: {  	_ =	strace $0x8FFFFFFF  }
0x98: {  	s18 =	sld [smem:$0x3FDB];
	_ =	sdelay $0x1  }
0x99: {  	s19 =	simm.s32 $_scs_section_size  }
0x9a: {  	s4 =	simm.s32 $_size__tile_overlayer_lowered;
	s5 =	simm.s32 $_tile_overlayer_lowered  }
0x9b: {  	s22 =	simm.s32 $0x1BFF;
	s21 =	sshll.u32 s5, $0x1;
	s2 =	sadd.s32 s19, s18  }
0x9c: {  	s6 =	simm.s32 $0x0;
	s20 =	sshll.u32 s4, $0x1;
	s4 =	sadd.s32 s21, s2  }
0x9d: {  	[timem:s6], [sflag:s22] =	dma.local [hbm:s4], s20  }
0x9e: {  	_ =	swait.ge [sflag:s22], s20  }
0x9f: {  	s3 =	ssub.s32 $0x0, s20;
	[sflag:s22] =	ssyncset.done $0x0  }
0xa0: {  	[sflag:s22] =	ssyncadd.s32 s3;
	_ =	sdelay $0x1  }
0xa1: {  	s23 =	simm.s32 $0x1B8B  }
0xa2: {  	_ =	swait.ge [sflag:s23], $0x1  }
0xa3: {  	[sflag:s23] =	ssyncset.done $0x0  }
0xa4: {  	s25 =	simm.s32 $0x1B8E;
	s24 =	sld [smem:$0x3FFE];
	[sflag:s23] =	ssyncadd.s32 $0xFFFFFFFF  }
0xa5: {  	s26 =	simm.s32 $execute0_lowered;
	[smem:$0x3FD2] =	sst s25  }
0xa6: {  	s4 =	sshll.u32 s26, $0x1;
	_ =	strace $0x80000046;
	[dreg:$0x1] =	wrdreg $0xFFFFFFFF  }
0xa7: {  	s28 =	simm.s32 $_size_execute0_lowered;
	s2 =	sadd.s32 s2, s4;
	[dreg:$0x0] =	wrdreg $0x0  }
0xa8: {  	s4 =	sshll.u32 s28, $0x1;
	[dreg:$0x2] =	wrdreg s2  }
0xa9: {  	[dreg:$0x3] =	wrdreg s4  }
0xaa: {  	[dreg:$0x4] =	wrdreg $0xC0  }
0xab: {  	_ =	task [dreg:s6], $0x5FFFF  }
0xac: {  	[dreg:$0x1] =	wrdreg $0xFFFFFFFF  }
0xad: {  	[dreg:$0x0] =	wrdreg $0x60  }
0xae: {  	[dreg:$0x2] =	wrdreg s24  }
0xaf: {  	[dreg:$0x3] =	wrdreg $0x78000  }
0xb0: {  	[dreg:$0x4] =	wrdreg $0x9  }
0xb1: {  	_ =	task.clear_ibuf [dreg:s6], $0x5FFFF;
	_ =	strace $0x90000046  }
0xb2: {  	s29 =	simm.s32 $0x9;
	_ =	strace $0x80000048  }
0xb3: {  	_ =	swait.ge [sflag:s29], $0x1  }
0xb4: {  	[sflag:s29] =	ssyncadd.s32 $0xFFFFFFFF  }
0xb5: {  	_ =	strace $0x90000048  }
0xb6: {  	_ =	sfence  }
0xb7: {  	s30 =	sld [smem:$0x0];
	_ =	sdelay $0x2  }
0xb8: {  	s31 =	sshll.u32 s1, $0xD;
	s1 =	sshrl.u32 s1, $0x2  }
0xb9: {  	s3 =	sand.u32 $0x4000, s31;
	s1 =	sadd.s32 s1, s30  }
0xba: {  	s0 =	sor.u32 s3, s0;
	s1 =	sshll.u32 s1, $0x11  }
0xbb: {  	s0 =	sor.u32 s1, s0  }
0xbc: {  	s0 =	sadd.s32 $0x8F2B, s0  }
0xbd: {  	[sflag:s0] =	ssyncadd.remote.s32 $0x1  }
0xbe: {  	_ =	sfence.sel $0xFFFF  }
0xbf: {  	[dreg:$0x0] =	wrdreg $0xFFFFFFFF;
	(pc) =	sbr.abs _section_cstart, $3  }
0xc0: {  	[dreg:$0x1] =	wrdreg $0xFFFFFFFF  }
0xc1: {  	_ =	task.clear_ibuf [dreg:s6], $0x2FFFF;
	_ =	strace $0x9FFFFFFF  }
0xc2: {  	(tm) =	ssettm $0x7FFFFFFF  }
0xc3: {  	_ =	shalt  }
tec
execute0_lowered:
.L_overlay_start_1:
0x0: {  	(tag) =	ssettag $0x1  }
0x1: {  	s0 =	srdreg.scid;
	s4 =	rddreg [dreg:$0x0]  }
0x2: {  	s7 =	stileid.u32;
	s2 =	rddreg [dreg:$0x1];
	s3 =	simm.s32 $0x0  }
0x3: {  	s28 =	simm.s32 $0x6800;
	s29 =	simm.s32 $0x2;
	s30 =	simm.s32 $0x80  }
0x4: {  	s31 =	simm.s32 $0x2800;
	s0 =	sand.u32 $0x1, s0;
	s6 =	smul.u32 $0x14000, s7  }
0x5: {  	s1 =	sshll.u32 s7, $0x1;
	[smem:$0x7FF] =	sst s3;
	s5 =	smul.u32 $0x140000, s0  }
0x6: {  	s7 =	smul.u32 $0x50000, s7;
	s1 =	sor.u32 s0, s1;
	_ =	strace $0x80000047  }
0x7: {  	s0 =	ssub.s32 $0x2, s0;
	s1 =	smul.u32 $0x500, s1;
	s5 =	sadd.s32 s6, s5  }
0x8: {  	s23 =	sshrl.u32 s0, $0x1;
	s7 =	sshrl.u32 s7, $0x2;
	s5 =	sshrl.u32 s5, $0x3  }
0x9: {  	s0 =	ssub.s32 s0, s23;
	s1 =	sadd.s32 s1, s4;
	s5 =	sadd.s32 s5, s4  }
0xa: {  	s4 =	sadd.s32 s7, s2;
	s23 =	sadd.s32 $0x2800, s1;
	s1 =	simm.s32 $0x1  }
0xb: {  	s24 =	sadd.s32 $0x1000, s4;
	s25 =	sadd.s32 $0x2000, s4;
	s26 =	sadd.s32 $0x3000, s4  }
0xc: {  	s8 =	sadd.s32 $0x4000, s4;
	s9 =	sadd.s32 $0x5000, s4;
	s10 =	sadd.s32 $0x6000, s4  }
0xd: {  	s11 =	sadd.s32 $0x7000, s4;
	s12 =	sadd.s32 $0x8000, s4;
	s13 =	sadd.s32 $0x9000, s4  }
0xe: {  	s14 =	sadd.s32 $0xA000, s4;
	s15 =	sadd.s32 $0xB000, s4;
	s16 =	sadd.s32 $0xC000, s4  }
0xf: {  	s17 =	sadd.s32 $0xD000, s4;
	s18 =	sadd.s32 $0xE000, s4;
	[dreg:$0x3] =	wrdreg s24  }
0x10: {  	s19 =	sadd.s32 $0xF000, s4;
	s20 =	sadd.s32 $0x10000, s4;
	[dreg:$0x4] =	wrdreg s25  }
0x11: {  	s21 =	sadd.s32 $0x11000, s4;
	s22 =	sadd.s32 $0x12000, s4;
	[dreg:$0x5] =	wrdreg s26  }
0x12: {  	v0 =	vimm.f32 $0.0e+00;
	v1 =	vimm.f32 $1.000000000e+00;
	s24 =	sadd.s32 $0x16800, s5;
	s25 =	smax.u32 s0, $0x1;
	s26 =	sadd.s32 $0x13000, s4  }
.LBB2_1:
0x13: {  	s0 =	simm.s32 $0x0;
	s5 =	simm.s32 $0x200  }
.LBB2_2:
0x14: {  	p0 =	sne.s32 s5, $0x3E00;
	[tilespmem:s0+$0x6870] =	vst v0  }
0x15: {  	[tilespmem:s0+$0x6800] =	vst v0  }
0x16: {  	[tilespmem:s0+$0x6810] =	vst v0  }
.Ltmp0:
0x17: {  	[tilespmem:s0+$0x6820] =	vst v0;
	(pc) =	sbr.rel @p0 .LBB2_2-.Ltmp0, $4  }
0x18: {  	[tilespmem:s0+$0x6830] =	vst v0  }
0x19: {  	[tilespmem:s0+$0x6840] =	vst v0  }
0x1a: {  	[tilespmem:s0+$0x6850] =	vst v0  }
0x1b: {  	[tilespmem:s0+$0x6860] =	vst v0;
	s0 =	sshra.s32 s5, $0x2;
	s5 =	sadd.s32 $0x200, s5  }
0x1c: {  	[tilespmem:s0+$0x6870] =	vst v0  }
0x1d: {  	[tilespmem:s0+$0x6800] =	vst v0  }
0x1e: {  	[tilespmem:s0+$0x6810] =	vst v0  }
0x1f: {  	[tilespmem:s0+$0x6820] =	vst v0  }
0x20: {  	[tilespmem:s0+$0x6830] =	vst v0  }
0x21: {  	[tilespmem:s0+$0x6840] =	vst v0  }
0x22: {  	[tilespmem:s0+$0x6850] =	vst v0  }
0x23: {  	[tilespmem:s0+$0x6860] =	vst v0;
	s0 =	simm.s32 $0x0;
	s5 =	simm.s32 $0x200  }
.LBB2_4:
0x24: {  	p0 =	sne.s32 s5, $0xFE00;
	[tilespmem:s0+$0x2870] =	vst v1  }
0x25: {  	[tilespmem:s0+$0x2800] =	vst v1  }
0x26: {  	[tilespmem:s0+$0x2810] =	vst v1  }
.Ltmp1:
0x27: {  	[tilespmem:s0+$0x2820] =	vst v1;
	(pc) =	sbr.rel @p0 .LBB2_4-.Ltmp1, $4  }
0x28: {  	[tilespmem:s0+$0x2830] =	vst v1  }
0x29: {  	[tilespmem:s0+$0x2840] =	vst v1  }
0x2a: {  	[tilespmem:s0+$0x2850] =	vst v1  }
0x2b: {  	[tilespmem:s0+$0x2860] =	vst v1;
	s0 =	sshra.s32 s5, $0x2;
	s5 =	sadd.s32 $0x200, s5  }
0x2c: {  	[tilespmem:s0+$0x2870] =	vst v1  }
0x2d: {  	[tilespmem:s0+$0x2800] =	vst v1  }
0x2e: {  	[tilespmem:s0+$0x2810] =	vst v1  }
0x2f: {  	[tilespmem:s0+$0x2820] =	vst v1  }
0x30: {  	[tilespmem:s0+$0x2830] =	vst v1  }
0x31: {  	[tilespmem:s0+$0x2840] =	vst v1  }
0x32: {  	[tilespmem:s0+$0x2850] =	vst v1  }
0x33: {  	[tilespmem:s0+$0x2860] =	vst v1  }
0x34: {  	[spmem:s4] =	stream.linear.scatter [tilespmem:s28], [sflag:$0x2], $0x1000, $0x38;
	[tilespmem:$0x1B800] =	vst v63  }
0x35: {  	_ =	swait.ge [sflag:s29], $0x1000  }
0x36: {  	[sflag:s29] =	ssyncset.done $0x0  }
0x37: {  	s6 =	rddreg [dreg:$0x3];
	[sflag:s29] =	ssyncadd.s32 $0xFFFFF000  }
0x38: {  	[spmem:s6] =	stream.linear.scatter [tilespmem:s28], [sflag:$0x2], $0x1000, $0x38;
	[tilespmem:$0x1B800] =	vst v63  }
0x39: {  	_ =	swait.ge [sflag:s29], $0x1000  }
0x3a: {  	[sflag:s29] =	ssyncset.done $0x0  }
0x3b: {  	s7 =	rddreg [dreg:$0x4];
	[sflag:s29] =	ssyncadd.s32 $0xFFFFF000  }
0x3c: {  	[spmem:s7] =	stream.linear.scatter [tilespmem:s28], [sflag:$0x2], $0x1000, $0x38;
	[tilespmem:$0x1B800] =	vst v63  }
0x3d: {  	_ =	swait.ge [sflag:s29], $0x1000  }
0x3e: {  	[sflag:s29] =	ssyncset.done $0x0  }
0x3f: {  	s5 =	rddreg [dreg:$0x5];
	[sflag:s29] =	ssyncadd.s32 $0xFFFFF000  }
0x40: {  	[spmem:s5] =	stream.linear.scatter [tilespmem:s28], [sflag:$0x2], $0x1000, $0x38;
	[tilespmem:$0x1B800] =	vst v63  }
0x41: {  	_ =	swait.ge [sflag:s29], $0x1000  }
0x42: {  	[sflag:s29] =	ssyncset.done $0x0  }
0x43: {  	[sflag:s29] =	ssyncadd.s32 $0xFFFFF000  }
0x44: {  	[spmem:s8] =	stream.linear.scatter [tilespmem:s28], [sflag:$0x2], $0x1000, $0x38;
	[tilespmem:$0x1B800] =	vst v63  }
0x45: {  	_ =	swait.ge [sflag:s29], $0x1000  }
0x46: {  	[sflag:s29] =	ssyncset.done $0x0  }
0x47: {  	[sflag:s29] =	ssyncadd.s32 $0xFFFFF000  }
0x48: {  	[spmem:s9] =	stream.linear.scatter [tilespmem:s28], [sflag:$0x2], $0x1000, $0x38;
	[tilespmem:$0x1B800] =	vst v63  }
0x49: {  	_ =	swait.ge [sflag:s29], $0x1000  }
0x4a: {  	[sflag:s29] =	ssyncset.done $0x0  }
0x4b: {  	[sflag:s29] =	ssyncadd.s32 $0xFFFFF000  }
0x4c: {  	[spmem:s10] =	stream.linear.scatter [tilespmem:s28], [sflag:$0x2], $0x1000, $0x38;
	[tilespmem:$0x1B800] =	vst v63  }
0x4d: {  	_ =	swait.ge [sflag:s29], $0x1000  }
0x4e: {  	[sflag:s29] =	ssyncset.done $0x0  }
0x4f: {  	[sflag:s29] =	ssyncadd.s32 $0xFFFFF000  }
0x50: {  	[spmem:s11] =	stream.linear.scatter [tilespmem:s28], [sflag:$0x2], $0x1000, $0x38;
	[tilespmem:$0x1B800] =	vst v63  }
0x51: {  	_ =	swait.ge [sflag:s29], $0x1000  }
0x52: {  	[sflag:s29] =	ssyncset.done $0x0  }
0x53: {  	[sflag:s29] =	ssyncadd.s32 $0xFFFFF000  }
0x54: {  	[spmem:s12] =	stream.linear.scatter [tilespmem:s28], [sflag:$0x2], $0x1000, $0x38;
	[tilespmem:$0x1B800] =	vst v63  }
0x55: {  	_ =	swait.ge [sflag:s29], $0x1000  }
0x56: {  	[sflag:s29] =	ssyncset.done $0x0  }
0x57: {  	[sflag:s29] =	ssyncadd.s32 $0xFFFFF000  }
0x58: {  	[spmem:s13] =	stream.linear.scatter [tilespmem:s28], [sflag:$0x2], $0x1000, $0x38;
	[tilespmem:$0x1B800] =	vst v63  }
0x59: {  	_ =	swait.ge [sflag:s29], $0x1000  }
0x5a: {  	[sflag:s29] =	ssyncset.done $0x0  }
0x5b: {  	[sflag:s29] =	ssyncadd.s32 $0xFFFFF000  }
0x5c: {  	[spmem:s14] =	stream.linear.scatter [tilespmem:s28], [sflag:$0x2], $0x1000, $0x38;
	[tilespmem:$0x1B800] =	vst v63  }
0x5d: {  	_ =	swait.ge [sflag:s29], $0x1000  }
0x5e: {  	[sflag:s29] =	ssyncset.done $0x0  }
0x5f: {  	[sflag:s29] =	ssyncadd.s32 $0xFFFFF000  }
0x60: {  	[spmem:s15] =	stream.linear.scatter [tilespmem:s28], [sflag:$0x2], $0x1000, $0x38;
	[tilespmem:$0x1B800] =	vst v63  }
0x61: {  	_ =	swait.ge [sflag:s29], $0x1000  }
0x62: {  	[sflag:s29] =	ssyncset.done $0x0  }
0x63: {  	[sflag:s29] =	ssyncadd.s32 $0xFFFFF000  }
0x64: {  	[spmem:s16] =	stream.linear.scatter [tilespmem:s28], [sflag:$0x2], $0x1000, $0x38;
	[tilespmem:$0x1B800] =	vst v63  }
0x65: {  	_ =	swait.ge [sflag:s29], $0x1000  }
0x66: {  	[sflag:s29] =	ssyncset.done $0x0  }
0x67: {  	[sflag:s29] =	ssyncadd.s32 $0xFFFFF000  }
0x68: {  	[spmem:s17] =	stream.linear.scatter [tilespmem:s28], [sflag:$0x2], $0x1000, $0x38;
	[tilespmem:$0x1B800] =	vst v63  }
0x69: {  	_ =	swait.ge [sflag:s29], $0x1000  }
0x6a: {  	[sflag:s29] =	ssyncset.done $0x0  }
0x6b: {  	[sflag:s29] =	ssyncadd.s32 $0xFFFFF000  }
0x6c: {  	[spmem:s18] =	stream.linear.scatter [tilespmem:s28], [sflag:$0x2], $0x1000, $0x38;
	[tilespmem:$0x1B800] =	vst v63  }
0x6d: {  	_ =	swait.ge [sflag:s29], $0x1000  }
0x6e: {  	[sflag:s29] =	ssyncset.done $0x0  }
0x6f: {  	[sflag:s29] =	ssyncadd.s32 $0xFFFFF000  }
0x70: {  	[spmem:s19] =	stream.linear.scatter [tilespmem:s28], [sflag:$0x2], $0x1000, $0x38;
	[tilespmem:$0x1B800] =	vst v63  }
0x71: {  	_ =	swait.ge [sflag:s29], $0x1000  }
0x72: {  	[sflag:s29] =	ssyncset.done $0x0  }
0x73: {  	[sflag:s29] =	ssyncadd.s32 $0xFFFFF000  }
0x74: {  	[spmem:s20] =	stream.linear.scatter [tilespmem:s28], [sflag:$0x2], $0x1000, $0x38;
	[tilespmem:$0x1B800] =	vst v63  }
0x75: {  	_ =	swait.ge [sflag:s29], $0x1000  }
0x76: {  	[sflag:s29] =	ssyncset.done $0x0  }
0x77: {  	[sflag:s29] =	ssyncadd.s32 $0xFFFFF000  }
0x78: {  	[spmem:s21] =	stream.linear.scatter [tilespmem:s28], [sflag:$0x2], $0x1000, $0x38;
	[tilespmem:$0x1B800] =	vst v63  }
0x79: {  	_ =	swait.ge [sflag:s29], $0x1000  }
0x7a: {  	[sflag:s29] =	ssyncset.done $0x0  }
0x7b: {  	[sflag:s29] =	ssyncadd.s32 $0xFFFFF000  }
0x7c: {  	[spmem:s22] =	stream.linear.scatter [tilespmem:s28], [sflag:$0x2], $0x1000, $0x38;
	[tilespmem:$0x1B800] =	vst v63  }
0x7d: {  	_ =	swait.ge [sflag:s29], $0x1000  }
0x7e: {  	[sflag:s29] =	ssyncset.done $0x0  }
0x7f: {  	[sflag:s29] =	ssyncadd.s32 $0xFFFFF000  }
0x80: {  	[spmem:s26] =	stream.linear.scatter [tilespmem:s28], [sflag:$0x2], $0x1000, $0x38;
	[tilespmem:$0x1B800] =	vst v63  }
0x81: {  	_ =	swait.ge [sflag:s29], $0x1000  }
0x82: {  	[sflag:s29] =	ssyncset.done $0x0  }
0x83: {  	[sflag:s29] =	ssyncadd.s32 $0xFFFFF000  }
0x84: {  	s6 =	simm.s32 $0x0;
	[bflag:$0x0] =	sbarrier.arrive $0xFFFF  }
0x85: {  	[tilespmem:s6], [sflag:$0x2] =	stream.linear.gather [hbm4b:s23+s6], $0x2800, $0x38;
	[tilespmem:$0x1B800] =	vst v63  }
0x86: {  	_ =	swait.ge [sflag:s29], $0x2800  }
0x87: {  	[sflag:s29] =	ssyncset.done $0x0  }
0x88: {  	s7 =	simm.s32 $0x0;
	[sflag:s29] =	ssyncadd.s32 $0xFFFFD800  }
0x89: {  	[spmem:s2] =	stream.indirect.scatter.add.f32 [tilespmem:s31], [sflag:$0x1], $0x80, s7, s30, $0xb8;
	[tilespmem:$0x1B800] =	vst v63  }
0x8a: {  	s5 =	simm.s32 $0x80  }
0x8b: {  	[spmem:s2] =	stream.indirect.scatter.add.f32 [tilespmem:s31], [sflag:$0x1], $0x80, s5, s30, $0xb8;
	[tilespmem:$0x1B800] =	vst v63  }
0x8c: {  	s6 =	simm.s32 $0x100  }
0x8d: {  	[spmem:s2] =	stream.indirect.scatter.add.f32 [tilespmem:s31], [sflag:$0x1], $0x80, s6, s30, $0xb8;
	[tilespmem:$0x1B800] =	vst v63  }
0x8e: {  	s7 =	simm.s32 $0x180  }
0x8f: {  	[spmem:s2] =	stream.indirect.scatter.add.f32 [tilespmem:s31], [sflag:$0x1], $0x80, s7, s30, $0xb8;
	[tilespmem:$0x1B800] =	vst v63  }
0x90: {  	s5 =	simm.s32 $0x200  }
0x91: {  	[spmem:s2] =	stream.indirect.scatter.add.f32 [tilespmem:s31], [sflag:$0x1], $0x80, s5, s30, $0xb8;
	[tilespmem:$0x1B800] =	vst v63  }
0x92: {  	s6 =	simm.s32 $0x280  }
0x93: {  	[spmem:s2] =	stream.indirect.scatter.add.f32 [tilespmem:s31], [sflag:$0x1], $0x80, s6, s30, $0xb8;
	[tilespmem:$0x1B800] =	vst v63  }
0x94: {  	s7 =	simm.s32 $0x300  }
0x95: {  	[spmem:s2] =	stream.indirect.scatter.add.f32 [tilespmem:s31], [sflag:$0x1], $0x80, s7, s30, $0xb8;
	[tilespmem:$0x1B800] =	vst v63  }
0x96: {  	s5 =	simm.s32 $0x380  }
0x97: {  	[spmem:s2] =	stream.indirect.scatter.add.f32 [tilespmem:s31], [sflag:$0x1], $0x80, s5, s30, $0xb8;
	[tilespmem:$0x1B800] =	vst v63  }
0x98: {  	s6 =	simm.s32 $0x400  }
0x99: {  	[spmem:s2] =	stream.indirect.scatter.add.f32 [tilespmem:s31], [sflag:$0x1], $0x80, s6, s30, $0xb8;
	[tilespmem:$0x1B800] =	vst v63  }
0x9a: {  	s7 =	simm.s32 $0x480  }
0x9b: {  	[spmem:s2] =	stream.indirect.scatter.add.f32 [tilespmem:s31], [sflag:$0x1], $0x80, s7, s30, $0xb8;
	[tilespmem:$0x1B800] =	vst v63  }
0x9c: {  	s5 =	simm.s32 $0x500  }
0x9d: {  	[spmem:s2] =	stream.indirect.scatter.add.f32 [tilespmem:s31], [sflag:$0x1], $0x80, s5, s30, $0xb8;
	[tilespmem:$0x1B800] =	vst v63  }
0x9e: {  	s6 =	simm.s32 $0x580  }
0x9f: {  	[spmem:s2] =	stream.indirect.scatter.add.f32 [tilespmem:s31], [sflag:$0x1], $0x80, s6, s30, $0xb8;
	[tilespmem:$0x1B800] =	vst v63  }
0xa0: {  	s7 =	simm.s32 $0x600  }
0xa1: {  	[spmem:s2] =	stream.indirect.scatter.add.f32 [tilespmem:s31], [sflag:$0x1], $0x80, s7, s30, $0xb8;
	[tilespmem:$0x1B800] =	vst v63  }
0xa2: {  	s5 =	simm.s32 $0x680  }
0xa3: {  	[spmem:s2] =	stream.indirect.scatter.add.f32 [tilespmem:s31], [sflag:$0x1], $0x80, s5, s30, $0xb8;
	[tilespmem:$0x1B800] =	vst v63  }
0xa4: {  	s6 =	simm.s32 $0x700  }
0xa5: {  	[spmem:s2] =	stream.indirect.scatter.add.f32 [tilespmem:s31], [sflag:$0x1], $0x80, s6, s30, $0xb8;
	[tilespmem:$0x1B800] =	vst v63  }
0xa6: {  	s7 =	simm.s32 $0x780  }
0xa7: {  	[spmem:s2] =	stream.indirect.scatter.add.f32 [tilespmem:s31], [sflag:$0x1], $0x80, s7, s30, $0xb8;
	[tilespmem:$0x1B800] =	vst v63  }
0xa8: {  	_ =	swait.ge [sflag:s1], $0x4000  }
0xa9: {  	[sflag:s1] =	ssyncset.done $0x0  }
0xaa: {  	[sflag:s1] =	ssyncadd.s32 $0xFFFFC000  }
0xab: {  	_ =	swait.ge [sflag:s1], $0x4000  }
0xac: {  	[sflag:s1] =	ssyncset.done $0x0  }
0xad: {  	[sflag:s1] =	ssyncadd.s32 $0xFFFFC000  }
0xae: {  	_ =	swait.ge [sflag:s1], $0x4000  }
0xaf: {  	[sflag:s1] =	ssyncset.done $0x0  }
0xb0: {  	[sflag:s1] =	ssyncadd.s32 $0xFFFFC000  }
0xb1: {  	_ =	swait.ge [sflag:s1], $0x4000  }
0xb2: {  	[sflag:s1] =	ssyncset.done $0x0  }
0xb3: {  	[sflag:s1] =	ssyncadd.s32 $0xFFFFC000  }
0xb4: {  	_ =	swait.ge [sflag:s1], $0x4000  }
0xb5: {  	[sflag:s1] =	ssyncset.done $0x0  }
0xb6: {  	[sflag:s1] =	ssyncadd.s32 $0xFFFFC000  }
0xb7: {  	_ =	swait.ge [sflag:s1], $0x4000  }
0xb8: {  	[sflag:s1] =	ssyncset.done $0x0  }
0xb9: {  	[sflag:s1] =	ssyncadd.s32 $0xFFFFC000  }
0xba: {  	_ =	swait.ge [sflag:s1], $0x4000  }
0xbb: {  	[sflag:s1] =	ssyncset.done $0x0  }
0xbc: {  	[sflag:s1] =	ssyncadd.s32 $0xFFFFC000  }
0xbd: {  	_ =	swait.ge [sflag:s1], $0x4000  }
0xbe: {  	[sflag:s1] =	ssyncset.done $0x0  }
0xbf: {  	[sflag:s1] =	ssyncadd.s32 $0xFFFFC000  }
0xc0: {  	_ =	swait.ge [sflag:s1], $0x4000  }
0xc1: {  	[sflag:s1] =	ssyncset.done $0x0  }
0xc2: {  	[sflag:s1] =	ssyncadd.s32 $0xFFFFC000  }
0xc3: {  	_ =	swait.ge [sflag:s1], $0x4000  }
0xc4: {  	[sflag:s1] =	ssyncset.done $0x0  }
0xc5: {  	[sflag:s1] =	ssyncadd.s32 $0xFFFFC000  }
0xc6: {  	_ =	swait.ge [sflag:s1], $0x4000  }
0xc7: {  	[sflag:s1] =	ssyncset.done $0x0  }
0xc8: {  	[sflag:s1] =	ssyncadd.s32 $0xFFFFC000  }
0xc9: {  	_ =	swait.ge [sflag:s1], $0x4000  }
0xca: {  	[sflag:s1] =	ssyncset.done $0x0  }
0xcb: {  	[sflag:s1] =	ssyncadd.s32 $0xFFFFC000  }
0xcc: {  	_ =	swait.ge [sflag:s1], $0x4000  }
0xcd: {  	[sflag:s1] =	ssyncset.done $0x0  }
0xce: {  	[sflag:s1] =	ssyncadd.s32 $0xFFFFC000  }
0xcf: {  	_ =	swait.ge [sflag:s1], $0x4000  }
0xd0: {  	[sflag:s1] =	ssyncset.done $0x0  }
0xd1: {  	[sflag:s1] =	ssyncadd.s32 $0xFFFFC000  }
0xd2: {  	_ =	swait.ge [sflag:s1], $0x4000  }
0xd3: {  	[sflag:s1] =	ssyncset.done $0x0  }
0xd4: {  	[sflag:s1] =	ssyncadd.s32 $0xFFFFC000  }
0xd5: {  	_ =	swait.ge [sflag:s1], $0x4000  }
0xd6: {  	s0 =	simm.s32 $0x2000;
	s5 =	simm.s32 $0x4000;
	[sflag:s1] =	ssyncset.done $0x0  }
.LBB2_6:
0xd7: {  	s6 =	sshra.s32 s0, $0x2  }
0xd8: {  	[sflag:s1] =	ssyncadd.s32 $0xFFFFC000;
	s0 =	smov.u32 s5;
	s7 =	sadd.s32 $0x2000, s5  }
0xd9: {  	[spmem:s2] =	stream.indirect.scatter.add.f32 [tilespmem:s31], [sflag:$0x1], $0x80, s6, s30, $0xb8;
	[tilespmem:$0x1B800] =	vst v63  }
0xda: {  	p0 =	sne.s32 s5, $0x8000;
	s5 =	sadd.s32 $0x80, s6  }
0xdb: {  	[spmem:s2] =	stream.indirect.scatter.add.f32 [tilespmem:s31], [sflag:$0x1], $0x80, s5, s30, $0xb8;
	[tilespmem:$0x1B800] =	vst v63  }
0xdc: {  	s5 =	sadd.s32 $0x100, s6  }
0xdd: {  	[spmem:s2] =	stream.indirect.scatter.add.f32 [tilespmem:s31], [sflag:$0x1], $0x80, s5, s30, $0xb8;
	[tilespmem:$0x1B800] =	vst v63  }
0xde: {  	s5 =	sadd.s32 $0x180, s6  }
0xdf: {  	[spmem:s2] =	stream.indirect.scatter.add.f32 [tilespmem:s31], [sflag:$0x1], $0x80, s5, s30, $0xb8;
	[tilespmem:$0x1B800] =	vst v63  }
0xe0: {  	s5 =	sadd.s32 $0x200, s6  }
0xe1: {  	[spmem:s2] =	stream.indirect.scatter.add.f32 [tilespmem:s31], [sflag:$0x1], $0x80, s5, s30, $0xb8;
	[tilespmem:$0x1B800] =	vst v63  }
0xe2: {  	s5 =	sadd.s32 $0x280, s6  }
0xe3: {  	[spmem:s2] =	stream.indirect.scatter.add.f32 [tilespmem:s31], [sflag:$0x1], $0x80, s5, s30, $0xb8;
	[tilespmem:$0x1B800] =	vst v63  }
0xe4: {  	s5 =	sadd.s32 $0x300, s6  }
0xe5: {  	[spmem:s2] =	stream.indirect.scatter.add.f32 [tilespmem:s31], [sflag:$0x1], $0x80, s5, s30, $0xb8;
	[tilespmem:$0x1B800] =	vst v63  }
0xe6: {  	s5 =	sadd.s32 $0x380, s6  }
0xe7: {  	[spmem:s2] =	stream.indirect.scatter.add.f32 [tilespmem:s31], [sflag:$0x1], $0x80, s5, s30, $0xb8;
	[tilespmem:$0x1B800] =	vst v63  }
0xe8: {  	s5 =	sadd.s32 $0x400, s6  }
0xe9: {  	[spmem:s2] =	stream.indirect.scatter.add.f32 [tilespmem:s31], [sflag:$0x1], $0x80, s5, s30, $0xb8;
	[tilespmem:$0x1B800] =	vst v63  }
0xea: {  	s5 =	sadd.s32 $0x480, s6  }
0xeb: {  	[spmem:s2] =	stream.indirect.scatter.add.f32 [tilespmem:s31], [sflag:$0x1], $0x80, s5, s30, $0xb8;
	[tilespmem:$0x1B800] =	vst v63  }
0xec: {  	s5 =	sadd.s32 $0x500, s6  }
0xed: {  	[spmem:s2] =	stream.indirect.scatter.add.f32 [tilespmem:s31], [sflag:$0x1], $0x80, s5, s30, $0xb8;
	[tilespmem:$0x1B800] =	vst v63  }
0xee: {  	s5 =	sadd.s32 $0x580, s6  }
0xef: {  	[spmem:s2] =	stream.indirect.scatter.add.f32 [tilespmem:s31], [sflag:$0x1], $0x80, s5, s30, $0xb8;
	[tilespmem:$0x1B800] =	vst v63  }
0xf0: {  	s5 =	sadd.s32 $0x600, s6  }
0xf1: {  	[spmem:s2] =	stream.indirect.scatter.add.f32 [tilespmem:s31], [sflag:$0x1], $0x80, s5, s30, $0xb8;
	[tilespmem:$0x1B800] =	vst v63  }
0xf2: {  	s5 =	sadd.s32 $0x680, s6  }
0xf3: {  	[spmem:s2] =	stream.indirect.scatter.add.f32 [tilespmem:s31], [sflag:$0x1], $0x80, s5, s30, $0xb8;
	[tilespmem:$0x1B800] =	vst v63  }
0xf4: {  	s5 =	sadd.s32 $0x700, s6  }
0xf5: {  	[spmem:s2] =	stream.indirect.scatter.add.f32 [tilespmem:s31], [sflag:$0x1], $0x80, s5, s30, $0xb8;
	[tilespmem:$0x1B800] =	vst v63  }
0xf6: {  	s5 =	sadd.s32 $0x780, s6  }
0xf7: {  	[spmem:s2] =	stream.indirect.scatter.add.f32 [tilespmem:s31], [sflag:$0x1], $0x80, s5, s30, $0xb8;
	[tilespmem:$0x1B800] =	vst v63  }
0xf8: {  	_ =	swait.ge [sflag:s1], $0x4000  }
0xf9: {  	[sflag:s1] =	ssyncset.done $0x0  }
0xfa: {  	[sflag:s1] =	ssyncadd.s32 $0xFFFFC000  }
0xfb: {  	_ =	swait.ge [sflag:s1], $0x4000  }
0xfc: {  	[sflag:s1] =	ssyncset.done $0x0  }
0xfd: {  	[sflag:s1] =	ssyncadd.s32 $0xFFFFC000  }
0xfe: {  	_ =	swait.ge [sflag:s1], $0x4000  }
0xff: {  	[sflag:s1] =	ssyncset.done $0x0  }
0x100: {  	[sflag:s1] =	ssyncadd.s32 $0xFFFFC000  }
0x101: {  	_ =	swait.ge [sflag:s1], $0x4000  }
0x102: {  	[sflag:s1] =	ssyncset.done $0x0  }
0x103: {  	[sflag:s1] =	ssyncadd.s32 $0xFFFFC000  }
0x104: {  	_ =	swait.ge [sflag:s1], $0x4000  }
0x105: {  	[sflag:s1] =	ssyncset.done $0x0  }
0x106: {  	[sflag:s1] =	ssyncadd.s32 $0xFFFFC000  }
0x107: {  	_ =	swait.ge [sflag:s1], $0x4000  }
0x108: {  	[sflag:s1] =	ssyncset.done $0x0  }
0x109: {  	[sflag:s1] =	ssyncadd.s32 $0xFFFFC000  }
0x10a: {  	_ =	swait.ge [sflag:s1], $0x4000  }
0x10b: {  	[sflag:s1] =	ssyncset.done $0x0  }
0x10c: {  	[sflag:s1] =	ssyncadd.s32 $0xFFFFC000  }
0x10d: {  	_ =	swait.ge [sflag:s1], $0x4000  }
0x10e: {  	[sflag:s1] =	ssyncset.done $0x0  }
0x10f: {  	[sflag:s1] =	ssyncadd.s32 $0xFFFFC000  }
0x110: {  	_ =	swait.ge [sflag:s1], $0x4000  }
0x111: {  	[sflag:s1] =	ssyncset.done $0x0  }
0x112: {  	[sflag:s1] =	ssyncadd.s32 $0xFFFFC000  }
0x113: {  	_ =	swait.ge [sflag:s1], $0x4000  }
0x114: {  	[sflag:s1] =	ssyncset.done $0x0  }
0x115: {  	[sflag:s1] =	ssyncadd.s32 $0xFFFFC000  }
0x116: {  	_ =	swait.ge [sflag:s1], $0x4000  }
0x117: {  	[sflag:s1] =	ssyncset.done $0x0  }
0x118: {  	[sflag:s1] =	ssyncadd.s32 $0xFFFFC000  }
0x119: {  	_ =	swait.ge [sflag:s1], $0x4000  }
0x11a: {  	[sflag:s1] =	ssyncset.done $0x0  }
0x11b: {  	[sflag:s1] =	ssyncadd.s32 $0xFFFFC000  }
0x11c: {  	_ =	swait.ge [sflag:s1], $0x4000  }
0x11d: {  	[sflag:s1] =	ssyncset.done $0x0  }
0x11e: {  	[sflag:s1] =	ssyncadd.s32 $0xFFFFC000  }
0x11f: {  	_ =	swait.ge [sflag:s1], $0x4000  }
0x120: {  	[sflag:s1] =	ssyncset.done $0x0  }
0x121: {  	[sflag:s1] =	ssyncadd.s32 $0xFFFFC000  }
.Ltmp2:
0x122: {  	_ =	swait.ge [sflag:s1], $0x4000;
	(pc) =	sbr.rel @p0 .LBB2_6-.Ltmp2, $4  }
0x123: {  	[sflag:s1] =	ssyncset.done $0x0  }
0x124: {  	[sflag:s1] =	ssyncadd.s32 $0xFFFFC000  }
0x125: {  	_ =	swait.ge [sflag:s1], $0x4000  }
0x126: {  	s5 =	smov.u32 s7;
	[sflag:s1] =	ssyncset.done $0x0  }
0x127: {  	s0 =	sshra.s32 s0, $0x2;
	[sflag:s1] =	ssyncadd.s32 $0xFFFFC000  }
0x128: {  	[spmem:s2] =	stream.indirect.scatter.add.f32 [tilespmem:s31], [sflag:$0x1], $0x80, s0, s30, $0xb8;
	[tilespmem:$0x1B800] =	vst v63  }
0x129: {  	s5 =	sadd.s32 $0x80, s0  }
0x12a: {  	[spmem:s2] =	stream.indirect.scatter.add.f32 [tilespmem:s31], [sflag:$0x1], $0x80, s5, s30, $0xb8;
	[tilespmem:$0x1B800] =	vst v63  }
0x12b: {  	s7 =	sadd.s32 $0x100, s0  }
0x12c: {  	[spmem:s2] =	stream.indirect.scatter.add.f32 [tilespmem:s31], [sflag:$0x1], $0x80, s7, s30, $0xb8;
	[tilespmem:$0x1B800] =	vst v63  }
0x12d: {  	s6 =	sadd.s32 $0x180, s0  }
0x12e: {  	[spmem:s2] =	stream.indirect.scatter.add.f32 [tilespmem:s31], [sflag:$0x1], $0x80, s6, s30, $0xb8;
	[tilespmem:$0x1B800] =	vst v63  }
0x12f: {  	s7 =	sadd.s32 $0x200, s0  }
0x130: {  	[spmem:s2] =	stream.indirect.scatter.add.f32 [tilespmem:s31], [sflag:$0x1], $0x80, s7, s30, $0xb8;
	[tilespmem:$0x1B800] =	vst v63  }
0x131: {  	s6 =	sadd.s32 $0x280, s0  }
0x132: {  	[spmem:s2] =	stream.indirect.scatter.add.f32 [tilespmem:s31], [sflag:$0x1], $0x80, s6, s30, $0xb8;
	[tilespmem:$0x1B800] =	vst v63  }
0x133: {  	s7 =	sadd.s32 $0x300, s0  }
0x134: {  	[spmem:s2] =	stream.indirect.scatter.add.f32 [tilespmem:s31], [sflag:$0x1], $0x80, s7, s30, $0xb8;
	[tilespmem:$0x1B800] =	vst v63  }
0x135: {  	s6 =	sadd.s32 $0x380, s0  }
0x136: {  	[spmem:s2] =	stream.indirect.scatter.add.f32 [tilespmem:s31], [sflag:$0x1], $0x80, s6, s30, $0xb8;
	[tilespmem:$0x1B800] =	vst v63  }
0x137: {  	s7 =	sadd.s32 $0x400, s0  }
0x138: {  	[spmem:s2] =	stream.indirect.scatter.add.f32 [tilespmem:s31], [sflag:$0x1], $0x80, s7, s30, $0xb8;
	[tilespmem:$0x1B800] =	vst v63  }
0x139: {  	s6 =	sadd.s32 $0x480, s0  }
0x13a: {  	[spmem:s2] =	stream.indirect.scatter.add.f32 [tilespmem:s31], [sflag:$0x1], $0x80, s6, s30, $0xb8;
	[tilespmem:$0x1B800] =	vst v63  }
0x13b: {  	s7 =	sadd.s32 $0x500, s0  }
0x13c: {  	[spmem:s2] =	stream.indirect.scatter.add.f32 [tilespmem:s31], [sflag:$0x1], $0x80, s7, s30, $0xb8;
	[tilespmem:$0x1B800] =	vst v63  }
0x13d: {  	s6 =	sadd.s32 $0x580, s0  }
0x13e: {  	[spmem:s2] =	stream.indirect.scatter.add.f32 [tilespmem:s31], [sflag:$0x1], $0x80, s6, s30, $0xb8;
	[tilespmem:$0x1B800] =	vst v63  }
0x13f: {  	s7 =	sadd.s32 $0x600, s0  }
0x140: {  	[spmem:s2] =	stream.indirect.scatter.add.f32 [tilespmem:s31], [sflag:$0x1], $0x80, s7, s30, $0xb8;
	[tilespmem:$0x1B800] =	vst v63  }
0x141: {  	s6 =	sadd.s32 $0x680, s0  }
0x142: {  	[spmem:s2] =	stream.indirect.scatter.add.f32 [tilespmem:s31], [sflag:$0x1], $0x80, s6, s30, $0xb8;
	[tilespmem:$0x1B800] =	vst v63  }
0x143: {  	s7 =	sadd.s32 $0x700, s0  }
0x144: {  	[spmem:s2] =	stream.indirect.scatter.add.f32 [tilespmem:s31], [sflag:$0x1], $0x80, s7, s30, $0xb8;
	[tilespmem:$0x1B800] =	vst v63  }
0x145: {  	s0 =	sadd.s32 $0x780, s0  }
0x146: {  	[spmem:s2] =	stream.indirect.scatter.add.f32 [tilespmem:s31], [sflag:$0x1], $0x80, s0, s30, $0xb8;
	[tilespmem:$0x1B800] =	vst v63  }
0x147: {  	_ =	swait.ge [sflag:s1], $0x4000  }
0x148: {  	[sflag:s1] =	ssyncset.done $0x0  }
0x149: {  	[sflag:s1] =	ssyncadd.s32 $0xFFFFC000  }
0x14a: {  	_ =	swait.ge [sflag:s1], $0x4000  }
0x14b: {  	[sflag:s1] =	ssyncset.done $0x0  }
0x14c: {  	[sflag:s1] =	ssyncadd.s32 $0xFFFFC000  }
0x14d: {  	_ =	swait.ge [sflag:s1], $0x4000  }
0x14e: {  	[sflag:s1] =	ssyncset.done $0x0  }
0x14f: {  	[sflag:s1] =	ssyncadd.s32 $0xFFFFC000  }
0x150: {  	_ =	swait.ge [sflag:s1], $0x4000  }
0x151: {  	[sflag:s1] =	ssyncset.done $0x0  }
0x152: {  	[sflag:s1] =	ssyncadd.s32 $0xFFFFC000  }
0x153: {  	_ =	swait.ge [sflag:s1], $0x4000  }
0x154: {  	[sflag:s1] =	ssyncset.done $0x0  }
0x155: {  	[sflag:s1] =	ssyncadd.s32 $0xFFFFC000  }
0x156: {  	_ =	swait.ge [sflag:s1], $0x4000  }
0x157: {  	[sflag:s1] =	ssyncset.done $0x0  }
0x158: {  	[sflag:s1] =	ssyncadd.s32 $0xFFFFC000  }
0x159: {  	_ =	swait.ge [sflag:s1], $0x4000  }
0x15a: {  	[sflag:s1] =	ssyncset.done $0x0  }
0x15b: {  	[sflag:s1] =	ssyncadd.s32 $0xFFFFC000  }
0x15c: {  	_ =	swait.ge [sflag:s1], $0x4000  }
0x15d: {  	[sflag:s1] =	ssyncset.done $0x0  }
0x15e: {  	[sflag:s1] =	ssyncadd.s32 $0xFFFFC000  }
0x15f: {  	_ =	swait.ge [sflag:s1], $0x4000  }
0x160: {  	[sflag:s1] =	ssyncset.done $0x0  }
0x161: {  	[sflag:s1] =	ssyncadd.s32 $0xFFFFC000  }
0x162: {  	_ =	swait.ge [sflag:s1], $0x4000  }
0x163: {  	[sflag:s1] =	ssyncset.done $0x0  }
0x164: {  	[sflag:s1] =	ssyncadd.s32 $0xFFFFC000  }
0x165: {  	_ =	swait.ge [sflag:s1], $0x4000  }
0x166: {  	[sflag:s1] =	ssyncset.done $0x0  }
0x167: {  	[sflag:s1] =	ssyncadd.s32 $0xFFFFC000  }
0x168: {  	_ =	swait.ge [sflag:s1], $0x4000  }
0x169: {  	[sflag:s1] =	ssyncset.done $0x0  }
0x16a: {  	[sflag:s1] =	ssyncadd.s32 $0xFFFFC000  }
0x16b: {  	_ =	swait.ge [sflag:s1], $0x4000  }
0x16c: {  	[sflag:s1] =	ssyncset.done $0x0  }
0x16d: {  	[sflag:s1] =	ssyncadd.s32 $0xFFFFC000  }
0x16e: {  	_ =	swait.ge [sflag:s1], $0x4000  }
0x16f: {  	[sflag:s1] =	ssyncset.done $0x0  }
0x170: {  	[sflag:s1] =	ssyncadd.s32 $0xFFFFC000  }
0x171: {  	_ =	swait.ge [sflag:s1], $0x4000  }
0x172: {  	[sflag:s1] =	ssyncset.done $0x0  }
0x173: {  	[sflag:s1] =	ssyncadd.s32 $0xFFFFC000  }
0x174: {  	s3 =	sadd.s32 $0x1, s3;
	_ =	swait.ge [sflag:s1], $0x4000  }
0x175: {  	p0 =	sne.s32 s3, s25;
	s6 =	stileid.u32;
	[sflag:s1] =	ssyncset.done $0x0  }
0x176: {  	s7 =	sshrl.u32 s4, $0x3;
	s0 =	sshll.u32 s6, $0x6;
	[sflag:s1] =	ssyncadd.s32 $0xFFFFC000  }
.Ltmp3:
0x177: {  	s0 =	sor.u32 $0x1C02, s0;
	[bflag:$0x0] =	sbarrier.arrive $0xFFFF;
	(pc) =	sbr.rel @p0 .LBB2_1-.Ltmp3, $4  }
0x178: {  	[hbm:s24], [sflag:s0] =	dma.local [spmem:s7], $0x2800  }
0x179: {  	_ =	swait.ge [sflag:s29], $0x2800  }
0x17a: {  	[sflag:s29] =	ssyncset.done $0x0  }
0x17b: {  	[sflag:s29] =	ssyncadd.s32 $0xFFFFD800  }
0x17c: {  	_ =	sfence.sel $0x180000  }
0x17d: {  	[bflag:$0x0] =	sbarrier.arrive $0xFFFF  }
0x17e: {  	_ =	strace $0x90000047  }
0x17f: {  	s0 =	stileid.u32;
	[bflag:$0x2] =	sbarrier.arrive $0xFFFF  }
0x180: {  	p0 =	sne.s32 s0, $0x0;
	s0 =	rddreg [dreg:$0x2]  }
0x181: {  	s0 =	sadd.s32 @!p0 $0x100000, s0  }
0x182: {  	[sflag:s0] =	ssyncadd.tile.s32 @!p0 $0x1;
	_ =	shalt  }
.Lfunc_end2:
_tile_overlayer_lowered:
.L_overlay_start_2:
0x183: {  	(tag) =	ssettag $0x2  }
0x184: {  	s0 =	rddreg [dreg:$0x0];
	s2 =	stileid.u32  }
0x185: {  	s1 =	rddreg [dreg:$0x1];
	p0 =	sne.s32 s2, $0x0  }
0x186: {  	s3 =	rddreg [dreg:$0x2];
	[bflag:$0x3] =	sbarrier.arrive $0xFFFF;
	s2 =	simm.s32 @!p0 $0x1C02  }
0x187: {  	[timem:s3], [sflag:s2] =	dma.local @!p0 [hbm:s0], s1  }
0x188: {  	s0 =	simm.s32 @!p0 $0x2  }
0x189: {  	_ =	swait.ge @!p0 [sflag:s0], s1  }
0x18a: {  	s1 =	ssub.s32 @!p0 $0x0, s1;
	[sflag:s0] =	ssyncset.done @!p0 $0x0  }
0x18b: {  	[sflag:s0] =	ssyncadd.s32 @!p0 s1  }
0x18c: {  	[bflag:$0x3] =	sbarrier.arrive $0xFFFF  }
0x18d: {  	_ =	shalt  }

</sc_bundles>
